<compile_context>
chip_gen: v7x
topology: tpu7x:2x2x1
jax: 0.10.2.dev20260603
libtpu: 0.0.44.dev20260713+nightly
codegen_flags: <defaults>
</compile_context>

<pallas_src>
import functools

import jax
import jax.numpy as jnp
from jax import lax
from jax.experimental import pallas as pl
from jax.experimental.pallas import tpu as pltpu
from jax.experimental.pallas import tpu_sc as plsc

EPS = 1e-5
N_CORES = 2
N_SUBCORES = 16
NW = N_CORES * N_SUBCORES
CHUNK = 128
GCHUNK = 128
NEG = -3.0e38


def _lrelu(x):
    return jnp.where(x >= 0, x, 0.2 * x)



def _make_segsum(n_pad, d, n_chunks):
    stripe = n_pad // N_SUBCORES
    n_stage = stripe // GCHUNK

    mesh = plsc.VectorSubcoreMesh(core_axis_name="c", subcore_axis_name="s")

    assert n_chunks % 2 == 0

    DEPTH = 2

    def body(u_hbm, src_hbm, dst_hbm, out_hbm, src_v, dst_v, rows0, rows1,
             s_sh, gsem0, gsem1, ssem0, ssem1):
        rows = (rows0, rows1)
        gsem = (gsem0, gsem1)
        ssem = (ssem0, ssem1)
        c = lax.axis_index("c")
        s = lax.axis_index("s")
        wid = c * N_SUBCORES + s

        def zrow(i, carry):
            for k in range(d // 16):
                rows0[i, pl.ds(k * 16, 16)] = jnp.zeros((16,), jnp.float32)
            return carry
        lax.fori_loop(0, GCHUNK, zrow, 0)

        for t in range(n_stage):
            r0 = s * stripe + t * GCHUNK
            pltpu.sync_copy(rows0, s_sh.at[pl.ds(r0, GCHUNK)])
        plsc.subcore_barrier()

        nh = n_chunks // 2
        assert nh % DEPTH == 0 and nh % 8 == 0 and nh >= 2 * DEPTH
        for ph in range(2):
            base = wid * n_chunks + ph * nh
            pltpu.sync_copy(src_hbm.at[pl.ds(base, nh)], src_v)
            pltpu.sync_copy(dst_hbm.at[pl.ds(base, nh)], dst_v)

            for k in range(DEPTH):
                pltpu.async_copy(u_hbm.at[src_v.at[k]], rows[k], gsem[k])

            @pl.loop(0, nh - DEPTH, step=DEPTH)
            def _(j):
                scat = []
                for k in range(DEPTH):
                    pltpu.make_async_copy(u_hbm.at[src_v.at[j + k]], rows[k],
                                          gsem[k]).wait()
                    scat.append(pltpu.async_copy(
                        rows[k], s_sh.at[dst_v.at[j + k]], ssem[k], add=True))
                for k in range(DEPTH):
                    scat[k].wait()
                    pltpu.async_copy(u_hbm.at[src_v.at[j + DEPTH + k]],
                                     rows[k], gsem[k])

            jl = nh - DEPTH
            scat = []
            for k in range(DEPTH):
                pltpu.make_async_copy(u_hbm.at[src_v.at[jl + k]], rows[k],
                                      gsem[k]).wait()
                scat.append(pltpu.async_copy(
                    rows[k], s_sh.at[dst_v.at[jl + k]], ssem[k], add=True))
            for k in range(DEPTH):
                scat[k].wait()
        plsc.subcore_barrier()

        for t in range(n_stage):
            r0 = s * stripe + t * GCHUNK
            pltpu.sync_copy(s_sh.at[pl.ds(r0, GCHUNK)], rows0)
            pltpu.sync_copy(rows0, out_hbm.at[pl.ds(c * n_pad + r0, GCHUNK)])

    return pl.kernel(
        body,
        out_type=[jax.ShapeDtypeStruct((2 * n_pad, d), jnp.float32)],
        mesh=mesh,
        scratch_types=[
            pltpu.VMEM((n_chunks // 2, GCHUNK), jnp.int32),
            pltpu.VMEM((n_chunks // 2, GCHUNK), jnp.int32),
            pltpu.VMEM((GCHUNK, d), jnp.float32),
            pltpu.VMEM((GCHUNK, d), jnp.float32),
            pltpu.VMEM_SHARED((n_pad, d), jnp.float32),
            pltpu.SemaphoreType.DMA,
            pltpu.SemaphoreType.DMA,
            pltpu.SemaphoreType.DMA,
            pltpu.SemaphoreType.DMA,
        ])


def _make_deg(n_pad, n_chunks):
    stripe = n_pad // N_SUBCORES
    n_stage = stripe // CHUNK

    mesh = plsc.VectorSubcoreMesh(core_axis_name="c", subcore_axis_name="s")

    DEPTH = 4

    def body(dst_hbm, out_hbm, dst_v, ones_v, deg_sh, sem0, sem1, sem2, sem3):
        sems = (sem0, sem1, sem2, sem3)
        c = lax.axis_index("c")
        s = lax.axis_index("s")
        wid = c * N_SUBCORES + s

        def zrow(i, carry):
            for k in range(128 // 16):
                ones_v[i, pl.ds(k * 16, 16)] = jnp.zeros((16,), jnp.float32)
            return carry
        lax.fori_loop(0, CHUNK, zrow, 0)
        for t in range(n_stage):
            r0 = s * stripe + t * CHUNK
            pltpu.sync_copy(ones_v, deg_sh.at[pl.ds(r0, CHUNK)])

        def orow(i, carry):
            for k in range(128 // 16):
                ones_v[i, pl.ds(k * 16, 16)] = jnp.ones((16,), jnp.float32)
            return carry
        lax.fori_loop(0, CHUNK, orow, 0)
        plsc.subcore_barrier()

        pltpu.sync_copy(dst_hbm.at[pl.ds(wid * n_chunks, n_chunks)], dst_v)

        def step(j, carry):
            pltpu.sync_copy(ones_v, deg_sh.at[dst_v.at[j]], add=True)
            return carry
        lax.fori_loop(0, n_chunks, step, 0)
        plsc.subcore_barrier()

        for t in range(n_stage):
            r0 = s * stripe + t * CHUNK
            pltpu.sync_copy(deg_sh.at[pl.ds(r0, CHUNK)], ones_v)
            pltpu.sync_copy(ones_v, out_hbm.at[pl.ds(c * n_pad + r0, CHUNK)])

    return pl.kernel(
        body,
        out_type=[jax.ShapeDtypeStruct((2 * n_pad, 128), jnp.float32)],
        mesh=mesh,
        scratch_types=[
            pltpu.VMEM((n_chunks, CHUNK), jnp.int32),
            pltpu.VMEM((CHUNK, 128), jnp.float32),
            pltpu.VMEM_SHARED((n_pad, 128), jnp.float32),
            pltpu.SemaphoreType.DMA,
            pltpu.SemaphoreType.DMA,
            pltpu.SemaphoreType.DMA,
            pltpu.SemaphoreType.DMA,
        ])



_BM = 256


def _tc_mlp2(x, w1t, w2t, bias):
    n = x.shape[0]

    def body(x_ref, w1_ref, w2_ref, b_ref, o_ref):
        h = jnp.dot(x_ref[...], w1_ref[...],
                    preferred_element_type=jnp.float32) + b_ref[0, :][None, :]
        h = _lrelu(h)
        h = jnp.dot(h, w2_ref[...],
                    preferred_element_type=jnp.float32) + b_ref[1, :][None, :]
        o_ref[...] = _lrelu(h)

    return pl.pallas_call(
        body,
        grid=(n // _BM,),
        in_specs=[pl.BlockSpec((_BM, 128), lambda i: (i, 0)),
                  pl.BlockSpec((128, 128), lambda i: (0, 0)),
                  pl.BlockSpec((128, 128), lambda i: (0, 0)),
                  pl.BlockSpec((8, 128), lambda i: (0, 0))],
        out_specs=pl.BlockSpec((_BM, 128), lambda i: (i, 0)),
        out_shape=jax.ShapeDtypeStruct((n, 128), jnp.float32),
    )(x, w1t, w2t, bias)


def _tc_mid(s0, s1, d0, d1, wlt, w1t, w2t, bias):
    n = s0.shape[0]

    def body(s0r, s1r, d0r, d1r, wl, w1, w2, br, o_ref):
        ssum = s0r[...] + s1r[...]
        deg = d0r[:, 0:1] + d1r[:, 0:1]
        mean = ssum / jnp.maximum(deg, 1.0)
        h = jnp.dot(mean, wl[...],
                    preferred_element_type=jnp.float32) + br[0, :][None, :]
        h = _lrelu(h)
        h = jnp.dot(h, w1[...],
                    preferred_element_type=jnp.float32) + br[1, :][None, :]
        h = _lrelu(h)
        h = jnp.dot(h, w2[...],
                    preferred_element_type=jnp.float32) + br[2, :][None, :]
        o_ref[...] = _lrelu(h)

    return pl.pallas_call(
        body,
        grid=(n // _BM,),
        in_specs=[pl.BlockSpec((_BM, 128), lambda i: (i, 0)),
                  pl.BlockSpec((_BM, 128), lambda i: (i, 0)),
                  pl.BlockSpec((_BM, 128), lambda i: (i, 0)),
                  pl.BlockSpec((_BM, 128), lambda i: (i, 0)),
                  pl.BlockSpec((128, 128), lambda i: (0, 0)),
                  pl.BlockSpec((128, 128), lambda i: (0, 0)),
                  pl.BlockSpec((128, 128), lambda i: (0, 0)),
                  pl.BlockSpec((8, 128), lambda i: (0, 0))],
        out_specs=pl.BlockSpec((_BM, 128), lambda i: (i, 0)),
        out_shape=jax.ShapeDtypeStruct((n, 128), jnp.float32),
    )(s0, s1, d0, d1, wlt, w1t, w2t, bias)


def _tc_final_head(s0, s1, d0, d1, wlt, w1t, w2t, w3t, bias, n_real, n_out):
    n = s0.shape[0]
    nb = n // _BM

    def body(s0r, s1r, d0r, d1r, wl, w1, w2, w3, br, o_ref, mx_ref):
        i = pl.program_id(0)
        ssum = s0r[...] + s1r[...]
        deg = d0r[:, 0:1] + d1r[:, 0:1]
        mean = ssum / jnp.maximum(deg, 1.0)
        h = jnp.dot(mean, wl[...],
                    preferred_element_type=jnp.float32) + br[0, :][None, :]
        rid = i * _BM + lax.broadcasted_iota(jnp.int32, (_BM, 1), 0)
        h = jnp.where(rid < n_real, h, NEG)
        bmax = jnp.broadcast_to(jnp.max(h, axis=0, keepdims=True), (8, 128))

        @pl.when(i == 0)
        def _():
            mx_ref[...] = jnp.full((8, 128), NEG, jnp.float32)

        mx_ref[...] = jnp.maximum(mx_ref[...], bmax)

        @pl.when(i == nb - 1)
        def _():
            hh = jnp.dot(mx_ref[...], w1[...],
                         preferred_element_type=jnp.float32) + br[1, :][None, :]
            hh = _lrelu(hh)
            hh = jnp.dot(hh, w2[...],
                         preferred_element_type=jnp.float32) + br[2, :][None, :]
            hh = _lrelu(hh)
            z = jnp.dot(hh, w3[...],
                        preferred_element_type=jnp.float32) + br[3, :][None, :]
            col = lax.broadcasted_iota(jnp.int32, (8, 128), 1)
            valid = col < n_out
            zm = jnp.where(valid, z, NEG)
            m = jnp.max(zm, axis=1, keepdims=True)
            e = jnp.where(valid, jnp.exp(z - m), 0.0)
            lse = jnp.log(jnp.sum(e, axis=1, keepdims=True))
            o_ref[...] = z - m - lse

    return pl.pallas_call(
        body,
        grid=(nb,),
        in_specs=[pl.BlockSpec((_BM, 128), lambda i: (i, 0)),
                  pl.BlockSpec((_BM, 128), lambda i: (i, 0)),
                  pl.BlockSpec((_BM, 128), lambda i: (i, 0)),
                  pl.BlockSpec((_BM, 128), lambda i: (i, 0)),
                  pl.BlockSpec((128, 128), lambda i: (0, 0)),
                  pl.BlockSpec((128, 128), lambda i: (0, 0)),
                  pl.BlockSpec((128, 128), lambda i: (0, 0)),
                  pl.BlockSpec((128, 128), lambda i: (0, 0)),
                  pl.BlockSpec((8, 128), lambda i: (0, 0))],
        out_specs=pl.BlockSpec((8, 128), lambda i: (0, 0)),
        out_shape=jax.ShapeDtypeStruct((8, 128), jnp.float32),
        scratch_shapes=[pltpu.VMEM((8, 128), jnp.float32)],
    )(s0, s1, d0, d1, wlt, w1t, w2t, w3t, bias)



def _fold(lin, bn):
    s = bn["gamma"] / jnp.sqrt(1.0 + EPS)
    return (lin["W"] * s[:, None]).T, lin["b"] * s + bn["beta"]


def _bias_table(*rows):
    b = jnp.zeros((8, 128), jnp.float32)
    for i, r in enumerate(rows):
        b = b.at[i, : r.shape[0]].set(r)
    return b


def _sc_segsum(u, src2d, dst2d, n_pad):
    (out,) = _make_segsum(n_pad, u.shape[1], src2d.shape[0] // NW)(
        u, src2d, dst2d)
    return out


def _sc_deg(dst2d, n_pad):
    (out,) = _make_deg(n_pad, dst2d.shape[0] // NW)(dst2d)
    return out


def kernel(x, params, edge_index):
    p = params
    n, d = x.shape
    e = edge_index.shape[1]

    n_pad = ((n + 1 + 2047) // 2048) * 2048
    eq = NW * CHUNK * 8
    e_pad = ((e + eq - 1) // eq) * eq

    xp = jnp.pad(x, ((0, n_pad - n), (0, 0)))
    pad = n + jnp.arange(e_pad - e, dtype=jnp.int32) % (n_pad - n)
    src_flat = jnp.concatenate([edge_index[0], pad])
    dst_flat = jnp.concatenate([edge_index[1], pad])
    src2d = src_flat.reshape(e_pad // GCHUNK, GCHUNK)
    dst2d = dst_flat.reshape(e_pad // GCHUNK, GCHUNK)
    dst2d_deg = dst_flat.reshape(e_pad // CHUNK, CHUNK)

    w1a, b1a = _fold(p["mp1"]["fc1"], p["mp1"]["bn1"])
    w2a, b2a = _fold(p["mp1"]["fc2"], p["mp1"]["bn2"])
    wl1, bl1 = _fold(p["mp1"]["lin"], p["post1"])
    w1b, b1b = _fold(p["mp2"]["fc1"], p["mp2"]["bn1"])
    w2b, b2b = _fold(p["mp2"]["fc2"], p["mp2"]["bn2"])
    wl2, bl2 = _fold(p["mp2"]["lin"], p["post2"])
    w1c, b1c = _fold(p["mp3"]["fc1"], p["mp3"]["bn1"])
    w2c, b2c = _fold(p["mp3"]["fc2"], p["mp3"]["bn2"])
    wl3 = p["mp3"]["lin"]["W"].T
    bl3 = p["mp3"]["lin"]["b"]
    wf1, bf1 = _fold(p["fc1"]["lin"], p["fc1"]["bn"])
    wf2, bf2 = _fold(p["fc2"]["lin"], p["fc2"]["bn"])
    n_out = p["fc_final"]["W"].shape[0]
    wf3 = jnp.zeros((128, 128), jnp.float32).at[:, :n_out].set(
        p["fc_final"]["W"].T)
    bf3 = p["fc_final"]["b"]

    deg_parts = _sc_deg(dst2d_deg, n_pad)
    d0, d1 = deg_parts[:n_pad], deg_parts[n_pad:]

    u1 = _tc_mlp2(xp, w1a, w2a, _bias_table(b1a, b2a))
    s_parts = _sc_segsum(u1, src2d, dst2d, n_pad)
    u2 = _tc_mid(s_parts[:n_pad], s_parts[n_pad:], d0, d1,
                 wl1, w1b, w2b, _bias_table(bl1, b1b, b2b))
    s_parts = _sc_segsum(u2, src2d, dst2d, n_pad)
    u3 = _tc_mid(s_parts[:n_pad], s_parts[n_pad:], d0, d1,
                 wl2, w1c, w2c, _bias_table(bl2, b1c, b2c))
    s_parts = _sc_segsum(u3, src2d, dst2d, n_pad)
    out = _tc_final_head(s_parts[:n_pad], s_parts[n_pad:], d0, d1,
                         wl3, wf1, wf2, wf3,
                         _bias_table(bl3, bf1, bf2, bf3), n, n_out)
    return out[0:1, 0:n_out]

# --- scband reference (transcript-rebuilt; emitter-appended) ---
"""Pipeline reference for scband-graph-net-soft-max-86535001079872 (READ-ONLY COPY).

The authoritative reference and input builder live on the scoring server;
editing this copy changes nothing except your own understanding.
"""

import jax, jax.numpy as jnp
import numpy as np

N = 10000
E = 320000
D = 128
OUT = 10
EPS = 1e-5

def _lin_params(key, din, dout):
    k1, k2 = jax.random.split(key)
    lim = 1.0 / np.sqrt(din)
    W = jax.random.uniform(k1, (dout, din), minval=-lim, maxval=lim, dtype=jnp.float32)
    b = jax.random.uniform(k2, (dout,), minval=-lim, maxval=lim, dtype=jnp.float32)
    return {"W": W, "b": b}

def _bn_params(dim):
    return {"gamma": jnp.ones((dim,), jnp.float32), "beta": jnp.zeros((dim,), jnp.float32)}

def _mp_params(key, din, dout):
    ks = jax.random.split(key, 3)
    return {"fc1": _lin_params(ks[0], din, din), "bn1": _bn_params(din),
            "fc2": _lin_params(ks[1], din, din), "bn2": _bn_params(din),
            "lin": _lin_params(ks[2], din, dout)}

def setup_inputs(seed: int = 0) -> dict:
    key = jax.random.key(seed)
    ks = jax.random.split(key, 10)
    x = jax.random.normal(ks[0], (N, D), dtype=jnp.float32)
    edge_index = jax.random.randint(ks[1], (2, E), 0, N, dtype=jnp.int32)
    params = {
        "mp1": _mp_params(ks[2], D, D), "post1": _bn_params(D),
        "mp2": _mp_params(ks[3], D, D), "post2": _bn_params(D),
        "mp3": _mp_params(ks[4], D, D),
        "fc1": {"lin": _lin_params(ks[5], D, 128), "bn": _bn_params(128)},
        "fc2": {"lin": _lin_params(ks[6], 128, 128), "bn": _bn_params(128)},
        "fc_final": _lin_params(ks[7], 128, OUT),
    }
    return {"x": x, "params": params, "edge_index": edge_index}

def _linear(x, p):
    return x @ p["W"].T + p["b"]

def _bn(x, p):
    # BatchNorm1d in eval mode with default running stats (mean=0, var=1)
    return p["gamma"] * (x / jnp.sqrt(1.0 + EPS)) + p["beta"]

def _lrelu(x):
    return jnp.where(x >= 0, x, 0.2 * x)

def _mp_layer(p, h, src, dst, n):
    m = h[src]
    m = _lrelu(_bn(_linear(m, p["fc1"]), p["bn1"]))
    m = _lrelu(_bn(_linear(m, p["fc2"]), p["bn2"]))
    s = jax.ops.segment_sum(m, dst, num_segments=n)
    deg = jax.ops.segment_sum(jnp.ones((dst.shape[0],), m.dtype), dst, num_segments=n)
    mean = s / jnp.clip(deg, 1.0)[:, None]
    return _linear(mean, p["lin"])

def reference(x, params, edge_index):
    src, dst = edge_index[0], edge_index[1]
    n = x.shape[0]
    h = _mp_layer(params["mp1"], x, src, dst, n)
    h = _lrelu(_bn(h, params["post1"]))
    h = _mp_layer(params["mp2"], h, src, dst, n)
    h = _lrelu(_bn(h, params["post2"]))
    h = _mp_layer(params["mp3"], h, src, dst, n)
    h = jnp.max(h, axis=0, keepdims=True)  # dgl.max_nodes readout (single graph)
    h = _lrelu(_bn(_linear(h, params["fc1"]["lin"]), params["fc1"]["bn"]))
    h = _lrelu(_bn(_linear(h, params["fc2"]["lin"]), params["fc2"]["bn"]))
    h = _linear(h, params["fc_final"])
    return jax.nn.log_softmax(h, axis=1)

if __name__ == "__main__":
    import jax
    _d = setup_inputs()
    print(jax.jit(kernel)(*tuple(_d.values())))

</pallas_src>

<mosaic_0001>
#map = affine_map<(d0, d1) -> (0, 0)>
module attributes {stable_mosaic.version = 14 : i64} {
  func.func @body(%arg0: i32, %arg1: i32, %arg2: memref<2560x128xi32, #tpu.memory_space<hbm>>, %arg3: memref<20480x128xf32, #tpu.memory_space<hbm>>, %arg4: memref<80x128xi32, #tpu.memory_space<vmem>>, %arg5: memref<128x128xf32, #tpu.memory_space<vmem>>, %arg6: memref<10240x128xf32, #tpu.memory_space<vmem_shared>>, %arg7: memref<!tpu.dma_semaphore, #tpu.memory_space<semaphore_mem>>, %arg8: memref<!tpu.dma_semaphore, #tpu.memory_space<semaphore_mem>>, %arg9: memref<!tpu.dma_semaphore, #tpu.memory_space<semaphore_mem>>, %arg10: memref<!tpu.dma_semaphore, #tpu.memory_space<semaphore_mem>>) attributes {dimension_semantics = [#tpu.dimension_semantics<core_parallel>, #tpu.dimension_semantics<subcore_parallel>], iteration_bounds = array<i64: 2, 16>, scalar_prefetch = 0 : i64, scratch_operands = 7 : i64, tpu.core_type = #tpu.core_type<sc_vector_subcore>, window_params = [{transform_indices = #map}, {transform_indices = #map}]} {
    %mul3A = arith.constant 16 : i32
    %mul3A_0 = arith.muli %arg0, %mul3A : i32
    %add3A = arith.addi %mul3A_0, %arg1 : i32
    %scan3A = arith.constant 0 : i32
    %scan3A_1 = arith.constant 0 : i32
    %scan3A_2 = arith.constant 128 : i32
    %scan3A_3 = arith.addi %scan3A_1, %scan3A_2 : i32
    %scan3A_4 = arith.constant 1 : i32
    scf.for %scan3A_76 = %scan3A_1 to %scan3A_3 step %scan3A_4  : i32 {
      %broadcast_in_dim3A = arith.constant 0.000000e+00 : f32
      %broadcast_in_dim3A_77 = vector.broadcast %broadcast_in_dim3A : f32 to vector<16xf32>
      %swap3A = arith.index_cast %scan3A_76 : i32 to index
      %swap3A_78 = arith.constant 0 : index
      %swap3A_79 = tpu.vector_load %arg5[%swap3A, %swap3A_78] {strides = array<i32>} : memref<128x128xf32, #tpu.memory_space<vmem>>, vector<1x16xf32>,
      %swap3A_80 = vector.shape_cast %swap3A_79 : vector<1x16xf32> to vector<16xf32>
      %swap3A_81 = vector.shape_cast %broadcast_in_dim3A_77 : vector<16xf32> to vector<1x16xf32>
      tpu.vector_store %arg5[%swap3A, %swap3A_78], %swap3A_81 {strides = array<i32>} : memref<128x128xf32, #tpu.memory_space<vmem>>, vector<1x16xf32>,
      %broadcast_in_dim3A_82 = arith.constant 0.000000e+00 : f32
      %broadcast_in_dim3A_83 = vector.broadcast %broadcast_in_dim3A_82 : f32 to vector<16xf32>
      %swap3A_84 = arith.index_cast %scan3A_76 : i32 to index
      %swap3A_85 = arith.constant 16 : index
      %swap3A_86 = tpu.vector_load %arg5[%swap3A_84, %swap3A_85] {strides = array<i32>} : memref<128x128xf32, #tpu.memory_space<vmem>>, vector<1x16xf32>,
      %swap3A_87 = vector.shape_cast %swap3A_86 : vector<1x16xf32> to vector<16xf32>
      %swap3A_88 = vector.shape_cast %broadcast_in_dim3A_83 : vector<16xf32> to vector<1x16xf32>
      tpu.vector_store %arg5[%swap3A_84, %swap3A_85], %swap3A_88 {strides = array<i32>} : memref<128x128xf32, #tpu.memory_space<vmem>>, vector<1x16xf32>,
      %broadcast_in_dim3A_89 = arith.constant 0.000000e+00 : f32
      %broadcast_in_dim3A_90 = vector.broadcast %broadcast_in_dim3A_89 : f32 to vector<16xf32>
      %swap3A_91 = arith.index_cast %scan3A_76 : i32 to index
      %swap3A_92 = arith.constant 32 : index
      %swap3A_93 = tpu.vector_load %arg5[%swap3A_91, %swap3A_92] {strides = array<i32>} : memref<128x128xf32, #tpu.memory_space<vmem>>, vector<1x16xf32>,
      %swap3A_94 = vector.shape_cast %swap3A_93 : vector<1x16xf32> to vector<16xf32>
      %swap3A_95 = vector.shape_cast %broadcast_in_dim3A_90 : vector<16xf32> to vector<1x16xf32>
      tpu.vector_store %arg5[%swap3A_91, %swap3A_92], %swap3A_95 {strides = array<i32>} : memref<128x128xf32, #tpu.memory_space<vmem>>, vector<1x16xf32>,
      %broadcast_in_dim3A_96 = arith.constant 0.000000e+00 : f32
      %broadcast_in_dim3A_97 = vector.broadcast %broadcast_in_dim3A_96 : f32 to vector<16xf32>
      %swap3A_98 = arith.index_cast %scan3A_76 : i32 to index
      %swap3A_99 = arith.constant 48 : index
      %swap3A_100 = tpu.vector_load %arg5[%swap3A_98, %swap3A_99] {strides = array<i32>} : memref<128x128xf32, #tpu.memory_space<vmem>>, vector<1x16xf32>,
      %swap3A_101 = vector.shape_cast %swap3A_100 : vector<1x16xf32> to vector<16xf32>
      %swap3A_102 = vector.shape_cast %broadcast_in_dim3A_97 : vector<16xf32> to vector<1x16xf32>
      tpu.vector_store %arg5[%swap3A_98, %swap3A_99], %swap3A_102 {strides = array<i32>} : memref<128x128xf32, #tpu.memory_space<vmem>>, vector<1x16xf32>,
      %broadcast_in_dim3A_103 = arith.constant 0.000000e+00 : f32
      %broadcast_in_dim3A_104 = vector.broadcast %broadcast_in_dim3A_103 : f32 to vector<16xf32>
      %swap3A_105 = arith.index_cast %scan3A_76 : i32 to index
      %swap3A_106 = arith.constant 64 : index
      %swap3A_107 = tpu.vector_load %arg5[%swap3A_105, %swap3A_106] {strides = array<i32>} : memref<128x128xf32, #tpu.memory_space<vmem>>, vector<1x16xf32>,
      %swap3A_108 = vector.shape_cast %swap3A_107 : vector<1x16xf32> to vector<16xf32>
      %swap3A_109 = vector.shape_cast %broadcast_in_dim3A_104 : vector<16xf32> to vector<1x16xf32>
      tpu.vector_store %arg5[%swap3A_105, %swap3A_106], %swap3A_109 {strides = array<i32>} : memref<128x128xf32, #tpu.memory_space<vmem>>, vector<1x16xf32>,
      %broadcast_in_dim3A_110 = arith.constant 0.000000e+00 : f32
      %broadcast_in_dim3A_111 = vector.broadcast %broadcast_in_dim3A_110 : f32 to vector<16xf32>
      %swap3A_112 = arith.index_cast %scan3A_76 : i32 to index
      %swap3A_113 = arith.constant 80 : index
      %swap3A_114 = tpu.vector_load %arg5[%swap3A_112, %swap3A_113] {strides = array<i32>} : memref<128x128xf32, #tpu.memory_space<vmem>>, vector<1x16xf32>,
      %swap3A_115 = vector.shape_cast %swap3A_114 : vector<1x16xf32> to vector<16xf32>
      %swap3A_116 = vector.shape_cast %broadcast_in_dim3A_111 : vector<16xf32> to vector<1x16xf32>
      tpu.vector_store %arg5[%swap3A_112, %swap3A_113], %swap3A_116 {strides = array<i32>} : memref<128x128xf32, #tpu.memory_space<vmem>>, vector<1x16xf32>,
      %broadcast_in_dim3A_117 = arith.constant 0.000000e+00 : f32
      %broadcast_in_dim3A_118 = vector.broadcast %broadcast_in_dim3A_117 : f32 to vector<16xf32>
      %swap3A_119 = arith.index_cast %scan3A_76 : i32 to index
      %swap3A_120 = arith.constant 96 : index
      %swap3A_121 = tpu.vector_load %arg5[%swap3A_119, %swap3A_120] {strides = array<i32>} : memref<128x128xf32, #tpu.memory_space<vmem>>, vector<1x16xf32>,
      %swap3A_122 = vector.shape_cast %swap3A_121 : vector<1x16xf32> to vector<16xf32>
      %swap3A_123 = vector.shape_cast %broadcast_in_dim3A_118 : vector<16xf32> to vector<1x16xf32>
      tpu.vector_store %arg5[%swap3A_119, %swap3A_120], %swap3A_123 {strides = array<i32>} : memref<128x128xf32, #tpu.memory_space<vmem>>, vector<1x16xf32>,
      %broadcast_in_dim3A_124 = arith.constant 0.000000e+00 : f32
      %broadcast_in_dim3A_125 = vector.broadcast %broadcast_in_dim3A_124 : f32 to vector<16xf32>
      %swap3A_126 = arith.index_cast %scan3A_76 : i32 to index
      %swap3A_127 = arith.constant 112 : index
      %swap3A_128 = tpu.vector_load %arg5[%swap3A_126, %swap3A_127] {strides = array<i32>} : memref<128x128xf32, #tpu.memory_space<vmem>>, vector<1x16xf32>,
      %swap3A_129 = vector.shape_cast %swap3A_128 : vector<1x16xf32> to vector<16xf32>
      %swap3A_130 = vector.shape_cast %broadcast_in_dim3A_125 : vector<16xf32> to vector<1x16xf32>
      tpu.vector_store %arg5[%swap3A_126, %swap3A_127], %swap3A_130 {strides = array<i32>} : memref<128x128xf32, #tpu.memory_space<vmem>>, vector<1x16xf32>,
    }
    %scan3A_5 = arith.constant 128 : i32
    %mul3A_6 = arith.constant 640 : i32
    %mul3A_7 = arith.muli %arg1, %mul3A_6 : i32
    %add3A_8 = arith.constant 0 : i32
    %add3A_9 = arith.addi %mul3A_7, %add3A_8 : i32
    "tpu.region"() ({
      %run_scoped3A = tpu.sem_alloc : memref<!tpu.dma_semaphore, #tpu.memory_space<semaphore_mem>>
      %dma_start3A = arith.constant 0 : i32
      %dma_start3A_76 = tpu.memref_slice %arg6[%add3A_9, %dma_start3A] : memref<10240x128xf32, #tpu.memory_space<vmem_shared>> -> memref<128x128xf32, #tpu.memory_space<vmem_shared>>
      %dma_start3A_77 = arith.constant 0 : i32
      %dma_start3A_78 = tpu.memref_slice %arg6[%add3A_9, %dma_start3A_77] : memref<10240x128xf32, #tpu.memory_space<vmem_shared>> -> memref<128x128xf32, #tpu.memory_space<vmem_shared>>
      tpu.enqueue_dma source(%arg5 : memref<128x128xf32, #tpu.memory_space<vmem>>) target(%dma_start3A_78 : memref<128x128xf32, #tpu.memory_space<vmem_shared>>) target_semaphore(%run_scoped3A : memref<!tpu.dma_semaphore, #tpu.memory_space<semaphore_mem>>)
      %dma_wait3A = arith.constant 0 : i32
      %dma_wait3A_79 = tpu.memref_slice %arg6[%add3A_9, %dma_wait3A] : memref<10240x128xf32, #tpu.memory_space<vmem_shared>> -> memref<128x128xf32, #tpu.memory_space<vmem_shared>>
      %dma_wait3A_80 = arith.constant 0 : i32
      %dma_wait3A_81 = tpu.memref_slice %arg6[%add3A_9, %dma_wait3A_80] : memref<10240x128xf32, #tpu.memory_space<vmem_shared>> -> memref<128x128xf32, #tpu.memory_space<vmem_shared>>
      tpu.wait_dma2 semaphore(%run_scoped3A : memref<!tpu.dma_semaphore, #tpu.memory_space<semaphore_mem>>) src(%arg5 : memref<128x128xf32, #tpu.memory_space<vmem>>) dst(%dma_wait3A_81 : memref<128x128xf32, #tpu.memory_space<vmem_shared>>)
      tpu.yield
    }) : () -> ()
    %mul3A_10 = arith.constant 640 : i32
    %mul3A_11 = arith.muli %arg1, %mul3A_10 : i32
    %add3A_12 = arith.constant 128 : i32
    %add3A_13 = arith.addi %mul3A_11, %add3A_12 : i32
    "tpu.region"() ({
      %run_scoped3A = tpu.sem_alloc : memref<!tpu.dma_semaphore, #tpu.memory_space<semaphore_mem>>
      %dma_start3A = arith.constant 0 : i32
      %dma_start3A_76 = tpu.memref_slice %arg6[%add3A_13, %dma_start3A] : memref<10240x128xf32, #tpu.memory_space<vmem_shared>> -> memref<128x128xf32, #tpu.memory_space<vmem_shared>>
      %dma_start3A_77 = arith.constant 0 : i32
      %dma_start3A_78 = tpu.memref_slice %arg6[%add3A_13, %dma_start3A_77] : memref<10240x128xf32, #tpu.memory_space<vmem_shared>> -> memref<128x128xf32, #tpu.memory_space<vmem_shared>>
      tpu.enqueue_dma source(%arg5 : memref<128x128xf32, #tpu.memory_space<vmem>>) target(%dma_start3A_78 : memref<128x128xf32, #tpu.memory_space<vmem_shared>>) target_semaphore(%run_scoped3A : memref<!tpu.dma_semaphore, #tpu.memory_space<semaphore_mem>>)
      %dma_wait3A = arith.constant 0 : i32
      %dma_wait3A_79 = tpu.memref_slice %arg6[%add3A_13, %dma_wait3A] : memref<10240x128xf32, #tpu.memory_space<vmem_shared>> -> memref<128x128xf32, #tpu.memory_space<vmem_shared>>
      %dma_wait3A_80 = arith.constant 0 : i32
      %dma_wait3A_81 = tpu.memref_slice %arg6[%add3A_13, %dma_wait3A_80] : memref<10240x128xf32, #tpu.memory_space<vmem_shared>> -> memref<128x128xf32, #tpu.memory_space<vmem_shared>>
      tpu.wait_dma2 semaphore(%run_scoped3A : memref<!tpu.dma_semaphore, #tpu.memory_space<semaphore_mem>>) src(%arg5 : memref<128x128xf32, #tpu.memory_space<vmem>>) dst(%dma_wait3A_81 : memref<128x128xf32, #tpu.memory_space<vmem_shared>>)
      tpu.yield
    }) : () -> ()
    %mul3A_14 = arith.constant 640 : i32
    %mul3A_15 = arith.muli %arg1, %mul3A_14 : i32
    %add3A_16 = arith.constant 256 : i32
    %add3A_17 = arith.addi %mul3A_15, %add3A_16 : i32
    "tpu.region"() ({
      %run_scoped3A = tpu.sem_alloc : memref<!tpu.dma_semaphore, #tpu.memory_space<semaphore_mem>>
      %dma_start3A = arith.constant 0 : i32
      %dma_start3A_76 = tpu.memref_slice %arg6[%add3A_17, %dma_start3A] : memref<10240x128xf32, #tpu.memory_space<vmem_shared>> -> memref<128x128xf32, #tpu.memory_space<vmem_shared>>
      %dma_start3A_77 = arith.constant 0 : i32
      %dma_start3A_78 = tpu.memref_slice %arg6[%add3A_17, %dma_start3A_77] : memref<10240x128xf32, #tpu.memory_space<vmem_shared>> -> memref<128x128xf32, #tpu.memory_space<vmem_shared>>
      tpu.enqueue_dma source(%arg5 : memref<128x128xf32, #tpu.memory_space<vmem>>) target(%dma_start3A_78 : memref<128x128xf32, #tpu.memory_space<vmem_shared>>) target_semaphore(%run_scoped3A : memref<!tpu.dma_semaphore, #tpu.memory_space<semaphore_mem>>)
      %dma_wait3A = arith.constant 0 : i32
      %dma_wait3A_79 = tpu.memref_slice %arg6[%add3A_17, %dma_wait3A] : memref<10240x128xf32, #tpu.memory_space<vmem_shared>> -> memref<128x128xf32, #tpu.memory_space<vmem_shared>>
      %dma_wait3A_80 = arith.constant 0 : i32
      %dma_wait3A_81 = tpu.memref_slice %arg6[%add3A_17, %dma_wait3A_80] : memref<10240x128xf32, #tpu.memory_space<vmem_shared>> -> memref<128x128xf32, #tpu.memory_space<vmem_shared>>
      tpu.wait_dma2 semaphore(%run_scoped3A : memref<!tpu.dma_semaphore, #tpu.memory_space<semaphore_mem>>) src(%arg5 : memref<128x128xf32, #tpu.memory_space<vmem>>) dst(%dma_wait3A_81 : memref<128x128xf32, #tpu.memory_space<vmem_shared>>)
      tpu.yield
    }) : () -> ()
    %mul3A_18 = arith.constant 640 : i32
    %mul3A_19 = arith.muli %arg1, %mul3A_18 : i32
    %add3A_20 = arith.constant 384 : i32
    %add3A_21 = arith.addi %mul3A_19, %add3A_20 : i32
    "tpu.region"() ({
      %run_scoped3A = tpu.sem_alloc : memref<!tpu.dma_semaphore, #tpu.memory_space<semaphore_mem>>
      %dma_start3A = arith.constant 0 : i32
      %dma_start3A_76 = tpu.memref_slice %arg6[%add3A_21, %dma_start3A] : memref<10240x128xf32, #tpu.memory_space<vmem_shared>> -> memref<128x128xf32, #tpu.memory_space<vmem_shared>>
      %dma_start3A_77 = arith.constant 0 : i32
      %dma_start3A_78 = tpu.memref_slice %arg6[%add3A_21, %dma_start3A_77] : memref<10240x128xf32, #tpu.memory_space<vmem_shared>> -> memref<128x128xf32, #tpu.memory_space<vmem_shared>>
      tpu.enqueue_dma source(%arg5 : memref<128x128xf32, #tpu.memory_space<vmem>>) target(%dma_start3A_78 : memref<128x128xf32, #tpu.memory_space<vmem_shared>>) target_semaphore(%run_scoped3A : memref<!tpu.dma_semaphore, #tpu.memory_space<semaphore_mem>>)
      %dma_wait3A = arith.constant 0 : i32
      %dma_wait3A_79 = tpu.memref_slice %arg6[%add3A_21, %dma_wait3A] : memref<10240x128xf32, #tpu.memory_space<vmem_shared>> -> memref<128x128xf32, #tpu.memory_space<vmem_shared>>
      %dma_wait3A_80 = arith.constant 0 : i32
      %dma_wait3A_81 = tpu.memref_slice %arg6[%add3A_21, %dma_wait3A_80] : memref<10240x128xf32, #tpu.memory_space<vmem_shared>> -> memref<128x128xf32, #tpu.memory_space<vmem_shared>>
      tpu.wait_dma2 semaphore(%run_scoped3A : memref<!tpu.dma_semaphore, #tpu.memory_space<semaphore_mem>>) src(%arg5 : memref<128x128xf32, #tpu.memory_space<vmem>>) dst(%dma_wait3A_81 : memref<128x128xf32, #tpu.memory_space<vmem_shared>>)
      tpu.yield
    }) : () -> ()
    %mul3A_22 = arith.constant 640 : i32
    %mul3A_23 = arith.muli %arg1, %mul3A_22 : i32
    %add3A_24 = arith.constant 512 : i32
    %add3A_25 = arith.addi %mul3A_23, %add3A_24 : i32
    "tpu.region"() ({
      %run_scoped3A = tpu.sem_alloc : memref<!tpu.dma_semaphore, #tpu.memory_space<semaphore_mem>>
      %dma_start3A = arith.constant 0 : i32
      %dma_start3A_76 = tpu.memref_slice %arg6[%add3A_25, %dma_start3A] : memref<10240x128xf32, #tpu.memory_space<vmem_shared>> -> memref<128x128xf32, #tpu.memory_space<vmem_shared>>
      %dma_start3A_77 = arith.constant 0 : i32
      %dma_start3A_78 = tpu.memref_slice %arg6[%add3A_25, %dma_start3A_77] : memref<10240x128xf32, #tpu.memory_space<vmem_shared>> -> memref<128x128xf32, #tpu.memory_space<vmem_shared>>
      tpu.enqueue_dma source(%arg5 : memref<128x128xf32, #tpu.memory_space<vmem>>) target(%dma_start3A_78 : memref<128x128xf32, #tpu.memory_space<vmem_shared>>) target_semaphore(%run_scoped3A : memref<!tpu.dma_semaphore, #tpu.memory_space<semaphore_mem>>)
      %dma_wait3A = arith.constant 0 : i32
      %dma_wait3A_79 = tpu.memref_slice %arg6[%add3A_25, %dma_wait3A] : memref<10240x128xf32, #tpu.memory_space<vmem_shared>> -> memref<128x128xf32, #tpu.memory_space<vmem_shared>>
      %dma_wait3A_80 = arith.constant 0 : i32
      %dma_wait3A_81 = tpu.memref_slice %arg6[%add3A_25, %dma_wait3A_80] : memref<10240x128xf32, #tpu.memory_space<vmem_shared>> -> memref<128x128xf32, #tpu.memory_space<vmem_shared>>
      tpu.wait_dma2 semaphore(%run_scoped3A : memref<!tpu.dma_semaphore, #tpu.memory_space<semaphore_mem>>) src(%arg5 : memref<128x128xf32, #tpu.memory_space<vmem>>) dst(%dma_wait3A_81 : memref<128x128xf32, #tpu.memory_space<vmem_shared>>)
      tpu.yield
    }) : () -> ()
    %scan3A_26 = arith.constant 0 : i32
    %scan3A_27 = arith.constant 0 : i32
    %scan3A_28 = arith.constant 128 : i32
    %scan3A_29 = arith.addi %scan3A_27, %scan3A_28 : i32
    %scan3A_30 = arith.constant 1 : i32
    scf.for %scan3A_76 = %scan3A_27 to %scan3A_29 step %scan3A_30  : i32 {
      %broadcast_in_dim3A = arith.constant 1.000000e+00 : f32
      %broadcast_in_dim3A_77 = vector.broadcast %broadcast_in_dim3A : f32 to vector<16xf32>
      %swap3A = arith.index_cast %scan3A_76 : i32 to index
      %swap3A_78 = arith.constant 0 : index
      %swap3A_79 = tpu.vector_load %arg5[%swap3A, %swap3A_78] {strides = array<i32>} : memref<128x128xf32, #tpu.memory_space<vmem>>, vector<1x16xf32>,
      %swap3A_80 = vector.shape_cast %swap3A_79 : vector<1x16xf32> to vector<16xf32>
      %swap3A_81 = vector.shape_cast %broadcast_in_dim3A_77 : vector<16xf32> to vector<1x16xf32>
      tpu.vector_store %arg5[%swap3A, %swap3A_78], %swap3A_81 {strides = array<i32>} : memref<128x128xf32, #tpu.memory_space<vmem>>, vector<1x16xf32>,
      %broadcast_in_dim3A_82 = arith.constant 1.000000e+00 : f32
      %broadcast_in_dim3A_83 = vector.broadcast %broadcast_in_dim3A_82 : f32 to vector<16xf32>
      %swap3A_84 = arith.index_cast %scan3A_76 : i32 to index
      %swap3A_85 = arith.constant 16 : index
      %swap3A_86 = tpu.vector_load %arg5[%swap3A_84, %swap3A_85] {strides = array<i32>} : memref<128x128xf32, #tpu.memory_space<vmem>>, vector<1x16xf32>,
      %swap3A_87 = vector.shape_cast %swap3A_86 : vector<1x16xf32> to vector<16xf32>
      %swap3A_88 = vector.shape_cast %broadcast_in_dim3A_83 : vector<16xf32> to vector<1x16xf32>
      tpu.vector_store %arg5[%swap3A_84, %swap3A_85], %swap3A_88 {strides = array<i32>} : memref<128x128xf32, #tpu.memory_space<vmem>>, vector<1x16xf32>,
      %broadcast_in_dim3A_89 = arith.constant 1.000000e+00 : f32
      %broadcast_in_dim3A_90 = vector.broadcast %broadcast_in_dim3A_89 : f32 to vector<16xf32>
      %swap3A_91 = arith.index_cast %scan3A_76 : i32 to index
      %swap3A_92 = arith.constant 32 : index
      %swap3A_93 = tpu.vector_load %arg5[%swap3A_91, %swap3A_92] {strides = array<i32>} : memref<128x128xf32, #tpu.memory_space<vmem>>, vector<1x16xf32>,
      %swap3A_94 = vector.shape_cast %swap3A_93 : vector<1x16xf32> to vector<16xf32>
      %swap3A_95 = vector.shape_cast %broadcast_in_dim3A_90 : vector<16xf32> to vector<1x16xf32>
      tpu.vector_store %arg5[%swap3A_91, %swap3A_92], %swap3A_95 {strides = array<i32>} : memref<128x128xf32, #tpu.memory_space<vmem>>, vector<1x16xf32>,
      %broadcast_in_dim3A_96 = arith.constant 1.000000e+00 : f32
      %broadcast_in_dim3A_97 = vector.broadcast %broadcast_in_dim3A_96 : f32 to vector<16xf32>
      %swap3A_98 = arith.index_cast %scan3A_76 : i32 to index
      %swap3A_99 = arith.constant 48 : index
      %swap3A_100 = tpu.vector_load %arg5[%swap3A_98, %swap3A_99] {strides = array<i32>} : memref<128x128xf32, #tpu.memory_space<vmem>>, vector<1x16xf32>,
      %swap3A_101 = vector.shape_cast %swap3A_100 : vector<1x16xf32> to vector<16xf32>
      %swap3A_102 = vector.shape_cast %broadcast_in_dim3A_97 : vector<16xf32> to vector<1x16xf32>
      tpu.vector_store %arg5[%swap3A_98, %swap3A_99], %swap3A_102 {strides = array<i32>} : memref<128x128xf32, #tpu.memory_space<vmem>>, vector<1x16xf32>,
      %broadcast_in_dim3A_103 = arith.constant 1.000000e+00 : f32
      %broadcast_in_dim3A_104 = vector.broadcast %broadcast_in_dim3A_103 : f32 to vector<16xf32>
      %swap3A_105 = arith.index_cast %scan3A_76 : i32 to index
      %swap3A_106 = arith.constant 64 : index
      %swap3A_107 = tpu.vector_load %arg5[%swap3A_105, %swap3A_106] {strides = array<i32>} : memref<128x128xf32, #tpu.memory_space<vmem>>, vector<1x16xf32>,
      %swap3A_108 = vector.shape_cast %swap3A_107 : vector<1x16xf32> to vector<16xf32>
      %swap3A_109 = vector.shape_cast %broadcast_in_dim3A_104 : vector<16xf32> to vector<1x16xf32>
      tpu.vector_store %arg5[%swap3A_105, %swap3A_106], %swap3A_109 {strides = array<i32>} : memref<128x128xf32, #tpu.memory_space<vmem>>, vector<1x16xf32>,
      %broadcast_in_dim3A_110 = arith.constant 1.000000e+00 : f32
      %broadcast_in_dim3A_111 = vector.broadcast %broadcast_in_dim3A_110 : f32 to vector<16xf32>
      %swap3A_112 = arith.index_cast %scan3A_76 : i32 to index
      %swap3A_113 = arith.constant 80 : index
      %swap3A_114 = tpu.vector_load %arg5[%swap3A_112, %swap3A_113] {strides = array<i32>} : memref<128x128xf32, #tpu.memory_space<vmem>>, vector<1x16xf32>,
      %swap3A_115 = vector.shape_cast %swap3A_114 : vector<1x16xf32> to vector<16xf32>
      %swap3A_116 = vector.shape_cast %broadcast_in_dim3A_111 : vector<16xf32> to vector<1x16xf32>
      tpu.vector_store %arg5[%swap3A_112, %swap3A_113], %swap3A_116 {strides = array<i32>} : memref<128x128xf32, #tpu.memory_space<vmem>>, vector<1x16xf32>,
      %broadcast_in_dim3A_117 = arith.constant 1.000000e+00 : f32
      %broadcast_in_dim3A_118 = vector.broadcast %broadcast_in_dim3A_117 : f32 to vector<16xf32>
      %swap3A_119 = arith.index_cast %scan3A_76 : i32 to index
      %swap3A_120 = arith.constant 96 : index
      %swap3A_121 = tpu.vector_load %arg5[%swap3A_119, %swap3A_120] {strides = array<i32>} : memref<128x128xf32, #tpu.memory_space<vmem>>, vector<1x16xf32>,
      %swap3A_122 = vector.shape_cast %swap3A_121 : vector<1x16xf32> to vector<16xf32>
      %swap3A_123 = vector.shape_cast %broadcast_in_dim3A_118 : vector<16xf32> to vector<1x16xf32>
      tpu.vector_store %arg5[%swap3A_119, %swap3A_120], %swap3A_123 {strides = array<i32>} : memref<128x128xf32, #tpu.memory_space<vmem>>, vector<1x16xf32>,
      %broadcast_in_dim3A_124 = arith.constant 1.000000e+00 : f32
      %broadcast_in_dim3A_125 = vector.broadcast %broadcast_in_dim3A_124 : f32 to vector<16xf32>
      %swap3A_126 = arith.index_cast %scan3A_76 : i32 to index
      %swap3A_127 = arith.constant 112 : index
      %swap3A_128 = tpu.vector_load %arg5[%swap3A_126, %swap3A_127] {strides = array<i32>} : memref<128x128xf32, #tpu.memory_space<vmem>>, vector<1x16xf32>,
      %swap3A_129 = vector.shape_cast %swap3A_128 : vector<1x16xf32> to vector<16xf32>
      %swap3A_130 = vector.shape_cast %broadcast_in_dim3A_125 : vector<16xf32> to vector<1x16xf32>
      tpu.vector_store %arg5[%swap3A_126, %swap3A_127], %swap3A_130 {strides = array<i32>} : memref<128x128xf32, #tpu.memory_space<vmem>>, vector<1x16xf32>,
    }
    %scan3A_31 = arith.constant 128 : i32
    %barrier3A = arith.constant 0 : index
    tpu.barrier barrier_id(%barrier3A)
    %mul3A_32 = arith.constant 80 : i32
    %mul3A_33 = arith.muli %add3A, %mul3A_32 : i32
    "tpu.region"() ({
      %run_scoped3A = tpu.sem_alloc : memref<!tpu.dma_semaphore, #tpu.memory_space<semaphore_mem>>
      %dma_start3A = arith.constant 0 : i32
      %dma_start3A_76 = tpu.memref_slice %arg2[%mul3A_33, %dma_start3A] : memref<2560x128xi32, #tpu.memory_space<hbm>> -> memref<80x128xi32, #tpu.memory_space<hbm>>
      %dma_start3A_77 = arith.constant 0 : i32
      %dma_start3A_78 = tpu.memref_slice %arg2[%mul3A_33, %dma_start3A_77] : memref<2560x128xi32, #tpu.memory_space<hbm>> -> memref<80x128xi32, #tpu.memory_space<hbm>>
      tpu.enqueue_dma source(%dma_start3A_78 : memref<80x128xi32, #tpu.memory_space<hbm>>) target(%arg4 : memref<80x128xi32, #tpu.memory_space<vmem>>) target_semaphore(%run_scoped3A : memref<!tpu.dma_semaphore, #tpu.memory_space<semaphore_mem>>)
      %dma_wait3A = arith.constant 0 : i32
      %dma_wait3A_79 = tpu.memref_slice %arg2[%mul3A_33, %dma_wait3A] : memref<2560x128xi32, #tpu.memory_space<hbm>> -> memref<80x128xi32, #tpu.memory_space<hbm>>
      %dma_wait3A_80 = arith.constant 0 : i32
      %dma_wait3A_81 = tpu.memref_slice %arg2[%mul3A_33, %dma_wait3A_80] : memref<2560x128xi32, #tpu.memory_space<hbm>> -> memref<80x128xi32, #tpu.memory_space<hbm>>
      tpu.wait_dma2 semaphore(%run_scoped3A : memref<!tpu.dma_semaphore, #tpu.memory_space<semaphore_mem>>) src(%dma_wait3A_81 : memref<80x128xi32, #tpu.memory_space<hbm>>) dst(%arg4 : memref<80x128xi32, #tpu.memory_space<vmem>>)
      tpu.yield
    }) : () -> ()
    %scan3A_34 = arith.constant 0 : i32
    %scan3A_35 = arith.constant 0 : i32
    %scan3A_36 = arith.constant 80 : i32
    %scan3A_37 = arith.addi %scan3A_35, %scan3A_36 : i32
    %scan3A_38 = arith.constant 1 : i32
    scf.for %scan3A_76 = %scan3A_35 to %scan3A_37 step %scan3A_38  : i32 {
      "tpu.region"() ({
        %run_scoped3A = tpu.sem_alloc : memref<!tpu.dma_semaphore, #tpu.memory_space<semaphore_mem>>
        %dma_start3A = arith.constant 0 : i32
        %dma_start3A_77 = tpu.memref_slice %arg4[%scan3A_76, %dma_start3A] : memref<80x128xi32, #tpu.memory_space<vmem>> -> memref<1x128xi32, #tpu.memory_space<vmem>>
        %dma_start3A_78 = tpu.memref_squeeze %dma_start3A_77 : memref<1x128xi32, #tpu.memory_space<vmem>> -> memref<128xi32, #tpu.memory_space<vmem>>
        %dma_start3A_79 = arith.constant 0 : i32
        %dma_start3A_80 = arith.constant 0 : i32
        %dma_start3A_81 = tpu.memref_slice %arg6[%dma_start3A_79, %dma_start3A_80] : memref<10240x128xf32, #tpu.memory_space<vmem_shared>> -> memref<10240x128xf32, #tpu.memory_space<vmem_shared>>
        tpu.enqueue_indirect_dma source(%arg5 : memref<128x128xf32, #tpu.memory_space<vmem>>) target(%dma_start3A_81 : memref<10240x128xf32, #tpu.memory_space<vmem_shared>>) offsets(%dma_start3A_78 : memref<128xi32, #tpu.memory_space<vmem>>) semaphore(%run_scoped3A : memref<!tpu.dma_semaphore, #tpu.memory_space<semaphore_mem>>) {add = true}
        %dma_wait3A = arith.constant 0 : i32
        %dma_wait3A_82 = tpu.memref_slice %arg4[%scan3A_76, %dma_wait3A] : memref<80x128xi32, #tpu.memory_space<vmem>> -> memref<1x128xi32, #tpu.memory_space<vmem>>
        %dma_wait3A_83 = tpu.memref_squeeze %dma_wait3A_82 : memref<1x128xi32, #tpu.memory_space<vmem>> -> memref<128xi32, #tpu.memory_space<vmem>>
        %dma_wait3A_84 = arith.constant 0 : i32
        %dma_wait3A_85 = arith.constant 0 : i32
        %dma_wait3A_86 = tpu.memref_slice %arg6[%dma_wait3A_84, %dma_wait3A_85] : memref<10240x128xf32, #tpu.memory_space<vmem_shared>> -> memref<10240x128xf32, #tpu.memory_space<vmem_shared>>
        tpu.wait_indirect_dma semaphore(%run_scoped3A : memref<!tpu.dma_semaphore, #tpu.memory_space<semaphore_mem>>) src(%arg5 : memref<128x128xf32, #tpu.memory_space<vmem>>) dst(%dma_wait3A_86 : memref<10240x128xf32, #tpu.memory_space<vmem_shared>>)
        tpu.yield
      }) : () -> ()
    }
    %scan3A_39 = arith.constant 80 : i32
    %barrier3A_40 = arith.constant 0 : index
    tpu.barrier barrier_id(%barrier3A_40)
    %mul3A_41 = arith.constant 640 : i32
    %mul3A_42 = arith.muli %arg1, %mul3A_41 : i32
    %add3A_43 = arith.constant 0 : i32
    %add3A_44 = arith.addi %mul3A_42, %add3A_43 : i32
    "tpu.region"() ({
      %run_scoped3A = tpu.sem_alloc : memref<!tpu.dma_semaphore, #tpu.memory_space<semaphore_mem>>
      %dma_start3A = arith.constant 0 : i32
      %dma_start3A_76 = tpu.memref_slice %arg6[%add3A_44, %dma_start3A] : memref<10240x128xf32, #tpu.memory_space<vmem_shared>> -> memref<128x128xf32, #tpu.memory_space<vmem_shared>>
      %dma_start3A_77 = arith.constant 0 : i32
      %dma_start3A_78 = tpu.memref_slice %arg6[%add3A_44, %dma_start3A_77] : memref<10240x128xf32, #tpu.memory_space<vmem_shared>> -> memref<128x128xf32, #tpu.memory_space<vmem_shared>>
      tpu.enqueue_dma source(%dma_start3A_78 : memref<128x128xf32, #tpu.memory_space<vmem_shared>>) target(%arg5 : memref<128x128xf32, #tpu.memory_space<vmem>>) target_semaphore(%run_scoped3A : memref<!tpu.dma_semaphore, #tpu.memory_space<semaphore_mem>>)
      %dma_wait3A = arith.constant 0 : i32
      %dma_wait3A_79 = tpu.memref_slice %arg6[%add3A_44, %dma_wait3A] : memref<10240x128xf32, #tpu.memory_space<vmem_shared>> -> memref<128x128xf32, #tpu.memory_space<vmem_shared>>
      %dma_wait3A_80 = arith.constant 0 : i32
      %dma_wait3A_81 = tpu.memref_slice %arg6[%add3A_44, %dma_wait3A_80] : memref<10240x128xf32, #tpu.memory_space<vmem_shared>> -> memref<128x128xf32, #tpu.memory_space<vmem_shared>>
      tpu.wait_dma2 semaphore(%run_scoped3A : memref<!tpu.dma_semaphore, #tpu.memory_space<semaphore_mem>>) src(%dma_wait3A_81 : memref<128x128xf32, #tpu.memory_space<vmem_shared>>) dst(%arg5 : memref<128x128xf32, #tpu.memory_space<vmem>>)
      tpu.yield
    }) : () -> ()
    %mul3A_45 = arith.constant 10240 : i32
    %mul3A_46 = arith.muli %arg0, %mul3A_45 : i32
    %add3A_47 = arith.addi %mul3A_46, %add3A_44 : i32
    "tpu.region"() ({
      %run_scoped3A = tpu.sem_alloc : memref<!tpu.dma_semaphore, #tpu.memory_space<semaphore_mem>>
      %dma_start3A = arith.constant 0 : i32
      %dma_start3A_76 = tpu.memref_slice %arg3[%add3A_47, %dma_start3A] : memref<20480x128xf32, #tpu.memory_space<hbm>> -> memref<128x128xf32, #tpu.memory_space<hbm>>
      %dma_start3A_77 = arith.constant 0 : i32
      %dma_start3A_78 = tpu.memref_slice %arg3[%add3A_47, %dma_start3A_77] : memref<20480x128xf32, #tpu.memory_space<hbm>> -> memref<128x128xf32, #tpu.memory_space<hbm>>
      tpu.enqueue_dma source(%arg5 : memref<128x128xf32, #tpu.memory_space<vmem>>) target(%dma_start3A_78 : memref<128x128xf32, #tpu.memory_space<hbm>>) target_semaphore(%run_scoped3A : memref<!tpu.dma_semaphore, #tpu.memory_space<semaphore_mem>>)
      %dma_wait3A = arith.constant 0 : i32
      %dma_wait3A_79 = tpu.memref_slice %arg3[%add3A_47, %dma_wait3A] : memref<20480x128xf32, #tpu.memory_space<hbm>> -> memref<128x128xf32, #tpu.memory_space<hbm>>
      %dma_wait3A_80 = arith.constant 0 : i32
      %dma_wait3A_81 = tpu.memref_slice %arg3[%add3A_47, %dma_wait3A_80] : memref<20480x128xf32, #tpu.memory_space<hbm>> -> memref<128x128xf32, #tpu.memory_space<hbm>>
      tpu.wait_dma2 semaphore(%run_scoped3A : memref<!tpu.dma_semaphore, #tpu.memory_space<semaphore_mem>>) src(%arg5 : memref<128x128xf32, #tpu.memory_space<vmem>>) dst(%dma_wait3A_81 : memref<128x128xf32, #tpu.memory_space<hbm>>)
      tpu.yield
    }) : () -> ()
    %mul3A_48 = arith.constant 640 : i32
    %mul3A_49 = arith.muli %arg1, %mul3A_48 : i32
    %add3A_50 = arith.constant 128 : i32
    %add3A_51 = arith.addi %mul3A_49, %add3A_50 : i32
    "tpu.region"() ({
      %run_scoped3A = tpu.sem_alloc : memref<!tpu.dma_semaphore, #tpu.memory_space<semaphore_mem>>
      %dma_start3A = arith.constant 0 : i32
      %dma_start3A_76 = tpu.memref_slice %arg6[%add3A_51, %dma_start3A] : memref<10240x128xf32, #tpu.memory_space<vmem_shared>> -> memref<128x128xf32, #tpu.memory_space<vmem_shared>>
      %dma_start3A_77 = arith.constant 0 : i32
      %dma_start3A_78 = tpu.memref_slice %arg6[%add3A_51, %dma_start3A_77] : memref<10240x128xf32, #tpu.memory_space<vmem_shared>> -> memref<128x128xf32, #tpu.memory_space<vmem_shared>>
      tpu.enqueue_dma source(%dma_start3A_78 : memref<128x128xf32, #tpu.memory_space<vmem_shared>>) target(%arg5 : memref<128x128xf32, #tpu.memory_space<vmem>>) target_semaphore(%run_scoped3A : memref<!tpu.dma_semaphore, #tpu.memory_space<semaphore_mem>>)
      %dma_wait3A = arith.constant 0 : i32
      %dma_wait3A_79 = tpu.memref_slice %arg6[%add3A_51, %dma_wait3A] : memref<10240x128xf32, #tpu.memory_space<vmem_shared>> -> memref<128x128xf32, #tpu.memory_space<vmem_shared>>
      %dma_wait3A_80 = arith.constant 0 : i32
      %dma_wait3A_81 = tpu.memref_slice %arg6[%add3A_51, %dma_wait3A_80] : memref<10240x128xf32, #tpu.memory_space<vmem_shared>> -> memref<128x128xf32, #tpu.memory_space<vmem_shared>>
      tpu.wait_dma2 semaphore(%run_scoped3A : memref<!tpu.dma_semaphore, #tpu.memory_space<semaphore_mem>>) src(%dma_wait3A_81 : memref<128x128xf32, #tpu.memory_space<vmem_shared>>) dst(%arg5 : memref<128x128xf32, #tpu.memory_space<vmem>>)
      tpu.yield
    }) : () -> ()
    %mul3A_52 = arith.constant 10240 : i32
    %mul3A_53 = arith.muli %arg0, %mul3A_52 : i32
    %add3A_54 = arith.addi %mul3A_53, %add3A_51 : i32
    "tpu.region"() ({
      %run_scoped3A = tpu.sem_alloc : memref<!tpu.dma_semaphore, #tpu.memory_space<semaphore_mem>>
      %dma_start3A = arith.constant 0 : i32
      %dma_start3A_76 = tpu.memref_slice %arg3[%add3A_54, %dma_start3A] : memref<20480x128xf32, #tpu.memory_space<hbm>> -> memref<128x128xf32, #tpu.memory_space<hbm>>
      %dma_start3A_77 = arith.constant 0 : i32
      %dma_start3A_78 = tpu.memref_slice %arg3[%add3A_54, %dma_start3A_77] : memref<20480x128xf32, #tpu.memory_space<hbm>> -> memref<128x128xf32, #tpu.memory_space<hbm>>
      tpu.enqueue_dma source(%arg5 : memref<128x128xf32, #tpu.memory_space<vmem>>) target(%dma_start3A_78 : memref<128x128xf32, #tpu.memory_space<hbm>>) target_semaphore(%run_scoped3A : memref<!tpu.dma_semaphore, #tpu.memory_space<semaphore_mem>>)
      %dma_wait3A = arith.constant 0 : i32
      %dma_wait3A_79 = tpu.memref_slice %arg3[%add3A_54, %dma_wait3A] : memref<20480x128xf32, #tpu.memory_space<hbm>> -> memref<128x128xf32, #tpu.memory_space<hbm>>
      %dma_wait3A_80 = arith.constant 0 : i32
      %dma_wait3A_81 = tpu.memref_slice %arg3[%add3A_54, %dma_wait3A_80] : memref<20480x128xf32, #tpu.memory_space<hbm>> -> memref<128x128xf32, #tpu.memory_space<hbm>>
      tpu.wait_dma2 semaphore(%run_scoped3A : memref<!tpu.dma_semaphore, #tpu.memory_space<semaphore_mem>>) src(%arg5 : memref<128x128xf32, #tpu.memory_space<vmem>>) dst(%dma_wait3A_81 : memref<128x128xf32, #tpu.memory_space<hbm>>)
      tpu.yield
    }) : () -> ()
    %mul3A_55 = arith.constant 640 : i32
    %mul3A_56 = arith.muli %arg1, %mul3A_55 : i32
    %add3A_57 = arith.constant 256 : i32
    %add3A_58 = arith.addi %mul3A_56, %add3A_57 : i32
    "tpu.region"() ({
      %run_scoped3A = tpu.sem_alloc : memref<!tpu.dma_semaphore, #tpu.memory_space<semaphore_mem>>
      %dma_start3A = arith.constant 0 : i32
      %dma_start3A_76 = tpu.memref_slice %arg6[%add3A_58, %dma_start3A] : memref<10240x128xf32, #tpu.memory_space<vmem_shared>> -> memref<128x128xf32, #tpu.memory_space<vmem_shared>>
      %dma_start3A_77 = arith.constant 0 : i32
      %dma_start3A_78 = tpu.memref_slice %arg6[%add3A_58, %dma_start3A_77] : memref<10240x128xf32, #tpu.memory_space<vmem_shared>> -> memref<128x128xf32, #tpu.memory_space<vmem_shared>>
      tpu.enqueue_dma source(%dma_start3A_78 : memref<128x128xf32, #tpu.memory_space<vmem_shared>>) target(%arg5 : memref<128x128xf32, #tpu.memory_space<vmem>>) target_semaphore(%run_scoped3A : memref<!tpu.dma_semaphore, #tpu.memory_space<semaphore_mem>>)
      %dma_wait3A = arith.constant 0 : i32
      %dma_wait3A_79 = tpu.memref_slice %arg6[%add3A_58, %dma_wait3A] : memref<10240x128xf32, #tpu.memory_space<vmem_shared>> -> memref<128x128xf32, #tpu.memory_space<vmem_shared>>
      %dma_wait3A_80 = arith.constant 0 : i32
      %dma_wait3A_81 = tpu.memref_slice %arg6[%add3A_58, %dma_wait3A_80] : memref<10240x128xf32, #tpu.memory_space<vmem_shared>> -> memref<128x128xf32, #tpu.memory_space<vmem_shared>>
      tpu.wait_dma2 semaphore(%run_scoped3A : memref<!tpu.dma_semaphore, #tpu.memory_space<semaphore_mem>>) src(%dma_wait3A_81 : memref<128x128xf32, #tpu.memory_space<vmem_shared>>) dst(%arg5 : memref<128x128xf32, #tpu.memory_space<vmem>>)
      tpu.yield
    }) : () -> ()
    %mul3A_59 = arith.constant 10240 : i32
    %mul3A_60 = arith.muli %arg0, %mul3A_59 : i32
    %add3A_61 = arith.addi %mul3A_60, %add3A_58 : i32
    "tpu.region"() ({
      %run_scoped3A = tpu.sem_alloc : memref<!tpu.dma_semaphore, #tpu.memory_space<semaphore_mem>>
      %dma_start3A = arith.constant 0 : i32
      %dma_start3A_76 = tpu.memref_slice %arg3[%add3A_61, %dma_start3A] : memref<20480x128xf32, #tpu.memory_space<hbm>> -> memref<128x128xf32, #tpu.memory_space<hbm>>
      %dma_start3A_77 = arith.constant 0 : i32
      %dma_start3A_78 = tpu.memref_slice %arg3[%add3A_61, %dma_start3A_77] : memref<20480x128xf32, #tpu.memory_space<hbm>> -> memref<128x128xf32, #tpu.memory_space<hbm>>
      tpu.enqueue_dma source(%arg5 : memref<128x128xf32, #tpu.memory_space<vmem>>) target(%dma_start3A_78 : memref<128x128xf32, #tpu.memory_space<hbm>>) target_semaphore(%run_scoped3A : memref<!tpu.dma_semaphore, #tpu.memory_space<semaphore_mem>>)
      %dma_wait3A = arith.constant 0 : i32
      %dma_wait3A_79 = tpu.memref_slice %arg3[%add3A_61, %dma_wait3A] : memref<20480x128xf32, #tpu.memory_space<hbm>> -> memref<128x128xf32, #tpu.memory_space<hbm>>
      %dma_wait3A_80 = arith.constant 0 : i32
      %dma_wait3A_81 = tpu.memref_slice %arg3[%add3A_61, %dma_wait3A_80] : memref<20480x128xf32, #tpu.memory_space<hbm>> -> memref<128x128xf32, #tpu.memory_space<hbm>>
      tpu.wait_dma2 semaphore(%run_scoped3A : memref<!tpu.dma_semaphore, #tpu.memory_space<semaphore_mem>>) src(%arg5 : memref<128x128xf32, #tpu.memory_space<vmem>>) dst(%dma_wait3A_81 : memref<128x128xf32, #tpu.memory_space<hbm>>)
      tpu.yield
    }) : () -> ()
    %mul3A_62 = arith.constant 640 : i32
    %mul3A_63 = arith.muli %arg1, %mul3A_62 : i32
    %add3A_64 = arith.constant 384 : i32
    %add3A_65 = arith.addi %mul3A_63, %add3A_64 : i32
    "tpu.region"() ({
      %run_scoped3A = tpu.sem_alloc : memref<!tpu.dma_semaphore, #tpu.memory_space<semaphore_mem>>
      %dma_start3A = arith.constant 0 : i32
      %dma_start3A_76 = tpu.memref_slice %arg6[%add3A_65, %dma_start3A] : memref<10240x128xf32, #tpu.memory_space<vmem_shared>> -> memref<128x128xf32, #tpu.memory_space<vmem_shared>>
      %dma_start3A_77 = arith.constant 0 : i32
      %dma_start3A_78 = tpu.memref_slice %arg6[%add3A_65, %dma_start3A_77] : memref<10240x128xf32, #tpu.memory_space<vmem_shared>> -> memref<128x128xf32, #tpu.memory_space<vmem_shared>>
      tpu.enqueue_dma source(%dma_start3A_78 : memref<128x128xf32, #tpu.memory_space<vmem_shared>>) target(%arg5 : memref<128x128xf32, #tpu.memory_space<vmem>>) target_semaphore(%run_scoped3A : memref<!tpu.dma_semaphore, #tpu.memory_space<semaphore_mem>>)
      %dma_wait3A = arith.constant 0 : i32
      %dma_wait3A_79 = tpu.memref_slice %arg6[%add3A_65, %dma_wait3A] : memref<10240x128xf32, #tpu.memory_space<vmem_shared>> -> memref<128x128xf32, #tpu.memory_space<vmem_shared>>
      %dma_wait3A_80 = arith.constant 0 : i32
      %dma_wait3A_81 = tpu.memref_slice %arg6[%add3A_65, %dma_wait3A_80] : memref<10240x128xf32, #tpu.memory_space<vmem_shared>> -> memref<128x128xf32, #tpu.memory_space<vmem_shared>>
      tpu.wait_dma2 semaphore(%run_scoped3A : memref<!tpu.dma_semaphore, #tpu.memory_space<semaphore_mem>>) src(%dma_wait3A_81 : memref<128x128xf32, #tpu.memory_space<vmem_shared>>) dst(%arg5 : memref<128x128xf32, #tpu.memory_space<vmem>>)
      tpu.yield
    }) : () -> ()
    %mul3A_66 = arith.constant 10240 : i32
    %mul3A_67 = arith.muli %arg0, %mul3A_66 : i32
    %add3A_68 = arith.addi %mul3A_67, %add3A_65 : i32
    "tpu.region"() ({
      %run_scoped3A = tpu.sem_alloc : memref<!tpu.dma_semaphore, #tpu.memory_space<semaphore_mem>>
      %dma_start3A = arith.constant 0 : i32
      %dma_start3A_76 = tpu.memref_slice %arg3[%add3A_68, %dma_start3A] : memref<20480x128xf32, #tpu.memory_space<hbm>> -> memref<128x128xf32, #tpu.memory_space<hbm>>
      %dma_start3A_77 = arith.constant 0 : i32
      %dma_start3A_78 = tpu.memref_slice %arg3[%add3A_68, %dma_start3A_77] : memref<20480x128xf32, #tpu.memory_space<hbm>> -> memref<128x128xf32, #tpu.memory_space<hbm>>
      tpu.enqueue_dma source(%arg5 : memref<128x128xf32, #tpu.memory_space<vmem>>) target(%dma_start3A_78 : memref<128x128xf32, #tpu.memory_space<hbm>>) target_semaphore(%run_scoped3A : memref<!tpu.dma_semaphore, #tpu.memory_space<semaphore_mem>>)
      %dma_wait3A = arith.constant 0 : i32
      %dma_wait3A_79 = tpu.memref_slice %arg3[%add3A_68, %dma_wait3A] : memref<20480x128xf32, #tpu.memory_space<hbm>> -> memref<128x128xf32, #tpu.memory_space<hbm>>
      %dma_wait3A_80 = arith.constant 0 : i32
      %dma_wait3A_81 = tpu.memref_slice %arg3[%add3A_68, %dma_wait3A_80] : memref<20480x128xf32, #tpu.memory_space<hbm>> -> memref<128x128xf32, #tpu.memory_space<hbm>>
      tpu.wait_dma2 semaphore(%run_scoped3A : memref<!tpu.dma_semaphore, #tpu.memory_space<semaphore_mem>>) src(%arg5 : memref<128x128xf32, #tpu.memory_space<vmem>>) dst(%dma_wait3A_81 : memref<128x128xf32, #tpu.memory_space<hbm>>)
      tpu.yield
    }) : () -> ()
    %mul3A_69 = arith.constant 640 : i32
    %mul3A_70 = arith.muli %arg1, %mul3A_69 : i32
    %add3A_71 = arith.constant 512 : i32
    %add3A_72 = arith.addi %mul3A_70, %add3A_71 : i32
    "tpu.region"() ({
      %run_scoped3A = tpu.sem_alloc : memref<!tpu.dma_semaphore, #tpu.memory_space<semaphore_mem>>
      %dma_start3A = arith.constant 0 : i32
      %dma_start3A_76 = tpu.memref_slice %arg6[%add3A_72, %dma_start3A] : memref<10240x128xf32, #tpu.memory_space<vmem_shared>> -> memref<128x128xf32, #tpu.memory_space<vmem_shared>>
      %dma_start3A_77 = arith.constant 0 : i32
      %dma_start3A_78 = tpu.memref_slice %arg6[%add3A_72, %dma_start3A_77] : memref<10240x128xf32, #tpu.memory_space<vmem_shared>> -> memref<128x128xf32, #tpu.memory_space<vmem_shared>>
      tpu.enqueue_dma source(%dma_start3A_78 : memref<128x128xf32, #tpu.memory_space<vmem_shared>>) target(%arg5 : memref<128x128xf32, #tpu.memory_space<vmem>>) target_semaphore(%run_scoped3A : memref<!tpu.dma_semaphore, #tpu.memory_space<semaphore_mem>>)
      %dma_wait3A = arith.constant 0 : i32
      %dma_wait3A_79 = tpu.memref_slice %arg6[%add3A_72, %dma_wait3A] : memref<10240x128xf32, #tpu.memory_space<vmem_shared>> -> memref<128x128xf32, #tpu.memory_space<vmem_shared>>
      %dma_wait3A_80 = arith.constant 0 : i32
      %dma_wait3A_81 = tpu.memref_slice %arg6[%add3A_72, %dma_wait3A_80] : memref<10240x128xf32, #tpu.memory_space<vmem_shared>> -> memref<128x128xf32, #tpu.memory_space<vmem_shared>>
      tpu.wait_dma2 semaphore(%run_scoped3A : memref<!tpu.dma_semaphore, #tpu.memory_space<semaphore_mem>>) src(%dma_wait3A_81 : memref<128x128xf32, #tpu.memory_space<vmem_shared>>) dst(%arg5 : memref<128x128xf32, #tpu.memory_space<vmem>>)
      tpu.yield
    }) : () -> ()
    %mul3A_73 = arith.constant 10240 : i32
    %mul3A_74 = arith.muli %arg0, %mul3A_73 : i32
    %add3A_75 = arith.addi %mul3A_74, %add3A_72 : i32
    "tpu.region"() ({
      %run_scoped3A = tpu.sem_alloc : memref<!tpu.dma_semaphore, #tpu.memory_space<semaphore_mem>>
      %dma_start3A = arith.constant 0 : i32
      %dma_start3A_76 = tpu.memref_slice %arg3[%add3A_75, %dma_start3A] : memref<20480x128xf32, #tpu.memory_space<hbm>> -> memref<128x128xf32, #tpu.memory_space<hbm>>
      %dma_start3A_77 = arith.constant 0 : i32
      %dma_start3A_78 = tpu.memref_slice %arg3[%add3A_75, %dma_start3A_77] : memref<20480x128xf32, #tpu.memory_space<hbm>> -> memref<128x128xf32, #tpu.memory_space<hbm>>
      tpu.enqueue_dma source(%arg5 : memref<128x128xf32, #tpu.memory_space<vmem>>) target(%dma_start3A_78 : memref<128x128xf32, #tpu.memory_space<hbm>>) target_semaphore(%run_scoped3A : memref<!tpu.dma_semaphore, #tpu.memory_space<semaphore_mem>>)
      %dma_wait3A = arith.constant 0 : i32
      %dma_wait3A_79 = tpu.memref_slice %arg3[%add3A_75, %dma_wait3A] : memref<20480x128xf32, #tpu.memory_space<hbm>> -> memref<128x128xf32, #tpu.memory_space<hbm>>
      %dma_wait3A_80 = arith.constant 0 : i32
      %dma_wait3A_81 = tpu.memref_slice %arg3[%add3A_75, %dma_wait3A_80] : memref<20480x128xf32, #tpu.memory_space<hbm>> -> memref<128x128xf32, #tpu.memory_space<hbm>>
      tpu.wait_dma2 semaphore(%run_scoped3A : memref<!tpu.dma_semaphore, #tpu.memory_space<semaphore_mem>>) src(%arg5 : memref<128x128xf32, #tpu.memory_space<vmem>>) dst(%dma_wait3A_81 : memref<128x128xf32, #tpu.memory_space<hbm>>)
      tpu.yield
    }) : () -> ()
    return
  }
}

#map = affine_map<(d0, d1) -> (0, 0)>
module attributes {stable_mosaic.version = 14 : i64} {
  func.func @body(%arg0: i32, %arg1: i32, %arg2: memref<10240x128xf32, #tpu.memory_space<hbm>>, %arg3: memref<2560x128xi32, #tpu.memory_space<hbm>>, %arg4: memref<2560x128xi32, #tpu.memory_space<hbm>>, %arg5: memref<20480x128xf32, #tpu.memory_space<hbm>>, %arg6: memref<40x128xi32, #tpu.memory_space<vmem>>, %arg7: memref<40x128xi32, #tpu.memory_space<vmem>>, %arg8: memref<128x128xf32, #tpu.memory_space<vmem>>, %arg9: memref<128x128xf32, #tpu.memory_space<vmem>>, %arg10: memref<10240x128xf32, #tpu.memory_space<vmem_shared>>, %arg11: memref<!tpu.dma_semaphore, #tpu.memory_space<semaphore_mem>>, %arg12: memref<!tpu.dma_semaphore, #tpu.memory_space<semaphore_mem>>, %arg13: memref<!tpu.dma_semaphore, #tpu.memory_space<semaphore_mem>>, %arg14: memref<!tpu.dma_semaphore, #tpu.memory_space<semaphore_mem>>) attributes {dimension_semantics = [#tpu.dimension_semantics<core_parallel>, #tpu.dimension_semantics<subcore_parallel>], iteration_bounds = array<i64: 2, 16>, scalar_prefetch = 0 : i64, scratch_operands = 9 : i64, tpu.core_type = #tpu.core_type<sc_vector_subcore>, window_params = [{transform_indices = #map}, {transform_indices = #map}, {transform_indices = #map}, {transform_indices = #map}]} {
    %mul3A = arith.constant 16 : i32
    %mul3A_0 = arith.muli %arg0, %mul3A : i32
    %add3A = arith.addi %mul3A_0, %arg1 : i32
    %scan3A = arith.constant 0 : i32
    %scan3A_1 = arith.constant 0 : i32
    %scan3A_2 = arith.constant 128 : i32
    %scan3A_3 = arith.addi %scan3A_1, %scan3A_2 : i32
    %scan3A_4 = arith.constant 1 : i32
    scf.for %scan3A_190 = %scan3A_1 to %scan3A_3 step %scan3A_4  : i32 {
      %broadcast_in_dim3A = arith.constant 0.000000e+00 : f32
      %broadcast_in_dim3A_191 = vector.broadcast %broadcast_in_dim3A : f32 to vector<16xf32>
      %swap3A = arith.index_cast %scan3A_190 : i32 to index
      %swap3A_192 = arith.constant 0 : index
      %swap3A_193 = tpu.vector_load %arg8[%swap3A, %swap3A_192] {strides = array<i32>} : memref<128x128xf32, #tpu.memory_space<vmem>>, vector<1x16xf32>,
      %swap3A_194 = vector.shape_cast %swap3A_193 : vector<1x16xf32> to vector<16xf32>
      %swap3A_195 = vector.shape_cast %broadcast_in_dim3A_191 : vector<16xf32> to vector<1x16xf32>
      tpu.vector_store %arg8[%swap3A, %swap3A_192], %swap3A_195 {strides = array<i32>} : memref<128x128xf32, #tpu.memory_space<vmem>>, vector<1x16xf32>,
      %broadcast_in_dim3A_196 = arith.constant 0.000000e+00 : f32
      %broadcast_in_dim3A_197 = vector.broadcast %broadcast_in_dim3A_196 : f32 to vector<16xf32>
      %swap3A_198 = arith.index_cast %scan3A_190 : i32 to index
      %swap3A_199 = arith.constant 16 : index
      %swap3A_200 = tpu.vector_load %arg8[%swap3A_198, %swap3A_199] {strides = array<i32>} : memref<128x128xf32, #tpu.memory_space<vmem>>, vector<1x16xf32>,
      %swap3A_201 = vector.shape_cast %swap3A_200 : vector<1x16xf32> to vector<16xf32>
      %swap3A_202 = vector.shape_cast %broadcast_in_dim3A_197 : vector<16xf32> to vector<1x16xf32>
      tpu.vector_store %arg8[%swap3A_198, %swap3A_199], %swap3A_202 {strides = array<i32>} : memref<128x128xf32, #tpu.memory_space<vmem>>, vector<1x16xf32>,
      %broadcast_in_dim3A_203 = arith.constant 0.000000e+00 : f32
      %broadcast_in_dim3A_204 = vector.broadcast %broadcast_in_dim3A_203 : f32 to vector<16xf32>
      %swap3A_205 = arith.index_cast %scan3A_190 : i32 to index
      %swap3A_206 = arith.constant 32 : index
      %swap3A_207 = tpu.vector_load %arg8[%swap3A_205, %swap3A_206] {strides = array<i32>} : memref<128x128xf32, #tpu.memory_space<vmem>>, vector<1x16xf32>,
      %swap3A_208 = vector.shape_cast %swap3A_207 : vector<1x16xf32> to vector<16xf32>
      %swap3A_209 = vector.shape_cast %broadcast_in_dim3A_204 : vector<16xf32> to vector<1x16xf32>
      tpu.vector_store %arg8[%swap3A_205, %swap3A_206], %swap3A_209 {strides = array<i32>} : memref<128x128xf32, #tpu.memory_space<vmem>>, vector<1x16xf32>,
      %broadcast_in_dim3A_210 = arith.constant 0.000000e+00 : f32
      %broadcast_in_dim3A_211 = vector.broadcast %broadcast_in_dim3A_210 : f32 to vector<16xf32>
      %swap3A_212 = arith.index_cast %scan3A_190 : i32 to index
      %swap3A_213 = arith.constant 48 : index
      %swap3A_214 = tpu.vector_load %arg8[%swap3A_212, %swap3A_213] {strides = array<i32>} : memref<128x128xf32, #tpu.memory_space<vmem>>, vector<1x16xf32>,
      %swap3A_215 = vector.shape_cast %swap3A_214 : vector<1x16xf32> to vector<16xf32>
      %swap3A_216 = vector.shape_cast %broadcast_in_dim3A_211 : vector<16xf32> to vector<1x16xf32>
      tpu.vector_store %arg8[%swap3A_212, %swap3A_213], %swap3A_216 {strides = array<i32>} : memref<128x128xf32, #tpu.memory_space<vmem>>, vector<1x16xf32>,
      %broadcast_in_dim3A_217 = arith.constant 0.000000e+00 : f32
      %broadcast_in_dim3A_218 = vector.broadcast %broadcast_in_dim3A_217 : f32 to vector<16xf32>
      %swap3A_219 = arith.index_cast %scan3A_190 : i32 to index
      %swap3A_220 = arith.constant 64 : index
      %swap3A_221 = tpu.vector_load %arg8[%swap3A_219, %swap3A_220] {strides = array<i32>} : memref<128x128xf32, #tpu.memory_space<vmem>>, vector<1x16xf32>,
      %swap3A_222 = vector.shape_cast %swap3A_221 : vector<1x16xf32> to vector<16xf32>
      %swap3A_223 = vector.shape_cast %broadcast_in_dim3A_218 : vector<16xf32> to vector<1x16xf32>
      tpu.vector_store %arg8[%swap3A_219, %swap3A_220], %swap3A_223 {strides = array<i32>} : memref<128x128xf32, #tpu.memory_space<vmem>>, vector<1x16xf32>,
      %broadcast_in_dim3A_224 = arith.constant 0.000000e+00 : f32
      %broadcast_in_dim3A_225 = vector.broadcast %broadcast_in_dim3A_224 : f32 to vector<16xf32>
      %swap3A_226 = arith.index_cast %scan3A_190 : i32 to index
      %swap3A_227 = arith.constant 80 : index
      %swap3A_228 = tpu.vector_load %arg8[%swap3A_226, %swap3A_227] {strides = array<i32>} : memref<128x128xf32, #tpu.memory_space<vmem>>, vector<1x16xf32>,
      %swap3A_229 = vector.shape_cast %swap3A_228 : vector<1x16xf32> to vector<16xf32>
      %swap3A_230 = vector.shape_cast %broadcast_in_dim3A_225 : vector<16xf32> to vector<1x16xf32>
      tpu.vector_store %arg8[%swap3A_226, %swap3A_227], %swap3A_230 {strides = array<i32>} : memref<128x128xf32, #tpu.memory_space<vmem>>, vector<1x16xf32>,
      %broadcast_in_dim3A_231 = arith.constant 0.000000e+00 : f32
      %broadcast_in_dim3A_232 = vector.broadcast %broadcast_in_dim3A_231 : f32 to vector<16xf32>
      %swap3A_233 = arith.index_cast %scan3A_190 : i32 to index
      %swap3A_234 = arith.constant 96 : index
      %swap3A_235 = tpu.vector_load %arg8[%swap3A_233, %swap3A_234] {strides = array<i32>} : memref<128x128xf32, #tpu.memory_space<vmem>>, vector<1x16xf32>,
      %swap3A_236 = vector.shape_cast %swap3A_235 : vector<1x16xf32> to vector<16xf32>
      %swap3A_237 = vector.shape_cast %broadcast_in_dim3A_232 : vector<16xf32> to vector<1x16xf32>
      tpu.vector_store %arg8[%swap3A_233, %swap3A_234], %swap3A_237 {strides = array<i32>} : memref<128x128xf32, #tpu.memory_space<vmem>>, vector<1x16xf32>,
      %broadcast_in_dim3A_238 = arith.constant 0.000000e+00 : f32
      %broadcast_in_dim3A_239 = vector.broadcast %broadcast_in_dim3A_238 : f32 to vector<16xf32>
      %swap3A_240 = arith.index_cast %scan3A_190 : i32 to index
      %swap3A_241 = arith.constant 112 : index
      %swap3A_242 = tpu.vector_load %arg8[%swap3A_240, %swap3A_241] {strides = array<i32>} : memref<128x128xf32, #tpu.memory_space<vmem>>, vector<1x16xf32>,
      %swap3A_243 = vector.shape_cast %swap3A_242 : vector<1x16xf32> to vector<16xf32>
      %swap3A_244 = vector.shape_cast %broadcast_in_dim3A_239 : vector<16xf32> to vector<1x16xf32>
      tpu.vector_store %arg8[%swap3A_240, %swap3A_241], %swap3A_244 {strides = array<i32>} : memref<128x128xf32, #tpu.memory_space<vmem>>, vector<1x16xf32>,
    }
    %scan3A_5 = arith.constant 128 : i32
    %mul3A_6 = arith.constant 640 : i32
    %mul3A_7 = arith.muli %arg1, %mul3A_6 : i32
    %add3A_8 = arith.constant 0 : i32
    %add3A_9 = arith.addi %mul3A_7, %add3A_8 : i32
    "tpu.region"() ({
      %run_scoped3A = tpu.sem_alloc : memref<!tpu.dma_semaphore, #tpu.memory_space<semaphore_mem>>
      %dma_start3A_190 = arith.constant 0 : i32
      %dma_start3A_191 = tpu.memref_slice %arg10[%add3A_9, %dma_start3A_190] : memref<10240x128xf32, #tpu.memory_space<vmem_shared>> -> memref<128x128xf32, #tpu.memory_space<vmem_shared>>
      %dma_start3A_192 = arith.constant 0 : i32
      %dma_start3A_193 = tpu.memref_slice %arg10[%add3A_9, %dma_start3A_192] : memref<10240x128xf32, #tpu.memory_space<vmem_shared>> -> memref<128x128xf32, #tpu.memory_space<vmem_shared>>
      tpu.enqueue_dma source(%arg8 : memref<128x128xf32, #tpu.memory_space<vmem>>) target(%dma_start3A_193 : memref<128x128xf32, #tpu.memory_space<vmem_shared>>) target_semaphore(%run_scoped3A : memref<!tpu.dma_semaphore, #tpu.memory_space<semaphore_mem>>)
      %dma_wait3A_194 = arith.constant 0 : i32
      %dma_wait3A_195 = tpu.memref_slice %arg10[%add3A_9, %dma_wait3A_194] : memref<10240x128xf32, #tpu.memory_space<vmem_shared>> -> memref<128x128xf32, #tpu.memory_space<vmem_shared>>
      %dma_wait3A_196 = arith.constant 0 : i32
      %dma_wait3A_197 = tpu.memref_slice %arg10[%add3A_9, %dma_wait3A_196] : memref<10240x128xf32, #tpu.memory_space<vmem_shared>> -> memref<128x128xf32, #tpu.memory_space<vmem_shared>>
      tpu.wait_dma2 semaphore(%run_scoped3A : memref<!tpu.dma_semaphore, #tpu.memory_space<semaphore_mem>>) src(%arg8 : memref<128x128xf32, #tpu.memory_space<vmem>>) dst(%dma_wait3A_197 : memref<128x128xf32, #tpu.memory_space<vmem_shared>>)
      tpu.yield
    }) : () -> ()
    %mul3A_10 = arith.constant 640 : i32
    %mul3A_11 = arith.muli %arg1, %mul3A_10 : i32
    %add3A_12 = arith.constant 128 : i32
    %add3A_13 = arith.addi %mul3A_11, %add3A_12 : i32
    "tpu.region"() ({
      %run_scoped3A = tpu.sem_alloc : memref<!tpu.dma_semaphore, #tpu.memory_space<semaphore_mem>>
      %dma_start3A_190 = arith.constant 0 : i32
      %dma_start3A_191 = tpu.memref_slice %arg10[%add3A_13, %dma_start3A_190] : memref<10240x128xf32, #tpu.memory_space<vmem_shared>> -> memref<128x128xf32, #tpu.memory_space<vmem_shared>>
      %dma_start3A_192 = arith.constant 0 : i32
      %dma_start3A_193 = tpu.memref_slice %arg10[%add3A_13, %dma_start3A_192] : memref<10240x128xf32, #tpu.memory_space<vmem_shared>> -> memref<128x128xf32, #tpu.memory_space<vmem_shared>>
      tpu.enqueue_dma source(%arg8 : memref<128x128xf32, #tpu.memory_space<vmem>>) target(%dma_start3A_193 : memref<128x128xf32, #tpu.memory_space<vmem_shared>>) target_semaphore(%run_scoped3A : memref<!tpu.dma_semaphore, #tpu.memory_space<semaphore_mem>>)
      %dma_wait3A_194 = arith.constant 0 : i32
      %dma_wait3A_195 = tpu.memref_slice %arg10[%add3A_13, %dma_wait3A_194] : memref<10240x128xf32, #tpu.memory_space<vmem_shared>> -> memref<128x128xf32, #tpu.memory_space<vmem_shared>>
      %dma_wait3A_196 = arith.constant 0 : i32
      %dma_wait3A_197 = tpu.memref_slice %arg10[%add3A_13, %dma_wait3A_196] : memref<10240x128xf32, #tpu.memory_space<vmem_shared>> -> memref<128x128xf32, #tpu.memory_space<vmem_shared>>
      tpu.wait_dma2 semaphore(%run_scoped3A : memref<!tpu.dma_semaphore, #tpu.memory_space<semaphore_mem>>) src(%arg8 : memref<128x128xf32, #tpu.memory_space<vmem>>) dst(%dma_wait3A_197 : memref<128x128xf32, #tpu.memory_space<vmem_shared>>)
      tpu.yield
    }) : () -> ()
    %mul3A_14 = arith.constant 640 : i32
    %mul3A_15 = arith.muli %arg1, %mul3A_14 : i32
    %add3A_16 = arith.constant 256 : i32
    %add3A_17 = arith.addi %mul3A_15, %add3A_16 : i32
    "tpu.region"() ({
      %run_scoped3A = tpu.sem_alloc : memref<!tpu.dma_semaphore, #tpu.memory_space<semaphore_mem>>
      %dma_start3A_190 = arith.constant 0 : i32
      %dma_start3A_191 = tpu.memref_slice %arg10[%add3A_17, %dma_start3A_190] : memref<10240x128xf32, #tpu.memory_space<vmem_shared>> -> memref<128x128xf32, #tpu.memory_space<vmem_shared>>
      %dma_start3A_192 = arith.constant 0 : i32
      %dma_start3A_193 = tpu.memref_slice %arg10[%add3A_17, %dma_start3A_192] : memref<10240x128xf32, #tpu.memory_space<vmem_shared>> -> memref<128x128xf32, #tpu.memory_space<vmem_shared>>
      tpu.enqueue_dma source(%arg8 : memref<128x128xf32, #tpu.memory_space<vmem>>) target(%dma_start3A_193 : memref<128x128xf32, #tpu.memory_space<vmem_shared>>) target_semaphore(%run_scoped3A : memref<!tpu.dma_semaphore, #tpu.memory_space<semaphore_mem>>)
      %dma_wait3A_194 = arith.constant 0 : i32
      %dma_wait3A_195 = tpu.memref_slice %arg10[%add3A_17, %dma_wait3A_194] : memref<10240x128xf32, #tpu.memory_space<vmem_shared>> -> memref<128x128xf32, #tpu.memory_space<vmem_shared>>
      %dma_wait3A_196 = arith.constant 0 : i32
      %dma_wait3A_197 = tpu.memref_slice %arg10[%add3A_17, %dma_wait3A_196] : memref<10240x128xf32, #tpu.memory_space<vmem_shared>> -> memref<128x128xf32, #tpu.memory_space<vmem_shared>>
      tpu.wait_dma2 semaphore(%run_scoped3A : memref<!tpu.dma_semaphore, #tpu.memory_space<semaphore_mem>>) src(%arg8 : memref<128x128xf32, #tpu.memory_space<vmem>>) dst(%dma_wait3A_197 : memref<128x128xf32, #tpu.memory_space<vmem_shared>>)
      tpu.yield
    }) : () -> ()
    %mul3A_18 = arith.constant 640 : i32
    %mul3A_19 = arith.muli %arg1, %mul3A_18 : i32
    %add3A_20 = arith.constant 384 : i32
    %add3A_21 = arith.addi %mul3A_19, %add3A_20 : i32
    "tpu.region"() ({
      %run_scoped3A = tpu.sem_alloc : memref<!tpu.dma_semaphore, #tpu.memory_space<semaphore_mem>>
      %dma_start3A_190 = arith.constant 0 : i32
      %dma_start3A_191 = tpu.memref_slice %arg10[%add3A_21, %dma_start3A_190] : memref<10240x128xf32, #tpu.memory_space<vmem_shared>> -> memref<128x128xf32, #tpu.memory_space<vmem_shared>>
      %dma_start3A_192 = arith.constant 0 : i32
      %dma_start3A_193 = tpu.memref_slice %arg10[%add3A_21, %dma_start3A_192] : memref<10240x128xf32, #tpu.memory_space<vmem_shared>> -> memref<128x128xf32, #tpu.memory_space<vmem_shared>>
      tpu.enqueue_dma source(%arg8 : memref<128x128xf32, #tpu.memory_space<vmem>>) target(%dma_start3A_193 : memref<128x128xf32, #tpu.memory_space<vmem_shared>>) target_semaphore(%run_scoped3A : memref<!tpu.dma_semaphore, #tpu.memory_space<semaphore_mem>>)
      %dma_wait3A_194 = arith.constant 0 : i32
      %dma_wait3A_195 = tpu.memref_slice %arg10[%add3A_21, %dma_wait3A_194] : memref<10240x128xf32, #tpu.memory_space<vmem_shared>> -> memref<128x128xf32, #tpu.memory_space<vmem_shared>>
      %dma_wait3A_196 = arith.constant 0 : i32
      %dma_wait3A_197 = tpu.memref_slice %arg10[%add3A_21, %dma_wait3A_196] : memref<10240x128xf32, #tpu.memory_space<vmem_shared>> -> memref<128x128xf32, #tpu.memory_space<vmem_shared>>
      tpu.wait_dma2 semaphore(%run_scoped3A : memref<!tpu.dma_semaphore, #tpu.memory_space<semaphore_mem>>) src(%arg8 : memref<128x128xf32, #tpu.memory_space<vmem>>) dst(%dma_wait3A_197 : memref<128x128xf32, #tpu.memory_space<vmem_shared>>)
      tpu.yield
    }) : () -> ()
    %mul3A_22 = arith.constant 640 : i32
    %mul3A_23 = arith.muli %arg1, %mul3A_22 : i32
    %add3A_24 = arith.constant 512 : i32
    %add3A_25 = arith.addi %mul3A_23, %add3A_24 : i32
    "tpu.region"() ({
      %run_scoped3A = tpu.sem_alloc : memref<!tpu.dma_semaphore, #tpu.memory_space<semaphore_mem>>
      %dma_start3A_190 = arith.constant 0 : i32
      %dma_start3A_191 = tpu.memref_slice %arg10[%add3A_25, %dma_start3A_190] : memref<10240x128xf32, #tpu.memory_space<vmem_shared>> -> memref<128x128xf32, #tpu.memory_space<vmem_shared>>
      %dma_start3A_192 = arith.constant 0 : i32
      %dma_start3A_193 = tpu.memref_slice %arg10[%add3A_25, %dma_start3A_192] : memref<10240x128xf32, #tpu.memory_space<vmem_shared>> -> memref<128x128xf32, #tpu.memory_space<vmem_shared>>
      tpu.enqueue_dma source(%arg8 : memref<128x128xf32, #tpu.memory_space<vmem>>) target(%dma_start3A_193 : memref<128x128xf32, #tpu.memory_space<vmem_shared>>) target_semaphore(%run_scoped3A : memref<!tpu.dma_semaphore, #tpu.memory_space<semaphore_mem>>)
      %dma_wait3A_194 = arith.constant 0 : i32
      %dma_wait3A_195 = tpu.memref_slice %arg10[%add3A_25, %dma_wait3A_194] : memref<10240x128xf32, #tpu.memory_space<vmem_shared>> -> memref<128x128xf32, #tpu.memory_space<vmem_shared>>
      %dma_wait3A_196 = arith.constant 0 : i32
      %dma_wait3A_197 = tpu.memref_slice %arg10[%add3A_25, %dma_wait3A_196] : memref<10240x128xf32, #tpu.memory_space<vmem_shared>> -> memref<128x128xf32, #tpu.memory_space<vmem_shared>>
      tpu.wait_dma2 semaphore(%run_scoped3A : memref<!tpu.dma_semaphore, #tpu.memory_space<semaphore_mem>>) src(%arg8 : memref<128x128xf32, #tpu.memory_space<vmem>>) dst(%dma_wait3A_197 : memref<128x128xf32, #tpu.memory_space<vmem_shared>>)
      tpu.yield
    }) : () -> ()
    %barrier3A = arith.constant 0 : index
    tpu.barrier barrier_id(%barrier3A)
    %mul3A_26 = arith.constant 80 : i32
    %mul3A_27 = arith.muli %add3A, %mul3A_26 : i32
    %add3A_28 = arith.constant 0 : i32
    %add3A_29 = arith.addi %mul3A_27, %add3A_28 : i32
    "tpu.region"() ({
      %run_scoped3A = tpu.sem_alloc : memref<!tpu.dma_semaphore, #tpu.memory_space<semaphore_mem>>
      %dma_start3A_190 = arith.constant 0 : i32
      %dma_start3A_191 = tpu.memref_slice %arg3[%add3A_29, %dma_start3A_190] : memref<2560x128xi32, #tpu.memory_space<hbm>> -> memref<40x128xi32, #tpu.memory_space<hbm>>
      %dma_start3A_192 = arith.constant 0 : i32
      %dma_start3A_193 = tpu.memref_slice %arg3[%add3A_29, %dma_start3A_192] : memref<2560x128xi32, #tpu.memory_space<hbm>> -> memref<40x128xi32, #tpu.memory_space<hbm>>
      tpu.enqueue_dma source(%dma_start3A_193 : memref<40x128xi32, #tpu.memory_space<hbm>>) target(%arg6 : memref<40x128xi32, #tpu.memory_space<vmem>>) target_semaphore(%run_scoped3A : memref<!tpu.dma_semaphore, #tpu.memory_space<semaphore_mem>>)
      %dma_wait3A_194 = arith.constant 0 : i32
      %dma_wait3A_195 = tpu.memref_slice %arg3[%add3A_29, %dma_wait3A_194] : memref<2560x128xi32, #tpu.memory_space<hbm>> -> memref<40x128xi32, #tpu.memory_space<hbm>>
      %dma_wait3A_196 = arith.constant 0 : i32
      %dma_wait3A_197 = tpu.memref_slice %arg3[%add3A_29, %dma_wait3A_196] : memref<2560x128xi32, #tpu.memory_space<hbm>> -> memref<40x128xi32, #tpu.memory_space<hbm>>
      tpu.wait_dma2 semaphore(%run_scoped3A : memref<!tpu.dma_semaphore, #tpu.memory_space<semaphore_mem>>) src(%dma_wait3A_197 : memref<40x128xi32, #tpu.memory_space<hbm>>) dst(%arg6 : memref<40x128xi32, #tpu.memory_space<vmem>>)
      tpu.yield
    }) : () -> ()
    "tpu.region"() ({
      %run_scoped3A = tpu.sem_alloc : memref<!tpu.dma_semaphore, #tpu.memory_space<semaphore_mem>>
      %dma_start3A_190 = arith.constant 0 : i32
      %dma_start3A_191 = tpu.memref_slice %arg4[%add3A_29, %dma_start3A_190] : memref<2560x128xi32, #tpu.memory_space<hbm>> -> memref<40x128xi32, #tpu.memory_space<hbm>>
      %dma_start3A_192 = arith.constant 0 : i32
      %dma_start3A_193 = tpu.memref_slice %arg4[%add3A_29, %dma_start3A_192] : memref<2560x128xi32, #tpu.memory_space<hbm>> -> memref<40x128xi32, #tpu.memory_space<hbm>>
      tpu.enqueue_dma source(%dma_start3A_193 : memref<40x128xi32, #tpu.memory_space<hbm>>) target(%arg7 : memref<40x128xi32, #tpu.memory_space<vmem>>) target_semaphore(%run_scoped3A : memref<!tpu.dma_semaphore, #tpu.memory_space<semaphore_mem>>)
      %dma_wait3A_194 = arith.constant 0 : i32
      %dma_wait3A_195 = tpu.memref_slice %arg4[%add3A_29, %dma_wait3A_194] : memref<2560x128xi32, #tpu.memory_space<hbm>> -> memref<40x128xi32, #tpu.memory_space<hbm>>
      %dma_wait3A_196 = arith.constant 0 : i32
      %dma_wait3A_197 = tpu.memref_slice %arg4[%add3A_29, %dma_wait3A_196] : memref<2560x128xi32, #tpu.memory_space<hbm>> -> memref<40x128xi32, #tpu.memory_space<hbm>>
      tpu.wait_dma2 semaphore(%run_scoped3A : memref<!tpu.dma_semaphore, #tpu.memory_space<semaphore_mem>>) src(%dma_wait3A_197 : memref<40x128xi32, #tpu.memory_space<hbm>>) dst(%arg7 : memref<40x128xi32, #tpu.memory_space<vmem>>)
      tpu.yield
    }) : () -> ()
    %dma_start3A = arith.constant 0 : i32
    %dma_start3A_30 = arith.constant 0 : i32
    %dma_start3A_31 = tpu.memref_slice %arg6[%dma_start3A, %dma_start3A_30] : memref<40x128xi32, #tpu.memory_space<vmem>> -> memref<1x128xi32, #tpu.memory_space<vmem>>
    %dma_start3A_32 = tpu.memref_squeeze %dma_start3A_31 : memref<1x128xi32, #tpu.memory_space<vmem>> -> memref<128xi32, #tpu.memory_space<vmem>>
    %dma_start3A_33 = arith.constant 0 : i32
    %dma_start3A_34 = arith.constant 0 : i32
    %dma_start3A_35 = tpu.memref_slice %arg2[%dma_start3A_33, %dma_start3A_34] : memref<10240x128xf32, #tpu.memory_space<hbm>> -> memref<10240x128xf32, #tpu.memory_space<hbm>>
    tpu.enqueue_indirect_dma source(%dma_start3A_35 : memref<10240x128xf32, #tpu.memory_space<hbm>>) target(%arg8 : memref<128x128xf32, #tpu.memory_space<vmem>>) offsets(%dma_start3A_32 : memref<128xi32, #tpu.memory_space<vmem>>) semaphore(%arg11 : memref<!tpu.dma_semaphore, #tpu.memory_space<semaphore_mem>>)
    %dma_start3A_36 = arith.constant 1 : i32
    %dma_start3A_37 = arith.constant 0 : i32
    %dma_start3A_38 = tpu.memref_slice %arg6[%dma_start3A_36, %dma_start3A_37] : memref<40x128xi32, #tpu.memory_space<vmem>> -> memref<1x128xi32, #tpu.memory_space<vmem>>
    %dma_start3A_39 = tpu.memref_squeeze %dma_start3A_38 : memref<1x128xi32, #tpu.memory_space<vmem>> -> memref<128xi32, #tpu.memory_space<vmem>>
    %dma_start3A_40 = arith.constant 0 : i32
    %dma_start3A_41 = arith.constant 0 : i32
    %dma_start3A_42 = tpu.memref_slice %arg2[%dma_start3A_40, %dma_start3A_41] : memref<10240x128xf32, #tpu.memory_space<hbm>> -> memref<10240x128xf32, #tpu.memory_space<hbm>>
    tpu.enqueue_indirect_dma source(%dma_start3A_42 : memref<10240x128xf32, #tpu.memory_space<hbm>>) target(%arg9 : memref<128x128xf32, #tpu.memory_space<vmem>>) offsets(%dma_start3A_39 : memref<128xi32, #tpu.memory_space<vmem>>) semaphore(%arg12 : memref<!tpu.dma_semaphore, #tpu.memory_space<semaphore_mem>>)
    %scan3A_43 = arith.constant 0 : i32
    %scan3A_44 = arith.constant 19 : i32
    %scan3A_45 = arith.addi %scan3A_43, %scan3A_44 : i32
    %scan3A_46 = arith.constant 1 : i32
    scf.for %scan3A_190 = %scan3A_43 to %scan3A_45 step %scan3A_46  : i32 {
      %mul3A_191 = arith.constant 2 : i32
      %mul3A_192 = arith.muli %scan3A_190, %mul3A_191 : i32
      %add3A_193 = arith.constant 0 : i32
      %add3A_194 = arith.addi %add3A_193, %mul3A_192 : i32
      %add3A_195 = arith.constant 0 : i32
      %add3A_196 = arith.addi %add3A_194, %add3A_195 : i32
      %dma_wait3A_197 = arith.constant 0 : i32
      %dma_wait3A_198 = tpu.memref_slice %arg6[%add3A_196, %dma_wait3A_197] : memref<40x128xi32, #tpu.memory_space<vmem>> -> memref<1x128xi32, #tpu.memory_space<vmem>>
      %dma_wait3A_199 = tpu.memref_squeeze %dma_wait3A_198 : memref<1x128xi32, #tpu.memory_space<vmem>> -> memref<128xi32, #tpu.memory_space<vmem>>
      %dma_wait3A_200 = arith.constant 0 : i32
      %dma_wait3A_201 = arith.constant 0 : i32
      %dma_wait3A_202 = tpu.memref_slice %arg2[%dma_wait3A_200, %dma_wait3A_201] : memref<10240x128xf32, #tpu.memory_space<hbm>> -> memref<10240x128xf32, #tpu.memory_space<hbm>>
      tpu.wait_indirect_dma semaphore(%arg11 : memref<!tpu.dma_semaphore, #tpu.memory_space<semaphore_mem>>) src(%dma_wait3A_202 : memref<10240x128xf32, #tpu.memory_space<hbm>>) dst(%arg8 : memref<128x128xf32, #tpu.memory_space<vmem>>)
      %add3A_203 = arith.constant 0 : i32
      %add3A_204 = arith.addi %add3A_194, %add3A_203 : i32
      %dma_start3A_205 = arith.constant 0 : i32
      %dma_start3A_206 = tpu.memref_slice %arg7[%add3A_204, %dma_start3A_205] : memref<40x128xi32, #tpu.memory_space<vmem>> -> memref<1x128xi32, #tpu.memory_space<vmem>>
      %dma_start3A_207 = tpu.memref_squeeze %dma_start3A_206 : memref<1x128xi32, #tpu.memory_space<vmem>> -> memref<128xi32, #tpu.memory_space<vmem>>
      %dma_start3A_208 = arith.constant 0 : i32
      %dma_start3A_209 = arith.constant 0 : i32
      %dma_start3A_210 = tpu.memref_slice %arg10[%dma_start3A_208, %dma_start3A_209] : memref<10240x128xf32, #tpu.memory_space<vmem_shared>> -> memref<10240x128xf32, #tpu.memory_space<vmem_shared>>
      tpu.enqueue_indirect_dma source(%arg8 : memref<128x128xf32, #tpu.memory_space<vmem>>) target(%dma_start3A_210 : memref<10240x128xf32, #tpu.memory_space<vmem_shared>>) offsets(%dma_start3A_207 : memref<128xi32, #tpu.memory_space<vmem>>) semaphore(%arg13 : memref<!tpu.dma_semaphore, #tpu.memory_space<semaphore_mem>>) {add = true}
      %add3A_211 = arith.constant 1 : i32
      %add3A_212 = arith.addi %add3A_194, %add3A_211 : i32
      %dma_wait3A_213 = arith.constant 0 : i32
      %dma_wait3A_214 = tpu.memref_slice %arg6[%add3A_212, %dma_wait3A_213] : memref<40x128xi32, #tpu.memory_space<vmem>> -> memref<1x128xi32, #tpu.memory_space<vmem>>
      %dma_wait3A_215 = tpu.memref_squeeze %dma_wait3A_214 : memref<1x128xi32, #tpu.memory_space<vmem>> -> memref<128xi32, #tpu.memory_space<vmem>>
      %dma_wait3A_216 = arith.constant 0 : i32
      %dma_wait3A_217 = arith.constant 0 : i32
      %dma_wait3A_218 = tpu.memref_slice %arg2[%dma_wait3A_216, %dma_wait3A_217] : memref<10240x128xf32, #tpu.memory_space<hbm>> -> memref<10240x128xf32, #tpu.memory_space<hbm>>
      tpu.wait_indirect_dma semaphore(%arg12 : memref<!tpu.dma_semaphore, #tpu.memory_space<semaphore_mem>>) src(%dma_wait3A_218 : memref<10240x128xf32, #tpu.memory_space<hbm>>) dst(%arg9 : memref<128x128xf32, #tpu.memory_space<vmem>>)
      %add3A_219 = arith.constant 1 : i32
      %add3A_220 = arith.addi %add3A_194, %add3A_219 : i32
      %dma_start3A_221 = arith.constant 0 : i32
      %dma_start3A_222 = tpu.memref_slice %arg7[%add3A_220, %dma_start3A_221] : memref<40x128xi32, #tpu.memory_space<vmem>> -> memref<1x128xi32, #tpu.memory_space<vmem>>
      %dma_start3A_223 = tpu.memref_squeeze %dma_start3A_222 : memref<1x128xi32, #tpu.memory_space<vmem>> -> memref<128xi32, #tpu.memory_space<vmem>>
      %dma_start3A_224 = arith.constant 0 : i32
      %dma_start3A_225 = arith.constant 0 : i32
      %dma_start3A_226 = tpu.memref_slice %arg10[%dma_start3A_224, %dma_start3A_225] : memref<10240x128xf32, #tpu.memory_space<vmem_shared>> -> memref<10240x128xf32, #tpu.memory_space<vmem_shared>>
      tpu.enqueue_indirect_dma source(%arg9 : memref<128x128xf32, #tpu.memory_space<vmem>>) target(%dma_start3A_226 : memref<10240x128xf32, #tpu.memory_space<vmem_shared>>) offsets(%dma_start3A_223 : memref<128xi32, #tpu.memory_space<vmem>>) semaphore(%arg14 : memref<!tpu.dma_semaphore, #tpu.memory_space<semaphore_mem>>) {add = true}
      %dma_wait3A_227 = arith.constant 0 : i32
      %dma_wait3A_228 = tpu.memref_slice %arg7[%add3A_204, %dma_wait3A_227] : memref<40x128xi32, #tpu.memory_space<vmem>> -> memref<1x128xi32, #tpu.memory_space<vmem>>
      %dma_wait3A_229 = tpu.memref_squeeze %dma_wait3A_228 : memref<1x128xi32, #tpu.memory_space<vmem>> -> memref<128xi32, #tpu.memory_space<vmem>>
      %dma_wait3A_230 = arith.constant 0 : i32
      %dma_wait3A_231 = arith.constant 0 : i32
      %dma_wait3A_232 = tpu.memref_slice %arg10[%dma_wait3A_230, %dma_wait3A_231] : memref<10240x128xf32, #tpu.memory_space<vmem_shared>> -> memref<10240x128xf32, #tpu.memory_space<vmem_shared>>
      tpu.wait_indirect_dma semaphore(%arg13 : memref<!tpu.dma_semaphore, #tpu.memory_space<semaphore_mem>>) src(%arg8 : memref<128x128xf32, #tpu.memory_space<vmem>>) dst(%dma_wait3A_232 : memref<10240x128xf32, #tpu.memory_space<vmem_shared>>)
      %add3A_233 = arith.constant 2 : i32
      %add3A_234 = arith.addi %add3A_194, %add3A_233 : i32
      %add3A_235 = arith.constant 0 : i32
      %add3A_236 = arith.addi %add3A_234, %add3A_235 : i32
      %dma_start3A_237 = arith.constant 0 : i32
      %dma_start3A_238 = tpu.memref_slice %arg6[%add3A_236, %dma_start3A_237] : memref<40x128xi32, #tpu.memory_space<vmem>> -> memref<1x128xi32, #tpu.memory_space<vmem>>
      %dma_start3A_239 = tpu.memref_squeeze %dma_start3A_238 : memref<1x128xi32, #tpu.memory_space<vmem>> -> memref<128xi32, #tpu.memory_space<vmem>>
      %dma_start3A_240 = arith.constant 0 : i32
      %dma_start3A_241 = arith.constant 0 : i32
      %dma_start3A_242 = tpu.memref_slice %arg2[%dma_start3A_240, %dma_start3A_241] : memref<10240x128xf32, #tpu.memory_space<hbm>> -> memref<10240x128xf32, #tpu.memory_space<hbm>>
      tpu.enqueue_indirect_dma source(%dma_start3A_242 : memref<10240x128xf32, #tpu.memory_space<hbm>>) target(%arg8 : memref<128x128xf32, #tpu.memory_space<vmem>>) offsets(%dma_start3A_239 : memref<128xi32, #tpu.memory_space<vmem>>) semaphore(%arg11 : memref<!tpu.dma_semaphore, #tpu.memory_space<semaphore_mem>>)
      %dma_wait3A_243 = arith.constant 0 : i32
      %dma_wait3A_244 = tpu.memref_slice %arg7[%add3A_220, %dma_wait3A_243] : memref<40x128xi32, #tpu.memory_space<vmem>> -> memref<1x128xi32, #tpu.memory_space<vmem>>
      %dma_wait3A_245 = tpu.memref_squeeze %dma_wait3A_244 : memref<1x128xi32, #tpu.memory_space<vmem>> -> memref<128xi32, #tpu.memory_space<vmem>>
      %dma_wait3A_246 = arith.constant 0 : i32
      %dma_wait3A_247 = arith.constant 0 : i32
      %dma_wait3A_248 = tpu.memref_slice %arg10[%dma_wait3A_246, %dma_wait3A_247] : memref<10240x128xf32, #tpu.memory_space<vmem_shared>> -> memref<10240x128xf32, #tpu.memory_space<vmem_shared>>
      tpu.wait_indirect_dma semaphore(%arg14 : memref<!tpu.dma_semaphore, #tpu.memory_space<semaphore_mem>>) src(%arg9 : memref<128x128xf32, #tpu.memory_space<vmem>>) dst(%dma_wait3A_248 : memref<10240x128xf32, #tpu.memory_space<vmem_shared>>)
      %add3A_249 = arith.constant 2 : i32
      %add3A_250 = arith.addi %add3A_194, %add3A_249 : i32
      %add3A_251 = arith.constant 1 : i32
      %add3A_252 = arith.addi %add3A_250, %add3A_251 : i32
      %dma_start3A_253 = arith.constant 0 : i32
      %dma_start3A_254 = tpu.memref_slice %arg6[%add3A_252, %dma_start3A_253] : memref<40x128xi32, #tpu.memory_space<vmem>> -> memref<1x128xi32, #tpu.memory_space<vmem>>
      %dma_start3A_255 = tpu.memref_squeeze %dma_start3A_254 : memref<1x128xi32, #tpu.memory_space<vmem>> -> memref<128xi32, #tpu.memory_space<vmem>>
      %dma_start3A_256 = arith.constant 0 : i32
      %dma_start3A_257 = arith.constant 0 : i32
      %dma_start3A_258 = tpu.memref_slice %arg2[%dma_start3A_256, %dma_start3A_257] : memref<10240x128xf32, #tpu.memory_space<hbm>> -> memref<10240x128xf32, #tpu.memory_space<hbm>>
      tpu.enqueue_indirect_dma source(%dma_start3A_258 : memref<10240x128xf32, #tpu.memory_space<hbm>>) target(%arg9 : memref<128x128xf32, #tpu.memory_space<vmem>>) offsets(%dma_start3A_255 : memref<128xi32, #tpu.memory_space<vmem>>) semaphore(%arg12 : memref<!tpu.dma_semaphore, #tpu.memory_space<semaphore_mem>>)
    }
    %scan3A_47 = arith.constant 19 : i32
    %dma_wait3A = arith.constant 38 : i32
    %dma_wait3A_48 = arith.constant 0 : i32
    %dma_wait3A_49 = tpu.memref_slice %arg6[%dma_wait3A, %dma_wait3A_48] : memref<40x128xi32, #tpu.memory_space<vmem>> -> memref<1x128xi32, #tpu.memory_space<vmem>>
    %dma_wait3A_50 = tpu.memref_squeeze %dma_wait3A_49 : memref<1x128xi32, #tpu.memory_space<vmem>> -> memref<128xi32, #tpu.memory_space<vmem>>
    %dma_wait3A_51 = arith.constant 0 : i32
    %dma_wait3A_52 = arith.constant 0 : i32
    %dma_wait3A_53 = tpu.memref_slice %arg2[%dma_wait3A_51, %dma_wait3A_52] : memref<10240x128xf32, #tpu.memory_space<hbm>> -> memref<10240x128xf32, #tpu.memory_space<hbm>>
    tpu.wait_indirect_dma semaphore(%arg11 : memref<!tpu.dma_semaphore, #tpu.memory_space<semaphore_mem>>) src(%dma_wait3A_53 : memref<10240x128xf32, #tpu.memory_space<hbm>>) dst(%arg8 : memref<128x128xf32, #tpu.memory_space<vmem>>)
    %dma_start3A_54 = arith.constant 38 : i32
    %dma_start3A_55 = arith.constant 0 : i32
    %dma_start3A_56 = tpu.memref_slice %arg7[%dma_start3A_54, %dma_start3A_55] : memref<40x128xi32, #tpu.memory_space<vmem>> -> memref<1x128xi32, #tpu.memory_space<vmem>>
    %dma_start3A_57 = tpu.memref_squeeze %dma_start3A_56 : memref<1x128xi32, #tpu.memory_space<vmem>> -> memref<128xi32, #tpu.memory_space<vmem>>
    %dma_start3A_58 = arith.constant 0 : i32
    %dma_start3A_59 = arith.constant 0 : i32
    %dma_start3A_60 = tpu.memref_slice %arg10[%dma_start3A_58, %dma_start3A_59] : memref<10240x128xf32, #tpu.memory_space<vmem_shared>> -> memref<10240x128xf32, #tpu.memory_space<vmem_shared>>
    tpu.enqueue_indirect_dma source(%arg8 : memref<128x128xf32, #tpu.memory_space<vmem>>) target(%dma_start3A_60 : memref<10240x128xf32, #tpu.memory_space<vmem_shared>>) offsets(%dma_start3A_57 : memref<128xi32, #tpu.memory_space<vmem>>) semaphore(%arg13 : memref<!tpu.dma_semaphore, #tpu.memory_space<semaphore_mem>>) {add = true}
    %dma_wait3A_61 = arith.constant 39 : i32
    %dma_wait3A_62 = arith.constant 0 : i32
    %dma_wait3A_63 = tpu.memref_slice %arg6[%dma_wait3A_61, %dma_wait3A_62] : memref<40x128xi32, #tpu.memory_space<vmem>> -> memref<1x128xi32, #tpu.memory_space<vmem>>
    %dma_wait3A_64 = tpu.memref_squeeze %dma_wait3A_63 : memref<1x128xi32, #tpu.memory_space<vmem>> -> memref<128xi32, #tpu.memory_space<vmem>>
    %dma_wait3A_65 = arith.constant 0 : i32
    %dma_wait3A_66 = arith.constant 0 : i32
    %dma_wait3A_67 = tpu.memref_slice %arg2[%dma_wait3A_65, %dma_wait3A_66] : memref<10240x128xf32, #tpu.memory_space<hbm>> -> memref<10240x128xf32, #tpu.memory_space<hbm>>
    tpu.wait_indirect_dma semaphore(%arg12 : memref<!tpu.dma_semaphore, #tpu.memory_space<semaphore_mem>>) src(%dma_wait3A_67 : memref<10240x128xf32, #tpu.memory_space<hbm>>) dst(%arg9 : memref<128x128xf32, #tpu.memory_space<vmem>>)
    %dma_start3A_68 = arith.constant 39 : i32
    %dma_start3A_69 = arith.constant 0 : i32
    %dma_start3A_70 = tpu.memref_slice %arg7[%dma_start3A_68, %dma_start3A_69] : memref<40x128xi32, #tpu.memory_space<vmem>> -> memref<1x128xi32, #tpu.memory_space<vmem>>
    %dma_start3A_71 = tpu.memref_squeeze %dma_start3A_70 : memref<1x128xi32, #tpu.memory_space<vmem>> -> memref<128xi32, #tpu.memory_space<vmem>>
    %dma_start3A_72 = arith.constant 0 : i32
    %dma_start3A_73 = arith.constant 0 : i32
    %dma_start3A_74 = tpu.memref_slice %arg10[%dma_start3A_72, %dma_start3A_73] : memref<10240x128xf32, #tpu.memory_space<vmem_shared>> -> memref<10240x128xf32, #tpu.memory_space<vmem_shared>>
    tpu.enqueue_indirect_dma source(%arg9 : memref<128x128xf32, #tpu.memory_space<vmem>>) target(%dma_start3A_74 : memref<10240x128xf32, #tpu.memory_space<vmem_shared>>) offsets(%dma_start3A_71 : memref<128xi32, #tpu.memory_space<vmem>>) semaphore(%arg14 : memref<!tpu.dma_semaphore, #tpu.memory_space<semaphore_mem>>) {add = true}
    %dma_wait3A_75 = arith.constant 38 : i32
    %dma_wait3A_76 = arith.constant 0 : i32
    %dma_wait3A_77 = tpu.memref_slice %arg7[%dma_wait3A_75, %dma_wait3A_76] : memref<40x128xi32, #tpu.memory_space<vmem>> -> memref<1x128xi32, #tpu.memory_space<vmem>>
    %dma_wait3A_78 = tpu.memref_squeeze %dma_wait3A_77 : memref<1x128xi32, #tpu.memory_space<vmem>> -> memref<128xi32, #tpu.memory_space<vmem>>
    %dma_wait3A_79 = arith.constant 0 : i32
    %dma_wait3A_80 = arith.constant 0 : i32
    %dma_wait3A_81 = tpu.memref_slice %arg10[%dma_wait3A_79, %dma_wait3A_80] : memref<10240x128xf32, #tpu.memory_space<vmem_shared>> -> memref<10240x128xf32, #tpu.memory_space<vmem_shared>>
    tpu.wait_indirect_dma semaphore(%arg13 : memref<!tpu.dma_semaphore, #tpu.memory_space<semaphore_mem>>) src(%arg8 : memref<128x128xf32, #tpu.memory_space<vmem>>) dst(%dma_wait3A_81 : memref<10240x128xf32, #tpu.memory_space<vmem_shared>>)
    %dma_wait3A_82 = arith.constant 39 : i32
    %dma_wait3A_83 = arith.constant 0 : i32
    %dma_wait3A_84 = tpu.memref_slice %arg7[%dma_wait3A_82, %dma_wait3A_83] : memref<40x128xi32, #tpu.memory_space<vmem>> -> memref<1x128xi32, #tpu.memory_space<vmem>>
    %dma_wait3A_85 = tpu.memref_squeeze %dma_wait3A_84 : memref<1x128xi32, #tpu.memory_space<vmem>> -> memref<128xi32, #tpu.memory_space<vmem>>
    %dma_wait3A_86 = arith.constant 0 : i32
    %dma_wait3A_87 = arith.constant 0 : i32
    %dma_wait3A_88 = tpu.memref_slice %arg10[%dma_wait3A_86, %dma_wait3A_87] : memref<10240x128xf32, #tpu.memory_space<vmem_shared>> -> memref<10240x128xf32, #tpu.memory_space<vmem_shared>>
    tpu.wait_indirect_dma semaphore(%arg14 : memref<!tpu.dma_semaphore, #tpu.memory_space<semaphore_mem>>) src(%arg9 : memref<128x128xf32, #tpu.memory_space<vmem>>) dst(%dma_wait3A_88 : memref<10240x128xf32, #tpu.memory_space<vmem_shared>>)
    %mul3A_89 = arith.constant 80 : i32
    %mul3A_90 = arith.muli %add3A, %mul3A_89 : i32
    %add3A_91 = arith.constant 40 : i32
    %add3A_92 = arith.addi %mul3A_90, %add3A_91 : i32
    "tpu.region"() ({
      %run_scoped3A = tpu.sem_alloc : memref<!tpu.dma_semaphore, #tpu.memory_space<semaphore_mem>>
      %dma_start3A_190 = arith.constant 0 : i32
      %dma_start3A_191 = tpu.memref_slice %arg3[%add3A_92, %dma_start3A_190] : memref<2560x128xi32, #tpu.memory_space<hbm>> -> memref<40x128xi32, #tpu.memory_space<hbm>>
      %dma_start3A_192 = arith.constant 0 : i32
      %dma_start3A_193 = tpu.memref_slice %arg3[%add3A_92, %dma_start3A_192] : memref<2560x128xi32, #tpu.memory_space<hbm>> -> memref<40x128xi32, #tpu.memory_space<hbm>>
      tpu.enqueue_dma source(%dma_start3A_193 : memref<40x128xi32, #tpu.memory_space<hbm>>) target(%arg6 : memref<40x128xi32, #tpu.memory_space<vmem>>) target_semaphore(%run_scoped3A : memref<!tpu.dma_semaphore, #tpu.memory_space<semaphore_mem>>)
      %dma_wait3A_194 = arith.constant 0 : i32
      %dma_wait3A_195 = tpu.memref_slice %arg3[%add3A_92, %dma_wait3A_194] : memref<2560x128xi32, #tpu.memory_space<hbm>> -> memref<40x128xi32, #tpu.memory_space<hbm>>
      %dma_wait3A_196 = arith.constant 0 : i32
      %dma_wait3A_197 = tpu.memref_slice %arg3[%add3A_92, %dma_wait3A_196] : memref<2560x128xi32, #tpu.memory_space<hbm>> -> memref<40x128xi32, #tpu.memory_space<hbm>>
      tpu.wait_dma2 semaphore(%run_scoped3A : memref<!tpu.dma_semaphore, #tpu.memory_space<semaphore_mem>>) src(%dma_wait3A_197 : memref<40x128xi32, #tpu.memory_space<hbm>>) dst(%arg6 : memref<40x128xi32, #tpu.memory_space<vmem>>)
      tpu.yield
    }) : () -> ()
    "tpu.region"() ({
      %run_scoped3A = tpu.sem_alloc : memref<!tpu.dma_semaphore, #tpu.memory_space<semaphore_mem>>
      %dma_start3A_190 = arith.constant 0 : i32
      %dma_start3A_191 = tpu.memref_slice %arg4[%add3A_92, %dma_start3A_190] : memref<2560x128xi32, #tpu.memory_space<hbm>> -> memref<40x128xi32, #tpu.memory_space<hbm>>
      %dma_start3A_192 = arith.constant 0 : i32
      %dma_start3A_193 = tpu.memref_slice %arg4[%add3A_92, %dma_start3A_192] : memref<2560x128xi32, #tpu.memory_space<hbm>> -> memref<40x128xi32, #tpu.memory_space<hbm>>
      tpu.enqueue_dma source(%dma_start3A_193 : memref<40x128xi32, #tpu.memory_space<hbm>>) target(%arg7 : memref<40x128xi32, #tpu.memory_space<vmem>>) target_semaphore(%run_scoped3A : memref<!tpu.dma_semaphore, #tpu.memory_space<semaphore_mem>>)
      %dma_wait3A_194 = arith.constant 0 : i32
      %dma_wait3A_195 = tpu.memref_slice %arg4[%add3A_92, %dma_wait3A_194] : memref<2560x128xi32, #tpu.memory_space<hbm>> -> memref<40x128xi32, #tpu.memory_space<hbm>>
      %dma_wait3A_196 = arith.constant 0 : i32
      %dma_wait3A_197 = tpu.memref_slice %arg4[%add3A_92, %dma_wait3A_196] : memref<2560x128xi32, #tpu.memory_space<hbm>> -> memref<40x128xi32, #tpu.memory_space<hbm>>
      tpu.wait_dma2 semaphore(%run_scoped3A : memref<!tpu.dma_semaphore, #tpu.memory_space<semaphore_mem>>) src(%dma_wait3A_197 : memref<40x128xi32, #tpu.memory_space<hbm>>) dst(%arg7 : memref<40x128xi32, #tpu.memory_space<vmem>>)
      tpu.yield
    }) : () -> ()
    %dma_start3A_93 = arith.constant 0 : i32
    %dma_start3A_94 = arith.constant 0 : i32
    %dma_start3A_95 = tpu.memref_slice %arg6[%dma_start3A_93, %dma_start3A_94] : memref<40x128xi32, #tpu.memory_space<vmem>> -> memref<1x128xi32, #tpu.memory_space<vmem>>
    %dma_start3A_96 = tpu.memref_squeeze %dma_start3A_95 : memref<1x128xi32, #tpu.memory_space<vmem>> -> memref<128xi32, #tpu.memory_space<vmem>>
    %dma_start3A_97 = arith.constant 0 : i32
    %dma_start3A_98 = arith.constant 0 : i32
    %dma_start3A_99 = tpu.memref_slice %arg2[%dma_start3A_97, %dma_start3A_98] : memref<10240x128xf32, #tpu.memory_space<hbm>> -> memref<10240x128xf32, #tpu.memory_space<hbm>>
    tpu.enqueue_indirect_dma source(%dma_start3A_99 : memref<10240x128xf32, #tpu.memory_space<hbm>>) target(%arg8 : memref<128x128xf32, #tpu.memory_space<vmem>>) offsets(%dma_start3A_96 : memref<128xi32, #tpu.memory_space<vmem>>) semaphore(%arg11 : memref<!tpu.dma_semaphore, #tpu.memory_space<semaphore_mem>>)
    %dma_start3A_100 = arith.constant 1 : i32
    %dma_start3A_101 = arith.constant 0 : i32
    %dma_start3A_102 = tpu.memref_slice %arg6[%dma_start3A_100, %dma_start3A_101] : memref<40x128xi32, #tpu.memory_space<vmem>> -> memref<1x128xi32, #tpu.memory_space<vmem>>
    %dma_start3A_103 = tpu.memref_squeeze %dma_start3A_102 : memref<1x128xi32, #tpu.memory_space<vmem>> -> memref<128xi32, #tpu.memory_space<vmem>>
    %dma_start3A_104 = arith.constant 0 : i32
    %dma_start3A_105 = arith.constant 0 : i32
    %dma_start3A_106 = tpu.memref_slice %arg2[%dma_start3A_104, %dma_start3A_105] : memref<10240x128xf32, #tpu.memory_space<hbm>> -> memref<10240x128xf32, #tpu.memory_space<hbm>>
    tpu.enqueue_indirect_dma source(%dma_start3A_106 : memref<10240x128xf32, #tpu.memory_space<hbm>>) target(%arg9 : memref<128x128xf32, #tpu.memory_space<vmem>>) offsets(%dma_start3A_103 : memref<128xi32, #tpu.memory_space<vmem>>) semaphore(%arg12 : memref<!tpu.dma_semaphore, #tpu.memory_space<semaphore_mem>>)
    %scan3A_107 = arith.constant 0 : i32
    %scan3A_108 = arith.constant 19 : i32
    %scan3A_109 = arith.addi %scan3A_107, %scan3A_108 : i32
    %scan3A_110 = arith.constant 1 : i32
    scf.for %scan3A_190 = %scan3A_107 to %scan3A_109 step %scan3A_110  : i32 {
      %mul3A_191 = arith.constant 2 : i32
      %mul3A_192 = arith.muli %scan3A_190, %mul3A_191 : i32
      %add3A_193 = arith.constant 0 : i32
      %add3A_194 = arith.addi %add3A_193, %mul3A_192 : i32
      %add3A_195 = arith.constant 0 : i32
      %add3A_196 = arith.addi %add3A_194, %add3A_195 : i32
      %dma_wait3A_197 = arith.constant 0 : i32
      %dma_wait3A_198 = tpu.memref_slice %arg6[%add3A_196, %dma_wait3A_197] : memref<40x128xi32, #tpu.memory_space<vmem>> -> memref<1x128xi32, #tpu.memory_space<vmem>>
      %dma_wait3A_199 = tpu.memref_squeeze %dma_wait3A_198 : memref<1x128xi32, #tpu.memory_space<vmem>> -> memref<128xi32, #tpu.memory_space<vmem>>
      %dma_wait3A_200 = arith.constant 0 : i32
      %dma_wait3A_201 = arith.constant 0 : i32
      %dma_wait3A_202 = tpu.memref_slice %arg2[%dma_wait3A_200, %dma_wait3A_201] : memref<10240x128xf32, #tpu.memory_space<hbm>> -> memref<10240x128xf32, #tpu.memory_space<hbm>>
      tpu.wait_indirect_dma semaphore(%arg11 : memref<!tpu.dma_semaphore, #tpu.memory_space<semaphore_mem>>) src(%dma_wait3A_202 : memref<10240x128xf32, #tpu.memory_space<hbm>>) dst(%arg8 : memref<128x128xf32, #tpu.memory_space<vmem>>)
      %add3A_203 = arith.constant 0 : i32
      %add3A_204 = arith.addi %add3A_194, %add3A_203 : i32
      %dma_start3A_205 = arith.constant 0 : i32
      %dma_start3A_206 = tpu.memref_slice %arg7[%add3A_204, %dma_start3A_205] : memref<40x128xi32, #tpu.memory_space<vmem>> -> memref<1x128xi32, #tpu.memory_space<vmem>>
      %dma_start3A_207 = tpu.memref_squeeze %dma_start3A_206 : memref<1x128xi32, #tpu.memory_space<vmem>> -> memref<128xi32, #tpu.memory_space<vmem>>
      %dma_start3A_208 = arith.constant 0 : i32
      %dma_start3A_209 = arith.constant 0 : i32
      %dma_start3A_210 = tpu.memref_slice %arg10[%dma_start3A_208, %dma_start3A_209] : memref<10240x128xf32, #tpu.memory_space<vmem_shared>> -> memref<10240x128xf32, #tpu.memory_space<vmem_shared>>
      tpu.enqueue_indirect_dma source(%arg8 : memref<128x128xf32, #tpu.memory_space<vmem>>) target(%dma_start3A_210 : memref<10240x128xf32, #tpu.memory_space<vmem_shared>>) offsets(%dma_start3A_207 : memref<128xi32, #tpu.memory_space<vmem>>) semaphore(%arg13 : memref<!tpu.dma_semaphore, #tpu.memory_space<semaphore_mem>>) {add = true}
      %add3A_211 = arith.constant 1 : i32
      %add3A_212 = arith.addi %add3A_194, %add3A_211 : i32
      %dma_wait3A_213 = arith.constant 0 : i32
      %dma_wait3A_214 = tpu.memref_slice %arg6[%add3A_212, %dma_wait3A_213] : memref<40x128xi32, #tpu.memory_space<vmem>> -> memref<1x128xi32, #tpu.memory_space<vmem>>
      %dma_wait3A_215 = tpu.memref_squeeze %dma_wait3A_214 : memref<1x128xi32, #tpu.memory_space<vmem>> -> memref<128xi32, #tpu.memory_space<vmem>>
      %dma_wait3A_216 = arith.constant 0 : i32
      %dma_wait3A_217 = arith.constant 0 : i32
      %dma_wait3A_218 = tpu.memref_slice %arg2[%dma_wait3A_216, %dma_wait3A_217] : memref<10240x128xf32, #tpu.memory_space<hbm>> -> memref<10240x128xf32, #tpu.memory_space<hbm>>
      tpu.wait_indirect_dma semaphore(%arg12 : memref<!tpu.dma_semaphore, #tpu.memory_space<semaphore_mem>>) src(%dma_wait3A_218 : memref<10240x128xf32, #tpu.memory_space<hbm>>) dst(%arg9 : memref<128x128xf32, #tpu.memory_space<vmem>>)
      %add3A_219 = arith.constant 1 : i32
      %add3A_220 = arith.addi %add3A_194, %add3A_219 : i32
      %dma_start3A_221 = arith.constant 0 : i32
      %dma_start3A_222 = tpu.memref_slice %arg7[%add3A_220, %dma_start3A_221] : memref<40x128xi32, #tpu.memory_space<vmem>> -> memref<1x128xi32, #tpu.memory_space<vmem>>
      %dma_start3A_223 = tpu.memref_squeeze %dma_start3A_222 : memref<1x128xi32, #tpu.memory_space<vmem>> -> memref<128xi32, #tpu.memory_space<vmem>>
      %dma_start3A_224 = arith.constant 0 : i32
      %dma_start3A_225 = arith.constant 0 : i32
      %dma_start3A_226 = tpu.memref_slice %arg10[%dma_start3A_224, %dma_start3A_225] : memref<10240x128xf32, #tpu.memory_space<vmem_shared>> -> memref<10240x128xf32, #tpu.memory_space<vmem_shared>>
      tpu.enqueue_indirect_dma source(%arg9 : memref<128x128xf32, #tpu.memory_space<vmem>>) target(%dma_start3A_226 : memref<10240x128xf32, #tpu.memory_space<vmem_shared>>) offsets(%dma_start3A_223 : memref<128xi32, #tpu.memory_space<vmem>>) semaphore(%arg14 : memref<!tpu.dma_semaphore, #tpu.memory_space<semaphore_mem>>) {add = true}
      %dma_wait3A_227 = arith.constant 0 : i32
      %dma_wait3A_228 = tpu.memref_slice %arg7[%add3A_204, %dma_wait3A_227] : memref<40x128xi32, #tpu.memory_space<vmem>> -> memref<1x128xi32, #tpu.memory_space<vmem>>
      %dma_wait3A_229 = tpu.memref_squeeze %dma_wait3A_228 : memref<1x128xi32, #tpu.memory_space<vmem>> -> memref<128xi32, #tpu.memory_space<vmem>>
      %dma_wait3A_230 = arith.constant 0 : i32
      %dma_wait3A_231 = arith.constant 0 : i32
      %dma_wait3A_232 = tpu.memref_slice %arg10[%dma_wait3A_230, %dma_wait3A_231] : memref<10240x128xf32, #tpu.memory_space<vmem_shared>> -> memref<10240x128xf32, #tpu.memory_space<vmem_shared>>
      tpu.wait_indirect_dma semaphore(%arg13 : memref<!tpu.dma_semaphore, #tpu.memory_space<semaphore_mem>>) src(%arg8 : memref<128x128xf32, #tpu.memory_space<vmem>>) dst(%dma_wait3A_232 : memref<10240x128xf32, #tpu.memory_space<vmem_shared>>)
      %add3A_233 = arith.constant 2 : i32
      %add3A_234 = arith.addi %add3A_194, %add3A_233 : i32
      %add3A_235 = arith.constant 0 : i32
      %add3A_236 = arith.addi %add3A_234, %add3A_235 : i32
      %dma_start3A_237 = arith.constant 0 : i32
      %dma_start3A_238 = tpu.memref_slice %arg6[%add3A_236, %dma_start3A_237] : memref<40x128xi32, #tpu.memory_space<vmem>> -> memref<1x128xi32, #tpu.memory_space<vmem>>
      %dma_start3A_239 = tpu.memref_squeeze %dma_start3A_238 : memref<1x128xi32, #tpu.memory_space<vmem>> -> memref<128xi32, #tpu.memory_space<vmem>>
      %dma_start3A_240 = arith.constant 0 : i32
      %dma_start3A_241 = arith.constant 0 : i32
      %dma_start3A_242 = tpu.memref_slice %arg2[%dma_start3A_240, %dma_start3A_241] : memref<10240x128xf32, #tpu.memory_space<hbm>> -> memref<10240x128xf32, #tpu.memory_space<hbm>>
      tpu.enqueue_indirect_dma source(%dma_start3A_242 : memref<10240x128xf32, #tpu.memory_space<hbm>>) target(%arg8 : memref<128x128xf32, #tpu.memory_space<vmem>>) offsets(%dma_start3A_239 : memref<128xi32, #tpu.memory_space<vmem>>) semaphore(%arg11 : memref<!tpu.dma_semaphore, #tpu.memory_space<semaphore_mem>>)
      %dma_wait3A_243 = arith.constant 0 : i32
      %dma_wait3A_244 = tpu.memref_slice %arg7[%add3A_220, %dma_wait3A_243] : memref<40x128xi32, #tpu.memory_space<vmem>> -> memref<1x128xi32, #tpu.memory_space<vmem>>
      %dma_wait3A_245 = tpu.memref_squeeze %dma_wait3A_244 : memref<1x128xi32, #tpu.memory_space<vmem>> -> memref<128xi32, #tpu.memory_space<vmem>>
      %dma_wait3A_246 = arith.constant 0 : i32
      %dma_wait3A_247 = arith.constant 0 : i32
      %dma_wait3A_248 = tpu.memref_slice %arg10[%dma_wait3A_246, %dma_wait3A_247] : memref<10240x128xf32, #tpu.memory_space<vmem_shared>> -> memref<10240x128xf32, #tpu.memory_space<vmem_shared>>
      tpu.wait_indirect_dma semaphore(%arg14 : memref<!tpu.dma_semaphore, #tpu.memory_space<semaphore_mem>>) src(%arg9 : memref<128x128xf32, #tpu.memory_space<vmem>>) dst(%dma_wait3A_248 : memref<10240x128xf32, #tpu.memory_space<vmem_shared>>)
      %add3A_249 = arith.constant 2 : i32
      %add3A_250 = arith.addi %add3A_194, %add3A_249 : i32
      %add3A_251 = arith.constant 1 : i32
      %add3A_252 = arith.addi %add3A_250, %add3A_251 : i32
      %dma_start3A_253 = arith.constant 0 : i32
      %dma_start3A_254 = tpu.memref_slice %arg6[%add3A_252, %dma_start3A_253] : memref<40x128xi32, #tpu.memory_space<vmem>> -> memref<1x128xi32, #tpu.memory_space<vmem>>
      %dma_start3A_255 = tpu.memref_squeeze %dma_start3A_254 : memref<1x128xi32, #tpu.memory_space<vmem>> -> memref<128xi32, #tpu.memory_space<vmem>>
      %dma_start3A_256 = arith.constant 0 : i32
      %dma_start3A_257 = arith.constant 0 : i32
      %dma_start3A_258 = tpu.memref_slice %arg2[%dma_start3A_256, %dma_start3A_257] : memref<10240x128xf32, #tpu.memory_space<hbm>> -> memref<10240x128xf32, #tpu.memory_space<hbm>>
      tpu.enqueue_indirect_dma source(%dma_start3A_258 : memref<10240x128xf32, #tpu.memory_space<hbm>>) target(%arg9 : memref<128x128xf32, #tpu.memory_space<vmem>>) offsets(%dma_start3A_255 : memref<128xi32, #tpu.memory_space<vmem>>) semaphore(%arg12 : memref<!tpu.dma_semaphore, #tpu.memory_space<semaphore_mem>>)
    }
    %scan3A_111 = arith.constant 19 : i32
    %dma_wait3A_112 = arith.constant 38 : i32
    %dma_wait3A_113 = arith.constant 0 : i32
    %dma_wait3A_114 = tpu.memref_slice %arg6[%dma_wait3A_112, %dma_wait3A_113] : memref<40x128xi32, #tpu.memory_space<vmem>> -> memref<1x128xi32, #tpu.memory_space<vmem>>
    %dma_wait3A_115 = tpu.memref_squeeze %dma_wait3A_114 : memref<1x128xi32, #tpu.memory_space<vmem>> -> memref<128xi32, #tpu.memory_space<vmem>>
    %dma_wait3A_116 = arith.constant 0 : i32
    %dma_wait3A_117 = arith.constant 0 : i32
    %dma_wait3A_118 = tpu.memref_slice %arg2[%dma_wait3A_116, %dma_wait3A_117] : memref<10240x128xf32, #tpu.memory_space<hbm>> -> memref<10240x128xf32, #tpu.memory_space<hbm>>
    tpu.wait_indirect_dma semaphore(%arg11 : memref<!tpu.dma_semaphore, #tpu.memory_space<semaphore_mem>>) src(%dma_wait3A_118 : memref<10240x128xf32, #tpu.memory_space<hbm>>) dst(%arg8 : memref<128x128xf32, #tpu.memory_space<vmem>>)
    %dma_start3A_119 = arith.constant 38 : i32
    %dma_start3A_120 = arith.constant 0 : i32
    %dma_start3A_121 = tpu.memref_slice %arg7[%dma_start3A_119, %dma_start3A_120] : memref<40x128xi32, #tpu.memory_space<vmem>> -> memref<1x128xi32, #tpu.memory_space<vmem>>
    %dma_start3A_122 = tpu.memref_squeeze %dma_start3A_121 : memref<1x128xi32, #tpu.memory_space<vmem>> -> memref<128xi32, #tpu.memory_space<vmem>>
    %dma_start3A_123 = arith.constant 0 : i32
    %dma_start3A_124 = arith.constant 0 : i32
    %dma_start3A_125 = tpu.memref_slice %arg10[%dma_start3A_123, %dma_start3A_124] : memref<10240x128xf32, #tpu.memory_space<vmem_shared>> -> memref<10240x128xf32, #tpu.memory_space<vmem_shared>>
    tpu.enqueue_indirect_dma source(%arg8 : memref<128x128xf32, #tpu.memory_space<vmem>>) target(%dma_start3A_125 : memref<10240x128xf32, #tpu.memory_space<vmem_shared>>) offsets(%dma_start3A_122 : memref<128xi32, #tpu.memory_space<vmem>>) semaphore(%arg13 : memref<!tpu.dma_semaphore, #tpu.memory_space<semaphore_mem>>) {add = true}
    %dma_wait3A_126 = arith.constant 39 : i32
    %dma_wait3A_127 = arith.constant 0 : i32
    %dma_wait3A_128 = tpu.memref_slice %arg6[%dma_wait3A_126, %dma_wait3A_127] : memref<40x128xi32, #tpu.memory_space<vmem>> -> memref<1x128xi32, #tpu.memory_space<vmem>>
    %dma_wait3A_129 = tpu.memref_squeeze %dma_wait3A_128 : memref<1x128xi32, #tpu.memory_space<vmem>> -> memref<128xi32, #tpu.memory_space<vmem>>
    %dma_wait3A_130 = arith.constant 0 : i32
    %dma_wait3A_131 = arith.constant 0 : i32
    %dma_wait3A_132 = tpu.memref_slice %arg2[%dma_wait3A_130, %dma_wait3A_131] : memref<10240x128xf32, #tpu.memory_space<hbm>> -> memref<10240x128xf32, #tpu.memory_space<hbm>>
    tpu.wait_indirect_dma semaphore(%arg12 : memref<!tpu.dma_semaphore, #tpu.memory_space<semaphore_mem>>) src(%dma_wait3A_132 : memref<10240x128xf32, #tpu.memory_space<hbm>>) dst(%arg9 : memref<128x128xf32, #tpu.memory_space<vmem>>)
    %dma_start3A_133 = arith.constant 39 : i32
    %dma_start3A_134 = arith.constant 0 : i32
    %dma_start3A_135 = tpu.memref_slice %arg7[%dma_start3A_133, %dma_start3A_134] : memref<40x128xi32, #tpu.memory_space<vmem>> -> memref<1x128xi32, #tpu.memory_space<vmem>>
    %dma_start3A_136 = tpu.memref_squeeze %dma_start3A_135 : memref<1x128xi32, #tpu.memory_space<vmem>> -> memref<128xi32, #tpu.memory_space<vmem>>
    %dma_start3A_137 = arith.constant 0 : i32
    %dma_start3A_138 = arith.constant 0 : i32
    %dma_start3A_139 = tpu.memref_slice %arg10[%dma_start3A_137, %dma_start3A_138] : memref<10240x128xf32, #tpu.memory_space<vmem_shared>> -> memref<10240x128xf32, #tpu.memory_space<vmem_shared>>
    tpu.enqueue_indirect_dma source(%arg9 : memref<128x128xf32, #tpu.memory_space<vmem>>) target(%dma_start3A_139 : memref<10240x128xf32, #tpu.memory_space<vmem_shared>>) offsets(%dma_start3A_136 : memref<128xi32, #tpu.memory_space<vmem>>) semaphore(%arg14 : memref<!tpu.dma_semaphore, #tpu.memory_space<semaphore_mem>>) {add = true}
    %dma_wait3A_140 = arith.constant 38 : i32
    %dma_wait3A_141 = arith.constant 0 : i32
    %dma_wait3A_142 = tpu.memref_slice %arg7[%dma_wait3A_140, %dma_wait3A_141] : memref<40x128xi32, #tpu.memory_space<vmem>> -> memref<1x128xi32, #tpu.memory_space<vmem>>
    %dma_wait3A_143 = tpu.memref_squeeze %dma_wait3A_142 : memref<1x128xi32, #tpu.memory_space<vmem>> -> memref<128xi32, #tpu.memory_space<vmem>>
    %dma_wait3A_144 = arith.constant 0 : i32
    %dma_wait3A_145 = arith.constant 0 : i32
    %dma_wait3A_146 = tpu.memref_slice %arg10[%dma_wait3A_144, %dma_wait3A_145] : memref<10240x128xf32, #tpu.memory_space<vmem_shared>> -> memref<10240x128xf32, #tpu.memory_space<vmem_shared>>
    tpu.wait_indirect_dma semaphore(%arg13 : memref<!tpu.dma_semaphore, #tpu.memory_space<semaphore_mem>>) src(%arg8 : memref<128x128xf32, #tpu.memory_space<vmem>>) dst(%dma_wait3A_146 : memref<10240x128xf32, #tpu.memory_space<vmem_shared>>)
    %dma_wait3A_147 = arith.constant 39 : i32
    %dma_wait3A_148 = arith.constant 0 : i32
    %dma_wait3A_149 = tpu.memref_slice %arg7[%dma_wait3A_147, %dma_wait3A_148] : memref<40x128xi32, #tpu.memory_space<vmem>> -> memref<1x128xi32, #tpu.memory_space<vmem>>
    %dma_wait3A_150 = tpu.memref_squeeze %dma_wait3A_149 : memref<1x128xi32, #tpu.memory_space<vmem>> -> memref<128xi32, #tpu.memory_space<vmem>>
    %dma_wait3A_151 = arith.constant 0 : i32
    %dma_wait3A_152 = arith.constant 0 : i32
    %dma_wait3A_153 = tpu.memref_slice %arg10[%dma_wait3A_151, %dma_wait3A_152] : memref<10240x128xf32, #tpu.memory_space<vmem_shared>> -> memref<10240x128xf32, #tpu.memory_space<vmem_shared>>
    tpu.wait_indirect_dma semaphore(%arg14 : memref<!tpu.dma_semaphore, #tpu.memory_space<semaphore_mem>>) src(%arg9 : memref<128x128xf32, #tpu.memory_space<vmem>>) dst(%dma_wait3A_153 : memref<10240x128xf32, #tpu.memory_space<vmem_shared>>)
    %barrier3A_154 = arith.constant 0 : index
    tpu.barrier barrier_id(%barrier3A_154)
    %mul3A_155 = arith.constant 640 : i32
    %mul3A_156 = arith.muli %arg1, %mul3A_155 : i32
    %add3A_157 = arith.constant 0 : i32
    %add3A_158 = arith.addi %mul3A_156, %add3A_157 : i32
    "tpu.region"() ({
      %run_scoped3A = tpu.sem_alloc : memref<!tpu.dma_semaphore, #tpu.memory_space<semaphore_mem>>
      %dma_start3A_190 = arith.constant 0 : i32
      %dma_start3A_191 = tpu.memref_slice %arg10[%add3A_158, %dma_start3A_190] : memref<10240x128xf32, #tpu.memory_space<vmem_shared>> -> memref<128x128xf32, #tpu.memory_space<vmem_shared>>
      %dma_start3A_192 = arith.constant 0 : i32
      %dma_start3A_193 = tpu.memref_slice %arg10[%add3A_158, %dma_start3A_192] : memref<10240x128xf32, #tpu.memory_space<vmem_shared>> -> memref<128x128xf32, #tpu.memory_space<vmem_shared>>
      tpu.enqueue_dma source(%dma_start3A_193 : memref<128x128xf32, #tpu.memory_space<vmem_shared>>) target(%arg8 : memref<128x128xf32, #tpu.memory_space<vmem>>) target_semaphore(%run_scoped3A : memref<!tpu.dma_semaphore, #tpu.memory_space<semaphore_mem>>)
      %dma_wait3A_194 = arith.constant 0 : i32
      %dma_wait3A_195 = tpu.memref_slice %arg10[%add3A_158, %dma_wait3A_194] : memref<10240x128xf32, #tpu.memory_space<vmem_shared>> -> memref<128x128xf32, #tpu.memory_space<vmem_shared>>
      %dma_wait3A_196 = arith.constant 0 : i32
      %dma_wait3A_197 = tpu.memref_slice %arg10[%add3A_158, %dma_wait3A_196] : memref<10240x128xf32, #tpu.memory_space<vmem_shared>> -> memref<128x128xf32, #tpu.memory_space<vmem_shared>>
      tpu.wait_dma2 semaphore(%run_scoped3A : memref<!tpu.dma_semaphore, #tpu.memory_space<semaphore_mem>>) src(%dma_wait3A_197 : memref<128x128xf32, #tpu.memory_space<vmem_shared>>) dst(%arg8 : memref<128x128xf32, #tpu.memory_space<vmem>>)
      tpu.yield
    }) : () -> ()
    %mul3A_159 = arith.constant 10240 : i32
    %mul3A_160 = arith.muli %arg0, %mul3A_159 : i32
    %add3A_161 = arith.addi %mul3A_160, %add3A_158 : i32
    "tpu.region"() ({
      %run_scoped3A = tpu.sem_alloc : memref<!tpu.dma_semaphore, #tpu.memory_space<semaphore_mem>>
      %dma_start3A_190 = arith.constant 0 : i32
      %dma_start3A_191 = tpu.memref_slice %arg5[%add3A_161, %dma_start3A_190] : memref<20480x128xf32, #tpu.memory_space<hbm>> -> memref<128x128xf32, #tpu.memory_space<hbm>>
      %dma_start3A_192 = arith.constant 0 : i32
      %dma_start3A_193 = tpu.memref_slice %arg5[%add3A_161, %dma_start3A_192] : memref<20480x128xf32, #tpu.memory_space<hbm>> -> memref<128x128xf32, #tpu.memory_space<hbm>>
      tpu.enqueue_dma source(%arg8 : memref<128x128xf32, #tpu.memory_space<vmem>>) target(%dma_start3A_193 : memref<128x128xf32, #tpu.memory_space<hbm>>) target_semaphore(%run_scoped3A : memref<!tpu.dma_semaphore, #tpu.memory_space<semaphore_mem>>)
      %dma_wait3A_194 = arith.constant 0 : i32
      %dma_wait3A_195 = tpu.memref_slice %arg5[%add3A_161, %dma_wait3A_194] : memref<20480x128xf32, #tpu.memory_space<hbm>> -> memref<128x128xf32, #tpu.memory_space<hbm>>
      %dma_wait3A_196 = arith.constant 0 : i32
      %dma_wait3A_197 = tpu.memref_slice %arg5[%add3A_161, %dma_wait3A_196] : memref<20480x128xf32, #tpu.memory_space<hbm>> -> memref<128x128xf32, #tpu.memory_space<hbm>>
      tpu.wait_dma2 semaphore(%run_scoped3A : memref<!tpu.dma_semaphore, #tpu.memory_space<semaphore_mem>>) src(%arg8 : memref<128x128xf32, #tpu.memory_space<vmem>>) dst(%dma_wait3A_197 : memref<128x128xf32, #tpu.memory_space<hbm>>)
      tpu.yield
    }) : () -> ()
    %mul3A_162 = arith.constant 640 : i32
    %mul3A_163 = arith.muli %arg1, %mul3A_162 : i32
    %add3A_164 = arith.constant 128 : i32
    %add3A_165 = arith.addi %mul3A_163, %add3A_164 : i32
    "tpu.region"() ({
      %run_scoped3A = tpu.sem_alloc : memref<!tpu.dma_semaphore, #tpu.memory_space<semaphore_mem>>
      %dma_start3A_190 = arith.constant 0 : i32
      %dma_start3A_191 = tpu.memref_slice %arg10[%add3A_165, %dma_start3A_190] : memref<10240x128xf32, #tpu.memory_space<vmem_shared>> -> memref<128x128xf32, #tpu.memory_space<vmem_shared>>
      %dma_start3A_192 = arith.constant 0 : i32
      %dma_start3A_193 = tpu.memref_slice %arg10[%add3A_165, %dma_start3A_192] : memref<10240x128xf32, #tpu.memory_space<vmem_shared>> -> memref<128x128xf32, #tpu.memory_space<vmem_shared>>
      tpu.enqueue_dma source(%dma_start3A_193 : memref<128x128xf32, #tpu.memory_space<vmem_shared>>) target(%arg8 : memref<128x128xf32, #tpu.memory_space<vmem>>) target_semaphore(%run_scoped3A : memref<!tpu.dma_semaphore, #tpu.memory_space<semaphore_mem>>)
      %dma_wait3A_194 = arith.constant 0 : i32
      %dma_wait3A_195 = tpu.memref_slice %arg10[%add3A_165, %dma_wait3A_194] : memref<10240x128xf32, #tpu.memory_space<vmem_shared>> -> memref<128x128xf32, #tpu.memory_space<vmem_shared>>
      %dma_wait3A_196 = arith.constant 0 : i32
      %dma_wait3A_197 = tpu.memref_slice %arg10[%add3A_165, %dma_wait3A_196] : memref<10240x128xf32, #tpu.memory_space<vmem_shared>> -> memref<128x128xf32, #tpu.memory_space<vmem_shared>>
      tpu.wait_dma2 semaphore(%run_scoped3A : memref<!tpu.dma_semaphore, #tpu.memory_space<semaphore_mem>>) src(%dma_wait3A_197 : memref<128x128xf32, #tpu.memory_space<vmem_shared>>) dst(%arg8 : memref<128x128xf32, #tpu.memory_space<vmem>>)
      tpu.yield
    }) : () -> ()
    %mul3A_166 = arith.constant 10240 : i32
    %mul3A_167 = arith.muli %arg0, %mul3A_166 : i32
    %add3A_168 = arith.addi %mul3A_167, %add3A_165 : i32
    "tpu.region"() ({
      %run_scoped3A = tpu.sem_alloc : memref<!tpu.dma_semaphore, #tpu.memory_space<semaphore_mem>>
      %dma_start3A_190 = arith.constant 0 : i32
      %dma_start3A_191 = tpu.memref_slice %arg5[%add3A_168, %dma_start3A_190] : memref<20480x128xf32, #tpu.memory_space<hbm>> -> memref<128x128xf32, #tpu.memory_space<hbm>>
      %dma_start3A_192 = arith.constant 0 : i32
      %dma_start3A_193 = tpu.memref_slice %arg5[%add3A_168, %dma_start3A_192] : memref<20480x128xf32, #tpu.memory_space<hbm>> -> memref<128x128xf32, #tpu.memory_space<hbm>>
      tpu.enqueue_dma source(%arg8 : memref<128x128xf32, #tpu.memory_space<vmem>>) target(%dma_start3A_193 : memref<128x128xf32, #tpu.memory_space<hbm>>) target_semaphore(%run_scoped3A : memref<!tpu.dma_semaphore, #tpu.memory_space<semaphore_mem>>)
      %dma_wait3A_194 = arith.constant 0 : i32
      %dma_wait3A_195 = tpu.memref_slice %arg5[%add3A_168, %dma_wait3A_194] : memref<20480x128xf32, #tpu.memory_space<hbm>> -> memref<128x128xf32, #tpu.memory_space<hbm>>
      %dma_wait3A_196 = arith.constant 0 : i32
      %dma_wait3A_197 = tpu.memref_slice %arg5[%add3A_168, %dma_wait3A_196] : memref<20480x128xf32, #tpu.memory_space<hbm>> -> memref<128x128xf32, #tpu.memory_space<hbm>>
      tpu.wait_dma2 semaphore(%run_scoped3A : memref<!tpu.dma_semaphore, #tpu.memory_space<semaphore_mem>>) src(%arg8 : memref<128x128xf32, #tpu.memory_space<vmem>>) dst(%dma_wait3A_197 : memref<128x128xf32, #tpu.memory_space<hbm>>)
      tpu.yield
    }) : () -> ()
    %mul3A_169 = arith.constant 640 : i32
    %mul3A_170 = arith.muli %arg1, %mul3A_169 : i32
    %add3A_171 = arith.constant 256 : i32
    %add3A_172 = arith.addi %mul3A_170, %add3A_171 : i32
    "tpu.region"() ({
      %run_scoped3A = tpu.sem_alloc : memref<!tpu.dma_semaphore, #tpu.memory_space<semaphore_mem>>
      %dma_start3A_190 = arith.constant 0 : i32
      %dma_start3A_191 = tpu.memref_slice %arg10[%add3A_172, %dma_start3A_190] : memref<10240x128xf32, #tpu.memory_space<vmem_shared>> -> memref<128x128xf32, #tpu.memory_space<vmem_shared>>
      %dma_start3A_192 = arith.constant 0 : i32
      %dma_start3A_193 = tpu.memref_slice %arg10[%add3A_172, %dma_start3A_192] : memref<10240x128xf32, #tpu.memory_space<vmem_shared>> -> memref<128x128xf32, #tpu.memory_space<vmem_shared>>
      tpu.enqueue_dma source(%dma_start3A_193 : memref<128x128xf32, #tpu.memory_space<vmem_shared>>) target(%arg8 : memref<128x128xf32, #tpu.memory_space<vmem>>) target_semaphore(%run_scoped3A : memref<!tpu.dma_semaphore, #tpu.memory_space<semaphore_mem>>)
      %dma_wait3A_194 = arith.constant 0 : i32
      %dma_wait3A_195 = tpu.memref_slice %arg10[%add3A_172, %dma_wait3A_194] : memref<10240x128xf32, #tpu.memory_space<vmem_shared>> -> memref<128x128xf32, #tpu.memory_space<vmem_shared>>
      %dma_wait3A_196 = arith.constant 0 : i32
      %dma_wait3A_197 = tpu.memref_slice %arg10[%add3A_172, %dma_wait3A_196] : memref<10240x128xf32, #tpu.memory_space<vmem_shared>> -> memref<128x128xf32, #tpu.memory_space<vmem_shared>>
      tpu.wait_dma2 semaphore(%run_scoped3A : memref<!tpu.dma_semaphore, #tpu.memory_space<semaphore_mem>>) src(%dma_wait3A_197 : memref<128x128xf32, #tpu.memory_space<vmem_shared>>) dst(%arg8 : memref<128x128xf32, #tpu.memory_space<vmem>>)
      tpu.yield
    }) : () -> ()
    %mul3A_173 = arith.constant 10240 : i32
    %mul3A_174 = arith.muli %arg0, %mul3A_173 : i32
    %add3A_175 = arith.addi %mul3A_174, %add3A_172 : i32
    "tpu.region"() ({
      %run_scoped3A = tpu.sem_alloc : memref<!tpu.dma_semaphore, #tpu.memory_space<semaphore_mem>>
      %dma_start3A_190 = arith.constant 0 : i32
      %dma_start3A_191 = tpu.memref_slice %arg5[%add3A_175, %dma_start3A_190] : memref<20480x128xf32, #tpu.memory_space<hbm>> -> memref<128x128xf32, #tpu.memory_space<hbm>>
      %dma_start3A_192 = arith.constant 0 : i32
      %dma_start3A_193 = tpu.memref_slice %arg5[%add3A_175, %dma_start3A_192] : memref<20480x128xf32, #tpu.memory_space<hbm>> -> memref<128x128xf32, #tpu.memory_space<hbm>>
      tpu.enqueue_dma source(%arg8 : memref<128x128xf32, #tpu.memory_space<vmem>>) target(%dma_start3A_193 : memref<128x128xf32, #tpu.memory_space<hbm>>) target_semaphore(%run_scoped3A : memref<!tpu.dma_semaphore, #tpu.memory_space<semaphore_mem>>)
      %dma_wait3A_194 = arith.constant 0 : i32
      %dma_wait3A_195 = tpu.memref_slice %arg5[%add3A_175, %dma_wait3A_194] : memref<20480x128xf32, #tpu.memory_space<hbm>> -> memref<128x128xf32, #tpu.memory_space<hbm>>
      %dma_wait3A_196 = arith.constant 0 : i32
      %dma_wait3A_197 = tpu.memref_slice %arg5[%add3A_175, %dma_wait3A_196] : memref<20480x128xf32, #tpu.memory_space<hbm>> -> memref<128x128xf32, #tpu.memory_space<hbm>>
      tpu.wait_dma2 semaphore(%run_scoped3A : memref<!tpu.dma_semaphore, #tpu.memory_space<semaphore_mem>>) src(%arg8 : memref<128x128xf32, #tpu.memory_space<vmem>>) dst(%dma_wait3A_197 : memref<128x128xf32, #tpu.memory_space<hbm>>)
      tpu.yield
    }) : () -> ()
    %mul3A_176 = arith.constant 640 : i32
    %mul3A_177 = arith.muli %arg1, %mul3A_176 : i32
    %add3A_178 = arith.constant 384 : i32
    %add3A_179 = arith.addi %mul3A_177, %add3A_178 : i32
    "tpu.region"() ({
      %run_scoped3A = tpu.sem_alloc : memref<!tpu.dma_semaphore, #tpu.memory_space<semaphore_mem>>
      %dma_start3A_190 = arith.constant 0 : i32
      %dma_start3A_191 = tpu.memref_slice %arg10[%add3A_179, %dma_start3A_190] : memref<10240x128xf32, #tpu.memory_space<vmem_shared>> -> memref<128x128xf32, #tpu.memory_space<vmem_shared>>
      %dma_start3A_192 = arith.constant 0 : i32
      %dma_start3A_193 = tpu.memref_slice %arg10[%add3A_179, %dma_start3A_192] : memref<10240x128xf32, #tpu.memory_space<vmem_shared>> -> memref<128x128xf32, #tpu.memory_space<vmem_shared>>
      tpu.enqueue_dma source(%dma_start3A_193 : memref<128x128xf32, #tpu.memory_space<vmem_shared>>) target(%arg8 : memref<128x128xf32, #tpu.memory_space<vmem>>) target_semaphore(%run_scoped3A : memref<!tpu.dma_semaphore, #tpu.memory_space<semaphore_mem>>)
      %dma_wait3A_194 = arith.constant 0 : i32
      %dma_wait3A_195 = tpu.memref_slice %arg10[%add3A_179, %dma_wait3A_194] : memref<10240x128xf32, #tpu.memory_space<vmem_shared>> -> memref<128x128xf32, #tpu.memory_space<vmem_shared>>
      %dma_wait3A_196 = arith.constant 0 : i32
      %dma_wait3A_197 = tpu.memref_slice %arg10[%add3A_179, %dma_wait3A_196] : memref<10240x128xf32, #tpu.memory_space<vmem_shared>> -> memref<128x128xf32, #tpu.memory_space<vmem_shared>>
      tpu.wait_dma2 semaphore(%run_scoped3A : memref<!tpu.dma_semaphore, #tpu.memory_space<semaphore_mem>>) src(%dma_wait3A_197 : memref<128x128xf32, #tpu.memory_space<vmem_shared>>) dst(%arg8 : memref<128x128xf32, #tpu.memory_space<vmem>>)
      tpu.yield
    }) : () -> ()
    %mul3A_180 = arith.constant 10240 : i32
    %mul3A_181 = arith.muli %arg0, %mul3A_180 : i32
    %add3A_182 = arith.addi %mul3A_181, %add3A_179 : i32
    "tpu.region"() ({
      %run_scoped3A = tpu.sem_alloc : memref<!tpu.dma_semaphore, #tpu.memory_space<semaphore_mem>>
      %dma_start3A_190 = arith.constant 0 : i32
      %dma_start3A_191 = tpu.memref_slice %arg5[%add3A_182, %dma_start3A_190] : memref<20480x128xf32, #tpu.memory_space<hbm>> -> memref<128x128xf32, #tpu.memory_space<hbm>>
      %dma_start3A_192 = arith.constant 0 : i32
      %dma_start3A_193 = tpu.memref_slice %arg5[%add3A_182, %dma_start3A_192] : memref<20480x128xf32, #tpu.memory_space<hbm>> -> memref<128x128xf32, #tpu.memory_space<hbm>>
      tpu.enqueue_dma source(%arg8 : memref<128x128xf32, #tpu.memory_space<vmem>>) target(%dma_start3A_193 : memref<128x128xf32, #tpu.memory_space<hbm>>) target_semaphore(%run_scoped3A : memref<!tpu.dma_semaphore, #tpu.memory_space<semaphore_mem>>)
      %dma_wait3A_194 = arith.constant 0 : i32
      %dma_wait3A_195 = tpu.memref_slice %arg5[%add3A_182, %dma_wait3A_194] : memref<20480x128xf32, #tpu.memory_space<hbm>> -> memref<128x128xf32, #tpu.memory_space<hbm>>
      %dma_wait3A_196 = arith.constant 0 : i32
      %dma_wait3A_197 = tpu.memref_slice %arg5[%add3A_182, %dma_wait3A_196] : memref<20480x128xf32, #tpu.memory_space<hbm>> -> memref<128x128xf32, #tpu.memory_space<hbm>>
      tpu.wait_dma2 semaphore(%run_scoped3A : memref<!tpu.dma_semaphore, #tpu.memory_space<semaphore_mem>>) src(%arg8 : memref<128x128xf32, #tpu.memory_space<vmem>>) dst(%dma_wait3A_197 : memref<128x128xf32, #tpu.memory_space<hbm>>)
      tpu.yield
    }) : () -> ()
    %mul3A_183 = arith.constant 640 : i32
    %mul3A_184 = arith.muli %arg1, %mul3A_183 : i32
    %add3A_185 = arith.constant 512 : i32
    %add3A_186 = arith.addi %mul3A_184, %add3A_185 : i32
    "tpu.region"() ({
      %run_scoped3A = tpu.sem_alloc : memref<!tpu.dma_semaphore, #tpu.memory_space<semaphore_mem>>
      %dma_start3A_190 = arith.constant 0 : i32
      %dma_start3A_191 = tpu.memref_slice %arg10[%add3A_186, %dma_start3A_190] : memref<10240x128xf32, #tpu.memory_space<vmem_shared>> -> memref<128x128xf32, #tpu.memory_space<vmem_shared>>
      %dma_start3A_192 = arith.constant 0 : i32
      %dma_start3A_193 = tpu.memref_slice %arg10[%add3A_186, %dma_start3A_192] : memref<10240x128xf32, #tpu.memory_space<vmem_shared>> -> memref<128x128xf32, #tpu.memory_space<vmem_shared>>
      tpu.enqueue_dma source(%dma_start3A_193 : memref<128x128xf32, #tpu.memory_space<vmem_shared>>) target(%arg8 : memref<128x128xf32, #tpu.memory_space<vmem>>) target_semaphore(%run_scoped3A : memref<!tpu.dma_semaphore, #tpu.memory_space<semaphore_mem>>)
      %dma_wait3A_194 = arith.constant 0 : i32
      %dma_wait3A_195 = tpu.memref_slice %arg10[%add3A_186, %dma_wait3A_194] : memref<10240x128xf32, #tpu.memory_space<vmem_shared>> -> memref<128x128xf32, #tpu.memory_space<vmem_shared>>
      %dma_wait3A_196 = arith.constant 0 : i32
      %dma_wait3A_197 = tpu.memref_slice %arg10[%add3A_186, %dma_wait3A_196] : memref<10240x128xf32, #tpu.memory_space<vmem_shared>> -> memref<128x128xf32, #tpu.memory_space<vmem_shared>>
      tpu.wait_dma2 semaphore(%run_scoped3A : memref<!tpu.dma_semaphore, #tpu.memory_space<semaphore_mem>>) src(%dma_wait3A_197 : memref<128x128xf32, #tpu.memory_space<vmem_shared>>) dst(%arg8 : memref<128x128xf32, #tpu.memory_space<vmem>>)
      tpu.yield
    }) : () -> ()
    %mul3A_187 = arith.constant 10240 : i32
    %mul3A_188 = arith.muli %arg0, %mul3A_187 : i32
    %add3A_189 = arith.addi %mul3A_188, %add3A_186 : i32
    "tpu.region"() ({
      %run_scoped3A = tpu.sem_alloc : memref<!tpu.dma_semaphore, #tpu.memory_space<semaphore_mem>>
      %dma_start3A_190 = arith.constant 0 : i32
      %dma_start3A_191 = tpu.memref_slice %arg5[%add3A_189, %dma_start3A_190] : memref<20480x128xf32, #tpu.memory_space<hbm>> -> memref<128x128xf32, #tpu.memory_space<hbm>>
      %dma_start3A_192 = arith.constant 0 : i32
      %dma_start3A_193 = tpu.memref_slice %arg5[%add3A_189, %dma_start3A_192] : memref<20480x128xf32, #tpu.memory_space<hbm>> -> memref<128x128xf32, #tpu.memory_space<hbm>>
      tpu.enqueue_dma source(%arg8 : memref<128x128xf32, #tpu.memory_space<vmem>>) target(%dma_start3A_193 : memref<128x128xf32, #tpu.memory_space<hbm>>) target_semaphore(%run_scoped3A : memref<!tpu.dma_semaphore, #tpu.memory_space<semaphore_mem>>)
      %dma_wait3A_194 = arith.constant 0 : i32
      %dma_wait3A_195 = tpu.memref_slice %arg5[%add3A_189, %dma_wait3A_194] : memref<20480x128xf32, #tpu.memory_space<hbm>> -> memref<128x128xf32, #tpu.memory_space<hbm>>
      %dma_wait3A_196 = arith.constant 0 : i32
      %dma_wait3A_197 = tpu.memref_slice %arg5[%add3A_189, %dma_wait3A_196] : memref<20480x128xf32, #tpu.memory_space<hbm>> -> memref<128x128xf32, #tpu.memory_space<hbm>>
      tpu.wait_dma2 semaphore(%run_scoped3A : memref<!tpu.dma_semaphore, #tpu.memory_space<semaphore_mem>>) src(%arg8 : memref<128x128xf32, #tpu.memory_space<vmem>>) dst(%dma_wait3A_197 : memref<128x128xf32, #tpu.memory_space<hbm>>)
      tpu.yield
    }) : () -> ()
    return
  }
}

#map = affine_map<(d0, d1) -> (0, 0)>
module attributes {stable_mosaic.version = 14 : i64} {
  func.func @body(%arg0: i32, %arg1: i32, %arg2: memref<10240x128xf32, #tpu.memory_space<hbm>>, %arg3: memref<2560x128xi32, #tpu.memory_space<hbm>>, %arg4: memref<2560x128xi32, #tpu.memory_space<hbm>>, %arg5: memref<20480x128xf32, #tpu.memory_space<hbm>>, %arg6: memref<40x128xi32, #tpu.memory_space<vmem>>, %arg7: memref<40x128xi32, #tpu.memory_space<vmem>>, %arg8: memref<128x128xf32, #tpu.memory_space<vmem>>, %arg9: memref<128x128xf32, #tpu.memory_space<vmem>>, %arg10: memref<10240x128xf32, #tpu.memory_space<vmem_shared>>, %arg11: memref<!tpu.dma_semaphore, #tpu.memory_space<semaphore_mem>>, %arg12: memref<!tpu.dma_semaphore, #tpu.memory_space<semaphore_mem>>, %arg13: memref<!tpu.dma_semaphore, #tpu.memory_space<semaphore_mem>>, %arg14: memref<!tpu.dma_semaphore, #tpu.memory_space<semaphore_mem>>) attributes {dimension_semantics = [#tpu.dimension_semantics<core_parallel>, #tpu.dimension_semantics<subcore_parallel>], iteration_bounds = array<i64: 2, 16>, scalar_prefetch = 0 : i64, scratch_operands = 9 : i64, tpu.core_type = #tpu.core_type<sc_vector_subcore>, window_params = [{transform_indices = #map}, {transform_indices = #map}, {transform_indices = #map}, {transform_indices = #map}]} {
    %mul3A = arith.constant 16 : i32
    %mul3A_0 = arith.muli %arg0, %mul3A : i32
    %add3A = arith.addi %mul3A_0, %arg1 : i32
    %scan3A = arith.constant 0 : i32
    %scan3A_1 = arith.constant 0 : i32
    %scan3A_2 = arith.constant 128 : i32
    %scan3A_3 = arith.addi %scan3A_1, %scan3A_2 : i32
    %scan3A_4 = arith.constant 1 : i32
    scf.for %scan3A_190 = %scan3A_1 to %scan3A_3 step %scan3A_4  : i32 {
      %broadcast_in_dim3A = arith.constant 0.000000e+00 : f32
      %broadcast_in_dim3A_191 = vector.broadcast %broadcast_in_dim3A : f32 to vector<16xf32>
      %swap3A = arith.index_cast %scan3A_190 : i32 to index
      %swap3A_192 = arith.constant 0 : index
      %swap3A_193 = tpu.vector_load %arg8[%swap3A, %swap3A_192] {strides = array<i32>} : memref<128x128xf32, #tpu.memory_space<vmem>>, vector<1x16xf32>,
      %swap3A_194 = vector.shape_cast %swap3A_193 : vector<1x16xf32> to vector<16xf32>
      %swap3A_195 = vector.shape_cast %broadcast_in_dim3A_191 : vector<16xf32> to vector<1x16xf32>
      tpu.vector_store %arg8[%swap3A, %swap3A_192], %swap3A_195 {strides = array<i32>} : memref<128x128xf32, #tpu.memory_space<vmem>>, vector<1x16xf32>,
      %broadcast_in_dim3A_196 = arith.constant 0.000000e+00 : f32
      %broadcast_in_dim3A_197 = vector.broadcast %broadcast_in_dim3A_196 : f32 to vector<16xf32>
      %swap3A_198 = arith.index_cast %scan3A_190 : i32 to index
      %swap3A_199 = arith.constant 16 : index
      %swap3A_200 = tpu.vector_load %arg8[%swap3A_198, %swap3A_199] {strides = array<i32>} : memref<128x128xf32, #tpu.memory_space<vmem>>, vector<1x16xf32>,
      %swap3A_201 = vector.shape_cast %swap3A_200 : vector<1x16xf32> to vector<16xf32>
      %swap3A_202 = vector.shape_cast %broadcast_in_dim3A_197 : vector<16xf32> to vector<1x16xf32>
      tpu.vector_store %arg8[%swap3A_198, %swap3A_199], %swap3A_202 {strides = array<i32>} : memref<128x128xf32, #tpu.memory_space<vmem>>, vector<1x16xf32>,
      %broadcast_in_dim3A_203 = arith.constant 0.000000e+00 : f32
      %broadcast_in_dim3A_204 = vector.broadcast %broadcast_in_dim3A_203 : f32 to vector<16xf32>
      %swap3A_205 = arith.index_cast %scan3A_190 : i32 to index
      %swap3A_206 = arith.constant 32 : index
      %swap3A_207 = tpu.vector_load %arg8[%swap3A_205, %swap3A_206] {strides = array<i32>} : memref<128x128xf32, #tpu.memory_space<vmem>>, vector<1x16xf32>,
      %swap3A_208 = vector.shape_cast %swap3A_207 : vector<1x16xf32> to vector<16xf32>
      %swap3A_209 = vector.shape_cast %broadcast_in_dim3A_204 : vector<16xf32> to vector<1x16xf32>
      tpu.vector_store %arg8[%swap3A_205, %swap3A_206], %swap3A_209 {strides = array<i32>} : memref<128x128xf32, #tpu.memory_space<vmem>>, vector<1x16xf32>,
      %broadcast_in_dim3A_210 = arith.constant 0.000000e+00 : f32
      %broadcast_in_dim3A_211 = vector.broadcast %broadcast_in_dim3A_210 : f32 to vector<16xf32>
      %swap3A_212 = arith.index_cast %scan3A_190 : i32 to index
      %swap3A_213 = arith.constant 48 : index
      %swap3A_214 = tpu.vector_load %arg8[%swap3A_212, %swap3A_213] {strides = array<i32>} : memref<128x128xf32, #tpu.memory_space<vmem>>, vector<1x16xf32>,
      %swap3A_215 = vector.shape_cast %swap3A_214 : vector<1x16xf32> to vector<16xf32>
      %swap3A_216 = vector.shape_cast %broadcast_in_dim3A_211 : vector<16xf32> to vector<1x16xf32>
      tpu.vector_store %arg8[%swap3A_212, %swap3A_213], %swap3A_216 {strides = array<i32>} : memref<128x128xf32, #tpu.memory_space<vmem>>, vector<1x16xf32>,
      %broadcast_in_dim3A_217 = arith.constant 0.000000e+00 : f32
      %broadcast_in_dim3A_218 = vector.broadcast %broadcast_in_dim3A_217 : f32 to vector<16xf32>
      %swap3A_219 = arith.index_cast %scan3A_190 : i32 to index
      %swap3A_220 = arith.constant 64 : index
      %swap3A_221 = tpu.vector_load %arg8[%swap3A_219, %swap3A_220] {strides = array<i32>} : memref<128x128xf32, #tpu.memory_space<vmem>>, vector<1x16xf32>,
      %swap3A_222 = vector.shape_cast %swap3A_221 : vector<1x16xf32> to vector<16xf32>
      %swap3A_223 = vector.shape_cast %broadcast_in_dim3A_218 : vector<16xf32> to vector<1x16xf32>
      tpu.vector_store %arg8[%swap3A_219, %swap3A_220], %swap3A_223 {strides = array<i32>} : memref<128x128xf32, #tpu.memory_space<vmem>>, vector<1x16xf32>,
      %broadcast_in_dim3A_224 = arith.constant 0.000000e+00 : f32
      %broadcast_in_dim3A_225 = vector.broadcast %broadcast_in_dim3A_224 : f32 to vector<16xf32>
      %swap3A_226 = arith.index_cast %scan3A_190 : i32 to index
      %swap3A_227 = arith.constant 80 : index
      %swap3A_228 = tpu.vector_load %arg8[%swap3A_226, %swap3A_227] {strides = array<i32>} : memref<128x128xf32, #tpu.memory_space<vmem>>, vector<1x16xf32>,
      %swap3A_229 = vector.shape_cast %swap3A_228 : vector<1x16xf32> to vector<16xf32>
      %swap3A_230 = vector.shape_cast %broadcast_in_dim3A_225 : vector<16xf32> to vector<1x16xf32>
      tpu.vector_store %arg8[%swap3A_226, %swap3A_227], %swap3A_230 {strides = array<i32>} : memref<128x128xf32, #tpu.memory_space<vmem>>, vector<1x16xf32>,
      %broadcast_in_dim3A_231 = arith.constant 0.000000e+00 : f32
      %broadcast_in_dim3A_232 = vector.broadcast %broadcast_in_dim3A_231 : f32 to vector<16xf32>
      %swap3A_233 = arith.index_cast %scan3A_190 : i32 to index
      %swap3A_234 = arith.constant 96 : index
      %swap3A_235 = tpu.vector_load %arg8[%swap3A_233, %swap3A_234] {strides = array<i32>} : memref<128x128xf32, #tpu.memory_space<vmem>>, vector<1x16xf32>,
      %swap3A_236 = vector.shape_cast %swap3A_235 : vector<1x16xf32> to vector<16xf32>
      %swap3A_237 = vector.shape_cast %broadcast_in_dim3A_232 : vector<16xf32> to vector<1x16xf32>
      tpu.vector_store %arg8[%swap3A_233, %swap3A_234], %swap3A_237 {strides = array<i32>} : memref<128x128xf32, #tpu.memory_space<vmem>>, vector<1x16xf32>,
      %broadcast_in_dim3A_238 = arith.constant 0.000000e+00 : f32
      %broadcast_in_dim3A_239 = vector.broadcast %broadcast_in_dim3A_238 : f32 to vector<16xf32>
      %swap3A_240 = arith.index_cast %scan3A_190 : i32 to index
      %swap3A_241 = arith.constant 112 : index
      %swap3A_242 = tpu.vector_load %arg8[%swap3A_240, %swap3A_241] {strides = array<i32>} : memref<128x128xf32, #tpu.memory_space<vmem>>, vector<1x16xf32>,
      %swap3A_243 = vector.shape_cast %swap3A_242 : vector<1x16xf32> to vector<16xf32>
      %swap3A_244 = vector.shape_cast %broadcast_in_dim3A_239 : vector<16xf32> to vector<1x16xf32>
      tpu.vector_store %arg8[%swap3A_240, %swap3A_241], %swap3A_244 {strides = array<i32>} : memref<128x128xf32, #tpu.memory_space<vmem>>, vector<1x16xf32>,
    }
    %scan3A_5 = arith.constant 128 : i32
    %mul3A_6 = arith.constant 640 : i32
    %mul3A_7 = arith.muli %arg1, %mul3A_6 : i32
    %add3A_8 = arith.constant 0 : i32
    %add3A_9 = arith.addi %mul3A_7, %add3A_8 : i32
    "tpu.region"() ({
      %run_scoped3A = tpu.sem_alloc : memref<!tpu.dma_semaphore, #tpu.memory_space<semaphore_mem>>
      %dma_start3A_190 = arith.constant 0 : i32
      %dma_start3A_191 = tpu.memref_slice %arg10[%add3A_9, %dma_start3A_190] : memref<10240x128xf32, #tpu.memory_space<vmem_shared>> -> memref<128x128xf32, #tpu.memory_space<vmem_shared>>
      %dma_start3A_192 = arith.constant 0 : i32
      %dma_start3A_193 = tpu.memref_slice %arg10[%add3A_9, %dma_start3A_192] : memref<10240x128xf32, #tpu.memory_space<vmem_shared>> -> memref<128x128xf32, #tpu.memory_space<vmem_shared>>
      tpu.enqueue_dma source(%arg8 : memref<128x128xf32, #tpu.memory_space<vmem>>) target(%dma_start3A_193 : memref<128x128xf32, #tpu.memory_space<vmem_shared>>) target_semaphore(%run_scoped3A : memref<!tpu.dma_semaphore, #tpu.memory_space<semaphore_mem>>)
      %dma_wait3A_194 = arith.constant 0 : i32
      %dma_wait3A_195 = tpu.memref_slice %arg10[%add3A_9, %dma_wait3A_194] : memref<10240x128xf32, #tpu.memory_space<vmem_shared>> -> memref<128x128xf32, #tpu.memory_space<vmem_shared>>
      %dma_wait3A_196 = arith.constant 0 : i32
      %dma_wait3A_197 = tpu.memref_slice %arg10[%add3A_9, %dma_wait3A_196] : memref<10240x128xf32, #tpu.memory_space<vmem_shared>> -> memref<128x128xf32, #tpu.memory_space<vmem_shared>>
      tpu.wait_dma2 semaphore(%run_scoped3A : memref<!tpu.dma_semaphore, #tpu.memory_space<semaphore_mem>>) src(%arg8 : memref<128x128xf32, #tpu.memory_space<vmem>>) dst(%dma_wait3A_197 : memref<128x128xf32, #tpu.memory_space<vmem_shared>>)
      tpu.yield
    }) : () -> ()
    %mul3A_10 = arith.constant 640 : i32
    %mul3A_11 = arith.muli %arg1, %mul3A_10 : i32
    %add3A_12 = arith.constant 128 : i32
    %add3A_13 = arith.addi %mul3A_11, %add3A_12 : i32
    "tpu.region"() ({
      %run_scoped3A = tpu.sem_alloc : memref<!tpu.dma_semaphore, #tpu.memory_space<semaphore_mem>>
      %dma_start3A_190 = arith.constant 0 : i32
      %dma_start3A_191 = tpu.memref_slice %arg10[%add3A_13, %dma_start3A_190] : memref<10240x128xf32, #tpu.memory_space<vmem_shared>> -> memref<128x128xf32, #tpu.memory_space<vmem_shared>>
      %dma_start3A_192 = arith.constant 0 : i32
      %dma_start3A_193 = tpu.memref_slice %arg10[%add3A_13, %dma_start3A_192] : memref<10240x128xf32, #tpu.memory_space<vmem_shared>> -> memref<128x128xf32, #tpu.memory_space<vmem_shared>>
      tpu.enqueue_dma source(%arg8 : memref<128x128xf32, #tpu.memory_space<vmem>>) target(%dma_start3A_193 : memref<128x128xf32, #tpu.memory_space<vmem_shared>>) target_semaphore(%run_scoped3A : memref<!tpu.dma_semaphore, #tpu.memory_space<semaphore_mem>>)
      %dma_wait3A_194 = arith.constant 0 : i32
      %dma_wait3A_195 = tpu.memref_slice %arg10[%add3A_13, %dma_wait3A_194] : memref<10240x128xf32, #tpu.memory_space<vmem_shared>> -> memref<128x128xf32, #tpu.memory_space<vmem_shared>>
      %dma_wait3A_196 = arith.constant 0 : i32
      %dma_wait3A_197 = tpu.memref_slice %arg10[%add3A_13, %dma_wait3A_196] : memref<10240x128xf32, #tpu.memory_space<vmem_shared>> -> memref<128x128xf32, #tpu.memory_space<vmem_shared>>
      tpu.wait_dma2 semaphore(%run_scoped3A : memref<!tpu.dma_semaphore, #tpu.memory_space<semaphore_mem>>) src(%arg8 : memref<128x128xf32, #tpu.memory_space<vmem>>) dst(%dma_wait3A_197 : memref<128x128xf32, #tpu.memory_space<vmem_shared>>)
      tpu.yield
    }) : () -> ()
    %mul3A_14 = arith.constant 640 : i32
    %mul3A_15 = arith.muli %arg1, %mul3A_14 : i32
    %add3A_16 = arith.constant 256 : i32
    %add3A_17 = arith.addi %mul3A_15, %add3A_16 : i32
    "tpu.region"() ({
      %run_scoped3A = tpu.sem_alloc : memref<!tpu.dma_semaphore, #tpu.memory_space<semaphore_mem>>
      %dma_start3A_190 = arith.constant 0 : i32
      %dma_start3A_191 = tpu.memref_slice %arg10[%add3A_17, %dma_start3A_190] : memref<10240x128xf32, #tpu.memory_space<vmem_shared>> -> memref<128x128xf32, #tpu.memory_space<vmem_shared>>
      %dma_start3A_192 = arith.constant 0 : i32
      %dma_start3A_193 = tpu.memref_slice %arg10[%add3A_17, %dma_start3A_192] : memref<10240x128xf32, #tpu.memory_space<vmem_shared>> -> memref<128x128xf32, #tpu.memory_space<vmem_shared>>
      tpu.enqueue_dma source(%arg8 : memref<128x128xf32, #tpu.memory_space<vmem>>) target(%dma_start3A_193 : memref<128x128xf32, #tpu.memory_space<vmem_shared>>) target_semaphore(%run_scoped3A : memref<!tpu.dma_semaphore, #tpu.memory_space<semaphore_mem>>)
      %dma_wait3A_194 = arith.constant 0 : i32
      %dma_wait3A_195 = tpu.memref_slice %arg10[%add3A_17, %dma_wait3A_194] : memref<10240x128xf32, #tpu.memory_space<vmem_shared>> -> memref<128x128xf32, #tpu.memory_space<vmem_shared>>
      %dma_wait3A_196 = arith.constant 0 : i32
      %dma_wait3A_197 = tpu.memref_slice %arg10[%add3A_17, %dma_wait3A_196] : memref<10240x128xf32, #tpu.memory_space<vmem_shared>> -> memref<128x128xf32, #tpu.memory_space<vmem_shared>>
      tpu.wait_dma2 semaphore(%run_scoped3A : memref<!tpu.dma_semaphore, #tpu.memory_space<semaphore_mem>>) src(%arg8 : memref<128x128xf32, #tpu.memory_space<vmem>>) dst(%dma_wait3A_197 : memref<128x128xf32, #tpu.memory_space<vmem_shared>>)
      tpu.yield
    }) : () -> ()
    %mul3A_18 = arith.constant 640 : i32
    %mul3A_19 = arith.muli %arg1, %mul3A_18 : i32
    %add3A_20 = arith.constant 384 : i32
    %add3A_21 = arith.addi %mul3A_19, %add3A_20 : i32
    "tpu.region"() ({
      %run_scoped3A = tpu.sem_alloc : memref<!tpu.dma_semaphore, #tpu.memory_space<semaphore_mem>>
      %dma_start3A_190 = arith.constant 0 : i32
      %dma_start3A_191 = tpu.memref_slice %arg10[%add3A_21, %dma_start3A_190] : memref<10240x128xf32, #tpu.memory_space<vmem_shared>> -> memref<128x128xf32, #tpu.memory_space<vmem_shared>>
      %dma_start3A_192 = arith.constant 0 : i32
      %dma_start3A_193 = tpu.memref_slice %arg10[%add3A_21, %dma_start3A_192] : memref<10240x128xf32, #tpu.memory_space<vmem_shared>> -> memref<128x128xf32, #tpu.memory_space<vmem_shared>>
      tpu.enqueue_dma source(%arg8 : memref<128x128xf32, #tpu.memory_space<vmem>>) target(%dma_start3A_193 : memref<128x128xf32, #tpu.memory_space<vmem_shared>>) target_semaphore(%run_scoped3A : memref<!tpu.dma_semaphore, #tpu.memory_space<semaphore_mem>>)
      %dma_wait3A_194 = arith.constant 0 : i32
      %dma_wait3A_195 = tpu.memref_slice %arg10[%add3A_21, %dma_wait3A_194] : memref<10240x128xf32, #tpu.memory_space<vmem_shared>> -> memref<128x128xf32, #tpu.memory_space<vmem_shared>>
      %dma_wait3A_196 = arith.constant 0 : i32
      %dma_wait3A_197 = tpu.memref_slice %arg10[%add3A_21, %dma_wait3A_196] : memref<10240x128xf32, #tpu.memory_space<vmem_shared>> -> memref<128x128xf32, #tpu.memory_space<vmem_shared>>
      tpu.wait_dma2 semaphore(%run_scoped3A : memref<!tpu.dma_semaphore, #tpu.memory_space<semaphore_mem>>) src(%arg8 : memref<128x128xf32, #tpu.memory_space<vmem>>) dst(%dma_wait3A_197 : memref<128x128xf32, #tpu.memory_space<vmem_shared>>)
      tpu.yield
    }) : () -> ()
    %mul3A_22 = arith.constant 640 : i32
    %mul3A_23 = arith.muli %arg1, %mul3A_22 : i32
    %add3A_24 = arith.constant 512 : i32
    %add3A_25 = arith.addi %mul3A_23, %add3A_24 : i32
    "tpu.region"() ({
      %run_scoped3A = tpu.sem_alloc : memref<!tpu.dma_semaphore, #tpu.memory_space<semaphore_mem>>
      %dma_start3A_190 = arith.constant 0 : i32
      %dma_start3A_191 = tpu.memref_slice %arg10[%add3A_25, %dma_start3A_190] : memref<10240x128xf32, #tpu.memory_space<vmem_shared>> -> memref<128x128xf32, #tpu.memory_space<vmem_shared>>
      %dma_start3A_192 = arith.constant 0 : i32
      %dma_start3A_193 = tpu.memref_slice %arg10[%add3A_25, %dma_start3A_192] : memref<10240x128xf32, #tpu.memory_space<vmem_shared>> -> memref<128x128xf32, #tpu.memory_space<vmem_shared>>
      tpu.enqueue_dma source(%arg8 : memref<128x128xf32, #tpu.memory_space<vmem>>) target(%dma_start3A_193 : memref<128x128xf32, #tpu.memory_space<vmem_shared>>) target_semaphore(%run_scoped3A : memref<!tpu.dma_semaphore, #tpu.memory_space<semaphore_mem>>)
      %dma_wait3A_194 = arith.constant 0 : i32
      %dma_wait3A_195 = tpu.memref_slice %arg10[%add3A_25, %dma_wait3A_194] : memref<10240x128xf32, #tpu.memory_space<vmem_shared>> -> memref<128x128xf32, #tpu.memory_space<vmem_shared>>
      %dma_wait3A_196 = arith.constant 0 : i32
      %dma_wait3A_197 = tpu.memref_slice %arg10[%add3A_25, %dma_wait3A_196] : memref<10240x128xf32, #tpu.memory_space<vmem_shared>> -> memref<128x128xf32, #tpu.memory_space<vmem_shared>>
      tpu.wait_dma2 semaphore(%run_scoped3A : memref<!tpu.dma_semaphore, #tpu.memory_space<semaphore_mem>>) src(%arg8 : memref<128x128xf32, #tpu.memory_space<vmem>>) dst(%dma_wait3A_197 : memref<128x128xf32, #tpu.memory_space<vmem_shared>>)
      tpu.yield
    }) : () -> ()
    %barrier3A = arith.constant 0 : index
    tpu.barrier barrier_id(%barrier3A)
    %mul3A_26 = arith.constant 80 : i32
    %mul3A_27 = arith.muli %add3A, %mul3A_26 : i32
    %add3A_28 = arith.constant 0 : i32
    %add3A_29 = arith.addi %mul3A_27, %add3A_28 : i32
    "tpu.region"() ({
      %run_scoped3A = tpu.sem_alloc : memref<!tpu.dma_semaphore, #tpu.memory_space<semaphore_mem>>
      %dma_start3A_190 = arith.constant 0 : i32
      %dma_start3A_191 = tpu.memref_slice %arg3[%add3A_29, %dma_start3A_190] : memref<2560x128xi32, #tpu.memory_space<hbm>> -> memref<40x128xi32, #tpu.memory_space<hbm>>
      %dma_start3A_192 = arith.constant 0 : i32
      %dma_start3A_193 = tpu.memref_slice %arg3[%add3A_29, %dma_start3A_192] : memref<2560x128xi32, #tpu.memory_space<hbm>> -> memref<40x128xi32, #tpu.memory_space<hbm>>
      tpu.enqueue_dma source(%dma_start3A_193 : memref<40x128xi32, #tpu.memory_space<hbm>>) target(%arg6 : memref<40x128xi32, #tpu.memory_space<vmem>>) target_semaphore(%run_scoped3A : memref<!tpu.dma_semaphore, #tpu.memory_space<semaphore_mem>>)
      %dma_wait3A_194 = arith.constant 0 : i32
      %dma_wait3A_195 = tpu.memref_slice %arg3[%add3A_29, %dma_wait3A_194] : memref<2560x128xi32, #tpu.memory_space<hbm>> -> memref<40x128xi32, #tpu.memory_space<hbm>>
      %dma_wait3A_196 = arith.constant 0 : i32
      %dma_wait3A_197 = tpu.memref_slice %arg3[%add3A_29, %dma_wait3A_196] : memref<2560x128xi32, #tpu.memory_space<hbm>> -> memref<40x128xi32, #tpu.memory_space<hbm>>
      tpu.wait_dma2 semaphore(%run_scoped3A : memref<!tpu.dma_semaphore, #tpu.memory_space<semaphore_mem>>) src(%dma_wait3A_197 : memref<40x128xi32, #tpu.memory_space<hbm>>) dst(%arg6 : memref<40x128xi32, #tpu.memory_space<vmem>>)
      tpu.yield
    }) : () -> ()
    "tpu.region"() ({
      %run_scoped3A = tpu.sem_alloc : memref<!tpu.dma_semaphore, #tpu.memory_space<semaphore_mem>>
      %dma_start3A_190 = arith.constant 0 : i32
      %dma_start3A_191 = tpu.memref_slice %arg4[%add3A_29, %dma_start3A_190] : memref<2560x128xi32, #tpu.memory_space<hbm>> -> memref<40x128xi32, #tpu.memory_space<hbm>>
      %dma_start3A_192 = arith.constant 0 : i32
      %dma_start3A_193 = tpu.memref_slice %arg4[%add3A_29, %dma_start3A_192] : memref<2560x128xi32, #tpu.memory_space<hbm>> -> memref<40x128xi32, #tpu.memory_space<hbm>>
      tpu.enqueue_dma source(%dma_start3A_193 : memref<40x128xi32, #tpu.memory_space<hbm>>) target(%arg7 : memref<40x128xi32, #tpu.memory_space<vmem>>) target_semaphore(%run_scoped3A : memref<!tpu.dma_semaphore, #tpu.memory_space<semaphore_mem>>)
      %dma_wait3A_194 = arith.constant 0 : i32
      %dma_wait3A_195 = tpu.memref_slice %arg4[%add3A_29, %dma_wait3A_194] : memref<2560x128xi32, #tpu.memory_space<hbm>> -> memref<40x128xi32, #tpu.memory_space<hbm>>
      %dma_wait3A_196 = arith.constant 0 : i32
      %dma_wait3A_197 = tpu.memref_slice %arg4[%add3A_29, %dma_wait3A_196] : memref<2560x128xi32, #tpu.memory_space<hbm>> -> memref<40x128xi32, #tpu.memory_space<hbm>>
      tpu.wait_dma2 semaphore(%run_scoped3A : memref<!tpu.dma_semaphore, #tpu.memory_space<semaphore_mem>>) src(%dma_wait3A_197 : memref<40x128xi32, #tpu.memory_space<hbm>>) dst(%arg7 : memref<40x128xi32, #tpu.memory_space<vmem>>)
      tpu.yield
    }) : () -> ()
    %dma_start3A = arith.constant 0 : i32
    %dma_start3A_30 = arith.constant 0 : i32
    %dma_start3A_31 = tpu.memref_slice %arg6[%dma_start3A, %dma_start3A_30] : memref<40x128xi32, #tpu.memory_space<vmem>> -> memref<1x128xi32, #tpu.memory_space<vmem>>
    %dma_start3A_32 = tpu.memref_squeeze %dma_start3A_31 : memref<1x128xi32, #tpu.memory_space<vmem>> -> memref<128xi32, #tpu.memory_space<vmem>>
    %dma_start3A_33 = arith.constant 0 : i32
    %dma_start3A_34 = arith.constant 0 : i32
    %dma_start3A_35 = tpu.memref_slice %arg2[%dma_start3A_33, %dma_start3A_34] : memref<10240x128xf32, #tpu.memory_space<hbm>> -> memref<10240x128xf32, #tpu.memory_space<hbm>>
    tpu.enqueue_indirect_dma source(%dma_start3A_35 : memref<10240x128xf32, #tpu.memory_space<hbm>>) target(%arg8 : memref<128x128xf32, #tpu.memory_space<vmem>>) offsets(%dma_start3A_32 : memref<128xi32, #tpu.memory_space<vmem>>) semaphore(%arg11 : memref<!tpu.dma_semaphore, #tpu.memory_space<semaphore_mem>>)
    %dma_start3A_36 = arith.constant 1 : i32
    %dma_start3A_37 = arith.constant 0 : i32
    %dma_start3A_38 = tpu.memref_slice %arg6[%dma_start3A_36, %dma_start3A_37] : memref<40x128xi32, #tpu.memory_space<vmem>> -> memref<1x128xi32, #tpu.memory_space<vmem>>
    %dma_start3A_39 = tpu.memref_squeeze %dma_start3A_38 : memref<1x128xi32, #tpu.memory_space<vmem>> -> memref<128xi32, #tpu.memory_space<vmem>>
    %dma_start3A_40 = arith.constant 0 : i32
    %dma_start3A_41 = arith.constant 0 : i32
    %dma_start3A_42 = tpu.memref_slice %arg2[%dma_start3A_40, %dma_start3A_41] : memref<10240x128xf32, #tpu.memory_space<hbm>> -> memref<10240x128xf32, #tpu.memory_space<hbm>>
    tpu.enqueue_indirect_dma source(%dma_start3A_42 : memref<10240x128xf32, #tpu.memory_space<hbm>>) target(%arg9 : memref<128x128xf32, #tpu.memory_space<vmem>>) offsets(%dma_start3A_39 : memref<128xi32, #tpu.memory_space<vmem>>) semaphore(%arg12 : memref<!tpu.dma_semaphore, #tpu.memory_space<semaphore_mem>>)
    %scan3A_43 = arith.constant 0 : i32
    %scan3A_44 = arith.constant 19 : i32
    %scan3A_45 = arith.addi %scan3A_43, %scan3A_44 : i32
    %scan3A_46 = arith.constant 1 : i32
    scf.for %scan3A_190 = %scan3A_43 to %scan3A_45 step %scan3A_46  : i32 {
      %mul3A_191 = arith.constant 2 : i32
      %mul3A_192 = arith.muli %scan3A_190, %mul3A_191 : i32
      %add3A_193 = arith.constant 0 : i32
      %add3A_194 = arith.addi %add3A_193, %mul3A_192 : i32
      %add3A_195 = arith.constant 0 : i32
      %add3A_196 = arith.addi %add3A_194, %add3A_195 : i32
      %dma_wait3A_197 = arith.constant 0 : i32
      %dma_wait3A_198 = tpu.memref_slice %arg6[%add3A_196, %dma_wait3A_197] : memref<40x128xi32, #tpu.memory_space<vmem>> -> memref<1x128xi32, #tpu.memory_space<vmem>>
      %dma_wait3A_199 = tpu.memref_squeeze %dma_wait3A_198 : memref<1x128xi32, #tpu.memory_space<vmem>> -> memref<128xi32, #tpu.memory_space<vmem>>
      %dma_wait3A_200 = arith.constant 0 : i32
      %dma_wait3A_201 = arith.constant 0 : i32
      %dma_wait3A_202 = tpu.memref_slice %arg2[%dma_wait3A_200, %dma_wait3A_201] : memref<10240x128xf32, #tpu.memory_space<hbm>> -> memref<10240x128xf32, #tpu.memory_space<hbm>>
      tpu.wait_indirect_dma semaphore(%arg11 : memref<!tpu.dma_semaphore, #tpu.memory_space<semaphore_mem>>) src(%dma_wait3A_202 : memref<10240x128xf32, #tpu.memory_space<hbm>>) dst(%arg8 : memref<128x128xf32, #tpu.memory_space<vmem>>)
      %add3A_203 = arith.constant 0 : i32
      %add3A_204 = arith.addi %add3A_194, %add3A_203 : i32
      %dma_start3A_205 = arith.constant 0 : i32
      %dma_start3A_206 = tpu.memref_slice %arg7[%add3A_204, %dma_start3A_205] : memref<40x128xi32, #tpu.memory_space<vmem>> -> memref<1x128xi32, #tpu.memory_space<vmem>>
      %dma_start3A_207 = tpu.memref_squeeze %dma_start3A_206 : memref<1x128xi32, #tpu.memory_space<vmem>> -> memref<128xi32, #tpu.memory_space<vmem>>
      %dma_start3A_208 = arith.constant 0 : i32
      %dma_start3A_209 = arith.constant 0 : i32
      %dma_start3A_210 = tpu.memref_slice %arg10[%dma_start3A_208, %dma_start3A_209] : memref<10240x128xf32, #tpu.memory_space<vmem_shared>> -> memref<10240x128xf32, #tpu.memory_space<vmem_shared>>
      tpu.enqueue_indirect_dma source(%arg8 : memref<128x128xf32, #tpu.memory_space<vmem>>) target(%dma_start3A_210 : memref<10240x128xf32, #tpu.memory_space<vmem_shared>>) offsets(%dma_start3A_207 : memref<128xi32, #tpu.memory_space<vmem>>) semaphore(%arg13 : memref<!tpu.dma_semaphore, #tpu.memory_space<semaphore_mem>>) {add = true}
      %add3A_211 = arith.constant 1 : i32
      %add3A_212 = arith.addi %add3A_194, %add3A_211 : i32
      %dma_wait3A_213 = arith.constant 0 : i32
      %dma_wait3A_214 = tpu.memref_slice %arg6[%add3A_212, %dma_wait3A_213] : memref<40x128xi32, #tpu.memory_space<vmem>> -> memref<1x128xi32, #tpu.memory_space<vmem>>
      %dma_wait3A_215 = tpu.memref_squeeze %dma_wait3A_214 : memref<1x128xi32, #tpu.memory_space<vmem>> -> memref<128xi32, #tpu.memory_space<vmem>>
      %dma_wait3A_216 = arith.constant 0 : i32
      %dma_wait3A_217 = arith.constant 0 : i32
      %dma_wait3A_218 = tpu.memref_slice %arg2[%dma_wait3A_216, %dma_wait3A_217] : memref<10240x128xf32, #tpu.memory_space<hbm>> -> memref<10240x128xf32, #tpu.memory_space<hbm>>
      tpu.wait_indirect_dma semaphore(%arg12 : memref<!tpu.dma_semaphore, #tpu.memory_space<semaphore_mem>>) src(%dma_wait3A_218 : memref<10240x128xf32, #tpu.memory_space<hbm>>) dst(%arg9 : memref<128x128xf32, #tpu.memory_space<vmem>>)
      %add3A_219 = arith.constant 1 : i32
      %add3A_220 = arith.addi %add3A_194, %add3A_219 : i32
      %dma_start3A_221 = arith.constant 0 : i32
      %dma_start3A_222 = tpu.memref_slice %arg7[%add3A_220, %dma_start3A_221] : memref<40x128xi32, #tpu.memory_space<vmem>> -> memref<1x128xi32, #tpu.memory_space<vmem>>
      %dma_start3A_223 = tpu.memref_squeeze %dma_start3A_222 : memref<1x128xi32, #tpu.memory_space<vmem>> -> memref<128xi32, #tpu.memory_space<vmem>>
      %dma_start3A_224 = arith.constant 0 : i32
      %dma_start3A_225 = arith.constant 0 : i32
      %dma_start3A_226 = tpu.memref_slice %arg10[%dma_start3A_224, %dma_start3A_225] : memref<10240x128xf32, #tpu.memory_space<vmem_shared>> -> memref<10240x128xf32, #tpu.memory_space<vmem_shared>>
      tpu.enqueue_indirect_dma source(%arg9 : memref<128x128xf32, #tpu.memory_space<vmem>>) target(%dma_start3A_226 : memref<10240x128xf32, #tpu.memory_space<vmem_shared>>) offsets(%dma_start3A_223 : memref<128xi32, #tpu.memory_space<vmem>>) semaphore(%arg14 : memref<!tpu.dma_semaphore, #tpu.memory_space<semaphore_mem>>) {add = true}
      %dma_wait3A_227 = arith.constant 0 : i32
      %dma_wait3A_228 = tpu.memref_slice %arg7[%add3A_204, %dma_wait3A_227] : memref<40x128xi32, #tpu.memory_space<vmem>> -> memref<1x128xi32, #tpu.memory_space<vmem>>
      %dma_wait3A_229 = tpu.memref_squeeze %dma_wait3A_228 : memref<1x128xi32, #tpu.memory_space<vmem>> -> memref<128xi32, #tpu.memory_space<vmem>>
      %dma_wait3A_230 = arith.constant 0 : i32
      %dma_wait3A_231 = arith.constant 0 : i32
      %dma_wait3A_232 = tpu.memref_slice %arg10[%dma_wait3A_230, %dma_wait3A_231] : memref<10240x128xf32, #tpu.memory_space<vmem_shared>> -> memref<10240x128xf32, #tpu.memory_space<vmem_shared>>
      tpu.wait_indirect_dma semaphore(%arg13 : memref<!tpu.dma_semaphore, #tpu.memory_space<semaphore_mem>>) src(%arg8 : memref<128x128xf32, #tpu.memory_space<vmem>>) dst(%dma_wait3A_232 : memref<10240x128xf32, #tpu.memory_space<vmem_shared>>)
      %add3A_233 = arith.constant 2 : i32
      %add3A_234 = arith.addi %add3A_194, %add3A_233 : i32
      %add3A_235 = arith.constant 0 : i32
      %add3A_236 = arith.addi %add3A_234, %add3A_235 : i32
      %dma_start3A_237 = arith.constant 0 : i32
      %dma_start3A_238 = tpu.memref_slice %arg6[%add3A_236, %dma_start3A_237] : memref<40x128xi32, #tpu.memory_space<vmem>> -> memref<1x128xi32, #tpu.memory_space<vmem>>
      %dma_start3A_239 = tpu.memref_squeeze %dma_start3A_238 : memref<1x128xi32, #tpu.memory_space<vmem>> -> memref<128xi32, #tpu.memory_space<vmem>>
      %dma_start3A_240 = arith.constant 0 : i32
      %dma_start3A_241 = arith.constant 0 : i32
      %dma_start3A_242 = tpu.memref_slice %arg2[%dma_start3A_240, %dma_start3A_241] : memref<10240x128xf32, #tpu.memory_space<hbm>> -> memref<10240x128xf32, #tpu.memory_space<hbm>>
      tpu.enqueue_indirect_dma source(%dma_start3A_242 : memref<10240x128xf32, #tpu.memory_space<hbm>>) target(%arg8 : memref<128x128xf32, #tpu.memory_space<vmem>>) offsets(%dma_start3A_239 : memref<128xi32, #tpu.memory_space<vmem>>) semaphore(%arg11 : memref<!tpu.dma_semaphore, #tpu.memory_space<semaphore_mem>>)
      %dma_wait3A_243 = arith.constant 0 : i32
      %dma_wait3A_244 = tpu.memref_slice %arg7[%add3A_220, %dma_wait3A_243] : memref<40x128xi32, #tpu.memory_space<vmem>> -> memref<1x128xi32, #tpu.memory_space<vmem>>
      %dma_wait3A_245 = tpu.memref_squeeze %dma_wait3A_244 : memref<1x128xi32, #tpu.memory_space<vmem>> -> memref<128xi32, #tpu.memory_space<vmem>>
      %dma_wait3A_246 = arith.constant 0 : i32
      %dma_wait3A_247 = arith.constant 0 : i32
      %dma_wait3A_248 = tpu.memref_slice %arg10[%dma_wait3A_246, %dma_wait3A_247] : memref<10240x128xf32, #tpu.memory_space<vmem_shared>> -> memref<10240x128xf32, #tpu.memory_space<vmem_shared>>
      tpu.wait_indirect_dma semaphore(%arg14 : memref<!tpu.dma_semaphore, #tpu.memory_space<semaphore_mem>>) src(%arg9 : memref<128x128xf32, #tpu.memory_space<vmem>>) dst(%dma_wait3A_248 : memref<10240x128xf32, #tpu.memory_space<vmem_shared>>)
      %add3A_249 = arith.constant 2 : i32
      %add3A_250 = arith.addi %add3A_194, %add3A_249 : i32
      %add3A_251 = arith.constant 1 : i32
      %add3A_252 = arith.addi %add3A_250, %add3A_251 : i32
      %dma_start3A_253 = arith.constant 0 : i32
      %dma_start3A_254 = tpu.memref_slice %arg6[%add3A_252, %dma_start3A_253] : memref<40x128xi32, #tpu.memory_space<vmem>> -> memref<1x128xi32, #tpu.memory_space<vmem>>
      %dma_start3A_255 = tpu.memref_squeeze %dma_start3A_254 : memref<1x128xi32, #tpu.memory_space<vmem>> -> memref<128xi32, #tpu.memory_space<vmem>>
      %dma_start3A_256 = arith.constant 0 : i32
      %dma_start3A_257 = arith.constant 0 : i32
      %dma_start3A_258 = tpu.memref_slice %arg2[%dma_start3A_256, %dma_start3A_257] : memref<10240x128xf32, #tpu.memory_space<hbm>> -> memref<10240x128xf32, #tpu.memory_space<hbm>>
      tpu.enqueue_indirect_dma source(%dma_start3A_258 : memref<10240x128xf32, #tpu.memory_space<hbm>>) target(%arg9 : memref<128x128xf32, #tpu.memory_space<vmem>>) offsets(%dma_start3A_255 : memref<128xi32, #tpu.memory_space<vmem>>) semaphore(%arg12 : memref<!tpu.dma_semaphore, #tpu.memory_space<semaphore_mem>>)
    }
    %scan3A_47 = arith.constant 19 : i32
    %dma_wait3A = arith.constant 38 : i32
    %dma_wait3A_48 = arith.constant 0 : i32
    %dma_wait3A_49 = tpu.memref_slice %arg6[%dma_wait3A, %dma_wait3A_48] : memref<40x128xi32, #tpu.memory_space<vmem>> -> memref<1x128xi32, #tpu.memory_space<vmem>>
    %dma_wait3A_50 = tpu.memref_squeeze %dma_wait3A_49 : memref<1x128xi32, #tpu.memory_space<vmem>> -> memref<128xi32, #tpu.memory_space<vmem>>
    %dma_wait3A_51 = arith.constant 0 : i32
    %dma_wait3A_52 = arith.constant 0 : i32
    %dma_wait3A_53 = tpu.memref_slice %arg2[%dma_wait3A_51, %dma_wait3A_52] : memref<10240x128xf32, #tpu.memory_space<hbm>> -> memref<10240x128xf32, #tpu.memory_space<hbm>>
    tpu.wait_indirect_dma semaphore(%arg11 : memref<!tpu.dma_semaphore, #tpu.memory_space<semaphore_mem>>) src(%dma_wait3A_53 : memref<10240x128xf32, #tpu.memory_space<hbm>>) dst(%arg8 : memref<128x128xf32, #tpu.memory_space<vmem>>)
    %dma_start3A_54 = arith.constant 38 : i32
    %dma_start3A_55 = arith.constant 0 : i32
    %dma_start3A_56 = tpu.memref_slice %arg7[%dma_start3A_54, %dma_start3A_55] : memref<40x128xi32, #tpu.memory_space<vmem>> -> memref<1x128xi32, #tpu.memory_space<vmem>>
    %dma_start3A_57 = tpu.memref_squeeze %dma_start3A_56 : memref<1x128xi32, #tpu.memory_space<vmem>> -> memref<128xi32, #tpu.memory_space<vmem>>
    %dma_start3A_58 = arith.constant 0 : i32
    %dma_start3A_59 = arith.constant 0 : i32
    %dma_start3A_60 = tpu.memref_slice %arg10[%dma_start3A_58, %dma_start3A_59] : memref<10240x128xf32, #tpu.memory_space<vmem_shared>> -> memref<10240x128xf32, #tpu.memory_space<vmem_shared>>
    tpu.enqueue_indirect_dma source(%arg8 : memref<128x128xf32, #tpu.memory_space<vmem>>) target(%dma_start3A_60 : memref<10240x128xf32, #tpu.memory_space<vmem_shared>>) offsets(%dma_start3A_57 : memref<128xi32, #tpu.memory_space<vmem>>) semaphore(%arg13 : memref<!tpu.dma_semaphore, #tpu.memory_space<semaphore_mem>>) {add = true}
    %dma_wait3A_61 = arith.constant 39 : i32
    %dma_wait3A_62 = arith.constant 0 : i32
    %dma_wait3A_63 = tpu.memref_slice %arg6[%dma_wait3A_61, %dma_wait3A_62] : memref<40x128xi32, #tpu.memory_space<vmem>> -> memref<1x128xi32, #tpu.memory_space<vmem>>
    %dma_wait3A_64 = tpu.memref_squeeze %dma_wait3A_63 : memref<1x128xi32, #tpu.memory_space<vmem>> -> memref<128xi32, #tpu.memory_space<vmem>>
    %dma_wait3A_65 = arith.constant 0 : i32
    %dma_wait3A_66 = arith.constant 0 : i32
    %dma_wait3A_67 = tpu.memref_slice %arg2[%dma_wait3A_65, %dma_wait3A_66] : memref<10240x128xf32, #tpu.memory_space<hbm>> -> memref<10240x128xf32, #tpu.memory_space<hbm>>
    tpu.wait_indirect_dma semaphore(%arg12 : memref<!tpu.dma_semaphore, #tpu.memory_space<semaphore_mem>>) src(%dma_wait3A_67 : memref<10240x128xf32, #tpu.memory_space<hbm>>) dst(%arg9 : memref<128x128xf32, #tpu.memory_space<vmem>>)
    %dma_start3A_68 = arith.constant 39 : i32
    %dma_start3A_69 = arith.constant 0 : i32
    %dma_start3A_70 = tpu.memref_slice %arg7[%dma_start3A_68, %dma_start3A_69] : memref<40x128xi32, #tpu.memory_space<vmem>> -> memref<1x128xi32, #tpu.memory_space<vmem>>
    %dma_start3A_71 = tpu.memref_squeeze %dma_start3A_70 : memref<1x128xi32, #tpu.memory_space<vmem>> -> memref<128xi32, #tpu.memory_space<vmem>>
    %dma_start3A_72 = arith.constant 0 : i32
    %dma_start3A_73 = arith.constant 0 : i32
    %dma_start3A_74 = tpu.memref_slice %arg10[%dma_start3A_72, %dma_start3A_73] : memref<10240x128xf32, #tpu.memory_space<vmem_shared>> -> memref<10240x128xf32, #tpu.memory_space<vmem_shared>>
    tpu.enqueue_indirect_dma source(%arg9 : memref<128x128xf32, #tpu.memory_space<vmem>>) target(%dma_start3A_74 : memref<10240x128xf32, #tpu.memory_space<vmem_shared>>) offsets(%dma_start3A_71 : memref<128xi32, #tpu.memory_space<vmem>>) semaphore(%arg14 : memref<!tpu.dma_semaphore, #tpu.memory_space<semaphore_mem>>) {add = true}
    %dma_wait3A_75 = arith.constant 38 : i32
    %dma_wait3A_76 = arith.constant 0 : i32
    %dma_wait3A_77 = tpu.memref_slice %arg7[%dma_wait3A_75, %dma_wait3A_76] : memref<40x128xi32, #tpu.memory_space<vmem>> -> memref<1x128xi32, #tpu.memory_space<vmem>>
    %dma_wait3A_78 = tpu.memref_squeeze %dma_wait3A_77 : memref<1x128xi32, #tpu.memory_space<vmem>> -> memref<128xi32, #tpu.memory_space<vmem>>
    %dma_wait3A_79 = arith.constant 0 : i32
    %dma_wait3A_80 = arith.constant 0 : i32
    %dma_wait3A_81 = tpu.memref_slice %arg10[%dma_wait3A_79, %dma_wait3A_80] : memref<10240x128xf32, #tpu.memory_space<vmem_shared>> -> memref<10240x128xf32, #tpu.memory_space<vmem_shared>>
    tpu.wait_indirect_dma semaphore(%arg13 : memref<!tpu.dma_semaphore, #tpu.memory_space<semaphore_mem>>) src(%arg8 : memref<128x128xf32, #tpu.memory_space<vmem>>) dst(%dma_wait3A_81 : memref<10240x128xf32, #tpu.memory_space<vmem_shared>>)
    %dma_wait3A_82 = arith.constant 39 : i32
    %dma_wait3A_83 = arith.constant 0 : i32
    %dma_wait3A_84 = tpu.memref_slice %arg7[%dma_wait3A_82, %dma_wait3A_83] : memref<40x128xi32, #tpu.memory_space<vmem>> -> memref<1x128xi32, #tpu.memory_space<vmem>>
    %dma_wait3A_85 = tpu.memref_squeeze %dma_wait3A_84 : memref<1x128xi32, #tpu.memory_space<vmem>> -> memref<128xi32, #tpu.memory_space<vmem>>
    %dma_wait3A_86 = arith.constant 0 : i32
    %dma_wait3A_87 = arith.constant 0 : i32
    %dma_wait3A_88 = tpu.memref_slice %arg10[%dma_wait3A_86, %dma_wait3A_87] : memref<10240x128xf32, #tpu.memory_space<vmem_shared>> -> memref<10240x128xf32, #tpu.memory_space<vmem_shared>>
    tpu.wait_indirect_dma semaphore(%arg14 : memref<!tpu.dma_semaphore, #tpu.memory_space<semaphore_mem>>) src(%arg9 : memref<128x128xf32, #tpu.memory_space<vmem>>) dst(%dma_wait3A_88 : memref<10240x128xf32, #tpu.memory_space<vmem_shared>>)
    %mul3A_89 = arith.constant 80 : i32
    %mul3A_90 = arith.muli %add3A, %mul3A_89 : i32
    %add3A_91 = arith.constant 40 : i32
    %add3A_92 = arith.addi %mul3A_90, %add3A_91 : i32
    "tpu.region"() ({
      %run_scoped3A = tpu.sem_alloc : memref<!tpu.dma_semaphore, #tpu.memory_space<semaphore_mem>>
      %dma_start3A_190 = arith.constant 0 : i32
      %dma_start3A_191 = tpu.memref_slice %arg3[%add3A_92, %dma_start3A_190] : memref<2560x128xi32, #tpu.memory_space<hbm>> -> memref<40x128xi32, #tpu.memory_space<hbm>>
      %dma_start3A_192 = arith.constant 0 : i32
      %dma_start3A_193 = tpu.memref_slice %arg3[%add3A_92, %dma_start3A_192] : memref<2560x128xi32, #tpu.memory_space<hbm>> -> memref<40x128xi32, #tpu.memory_space<hbm>>
      tpu.enqueue_dma source(%dma_start3A_193 : memref<40x128xi32, #tpu.memory_space<hbm>>) target(%arg6 : memref<40x128xi32, #tpu.memory_space<vmem>>) target_semaphore(%run_scoped3A : memref<!tpu.dma_semaphore, #tpu.memory_space<semaphore_mem>>)
      %dma_wait3A_194 = arith.constant 0 : i32
      %dma_wait3A_195 = tpu.memref_slice %arg3[%add3A_92, %dma_wait3A_194] : memref<2560x128xi32, #tpu.memory_space<hbm>> -> memref<40x128xi32, #tpu.memory_space<hbm>>
      %dma_wait3A_196 = arith.constant 0 : i32
      %dma_wait3A_197 = tpu.memref_slice %arg3[%add3A_92, %dma_wait3A_196] : memref<2560x128xi32, #tpu.memory_space<hbm>> -> memref<40x128xi32, #tpu.memory_space<hbm>>
      tpu.wait_dma2 semaphore(%run_scoped3A : memref<!tpu.dma_semaphore, #tpu.memory_space<semaphore_mem>>) src(%dma_wait3A_197 : memref<40x128xi32, #tpu.memory_space<hbm>>) dst(%arg6 : memref<40x128xi32, #tpu.memory_space<vmem>>)
      tpu.yield
    }) : () -> ()
    "tpu.region"() ({
      %run_scoped3A = tpu.sem_alloc : memref<!tpu.dma_semaphore, #tpu.memory_space<semaphore_mem>>
      %dma_start3A_190 = arith.constant 0 : i32
      %dma_start3A_191 = tpu.memref_slice %arg4[%add3A_92, %dma_start3A_190] : memref<2560x128xi32, #tpu.memory_space<hbm>> -> memref<40x128xi32, #tpu.memory_space<hbm>>
      %dma_start3A_192 = arith.constant 0 : i32
      %dma_start3A_193 = tpu.memref_slice %arg4[%add3A_92, %dma_start3A_192] : memref<2560x128xi32, #tpu.memory_space<hbm>> -> memref<40x128xi32, #tpu.memory_space<hbm>>
      tpu.enqueue_dma source(%dma_start3A_193 : memref<40x128xi32, #tpu.memory_space<hbm>>) target(%arg7 : memref<40x128xi32, #tpu.memory_space<vmem>>) target_semaphore(%run_scoped3A : memref<!tpu.dma_semaphore, #tpu.memory_space<semaphore_mem>>)
      %dma_wait3A_194 = arith.constant 0 : i32
      %dma_wait3A_195 = tpu.memref_slice %arg4[%add3A_92, %dma_wait3A_194] : memref<2560x128xi32, #tpu.memory_space<hbm>> -> memref<40x128xi32, #tpu.memory_space<hbm>>
      %dma_wait3A_196 = arith.constant 0 : i32
      %dma_wait3A_197 = tpu.memref_slice %arg4[%add3A_92, %dma_wait3A_196] : memref<2560x128xi32, #tpu.memory_space<hbm>> -> memref<40x128xi32, #tpu.memory_space<hbm>>
      tpu.wait_dma2 semaphore(%run_scoped3A : memref<!tpu.dma_semaphore, #tpu.memory_space<semaphore_mem>>) src(%dma_wait3A_197 : memref<40x128xi32, #tpu.memory_space<hbm>>) dst(%arg7 : memref<40x128xi32, #tpu.memory_space<vmem>>)
      tpu.yield
    }) : () -> ()
    %dma_start3A_93 = arith.constant 0 : i32
    %dma_start3A_94 = arith.constant 0 : i32
    %dma_start3A_95 = tpu.memref_slice %arg6[%dma_start3A_93, %dma_start3A_94] : memref<40x128xi32, #tpu.memory_space<vmem>> -> memref<1x128xi32, #tpu.memory_space<vmem>>
    %dma_start3A_96 = tpu.memref_squeeze %dma_start3A_95 : memref<1x128xi32, #tpu.memory_space<vmem>> -> memref<128xi32, #tpu.memory_space<vmem>>
    %dma_start3A_97 = arith.constant 0 : i32
    %dma_start3A_98 = arith.constant 0 : i32
    %dma_start3A_99 = tpu.memref_slice %arg2[%dma_start3A_97, %dma_start3A_98] : memref<10240x128xf32, #tpu.memory_space<hbm>> -> memref<10240x128xf32, #tpu.memory_space<hbm>>
    tpu.enqueue_indirect_dma source(%dma_start3A_99 : memref<10240x128xf32, #tpu.memory_space<hbm>>) target(%arg8 : memref<128x128xf32, #tpu.memory_space<vmem>>) offsets(%dma_start3A_96 : memref<128xi32, #tpu.memory_space<vmem>>) semaphore(%arg11 : memref<!tpu.dma_semaphore, #tpu.memory_space<semaphore_mem>>)
    %dma_start3A_100 = arith.constant 1 : i32
    %dma_start3A_101 = arith.constant 0 : i32
    %dma_start3A_102 = tpu.memref_slice %arg6[%dma_start3A_100, %dma_start3A_101] : memref<40x128xi32, #tpu.memory_space<vmem>> -> memref<1x128xi32, #tpu.memory_space<vmem>>
    %dma_start3A_103 = tpu.memref_squeeze %dma_start3A_102 : memref<1x128xi32, #tpu.memory_space<vmem>> -> memref<128xi32, #tpu.memory_space<vmem>>
    %dma_start3A_104 = arith.constant 0 : i32
    %dma_start3A_105 = arith.constant 0 : i32
    %dma_start3A_106 = tpu.memref_slice %arg2[%dma_start3A_104, %dma_start3A_105] : memref<10240x128xf32, #tpu.memory_space<hbm>> -> memref<10240x128xf32, #tpu.memory_space<hbm>>
    tpu.enqueue_indirect_dma source(%dma_start3A_106 : memref<10240x128xf32, #tpu.memory_space<hbm>>) target(%arg9 : memref<128x128xf32, #tpu.memory_space<vmem>>) offsets(%dma_start3A_103 : memref<128xi32, #tpu.memory_space<vmem>>) semaphore(%arg12 : memref<!tpu.dma_semaphore, #tpu.memory_space<semaphore_mem>>)
    %scan3A_107 = arith.constant 0 : i32
    %scan3A_108 = arith.constant 19 : i32
    %scan3A_109 = arith.addi %scan3A_107, %scan3A_108 : i32
    %scan3A_110 = arith.constant 1 : i32
    scf.for %scan3A_190 = %scan3A_107 to %scan3A_109 step %scan3A_110  : i32 {
      %mul3A_191 = arith.constant 2 : i32
      %mul3A_192 = arith.muli %scan3A_190, %mul3A_191 : i32
      %add3A_193 = arith.constant 0 : i32
      %add3A_194 = arith.addi %add3A_193, %mul3A_192 : i32
      %add3A_195 = arith.constant 0 : i32
      %add3A_196 = arith.addi %add3A_194, %add3A_195 : i32
      %dma_wait3A_197 = arith.constant 0 : i32
      %dma_wait3A_198 = tpu.memref_slice %arg6[%add3A_196, %dma_wait3A_197] : memref<40x128xi32, #tpu.memory_space<vmem>> -> memref<1x128xi32, #tpu.memory_space<vmem>>
      %dma_wait3A_199 = tpu.memref_squeeze %dma_wait3A_198 : memref<1x128xi32, #tpu.memory_space<vmem>> -> memref<128xi32, #tpu.memory_space<vmem>>
      %dma_wait3A_200 = arith.constant 0 : i32
      %dma_wait3A_201 = arith.constant 0 : i32
      %dma_wait3A_202 = tpu.memref_slice %arg2[%dma_wait3A_200, %dma_wait3A_201] : memref<10240x128xf32, #tpu.memory_space<hbm>> -> memref<10240x128xf32, #tpu.memory_space<hbm>>
      tpu.wait_indirect_dma semaphore(%arg11 : memref<!tpu.dma_semaphore, #tpu.memory_space<semaphore_mem>>) src(%dma_wait3A_202 : memref<10240x128xf32, #tpu.memory_space<hbm>>) dst(%arg8 : memref<128x128xf32, #tpu.memory_space<vmem>>)
      %add3A_203 = arith.constant 0 : i32
      %add3A_204 = arith.addi %add3A_194, %add3A_203 : i32
      %dma_start3A_205 = arith.constant 0 : i32
      %dma_start3A_206 = tpu.memref_slice %arg7[%add3A_204, %dma_start3A_205] : memref<40x128xi32, #tpu.memory_space<vmem>> -> memref<1x128xi32, #tpu.memory_space<vmem>>
      %dma_start3A_207 = tpu.memref_squeeze %dma_start3A_206 : memref<1x128xi32, #tpu.memory_space<vmem>> -> memref<128xi32, #tpu.memory_space<vmem>>
      %dma_start3A_208 = arith.constant 0 : i32
      %dma_start3A_209 = arith.constant 0 : i32
      %dma_start3A_210 = tpu.memref_slice %arg10[%dma_start3A_208, %dma_start3A_209] : memref<10240x128xf32, #tpu.memory_space<vmem_shared>> -> memref<10240x128xf32, #tpu.memory_space<vmem_shared>>
      tpu.enqueue_indirect_dma source(%arg8 : memref<128x128xf32, #tpu.memory_space<vmem>>) target(%dma_start3A_210 : memref<10240x128xf32, #tpu.memory_space<vmem_shared>>) offsets(%dma_start3A_207 : memref<128xi32, #tpu.memory_space<vmem>>) semaphore(%arg13 : memref<!tpu.dma_semaphore, #tpu.memory_space<semaphore_mem>>) {add = true}
      %add3A_211 = arith.constant 1 : i32
      %add3A_212 = arith.addi %add3A_194, %add3A_211 : i32
      %dma_wait3A_213 = arith.constant 0 : i32
      %dma_wait3A_214 = tpu.memref_slice %arg6[%add3A_212, %dma_wait3A_213] : memref<40x128xi32, #tpu.memory_space<vmem>> -> memref<1x128xi32, #tpu.memory_space<vmem>>
      %dma_wait3A_215 = tpu.memref_squeeze %dma_wait3A_214 : memref<1x128xi32, #tpu.memory_space<vmem>> -> memref<128xi32, #tpu.memory_space<vmem>>
      %dma_wait3A_216 = arith.constant 0 : i32
      %dma_wait3A_217 = arith.constant 0 : i32
      %dma_wait3A_218 = tpu.memref_slice %arg2[%dma_wait3A_216, %dma_wait3A_217] : memref<10240x128xf32, #tpu.memory_space<hbm>> -> memref<10240x128xf32, #tpu.memory_space<hbm>>
      tpu.wait_indirect_dma semaphore(%arg12 : memref<!tpu.dma_semaphore, #tpu.memory_space<semaphore_mem>>) src(%dma_wait3A_218 : memref<10240x128xf32, #tpu.memory_space<hbm>>) dst(%arg9 : memref<128x128xf32, #tpu.memory_space<vmem>>)
      %add3A_219 = arith.constant 1 : i32
      %add3A_220 = arith.addi %add3A_194, %add3A_219 : i32
      %dma_start3A_221 = arith.constant 0 : i32
      %dma_start3A_222 = tpu.memref_slice %arg7[%add3A_220, %dma_start3A_221] : memref<40x128xi32, #tpu.memory_space<vmem>> -> memref<1x128xi32, #tpu.memory_space<vmem>>
      %dma_start3A_223 = tpu.memref_squeeze %dma_start3A_222 : memref<1x128xi32, #tpu.memory_space<vmem>> -> memref<128xi32, #tpu.memory_space<vmem>>
      %dma_start3A_224 = arith.constant 0 : i32
      %dma_start3A_225 = arith.constant 0 : i32
      %dma_start3A_226 = tpu.memref_slice %arg10[%dma_start3A_224, %dma_start3A_225] : memref<10240x128xf32, #tpu.memory_space<vmem_shared>> -> memref<10240x128xf32, #tpu.memory_space<vmem_shared>>
      tpu.enqueue_indirect_dma source(%arg9 : memref<128x128xf32, #tpu.memory_space<vmem>>) target(%dma_start3A_226 : memref<10240x128xf32, #tpu.memory_space<vmem_shared>>) offsets(%dma_start3A_223 : memref<128xi32, #tpu.memory_space<vmem>>) semaphore(%arg14 : memref<!tpu.dma_semaphore, #tpu.memory_space<semaphore_mem>>) {add = true}
      %dma_wait3A_227 = arith.constant 0 : i32
      %dma_wait3A_228 = tpu.memref_slice %arg7[%add3A_204, %dma_wait3A_227] : memref<40x128xi32, #tpu.memory_space<vmem>> -> memref<1x128xi32, #tpu.memory_space<vmem>>
      %dma_wait3A_229 = tpu.memref_squeeze %dma_wait3A_228 : memref<1x128xi32, #tpu.memory_space<vmem>> -> memref<128xi32, #tpu.memory_space<vmem>>
      %dma_wait3A_230 = arith.constant 0 : i32
      %dma_wait3A_231 = arith.constant 0 : i32
      %dma_wait3A_232 = tpu.memref_slice %arg10[%dma_wait3A_230, %dma_wait3A_231] : memref<10240x128xf32, #tpu.memory_space<vmem_shared>> -> memref<10240x128xf32, #tpu.memory_space<vmem_shared>>
      tpu.wait_indirect_dma semaphore(%arg13 : memref<!tpu.dma_semaphore, #tpu.memory_space<semaphore_mem>>) src(%arg8 : memref<128x128xf32, #tpu.memory_space<vmem>>) dst(%dma_wait3A_232 : memref<10240x128xf32, #tpu.memory_space<vmem_shared>>)
      %add3A_233 = arith.constant 2 : i32
      %add3A_234 = arith.addi %add3A_194, %add3A_233 : i32
      %add3A_235 = arith.constant 0 : i32
      %add3A_236 = arith.addi %add3A_234, %add3A_235 : i32
      %dma_start3A_237 = arith.constant 0 : i32
      %dma_start3A_238 = tpu.memref_slice %arg6[%add3A_236, %dma_start3A_237] : memref<40x128xi32, #tpu.memory_space<vmem>> -> memref<1x128xi32, #tpu.memory_space<vmem>>
      %dma_start3A_239 = tpu.memref_squeeze %dma_start3A_238 : memref<1x128xi32, #tpu.memory_space<vmem>> -> memref<128xi32, #tpu.memory_space<vmem>>
      %dma_start3A_240 = arith.constant 0 : i32
      %dma_start3A_241 = arith.constant 0 : i32
      %dma_start3A_242 = tpu.memref_slice %arg2[%dma_start3A_240, %dma_start3A_241] : memref<10240x128xf32, #tpu.memory_space<hbm>> -> memref<10240x128xf32, #tpu.memory_space<hbm>>
      tpu.enqueue_indirect_dma source(%dma_start3A_242 : memref<10240x128xf32, #tpu.memory_space<hbm>>) target(%arg8 : memref<128x128xf32, #tpu.memory_space<vmem>>) offsets(%dma_start3A_239 : memref<128xi32, #tpu.memory_space<vmem>>) semaphore(%arg11 : memref<!tpu.dma_semaphore, #tpu.memory_space<semaphore_mem>>)
      %dma_wait3A_243 = arith.constant 0 : i32
      %dma_wait3A_244 = tpu.memref_slice %arg7[%add3A_220, %dma_wait3A_243] : memref<40x128xi32, #tpu.memory_space<vmem>> -> memref<1x128xi32, #tpu.memory_space<vmem>>
      %dma_wait3A_245 = tpu.memref_squeeze %dma_wait3A_244 : memref<1x128xi32, #tpu.memory_space<vmem>> -> memref<128xi32, #tpu.memory_space<vmem>>
      %dma_wait3A_246 = arith.constant 0 : i32
      %dma_wait3A_247 = arith.constant 0 : i32
      %dma_wait3A_248 = tpu.memref_slice %arg10[%dma_wait3A_246, %dma_wait3A_247] : memref<10240x128xf32, #tpu.memory_space<vmem_shared>> -> memref<10240x128xf32, #tpu.memory_space<vmem_shared>>
      tpu.wait_indirect_dma semaphore(%arg14 : memref<!tpu.dma_semaphore, #tpu.memory_space<semaphore_mem>>) src(%arg9 : memref<128x128xf32, #tpu.memory_space<vmem>>) dst(%dma_wait3A_248 : memref<10240x128xf32, #tpu.memory_space<vmem_shared>>)
      %add3A_249 = arith.constant 2 : i32
      %add3A_250 = arith.addi %add3A_194, %add3A_249 : i32
      %add3A_251 = arith.constant 1 : i32
      %add3A_252 = arith.addi %add3A_250, %add3A_251 : i32
      %dma_start3A_253 = arith.constant 0 : i32
      %dma_start3A_254 = tpu.memref_slice %arg6[%add3A_252, %dma_start3A_253] : memref<40x128xi32, #tpu.memory_space<vmem>> -> memref<1x128xi32, #tpu.memory_space<vmem>>
      %dma_start3A_255 = tpu.memref_squeeze %dma_start3A_254 : memref<1x128xi32, #tpu.memory_space<vmem>> -> memref<128xi32, #tpu.memory_space<vmem>>
      %dma_start3A_256 = arith.constant 0 : i32
      %dma_start3A_257 = arith.constant 0 : i32
      %dma_start3A_258 = tpu.memref_slice %arg2[%dma_start3A_256, %dma_start3A_257] : memref<10240x128xf32, #tpu.memory_space<hbm>> -> memref<10240x128xf32, #tpu.memory_space<hbm>>
      tpu.enqueue_indirect_dma source(%dma_start3A_258 : memref<10240x128xf32, #tpu.memory_space<hbm>>) target(%arg9 : memref<128x128xf32, #tpu.memory_space<vmem>>) offsets(%dma_start3A_255 : memref<128xi32, #tpu.memory_space<vmem>>) semaphore(%arg12 : memref<!tpu.dma_semaphore, #tpu.memory_space<semaphore_mem>>)
    }
    %scan3A_111 = arith.constant 19 : i32
    %dma_wait3A_112 = arith.constant 38 : i32
    %dma_wait3A_113 = arith.constant 0 : i32
    %dma_wait3A_114 = tpu.memref_slice %arg6[%dma_wait3A_112, %dma_wait3A_113] : memref<40x128xi32, #tpu.memory_space<vmem>> -> memref<1x128xi32, #tpu.memory_space<vmem>>
    %dma_wait3A_115 = tpu.memref_squeeze %dma_wait3A_114 : memref<1x128xi32, #tpu.memory_space<vmem>> -> memref<128xi32, #tpu.memory_space<vmem>>
    %dma_wait3A_116 = arith.constant 0 : i32
    %dma_wait3A_117 = arith.constant 0 : i32
    %dma_wait3A_118 = tpu.memref_slice %arg2[%dma_wait3A_116, %dma_wait3A_117] : memref<10240x128xf32, #tpu.memory_space<hbm>> -> memref<10240x128xf32, #tpu.memory_space<hbm>>
    tpu.wait_indirect_dma semaphore(%arg11 : memref<!tpu.dma_semaphore, #tpu.memory_space<semaphore_mem>>) src(%dma_wait3A_118 : memref<10240x128xf32, #tpu.memory_space<hbm>>) dst(%arg8 : memref<128x128xf32, #tpu.memory_space<vmem>>)
    %dma_start3A_119 = arith.constant 38 : i32
    %dma_start3A_120 = arith.constant 0 : i32
    %dma_start3A_121 = tpu.memref_slice %arg7[%dma_start3A_119, %dma_start3A_120] : memref<40x128xi32, #tpu.memory_space<vmem>> -> memref<1x128xi32, #tpu.memory_space<vmem>>
    %dma_start3A_122 = tpu.memref_squeeze %dma_start3A_121 : memref<1x128xi32, #tpu.memory_space<vmem>> -> memref<128xi32, #tpu.memory_space<vmem>>
    %dma_start3A_123 = arith.constant 0 : i32
    %dma_start3A_124 = arith.constant 0 : i32
    %dma_start3A_125 = tpu.memref_slice %arg10[%dma_start3A_123, %dma_start3A_124] : memref<10240x128xf32, #tpu.memory_space<vmem_shared>> -> memref<10240x128xf32, #tpu.memory_space<vmem_shared>>
    tpu.enqueue_indirect_dma source(%arg8 : memref<128x128xf32, #tpu.memory_space<vmem>>) target(%dma_start3A_125 : memref<10240x128xf32, #tpu.memory_space<vmem_shared>>) offsets(%dma_start3A_122 : memref<128xi32, #tpu.memory_space<vmem>>) semaphore(%arg13 : memref<!tpu.dma_semaphore, #tpu.memory_space<semaphore_mem>>) {add = true}
    %dma_wait3A_126 = arith.constant 39 : i32
    %dma_wait3A_127 = arith.constant 0 : i32
    %dma_wait3A_128 = tpu.memref_slice %arg6[%dma_wait3A_126, %dma_wait3A_127] : memref<40x128xi32, #tpu.memory_space<vmem>> -> memref<1x128xi32, #tpu.memory_space<vmem>>
    %dma_wait3A_129 = tpu.memref_squeeze %dma_wait3A_128 : memref<1x128xi32, #tpu.memory_space<vmem>> -> memref<128xi32, #tpu.memory_space<vmem>>
    %dma_wait3A_130 = arith.constant 0 : i32
    %dma_wait3A_131 = arith.constant 0 : i32
    %dma_wait3A_132 = tpu.memref_slice %arg2[%dma_wait3A_130, %dma_wait3A_131] : memref<10240x128xf32, #tpu.memory_space<hbm>> -> memref<10240x128xf32, #tpu.memory_space<hbm>>
    tpu.wait_indirect_dma semaphore(%arg12 : memref<!tpu.dma_semaphore, #tpu.memory_space<semaphore_mem>>) src(%dma_wait3A_132 : memref<10240x128xf32, #tpu.memory_space<hbm>>) dst(%arg9 : memref<128x128xf32, #tpu.memory_space<vmem>>)
    %dma_start3A_133 = arith.constant 39 : i32
    %dma_start3A_134 = arith.constant 0 : i32
    %dma_start3A_135 = tpu.memref_slice %arg7[%dma_start3A_133, %dma_start3A_134] : memref<40x128xi32, #tpu.memory_space<vmem>> -> memref<1x128xi32, #tpu.memory_space<vmem>>
    %dma_start3A_136 = tpu.memref_squeeze %dma_start3A_135 : memref<1x128xi32, #tpu.memory_space<vmem>> -> memref<128xi32, #tpu.memory_space<vmem>>
    %dma_start3A_137 = arith.constant 0 : i32
    %dma_start3A_138 = arith.constant 0 : i32
    %dma_start3A_139 = tpu.memref_slice %arg10[%dma_start3A_137, %dma_start3A_138] : memref<10240x128xf32, #tpu.memory_space<vmem_shared>> -> memref<10240x128xf32, #tpu.memory_space<vmem_shared>>
    tpu.enqueue_indirect_dma source(%arg9 : memref<128x128xf32, #tpu.memory_space<vmem>>) target(%dma_start3A_139 : memref<10240x128xf32, #tpu.memory_space<vmem_shared>>) offsets(%dma_start3A_136 : memref<128xi32, #tpu.memory_space<vmem>>) semaphore(%arg14 : memref<!tpu.dma_semaphore, #tpu.memory_space<semaphore_mem>>) {add = true}
    %dma_wait3A_140 = arith.constant 38 : i32
    %dma_wait3A_141 = arith.constant 0 : i32
    %dma_wait3A_142 = tpu.memref_slice %arg7[%dma_wait3A_140, %dma_wait3A_141] : memref<40x128xi32, #tpu.memory_space<vmem>> -> memref<1x128xi32, #tpu.memory_space<vmem>>
    %dma_wait3A_143 = tpu.memref_squeeze %dma_wait3A_142 : memref<1x128xi32, #tpu.memory_space<vmem>> -> memref<128xi32, #tpu.memory_space<vmem>>
    %dma_wait3A_144 = arith.constant 0 : i32
    %dma_wait3A_145 = arith.constant 0 : i32
    %dma_wait3A_146 = tpu.memref_slice %arg10[%dma_wait3A_144, %dma_wait3A_145] : memref<10240x128xf32, #tpu.memory_space<vmem_shared>> -> memref<10240x128xf32, #tpu.memory_space<vmem_shared>>
    tpu.wait_indirect_dma semaphore(%arg13 : memref<!tpu.dma_semaphore, #tpu.memory_space<semaphore_mem>>) src(%arg8 : memref<128x128xf32, #tpu.memory_space<vmem>>) dst(%dma_wait3A_146 : memref<10240x128xf32, #tpu.memory_space<vmem_shared>>)
    %dma_wait3A_147 = arith.constant 39 : i32
    %dma_wait3A_148 = arith.constant 0 : i32
    %dma_wait3A_149 = tpu.memref_slice %arg7[%dma_wait3A_147, %dma_wait3A_148] : memref<40x128xi32, #tpu.memory_space<vmem>> -> memref<1x128xi32, #tpu.memory_space<vmem>>
    %dma_wait3A_150 = tpu.memref_squeeze %dma_wait3A_149 : memref<1x128xi32, #tpu.memory_space<vmem>> -> memref<128xi32, #tpu.memory_space<vmem>>
    %dma_wait3A_151 = arith.constant 0 : i32
    %dma_wait3A_152 = arith.constant 0 : i32
    %dma_wait3A_153 = tpu.memref_slice %arg10[%dma_wait3A_151, %dma_wait3A_152] : memref<10240x128xf32, #tpu.memory_space<vmem_shared>> -> memref<10240x128xf32, #tpu.memory_space<vmem_shared>>
    tpu.wait_indirect_dma semaphore(%arg14 : memref<!tpu.dma_semaphore, #tpu.memory_space<semaphore_mem>>) src(%arg9 : memref<128x128xf32, #tpu.memory_space<vmem>>) dst(%dma_wait3A_153 : memref<10240x128xf32, #tpu.memory_space<vmem_shared>>)
    %barrier3A_154 = arith.constant 0 : index
    tpu.barrier barrier_id(%barrier3A_154)
    %mul3A_155 = arith.constant 640 : i32
    %mul3A_156 = arith.muli %arg1, %mul3A_155 : i32
    %add3A_157 = arith.constant 0 : i32
    %add3A_158 = arith.addi %mul3A_156, %add3A_157 : i32
    "tpu.region"() ({
      %run_scoped3A = tpu.sem_alloc : memref<!tpu.dma_semaphore, #tpu.memory_space<semaphore_mem>>
      %dma_start3A_190 = arith.constant 0 : i32
      %dma_start3A_191 = tpu.memref_slice %arg10[%add3A_158, %dma_start3A_190] : memref<10240x128xf32, #tpu.memory_space<vmem_shared>> -> memref<128x128xf32, #tpu.memory_space<vmem_shared>>
      %dma_start3A_192 = arith.constant 0 : i32
      %dma_start3A_193 = tpu.memref_slice %arg10[%add3A_158, %dma_start3A_192] : memref<10240x128xf32, #tpu.memory_space<vmem_shared>> -> memref<128x128xf32, #tpu.memory_space<vmem_shared>>
      tpu.enqueue_dma source(%dma_start3A_193 : memref<128x128xf32, #tpu.memory_space<vmem_shared>>) target(%arg8 : memref<128x128xf32, #tpu.memory_space<vmem>>) target_semaphore(%run_scoped3A : memref<!tpu.dma_semaphore, #tpu.memory_space<semaphore_mem>>)
      %dma_wait3A_194 = arith.constant 0 : i32
      %dma_wait3A_195 = tpu.memref_slice %arg10[%add3A_158, %dma_wait3A_194] : memref<10240x128xf32, #tpu.memory_space<vmem_shared>> -> memref<128x128xf32, #tpu.memory_space<vmem_shared>>
      %dma_wait3A_196 = arith.constant 0 : i32
      %dma_wait3A_197 = tpu.memref_slice %arg10[%add3A_158, %dma_wait3A_196] : memref<10240x128xf32, #tpu.memory_space<vmem_shared>> -> memref<128x128xf32, #tpu.memory_space<vmem_shared>>
      tpu.wait_dma2 semaphore(%run_scoped3A : memref<!tpu.dma_semaphore, #tpu.memory_space<semaphore_mem>>) src(%dma_wait3A_197 : memref<128x128xf32, #tpu.memory_space<vmem_shared>>) dst(%arg8 : memref<128x128xf32, #tpu.memory_space<vmem>>)
      tpu.yield
    }) : () -> ()
    %mul3A_159 = arith.constant 10240 : i32
    %mul3A_160 = arith.muli %arg0, %mul3A_159 : i32
    %add3A_161 = arith.addi %mul3A_160, %add3A_158 : i32
    "tpu.region"() ({
      %run_scoped3A = tpu.sem_alloc : memref<!tpu.dma_semaphore, #tpu.memory_space<semaphore_mem>>
      %dma_start3A_190 = arith.constant 0 : i32
      %dma_start3A_191 = tpu.memref_slice %arg5[%add3A_161, %dma_start3A_190] : memref<20480x128xf32, #tpu.memory_space<hbm>> -> memref<128x128xf32, #tpu.memory_space<hbm>>
      %dma_start3A_192 = arith.constant 0 : i32
      %dma_start3A_193 = tpu.memref_slice %arg5[%add3A_161, %dma_start3A_192] : memref<20480x128xf32, #tpu.memory_space<hbm>> -> memref<128x128xf32, #tpu.memory_space<hbm>>
      tpu.enqueue_dma source(%arg8 : memref<128x128xf32, #tpu.memory_space<vmem>>) target(%dma_start3A_193 : memref<128x128xf32, #tpu.memory_space<hbm>>) target_semaphore(%run_scoped3A : memref<!tpu.dma_semaphore, #tpu.memory_space<semaphore_mem>>)
      %dma_wait3A_194 = arith.constant 0 : i32
      %dma_wait3A_195 = tpu.memref_slice %arg5[%add3A_161, %dma_wait3A_194] : memref<20480x128xf32, #tpu.memory_space<hbm>> -> memref<128x128xf32, #tpu.memory_space<hbm>>
      %dma_wait3A_196 = arith.constant 0 : i32
      %dma_wait3A_197 = tpu.memref_slice %arg5[%add3A_161, %dma_wait3A_196] : memref<20480x128xf32, #tpu.memory_space<hbm>> -> memref<128x128xf32, #tpu.memory_space<hbm>>
      tpu.wait_dma2 semaphore(%run_scoped3A : memref<!tpu.dma_semaphore, #tpu.memory_space<semaphore_mem>>) src(%arg8 : memref<128x128xf32, #tpu.memory_space<vmem>>) dst(%dma_wait3A_197 : memref<128x128xf32, #tpu.memory_space<hbm>>)
      tpu.yield
    }) : () -> ()
    %mul3A_162 = arith.constant 640 : i32
    %mul3A_163 = arith.muli %arg1, %mul3A_162 : i32
    %add3A_164 = arith.constant 128 : i32
    %add3A_165 = arith.addi %mul3A_163, %add3A_164 : i32
    "tpu.region"() ({
      %run_scoped3A = tpu.sem_alloc : memref<!tpu.dma_semaphore, #tpu.memory_space<semaphore_mem>>
      %dma_start3A_190 = arith.constant 0 : i32
      %dma_start3A_191 = tpu.memref_slice %arg10[%add3A_165, %dma_start3A_190] : memref<10240x128xf32, #tpu.memory_space<vmem_shared>> -> memref<128x128xf32, #tpu.memory_space<vmem_shared>>
      %dma_start3A_192 = arith.constant 0 : i32
      %dma_start3A_193 = tpu.memref_slice %arg10[%add3A_165, %dma_start3A_192] : memref<10240x128xf32, #tpu.memory_space<vmem_shared>> -> memref<128x128xf32, #tpu.memory_space<vmem_shared>>
      tpu.enqueue_dma source(%dma_start3A_193 : memref<128x128xf32, #tpu.memory_space<vmem_shared>>) target(%arg8 : memref<128x128xf32, #tpu.memory_space<vmem>>) target_semaphore(%run_scoped3A : memref<!tpu.dma_semaphore, #tpu.memory_space<semaphore_mem>>)
      %dma_wait3A_194 = arith.constant 0 : i32
      %dma_wait3A_195 = tpu.memref_slice %arg10[%add3A_165, %dma_wait3A_194] : memref<10240x128xf32, #tpu.memory_space<vmem_shared>> -> memref<128x128xf32, #tpu.memory_space<vmem_shared>>
      %dma_wait3A_196 = arith.constant 0 : i32
      %dma_wait3A_197 = tpu.memref_slice %arg10[%add3A_165, %dma_wait3A_196] : memref<10240x128xf32, #tpu.memory_space<vmem_shared>> -> memref<128x128xf32, #tpu.memory_space<vmem_shared>>
      tpu.wait_dma2 semaphore(%run_scoped3A : memref<!tpu.dma_semaphore, #tpu.memory_space<semaphore_mem>>) src(%dma_wait3A_197 : memref<128x128xf32, #tpu.memory_space<vmem_shared>>) dst(%arg8 : memref<128x128xf32, #tpu.memory_space<vmem>>)
      tpu.yield
    }) : () -> ()
    %mul3A_166 = arith.constant 10240 : i32
    %mul3A_167 = arith.muli %arg0, %mul3A_166 : i32
    %add3A_168 = arith.addi %mul3A_167, %add3A_165 : i32
    "tpu.region"() ({
      %run_scoped3A = tpu.sem_alloc : memref<!tpu.dma_semaphore, #tpu.memory_space<semaphore_mem>>
      %dma_start3A_190 = arith.constant 0 : i32
      %dma_start3A_191 = tpu.memref_slice %arg5[%add3A_168, %dma_start3A_190] : memref<20480x128xf32, #tpu.memory_space<hbm>> -> memref<128x128xf32, #tpu.memory_space<hbm>>
      %dma_start3A_192 = arith.constant 0 : i32
      %dma_start3A_193 = tpu.memref_slice %arg5[%add3A_168, %dma_start3A_192] : memref<20480x128xf32, #tpu.memory_space<hbm>> -> memref<128x128xf32, #tpu.memory_space<hbm>>
      tpu.enqueue_dma source(%arg8 : memref<128x128xf32, #tpu.memory_space<vmem>>) target(%dma_start3A_193 : memref<128x128xf32, #tpu.memory_space<hbm>>) target_semaphore(%run_scoped3A : memref<!tpu.dma_semaphore, #tpu.memory_space<semaphore_mem>>)
      %dma_wait3A_194 = arith.constant 0 : i32
      %dma_wait3A_195 = tpu.memref_slice %arg5[%add3A_168, %dma_wait3A_194] : memref<20480x128xf32, #tpu.memory_space<hbm>> -> memref<128x128xf32, #tpu.memory_space<hbm>>
      %dma_wait3A_196 = arith.constant 0 : i32
      %dma_wait3A_197 = tpu.memref_slice %arg5[%add3A_168, %dma_wait3A_196] : memref<20480x128xf32, #tpu.memory_space<hbm>> -> memref<128x128xf32, #tpu.memory_space<hbm>>
      tpu.wait_dma2 semaphore(%run_scoped3A : memref<!tpu.dma_semaphore, #tpu.memory_space<semaphore_mem>>) src(%arg8 : memref<128x128xf32, #tpu.memory_space<vmem>>) dst(%dma_wait3A_197 : memref<128x128xf32, #tpu.memory_space<hbm>>)
      tpu.yield
    }) : () -> ()
    %mul3A_169 = arith.constant 640 : i32
    %mul3A_170 = arith.muli %arg1, %mul3A_169 : i32
    %add3A_171 = arith.constant 256 : i32
    %add3A_172 = arith.addi %mul3A_170, %add3A_171 : i32
    "tpu.region"() ({
      %run_scoped3A = tpu.sem_alloc : memref<!tpu.dma_semaphore, #tpu.memory_space<semaphore_mem>>
      %dma_start3A_190 = arith.constant 0 : i32
      %dma_start3A_191 = tpu.memref_slice %arg10[%add3A_172, %dma_start3A_190] : memref<10240x128xf32, #tpu.memory_space<vmem_shared>> -> memref<128x128xf32, #tpu.memory_space<vmem_shared>>
      %dma_start3A_192 = arith.constant 0 : i32
      %dma_start3A_193 = tpu.memref_slice %arg10[%add3A_172, %dma_start3A_192] : memref<10240x128xf32, #tpu.memory_space<vmem_shared>> -> memref<128x128xf32, #tpu.memory_space<vmem_shared>>
      tpu.enqueue_dma source(%dma_start3A_193 : memref<128x128xf32, #tpu.memory_space<vmem_shared>>) target(%arg8 : memref<128x128xf32, #tpu.memory_space<vmem>>) target_semaphore(%run_scoped3A : memref<!tpu.dma_semaphore, #tpu.memory_space<semaphore_mem>>)
      %dma_wait3A_194 = arith.constant 0 : i32
      %dma_wait3A_195 = tpu.memref_slice %arg10[%add3A_172, %dma_wait3A_194] : memref<10240x128xf32, #tpu.memory_space<vmem_shared>> -> memref<128x128xf32, #tpu.memory_space<vmem_shared>>
      %dma_wait3A_196 = arith.constant 0 : i32
      %dma_wait3A_197 = tpu.memref_slice %arg10[%add3A_172, %dma_wait3A_196] : memref<10240x128xf32, #tpu.memory_space<vmem_shared>> -> memref<128x128xf32, #tpu.memory_space<vmem_shared>>
      tpu.wait_dma2 semaphore(%run_scoped3A : memref<!tpu.dma_semaphore, #tpu.memory_space<semaphore_mem>>) src(%dma_wait3A_197 : memref<128x128xf32, #tpu.memory_space<vmem_shared>>) dst(%arg8 : memref<128x128xf32, #tpu.memory_space<vmem>>)
      tpu.yield
    }) : () -> ()
    %mul3A_173 = arith.constant 10240 : i32
    %mul3A_174 = arith.muli %arg0, %mul3A_173 : i32
    %add3A_175 = arith.addi %mul3A_174, %add3A_172 : i32
    "tpu.region"() ({
      %run_scoped3A = tpu.sem_alloc : memref<!tpu.dma_semaphore, #tpu.memory_space<semaphore_mem>>
      %dma_start3A_190 = arith.constant 0 : i32
      %dma_start3A_191 = tpu.memref_slice %arg5[%add3A_175, %dma_start3A_190] : memref<20480x128xf32, #tpu.memory_space<hbm>> -> memref<128x128xf32, #tpu.memory_space<hbm>>
      %dma_start3A_192 = arith.constant 0 : i32
      %dma_start3A_193 = tpu.memref_slice %arg5[%add3A_175, %dma_start3A_192] : memref<20480x128xf32, #tpu.memory_space<hbm>> -> memref<128x128xf32, #tpu.memory_space<hbm>>
      tpu.enqueue_dma source(%arg8 : memref<128x128xf32, #tpu.memory_space<vmem>>) target(%dma_start3A_193 : memref<128x128xf32, #tpu.memory_space<hbm>>) target_semaphore(%run_scoped3A : memref<!tpu.dma_semaphore, #tpu.memory_space<semaphore_mem>>)
      %dma_wait3A_194 = arith.constant 0 : i32
      %dma_wait3A_195 = tpu.memref_slice %arg5[%add3A_175, %dma_wait3A_194] : memref<20480x128xf32, #tpu.memory_space<hbm>> -> memref<128x128xf32, #tpu.memory_space<hbm>>
      %dma_wait3A_196 = arith.constant 0 : i32
      %dma_wait3A_197 = tpu.memref_slice %arg5[%add3A_175, %dma_wait3A_196] : memref<20480x128xf32, #tpu.memory_space<hbm>> -> memref<128x128xf32, #tpu.memory_space<hbm>>
      tpu.wait_dma2 semaphore(%run_scoped3A : memref<!tpu.dma_semaphore, #tpu.memory_space<semaphore_mem>>) src(%arg8 : memref<128x128xf32, #tpu.memory_space<vmem>>) dst(%dma_wait3A_197 : memref<128x128xf32, #tpu.memory_space<hbm>>)
      tpu.yield
    }) : () -> ()
    %mul3A_176 = arith.constant 640 : i32
    %mul3A_177 = arith.muli %arg1, %mul3A_176 : i32
    %add3A_178 = arith.constant 384 : i32
    %add3A_179 = arith.addi %mul3A_177, %add3A_178 : i32
    "tpu.region"() ({
      %run_scoped3A = tpu.sem_alloc : memref<!tpu.dma_semaphore, #tpu.memory_space<semaphore_mem>>
      %dma_start3A_190 = arith.constant 0 : i32
      %dma_start3A_191 = tpu.memref_slice %arg10[%add3A_179, %dma_start3A_190] : memref<10240x128xf32, #tpu.memory_space<vmem_shared>> -> memref<128x128xf32, #tpu.memory_space<vmem_shared>>
      %dma_start3A_192 = arith.constant 0 : i32
      %dma_start3A_193 = tpu.memref_slice %arg10[%add3A_179, %dma_start3A_192] : memref<10240x128xf32, #tpu.memory_space<vmem_shared>> -> memref<128x128xf32, #tpu.memory_space<vmem_shared>>
      tpu.enqueue_dma source(%dma_start3A_193 : memref<128x128xf32, #tpu.memory_space<vmem_shared>>) target(%arg8 : memref<128x128xf32, #tpu.memory_space<vmem>>) target_semaphore(%run_scoped3A : memref<!tpu.dma_semaphore, #tpu.memory_space<semaphore_mem>>)
      %dma_wait3A_194 = arith.constant 0 : i32
      %dma_wait3A_195 = tpu.memref_slice %arg10[%add3A_179, %dma_wait3A_194] : memref<10240x128xf32, #tpu.memory_space<vmem_shared>> -> memref<128x128xf32, #tpu.memory_space<vmem_shared>>
      %dma_wait3A_196 = arith.constant 0 : i32
      %dma_wait3A_197 = tpu.memref_slice %arg10[%add3A_179, %dma_wait3A_196] : memref<10240x128xf32, #tpu.memory_space<vmem_shared>> -> memref<128x128xf32, #tpu.memory_space<vmem_shared>>
      tpu.wait_dma2 semaphore(%run_scoped3A : memref<!tpu.dma_semaphore, #tpu.memory_space<semaphore_mem>>) src(%dma_wait3A_197 : memref<128x128xf32, #tpu.memory_space<vmem_shared>>) dst(%arg8 : memref<128x128xf32, #tpu.memory_space<vmem>>)
      tpu.yield
    }) : () -> ()
    %mul3A_180 = arith.constant 10240 : i32
    %mul3A_181 = arith.muli %arg0, %mul3A_180 : i32
    %add3A_182 = arith.addi %mul3A_181, %add3A_179 : i32
    "tpu.region"() ({
      %run_scoped3A = tpu.sem_alloc : memref<!tpu.dma_semaphore, #tpu.memory_space<semaphore_mem>>
      %dma_start3A_190 = arith.constant 0 : i32
      %dma_start3A_191 = tpu.memref_slice %arg5[%add3A_182, %dma_start3A_190] : memref<20480x128xf32, #tpu.memory_space<hbm>> -> memref<128x128xf32, #tpu.memory_space<hbm>>
      %dma_start3A_192 = arith.constant 0 : i32
      %dma_start3A_193 = tpu.memref_slice %arg5[%add3A_182, %dma_start3A_192] : memref<20480x128xf32, #tpu.memory_space<hbm>> -> memref<128x128xf32, #tpu.memory_space<hbm>>
      tpu.enqueue_dma source(%arg8 : memref<128x128xf32, #tpu.memory_space<vmem>>) target(%dma_start3A_193 : memref<128x128xf32, #tpu.memory_space<hbm>>) target_semaphore(%run_scoped3A : memref<!tpu.dma_semaphore, #tpu.memory_space<semaphore_mem>>)
      %dma_wait3A_194 = arith.constant 0 : i32
      %dma_wait3A_195 = tpu.memref_slice %arg5[%add3A_182, %dma_wait3A_194] : memref<20480x128xf32, #tpu.memory_space<hbm>> -> memref<128x128xf32, #tpu.memory_space<hbm>>
      %dma_wait3A_196 = arith.constant 0 : i32
      %dma_wait3A_197 = tpu.memref_slice %arg5[%add3A_182, %dma_wait3A_196] : memref<20480x128xf32, #tpu.memory_space<hbm>> -> memref<128x128xf32, #tpu.memory_space<hbm>>
      tpu.wait_dma2 semaphore(%run_scoped3A : memref<!tpu.dma_semaphore, #tpu.memory_space<semaphore_mem>>) src(%arg8 : memref<128x128xf32, #tpu.memory_space<vmem>>) dst(%dma_wait3A_197 : memref<128x128xf32, #tpu.memory_space<hbm>>)
      tpu.yield
    }) : () -> ()
    %mul3A_183 = arith.constant 640 : i32
    %mul3A_184 = arith.muli %arg1, %mul3A_183 : i32
    %add3A_185 = arith.constant 512 : i32
    %add3A_186 = arith.addi %mul3A_184, %add3A_185 : i32
    "tpu.region"() ({
      %run_scoped3A = tpu.sem_alloc : memref<!tpu.dma_semaphore, #tpu.memory_space<semaphore_mem>>
      %dma_start3A_190 = arith.constant 0 : i32
      %dma_start3A_191 = tpu.memref_slice %arg10[%add3A_186, %dma_start3A_190] : memref<10240x128xf32, #tpu.memory_space<vmem_shared>> -> memref<128x128xf32, #tpu.memory_space<vmem_shared>>
      %dma_start3A_192 = arith.constant 0 : i32
      %dma_start3A_193 = tpu.memref_slice %arg10[%add3A_186, %dma_start3A_192] : memref<10240x128xf32, #tpu.memory_space<vmem_shared>> -> memref<128x128xf32, #tpu.memory_space<vmem_shared>>
      tpu.enqueue_dma source(%dma_start3A_193 : memref<128x128xf32, #tpu.memory_space<vmem_shared>>) target(%arg8 : memref<128x128xf32, #tpu.memory_space<vmem>>) target_semaphore(%run_scoped3A : memref<!tpu.dma_semaphore, #tpu.memory_space<semaphore_mem>>)
      %dma_wait3A_194 = arith.constant 0 : i32
      %dma_wait3A_195 = tpu.memref_slice %arg10[%add3A_186, %dma_wait3A_194] : memref<10240x128xf32, #tpu.memory_space<vmem_shared>> -> memref<128x128xf32, #tpu.memory_space<vmem_shared>>
      %dma_wait3A_196 = arith.constant 0 : i32
      %dma_wait3A_197 = tpu.memref_slice %arg10[%add3A_186, %dma_wait3A_196] : memref<10240x128xf32, #tpu.memory_space<vmem_shared>> -> memref<128x128xf32, #tpu.memory_space<vmem_shared>>
      tpu.wait_dma2 semaphore(%run_scoped3A : memref<!tpu.dma_semaphore, #tpu.memory_space<semaphore_mem>>) src(%dma_wait3A_197 : memref<128x128xf32, #tpu.memory_space<vmem_shared>>) dst(%arg8 : memref<128x128xf32, #tpu.memory_space<vmem>>)
      tpu.yield
    }) : () -> ()
    %mul3A_187 = arith.constant 10240 : i32
    %mul3A_188 = arith.muli %arg0, %mul3A_187 : i32
    %add3A_189 = arith.addi %mul3A_188, %add3A_186 : i32
    "tpu.region"() ({
      %run_scoped3A = tpu.sem_alloc : memref<!tpu.dma_semaphore, #tpu.memory_space<semaphore_mem>>
      %dma_start3A_190 = arith.constant 0 : i32
      %dma_start3A_191 = tpu.memref_slice %arg5[%add3A_189, %dma_start3A_190] : memref<20480x128xf32, #tpu.memory_space<hbm>> -> memref<128x128xf32, #tpu.memory_space<hbm>>
      %dma_start3A_192 = arith.constant 0 : i32
      %dma_start3A_193 = tpu.memref_slice %arg5[%add3A_189, %dma_start3A_192] : memref<20480x128xf32, #tpu.memory_space<hbm>> -> memref<128x128xf32, #tpu.memory_space<hbm>>
      tpu.enqueue_dma source(%arg8 : memref<128x128xf32, #tpu.memory_space<vmem>>) target(%dma_start3A_193 : memref<128x128xf32, #tpu.memory_space<hbm>>) target_semaphore(%run_scoped3A : memref<!tpu.dma_semaphore, #tpu.memory_space<semaphore_mem>>)
      %dma_wait3A_194 = arith.constant 0 : i32
      %dma_wait3A_195 = tpu.memref_slice %arg5[%add3A_189, %dma_wait3A_194] : memref<20480x128xf32, #tpu.memory_space<hbm>> -> memref<128x128xf32, #tpu.memory_space<hbm>>
      %dma_wait3A_196 = arith.constant 0 : i32
      %dma_wait3A_197 = tpu.memref_slice %arg5[%add3A_189, %dma_wait3A_196] : memref<20480x128xf32, #tpu.memory_space<hbm>> -> memref<128x128xf32, #tpu.memory_space<hbm>>
      tpu.wait_dma2 semaphore(%run_scoped3A : memref<!tpu.dma_semaphore, #tpu.memory_space<semaphore_mem>>) src(%arg8 : memref<128x128xf32, #tpu.memory_space<vmem>>) dst(%dma_wait3A_197 : memref<128x128xf32, #tpu.memory_space<hbm>>)
      tpu.yield
    }) : () -> ()
    return
  }
}

#map = affine_map<(d0, d1) -> (0, 0)>
module attributes {stable_mosaic.version = 14 : i64} {
  func.func @body(%arg0: i32, %arg1: i32, %arg2: memref<10240x128xf32, #tpu.memory_space<hbm>>, %arg3: memref<2560x128xi32, #tpu.memory_space<hbm>>, %arg4: memref<2560x128xi32, #tpu.memory_space<hbm>>, %arg5: memref<20480x128xf32, #tpu.memory_space<hbm>>, %arg6: memref<40x128xi32, #tpu.memory_space<vmem>>, %arg7: memref<40x128xi32, #tpu.memory_space<vmem>>, %arg8: memref<128x128xf32, #tpu.memory_space<vmem>>, %arg9: memref<128x128xf32, #tpu.memory_space<vmem>>, %arg10: memref<10240x128xf32, #tpu.memory_space<vmem_shared>>, %arg11: memref<!tpu.dma_semaphore, #tpu.memory_space<semaphore_mem>>, %arg12: memref<!tpu.dma_semaphore, #tpu.memory_space<semaphore_mem>>, %arg13: memref<!tpu.dma_semaphore, #tpu.memory_space<semaphore_mem>>, %arg14: memref<!tpu.dma_semaphore, #tpu.memory_space<semaphore_mem>>) attributes {dimension_semantics = [#tpu.dimension_semantics<core_parallel>, #tpu.dimension_semantics<subcore_parallel>], iteration_bounds = array<i64: 2, 16>, scalar_prefetch = 0 : i64, scratch_operands = 9 : i64, tpu.core_type = #tpu.core_type<sc_vector_subcore>, window_params = [{transform_indices = #map}, {transform_indices = #map}, {transform_indices = #map}, {transform_indices = #map}]} {
    %mul3A = arith.constant 16 : i32
    %mul3A_0 = arith.muli %arg0, %mul3A : i32
    %add3A = arith.addi %mul3A_0, %arg1 : i32
    %scan3A = arith.constant 0 : i32
    %scan3A_1 = arith.constant 0 : i32
    %scan3A_2 = arith.constant 128 : i32
    %scan3A_3 = arith.addi %scan3A_1, %scan3A_2 : i32
    %scan3A_4 = arith.constant 1 : i32
    scf.for %scan3A_190 = %scan3A_1 to %scan3A_3 step %scan3A_4  : i32 {
      %broadcast_in_dim3A = arith.constant 0.000000e+00 : f32
      %broadcast_in_dim3A_191 = vector.broadcast %broadcast_in_dim3A : f32 to vector<16xf32>
      %swap3A = arith.index_cast %scan3A_190 : i32 to index
      %swap3A_192 = arith.constant 0 : index
      %swap3A_193 = tpu.vector_load %arg8[%swap3A, %swap3A_192] {strides = array<i32>} : memref<128x128xf32, #tpu.memory_space<vmem>>, vector<1x16xf32>,
      %swap3A_194 = vector.shape_cast %swap3A_193 : vector<1x16xf32> to vector<16xf32>
      %swap3A_195 = vector.shape_cast %broadcast_in_dim3A_191 : vector<16xf32> to vector<1x16xf32>
      tpu.vector_store %arg8[%swap3A, %swap3A_192], %swap3A_195 {strides = array<i32>} : memref<128x128xf32, #tpu.memory_space<vmem>>, vector<1x16xf32>,
      %broadcast_in_dim3A_196 = arith.constant 0.000000e+00 : f32
      %broadcast_in_dim3A_197 = vector.broadcast %broadcast_in_dim3A_196 : f32 to vector<16xf32>
      %swap3A_198 = arith.index_cast %scan3A_190 : i32 to index
      %swap3A_199 = arith.constant 16 : index
      %swap3A_200 = tpu.vector_load %arg8[%swap3A_198, %swap3A_199] {strides = array<i32>} : memref<128x128xf32, #tpu.memory_space<vmem>>, vector<1x16xf32>,
      %swap3A_201 = vector.shape_cast %swap3A_200 : vector<1x16xf32> to vector<16xf32>
      %swap3A_202 = vector.shape_cast %broadcast_in_dim3A_197 : vector<16xf32> to vector<1x16xf32>
      tpu.vector_store %arg8[%swap3A_198, %swap3A_199], %swap3A_202 {strides = array<i32>} : memref<128x128xf32, #tpu.memory_space<vmem>>, vector<1x16xf32>,
      %broadcast_in_dim3A_203 = arith.constant 0.000000e+00 : f32
      %broadcast_in_dim3A_204 = vector.broadcast %broadcast_in_dim3A_203 : f32 to vector<16xf32>
      %swap3A_205 = arith.index_cast %scan3A_190 : i32 to index
      %swap3A_206 = arith.constant 32 : index
      %swap3A_207 = tpu.vector_load %arg8[%swap3A_205, %swap3A_206] {strides = array<i32>} : memref<128x128xf32, #tpu.memory_space<vmem>>, vector<1x16xf32>,
      %swap3A_208 = vector.shape_cast %swap3A_207 : vector<1x16xf32> to vector<16xf32>
      %swap3A_209 = vector.shape_cast %broadcast_in_dim3A_204 : vector<16xf32> to vector<1x16xf32>
      tpu.vector_store %arg8[%swap3A_205, %swap3A_206], %swap3A_209 {strides = array<i32>} : memref<128x128xf32, #tpu.memory_space<vmem>>, vector<1x16xf32>,
      %broadcast_in_dim3A_210 = arith.constant 0.000000e+00 : f32
      %broadcast_in_dim3A_211 = vector.broadcast %broadcast_in_dim3A_210 : f32 to vector<16xf32>
      %swap3A_212 = arith.index_cast %scan3A_190 : i32 to index
      %swap3A_213 = arith.constant 48 : index
      %swap3A_214 = tpu.vector_load %arg8[%swap3A_212, %swap3A_213] {strides = array<i32>} : memref<128x128xf32, #tpu.memory_space<vmem>>, vector<1x16xf32>,
      %swap3A_215 = vector.shape_cast %swap3A_214 : vector<1x16xf32> to vector<16xf32>
      %swap3A_216 = vector.shape_cast %broadcast_in_dim3A_211 : vector<16xf32> to vector<1x16xf32>
      tpu.vector_store %arg8[%swap3A_212, %swap3A_213], %swap3A_216 {strides = array<i32>} : memref<128x128xf32, #tpu.memory_space<vmem>>, vector<1x16xf32>,
      %broadcast_in_dim3A_217 = arith.constant 0.000000e+00 : f32
      %broadcast_in_dim3A_218 = vector.broadcast %broadcast_in_dim3A_217 : f32 to vector<16xf32>
      %swap3A_219 = arith.index_cast %scan3A_190 : i32 to index
      %swap3A_220 = arith.constant 64 : index
      %swap3A_221 = tpu.vector_load %arg8[%swap3A_219, %swap3A_220] {strides = array<i32>} : memref<128x128xf32, #tpu.memory_space<vmem>>, vector<1x16xf32>,
      %swap3A_222 = vector.shape_cast %swap3A_221 : vector<1x16xf32> to vector<16xf32>
      %swap3A_223 = vector.shape_cast %broadcast_in_dim3A_218 : vector<16xf32> to vector<1x16xf32>
      tpu.vector_store %arg8[%swap3A_219, %swap3A_220], %swap3A_223 {strides = array<i32>} : memref<128x128xf32, #tpu.memory_space<vmem>>, vector<1x16xf32>,
      %broadcast_in_dim3A_224 = arith.constant 0.000000e+00 : f32
      %broadcast_in_dim3A_225 = vector.broadcast %broadcast_in_dim3A_224 : f32 to vector<16xf32>
      %swap3A_226 = arith.index_cast %scan3A_190 : i32 to index
      %swap3A_227 = arith.constant 80 : index
      %swap3A_228 = tpu.vector_load %arg8[%swap3A_226, %swap3A_227] {strides = array<i32>} : memref<128x128xf32, #tpu.memory_space<vmem>>, vector<1x16xf32>,
      %swap3A_229 = vector.shape_cast %swap3A_228 : vector<1x16xf32> to vector<16xf32>
      %swap3A_230 = vector.shape_cast %broadcast_in_dim3A_225 : vector<16xf32> to vector<1x16xf32>
      tpu.vector_store %arg8[%swap3A_226, %swap3A_227], %swap3A_230 {strides = array<i32>} : memref<128x128xf32, #tpu.memory_space<vmem>>, vector<1x16xf32>,
      %broadcast_in_dim3A_231 = arith.constant 0.000000e+00 : f32
      %broadcast_in_dim3A_232 = vector.broadcast %broadcast_in_dim3A_231 : f32 to vector<16xf32>
      %swap3A_233 = arith.index_cast %scan3A_190 : i32 to index
      %swap3A_234 = arith.constant 96 : index
      %swap3A_235 = tpu.vector_load %arg8[%swap3A_233, %swap3A_234] {strides = array<i32>} : memref<128x128xf32, #tpu.memory_space<vmem>>, vector<1x16xf32>,
      %swap3A_236 = vector.shape_cast %swap3A_235 : vector<1x16xf32> to vector<16xf32>
      %swap3A_237 = vector.shape_cast %broadcast_in_dim3A_232 : vector<16xf32> to vector<1x16xf32>
      tpu.vector_store %arg8[%swap3A_233, %swap3A_234], %swap3A_237 {strides = array<i32>} : memref<128x128xf32, #tpu.memory_space<vmem>>, vector<1x16xf32>,
      %broadcast_in_dim3A_238 = arith.constant 0.000000e+00 : f32
      %broadcast_in_dim3A_239 = vector.broadcast %broadcast_in_dim3A_238 : f32 to vector<16xf32>
      %swap3A_240 = arith.index_cast %scan3A_190 : i32 to index
      %swap3A_241 = arith.constant 112 : index
      %swap3A_242 = tpu.vector_load %arg8[%swap3A_240, %swap3A_241] {strides = array<i32>} : memref<128x128xf32, #tpu.memory_space<vmem>>, vector<1x16xf32>,
      %swap3A_243 = vector.shape_cast %swap3A_242 : vector<1x16xf32> to vector<16xf32>
      %swap3A_244 = vector.shape_cast %broadcast_in_dim3A_239 : vector<16xf32> to vector<1x16xf32>
      tpu.vector_store %arg8[%swap3A_240, %swap3A_241], %swap3A_244 {strides = array<i32>} : memref<128x128xf32, #tpu.memory_space<vmem>>, vector<1x16xf32>,
    }
    %scan3A_5 = arith.constant 128 : i32
    %mul3A_6 = arith.constant 640 : i32
    %mul3A_7 = arith.muli %arg1, %mul3A_6 : i32
    %add3A_8 = arith.constant 0 : i32
    %add3A_9 = arith.addi %mul3A_7, %add3A_8 : i32
    "tpu.region"() ({
      %run_scoped3A = tpu.sem_alloc : memref<!tpu.dma_semaphore, #tpu.memory_space<semaphore_mem>>
      %dma_start3A_190 = arith.constant 0 : i32
      %dma_start3A_191 = tpu.memref_slice %arg10[%add3A_9, %dma_start3A_190] : memref<10240x128xf32, #tpu.memory_space<vmem_shared>> -> memref<128x128xf32, #tpu.memory_space<vmem_shared>>
      %dma_start3A_192 = arith.constant 0 : i32
      %dma_start3A_193 = tpu.memref_slice %arg10[%add3A_9, %dma_start3A_192] : memref<10240x128xf32, #tpu.memory_space<vmem_shared>> -> memref<128x128xf32, #tpu.memory_space<vmem_shared>>
      tpu.enqueue_dma source(%arg8 : memref<128x128xf32, #tpu.memory_space<vmem>>) target(%dma_start3A_193 : memref<128x128xf32, #tpu.memory_space<vmem_shared>>) target_semaphore(%run_scoped3A : memref<!tpu.dma_semaphore, #tpu.memory_space<semaphore_mem>>)
      %dma_wait3A_194 = arith.constant 0 : i32
      %dma_wait3A_195 = tpu.memref_slice %arg10[%add3A_9, %dma_wait3A_194] : memref<10240x128xf32, #tpu.memory_space<vmem_shared>> -> memref<128x128xf32, #tpu.memory_space<vmem_shared>>
      %dma_wait3A_196 = arith.constant 0 : i32
      %dma_wait3A_197 = tpu.memref_slice %arg10[%add3A_9, %dma_wait3A_196] : memref<10240x128xf32, #tpu.memory_space<vmem_shared>> -> memref<128x128xf32, #tpu.memory_space<vmem_shared>>
      tpu.wait_dma2 semaphore(%run_scoped3A : memref<!tpu.dma_semaphore, #tpu.memory_space<semaphore_mem>>) src(%arg8 : memref<128x128xf32, #tpu.memory_space<vmem>>) dst(%dma_wait3A_197 : memref<128x128xf32, #tpu.memory_space<vmem_shared>>)
      tpu.yield
    }) : () -> ()
    %mul3A_10 = arith.constant 640 : i32
    %mul3A_11 = arith.muli %arg1, %mul3A_10 : i32
    %add3A_12 = arith.constant 128 : i32
    %add3A_13 = arith.addi %mul3A_11, %add3A_12 : i32
    "tpu.region"() ({
      %run_scoped3A = tpu.sem_alloc : memref<!tpu.dma_semaphore, #tpu.memory_space<semaphore_mem>>
      %dma_start3A_190 = arith.constant 0 : i32
      %dma_start3A_191 = tpu.memref_slice %arg10[%add3A_13, %dma_start3A_190] : memref<10240x128xf32, #tpu.memory_space<vmem_shared>> -> memref<128x128xf32, #tpu.memory_space<vmem_shared>>
      %dma_start3A_192 = arith.constant 0 : i32
      %dma_start3A_193 = tpu.memref_slice %arg10[%add3A_13, %dma_start3A_192] : memref<10240x128xf32, #tpu.memory_space<vmem_shared>> -> memref<128x128xf32, #tpu.memory_space<vmem_shared>>
      tpu.enqueue_dma source(%arg8 : memref<128x128xf32, #tpu.memory_space<vmem>>) target(%dma_start3A_193 : memref<128x128xf32, #tpu.memory_space<vmem_shared>>) target_semaphore(%run_scoped3A : memref<!tpu.dma_semaphore, #tpu.memory_space<semaphore_mem>>)
      %dma_wait3A_194 = arith.constant 0 : i32
      %dma_wait3A_195 = tpu.memref_slice %arg10[%add3A_13, %dma_wait3A_194] : memref<10240x128xf32, #tpu.memory_space<vmem_shared>> -> memref<128x128xf32, #tpu.memory_space<vmem_shared>>
      %dma_wait3A_196 = arith.constant 0 : i32
      %dma_wait3A_197 = tpu.memref_slice %arg10[%add3A_13, %dma_wait3A_196] : memref<10240x128xf32, #tpu.memory_space<vmem_shared>> -> memref<128x128xf32, #tpu.memory_space<vmem_shared>>
      tpu.wait_dma2 semaphore(%run_scoped3A : memref<!tpu.dma_semaphore, #tpu.memory_space<semaphore_mem>>) src(%arg8 : memref<128x128xf32, #tpu.memory_space<vmem>>) dst(%dma_wait3A_197 : memref<128x128xf32, #tpu.memory_space<vmem_shared>>)
      tpu.yield
    }) : () -> ()
    %mul3A_14 = arith.constant 640 : i32
    %mul3A_15 = arith.muli %arg1, %mul3A_14 : i32
    %add3A_16 = arith.constant 256 : i32
    %add3A_17 = arith.addi %mul3A_15, %add3A_16 : i32
    "tpu.region"() ({
      %run_scoped3A = tpu.sem_alloc : memref<!tpu.dma_semaphore, #tpu.memory_space<semaphore_mem>>
      %dma_start3A_190 = arith.constant 0 : i32
      %dma_start3A_191 = tpu.memref_slice %arg10[%add3A_17, %dma_start3A_190] : memref<10240x128xf32, #tpu.memory_space<vmem_shared>> -> memref<128x128xf32, #tpu.memory_space<vmem_shared>>
      %dma_start3A_192 = arith.constant 0 : i32
      %dma_start3A_193 = tpu.memref_slice %arg10[%add3A_17, %dma_start3A_192] : memref<10240x128xf32, #tpu.memory_space<vmem_shared>> -> memref<128x128xf32, #tpu.memory_space<vmem_shared>>
      tpu.enqueue_dma source(%arg8 : memref<128x128xf32, #tpu.memory_space<vmem>>) target(%dma_start3A_193 : memref<128x128xf32, #tpu.memory_space<vmem_shared>>) target_semaphore(%run_scoped3A : memref<!tpu.dma_semaphore, #tpu.memory_space<semaphore_mem>>)
      %dma_wait3A_194 = arith.constant 0 : i32
      %dma_wait3A_195 = tpu.memref_slice %arg10[%add3A_17, %dma_wait3A_194] : memref<10240x128xf32, #tpu.memory_space<vmem_shared>> -> memref<128x128xf32, #tpu.memory_space<vmem_shared>>
      %dma_wait3A_196 = arith.constant 0 : i32
      %dma_wait3A_197 = tpu.memref_slice %arg10[%add3A_17, %dma_wait3A_196] : memref<10240x128xf32, #tpu.memory_space<vmem_shared>> -> memref<128x128xf32, #tpu.memory_space<vmem_shared>>
      tpu.wait_dma2 semaphore(%run_scoped3A : memref<!tpu.dma_semaphore, #tpu.memory_space<semaphore_mem>>) src(%arg8 : memref<128x128xf32, #tpu.memory_space<vmem>>) dst(%dma_wait3A_197 : memref<128x128xf32, #tpu.memory_space<vmem_shared>>)
      tpu.yield
    }) : () -> ()
    %mul3A_18 = arith.constant 640 : i32
    %mul3A_19 = arith.muli %arg1, %mul3A_18 : i32
    %add3A_20 = arith.constant 384 : i32
    %add3A_21 = arith.addi %mul3A_19, %add3A_20 : i32
    "tpu.region"() ({
      %run_scoped3A = tpu.sem_alloc : memref<!tpu.dma_semaphore, #tpu.memory_space<semaphore_mem>>
      %dma_start3A_190 = arith.constant 0 : i32
      %dma_start3A_191 = tpu.memref_slice %arg10[%add3A_21, %dma_start3A_190] : memref<10240x128xf32, #tpu.memory_space<vmem_shared>> -> memref<128x128xf32, #tpu.memory_space<vmem_shared>>
      %dma_start3A_192 = arith.constant 0 : i32
      %dma_start3A_193 = tpu.memref_slice %arg10[%add3A_21, %dma_start3A_192] : memref<10240x128xf32, #tpu.memory_space<vmem_shared>> -> memref<128x128xf32, #tpu.memory_space<vmem_shared>>
      tpu.enqueue_dma source(%arg8 : memref<128x128xf32, #tpu.memory_space<vmem>>) target(%dma_start3A_193 : memref<128x128xf32, #tpu.memory_space<vmem_shared>>) target_semaphore(%run_scoped3A : memref<!tpu.dma_semaphore, #tpu.memory_space<semaphore_mem>>)
      %dma_wait3A_194 = arith.constant 0 : i32
      %dma_wait3A_195 = tpu.memref_slice %arg10[%add3A_21, %dma_wait3A_194] : memref<10240x128xf32, #tpu.memory_space<vmem_shared>> -> memref<128x128xf32, #tpu.memory_space<vmem_shared>>
      %dma_wait3A_196 = arith.constant 0 : i32
      %dma_wait3A_197 = tpu.memref_slice %arg10[%add3A_21, %dma_wait3A_196] : memref<10240x128xf32, #tpu.memory_space<vmem_shared>> -> memref<128x128xf32, #tpu.memory_space<vmem_shared>>
      tpu.wait_dma2 semaphore(%run_scoped3A : memref<!tpu.dma_semaphore, #tpu.memory_space<semaphore_mem>>) src(%arg8 : memref<128x128xf32, #tpu.memory_space<vmem>>) dst(%dma_wait3A_197 : memref<128x128xf32, #tpu.memory_space<vmem_shared>>)
      tpu.yield
    }) : () -> ()
    %mul3A_22 = arith.constant 640 : i32
    %mul3A_23 = arith.muli %arg1, %mul3A_22 : i32
    %add3A_24 = arith.constant 512 : i32
    %add3A_25 = arith.addi %mul3A_23, %add3A_24 : i32
    "tpu.region"() ({
      %run_scoped3A = tpu.sem_alloc : memref<!tpu.dma_semaphore, #tpu.memory_space<semaphore_mem>>
      %dma_start3A_190 = arith.constant 0 : i32
      %dma_start3A_191 = tpu.memref_slice %arg10[%add3A_25, %dma_start3A_190] : memref<10240x128xf32, #tpu.memory_space<vmem_shared>> -> memref<128x128xf32, #tpu.memory_space<vmem_shared>>
      %dma_start3A_192 = arith.constant 0 : i32
      %dma_start3A_193 = tpu.memref_slice %arg10[%add3A_25, %dma_start3A_192] : memref<10240x128xf32, #tpu.memory_space<vmem_shared>> -> memref<128x128xf32, #tpu.memory_space<vmem_shared>>
      tpu.enqueue_dma source(%arg8 : memref<128x128xf32, #tpu.memory_space<vmem>>) target(%dma_start3A_193 : memref<128x128xf32, #tpu.memory_space<vmem_shared>>) target_semaphore(%run_scoped3A : memref<!tpu.dma_semaphore, #tpu.memory_space<semaphore_mem>>)
      %dma_wait3A_194 = arith.constant 0 : i32
      %dma_wait3A_195 = tpu.memref_slice %arg10[%add3A_25, %dma_wait3A_194] : memref<10240x128xf32, #tpu.memory_space<vmem_shared>> -> memref<128x128xf32, #tpu.memory_space<vmem_shared>>
      %dma_wait3A_196 = arith.constant 0 : i32
      %dma_wait3A_197 = tpu.memref_slice %arg10[%add3A_25, %dma_wait3A_196] : memref<10240x128xf32, #tpu.memory_space<vmem_shared>> -> memref<128x128xf32, #tpu.memory_space<vmem_shared>>
      tpu.wait_dma2 semaphore(%run_scoped3A : memref<!tpu.dma_semaphore, #tpu.memory_space<semaphore_mem>>) src(%arg8 : memref<128x128xf32, #tpu.memory_space<vmem>>) dst(%dma_wait3A_197 : memref<128x128xf32, #tpu.memory_space<vmem_shared>>)
      tpu.yield
    }) : () -> ()
    %barrier3A = arith.constant 0 : index
    tpu.barrier barrier_id(%barrier3A)
    %mul3A_26 = arith.constant 80 : i32
    %mul3A_27 = arith.muli %add3A, %mul3A_26 : i32
    %add3A_28 = arith.constant 0 : i32
    %add3A_29 = arith.addi %mul3A_27, %add3A_28 : i32
    "tpu.region"() ({
      %run_scoped3A = tpu.sem_alloc : memref<!tpu.dma_semaphore, #tpu.memory_space<semaphore_mem>>
      %dma_start3A_190 = arith.constant 0 : i32
      %dma_start3A_191 = tpu.memref_slice %arg3[%add3A_29, %dma_start3A_190] : memref<2560x128xi32, #tpu.memory_space<hbm>> -> memref<40x128xi32, #tpu.memory_space<hbm>>
      %dma_start3A_192 = arith.constant 0 : i32
      %dma_start3A_193 = tpu.memref_slice %arg3[%add3A_29, %dma_start3A_192] : memref<2560x128xi32, #tpu.memory_space<hbm>> -> memref<40x128xi32, #tpu.memory_space<hbm>>
      tpu.enqueue_dma source(%dma_start3A_193 : memref<40x128xi32, #tpu.memory_space<hbm>>) target(%arg6 : memref<40x128xi32, #tpu.memory_space<vmem>>) target_semaphore(%run_scoped3A : memref<!tpu.dma_semaphore, #tpu.memory_space<semaphore_mem>>)
      %dma_wait3A_194 = arith.constant 0 : i32
      %dma_wait3A_195 = tpu.memref_slice %arg3[%add3A_29, %dma_wait3A_194] : memref<2560x128xi32, #tpu.memory_space<hbm>> -> memref<40x128xi32, #tpu.memory_space<hbm>>
      %dma_wait3A_196 = arith.constant 0 : i32
      %dma_wait3A_197 = tpu.memref_slice %arg3[%add3A_29, %dma_wait3A_196] : memref<2560x128xi32, #tpu.memory_space<hbm>> -> memref<40x128xi32, #tpu.memory_space<hbm>>
      tpu.wait_dma2 semaphore(%run_scoped3A : memref<!tpu.dma_semaphore, #tpu.memory_space<semaphore_mem>>) src(%dma_wait3A_197 : memref<40x128xi32, #tpu.memory_space<hbm>>) dst(%arg6 : memref<40x128xi32, #tpu.memory_space<vmem>>)
      tpu.yield
    }) : () -> ()
    "tpu.region"() ({
      %run_scoped3A = tpu.sem_alloc : memref<!tpu.dma_semaphore, #tpu.memory_space<semaphore_mem>>
      %dma_start3A_190 = arith.constant 0 : i32
      %dma_start3A_191 = tpu.memref_slice %arg4[%add3A_29, %dma_start3A_190] : memref<2560x128xi32, #tpu.memory_space<hbm>> -> memref<40x128xi32, #tpu.memory_space<hbm>>
      %dma_start3A_192 = arith.constant 0 : i32
      %dma_start3A_193 = tpu.memref_slice %arg4[%add3A_29, %dma_start3A_192] : memref<2560x128xi32, #tpu.memory_space<hbm>> -> memref<40x128xi32, #tpu.memory_space<hbm>>
      tpu.enqueue_dma source(%dma_start3A_193 : memref<40x128xi32, #tpu.memory_space<hbm>>) target(%arg7 : memref<40x128xi32, #tpu.memory_space<vmem>>) target_semaphore(%run_scoped3A : memref<!tpu.dma_semaphore, #tpu.memory_space<semaphore_mem>>)
      %dma_wait3A_194 = arith.constant 0 : i32
      %dma_wait3A_195 = tpu.memref_slice %arg4[%add3A_29, %dma_wait3A_194] : memref<2560x128xi32, #tpu.memory_space<hbm>> -> memref<40x128xi32, #tpu.memory_space<hbm>>
      %dma_wait3A_196 = arith.constant 0 : i32
      %dma_wait3A_197 = tpu.memref_slice %arg4[%add3A_29, %dma_wait3A_196] : memref<2560x128xi32, #tpu.memory_space<hbm>> -> memref<40x128xi32, #tpu.memory_space<hbm>>
      tpu.wait_dma2 semaphore(%run_scoped3A : memref<!tpu.dma_semaphore, #tpu.memory_space<semaphore_mem>>) src(%dma_wait3A_197 : memref<40x128xi32, #tpu.memory_space<hbm>>) dst(%arg7 : memref<40x128xi32, #tpu.memory_space<vmem>>)
      tpu.yield
    }) : () -> ()
    %dma_start3A = arith.constant 0 : i32
    %dma_start3A_30 = arith.constant 0 : i32
    %dma_start3A_31 = tpu.memref_slice %arg6[%dma_start3A, %dma_start3A_30] : memref<40x128xi32, #tpu.memory_space<vmem>> -> memref<1x128xi32, #tpu.memory_space<vmem>>
    %dma_start3A_32 = tpu.memref_squeeze %dma_start3A_31 : memref<1x128xi32, #tpu.memory_space<vmem>> -> memref<128xi32, #tpu.memory_space<vmem>>
    %dma_start3A_33 = arith.constant 0 : i32
    %dma_start3A_34 = arith.constant 0 : i32
    %dma_start3A_35 = tpu.memref_slice %arg2[%dma_start3A_33, %dma_start3A_34] : memref<10240x128xf32, #tpu.memory_space<hbm>> -> memref<10240x128xf32, #tpu.memory_space<hbm>>
    tpu.enqueue_indirect_dma source(%dma_start3A_35 : memref<10240x128xf32, #tpu.memory_space<hbm>>) target(%arg8 : memref<128x128xf32, #tpu.memory_space<vmem>>) offsets(%dma_start3A_32 : memref<128xi32, #tpu.memory_space<vmem>>) semaphore(%arg11 : memref<!tpu.dma_semaphore, #tpu.memory_space<semaphore_mem>>)
    %dma_start3A_36 = arith.constant 1 : i32
    %dma_start3A_37 = arith.constant 0 : i32
    %dma_start3A_38 = tpu.memref_slice %arg6[%dma_start3A_36, %dma_start3A_37] : memref<40x128xi32, #tpu.memory_space<vmem>> -> memref<1x128xi32, #tpu.memory_space<vmem>>
    %dma_start3A_39 = tpu.memref_squeeze %dma_start3A_38 : memref<1x128xi32, #tpu.memory_space<vmem>> -> memref<128xi32, #tpu.memory_space<vmem>>
    %dma_start3A_40 = arith.constant 0 : i32
    %dma_start3A_41 = arith.constant 0 : i32
    %dma_start3A_42 = tpu.memref_slice %arg2[%dma_start3A_40, %dma_start3A_41] : memref<10240x128xf32, #tpu.memory_space<hbm>> -> memref<10240x128xf32, #tpu.memory_space<hbm>>
    tpu.enqueue_indirect_dma source(%dma_start3A_42 : memref<10240x128xf32, #tpu.memory_space<hbm>>) target(%arg9 : memref<128x128xf32, #tpu.memory_space<vmem>>) offsets(%dma_start3A_39 : memref<128xi32, #tpu.memory_space<vmem>>) semaphore(%arg12 : memref<!tpu.dma_semaphore, #tpu.memory_space<semaphore_mem>>)
    %scan3A_43 = arith.constant 0 : i32
    %scan3A_44 = arith.constant 19 : i32
    %scan3A_45 = arith.addi %scan3A_43, %scan3A_44 : i32
    %scan3A_46 = arith.constant 1 : i32
    scf.for %scan3A_190 = %scan3A_43 to %scan3A_45 step %scan3A_46  : i32 {
      %mul3A_191 = arith.constant 2 : i32
      %mul3A_192 = arith.muli %scan3A_190, %mul3A_191 : i32
      %add3A_193 = arith.constant 0 : i32
      %add3A_194 = arith.addi %add3A_193, %mul3A_192 : i32
      %add3A_195 = arith.constant 0 : i32
      %add3A_196 = arith.addi %add3A_194, %add3A_195 : i32
      %dma_wait3A_197 = arith.constant 0 : i32
      %dma_wait3A_198 = tpu.memref_slice %arg6[%add3A_196, %dma_wait3A_197] : memref<40x128xi32, #tpu.memory_space<vmem>> -> memref<1x128xi32, #tpu.memory_space<vmem>>
      %dma_wait3A_199 = tpu.memref_squeeze %dma_wait3A_198 : memref<1x128xi32, #tpu.memory_space<vmem>> -> memref<128xi32, #tpu.memory_space<vmem>>
      %dma_wait3A_200 = arith.constant 0 : i32
      %dma_wait3A_201 = arith.constant 0 : i32
      %dma_wait3A_202 = tpu.memref_slice %arg2[%dma_wait3A_200, %dma_wait3A_201] : memref<10240x128xf32, #tpu.memory_space<hbm>> -> memref<10240x128xf32, #tpu.memory_space<hbm>>
      tpu.wait_indirect_dma semaphore(%arg11 : memref<!tpu.dma_semaphore, #tpu.memory_space<semaphore_mem>>) src(%dma_wait3A_202 : memref<10240x128xf32, #tpu.memory_space<hbm>>) dst(%arg8 : memref<128x128xf32, #tpu.memory_space<vmem>>)
      %add3A_203 = arith.constant 0 : i32
      %add3A_204 = arith.addi %add3A_194, %add3A_203 : i32
      %dma_start3A_205 = arith.constant 0 : i32
      %dma_start3A_206 = tpu.memref_slice %arg7[%add3A_204, %dma_start3A_205] : memref<40x128xi32, #tpu.memory_space<vmem>> -> memref<1x128xi32, #tpu.memory_space<vmem>>
      %dma_start3A_207 = tpu.memref_squeeze %dma_start3A_206 : memref<1x128xi32, #tpu.memory_space<vmem>> -> memref<128xi32, #tpu.memory_space<vmem>>
      %dma_start3A_208 = arith.constant 0 : i32
      %dma_start3A_209 = arith.constant 0 : i32
      %dma_start3A_210 = tpu.memref_slice %arg10[%dma_start3A_208, %dma_start3A_209] : memref<10240x128xf32, #tpu.memory_space<vmem_shared>> -> memref<10240x128xf32, #tpu.memory_space<vmem_shared>>
      tpu.enqueue_indirect_dma source(%arg8 : memref<128x128xf32, #tpu.memory_space<vmem>>) target(%dma_start3A_210 : memref<10240x128xf32, #tpu.memory_space<vmem_shared>>) offsets(%dma_start3A_207 : memref<128xi32, #tpu.memory_space<vmem>>) semaphore(%arg13 : memref<!tpu.dma_semaphore, #tpu.memory_space<semaphore_mem>>) {add = true}
      %add3A_211 = arith.constant 1 : i32
      %add3A_212 = arith.addi %add3A_194, %add3A_211 : i32
      %dma_wait3A_213 = arith.constant 0 : i32
      %dma_wait3A_214 = tpu.memref_slice %arg6[%add3A_212, %dma_wait3A_213] : memref<40x128xi32, #tpu.memory_space<vmem>> -> memref<1x128xi32, #tpu.memory_space<vmem>>
      %dma_wait3A_215 = tpu.memref_squeeze %dma_wait3A_214 : memref<1x128xi32, #tpu.memory_space<vmem>> -> memref<128xi32, #tpu.memory_space<vmem>>
      %dma_wait3A_216 = arith.constant 0 : i32
      %dma_wait3A_217 = arith.constant 0 : i32
      %dma_wait3A_218 = tpu.memref_slice %arg2[%dma_wait3A_216, %dma_wait3A_217] : memref<10240x128xf32, #tpu.memory_space<hbm>> -> memref<10240x128xf32, #tpu.memory_space<hbm>>
      tpu.wait_indirect_dma semaphore(%arg12 : memref<!tpu.dma_semaphore, #tpu.memory_space<semaphore_mem>>) src(%dma_wait3A_218 : memref<10240x128xf32, #tpu.memory_space<hbm>>) dst(%arg9 : memref<128x128xf32, #tpu.memory_space<vmem>>)
      %add3A_219 = arith.constant 1 : i32
      %add3A_220 = arith.addi %add3A_194, %add3A_219 : i32
      %dma_start3A_221 = arith.constant 0 : i32
      %dma_start3A_222 = tpu.memref_slice %arg7[%add3A_220, %dma_start3A_221] : memref<40x128xi32, #tpu.memory_space<vmem>> -> memref<1x128xi32, #tpu.memory_space<vmem>>
      %dma_start3A_223 = tpu.memref_squeeze %dma_start3A_222 : memref<1x128xi32, #tpu.memory_space<vmem>> -> memref<128xi32, #tpu.memory_space<vmem>>
      %dma_start3A_224 = arith.constant 0 : i32
      %dma_start3A_225 = arith.constant 0 : i32
      %dma_start3A_226 = tpu.memref_slice %arg10[%dma_start3A_224, %dma_start3A_225] : memref<10240x128xf32, #tpu.memory_space<vmem_shared>> -> memref<10240x128xf32, #tpu.memory_space<vmem_shared>>
      tpu.enqueue_indirect_dma source(%arg9 : memref<128x128xf32, #tpu.memory_space<vmem>>) target(%dma_start3A_226 : memref<10240x128xf32, #tpu.memory_space<vmem_shared>>) offsets(%dma_start3A_223 : memref<128xi32, #tpu.memory_space<vmem>>) semaphore(%arg14 : memref<!tpu.dma_semaphore, #tpu.memory_space<semaphore_mem>>) {add = true}
      %dma_wait3A_227 = arith.constant 0 : i32
      %dma_wait3A_228 = tpu.memref_slice %arg7[%add3A_204, %dma_wait3A_227] : memref<40x128xi32, #tpu.memory_space<vmem>> -> memref<1x128xi32, #tpu.memory_space<vmem>>
      %dma_wait3A_229 = tpu.memref_squeeze %dma_wait3A_228 : memref<1x128xi32, #tpu.memory_space<vmem>> -> memref<128xi32, #tpu.memory_space<vmem>>
      %dma_wait3A_230 = arith.constant 0 : i32
      %dma_wait3A_231 = arith.constant 0 : i32
      %dma_wait3A_232 = tpu.memref_slice %arg10[%dma_wait3A_230, %dma_wait3A_231] : memref<10240x128xf32, #tpu.memory_space<vmem_shared>> -> memref<10240x128xf32, #tpu.memory_space<vmem_shared>>
      tpu.wait_indirect_dma semaphore(%arg13 : memref<!tpu.dma_semaphore, #tpu.memory_space<semaphore_mem>>) src(%arg8 : memref<128x128xf32, #tpu.memory_space<vmem>>) dst(%dma_wait3A_232 : memref<10240x128xf32, #tpu.memory_space<vmem_shared>>)
      %add3A_233 = arith.constant 2 : i32
      %add3A_234 = arith.addi %add3A_194, %add3A_233 : i32
      %add3A_235 = arith.constant 0 : i32
      %add3A_236 = arith.addi %add3A_234, %add3A_235 : i32
      %dma_start3A_237 = arith.constant 0 : i32
      %dma_start3A_238 = tpu.memref_slice %arg6[%add3A_236, %dma_start3A_237] : memref<40x128xi32, #tpu.memory_space<vmem>> -> memref<1x128xi32, #tpu.memory_space<vmem>>
      %dma_start3A_239 = tpu.memref_squeeze %dma_start3A_238 : memref<1x128xi32, #tpu.memory_space<vmem>> -> memref<128xi32, #tpu.memory_space<vmem>>
      %dma_start3A_240 = arith.constant 0 : i32
      %dma_start3A_241 = arith.constant 0 : i32
      %dma_start3A_242 = tpu.memref_slice %arg2[%dma_start3A_240, %dma_start3A_241] : memref<10240x128xf32, #tpu.memory_space<hbm>> -> memref<10240x128xf32, #tpu.memory_space<hbm>>
      tpu.enqueue_indirect_dma source(%dma_start3A_242 : memref<10240x128xf32, #tpu.memory_space<hbm>>) target(%arg8 : memref<128x128xf32, #tpu.memory_space<vmem>>) offsets(%dma_start3A_239 : memref<128xi32, #tpu.memory_space<vmem>>) semaphore(%arg11 : memref<!tpu.dma_semaphore, #tpu.memory_space<semaphore_mem>>)
      %dma_wait3A_243 = arith.constant 0 : i32
      %dma_wait3A_244 = tpu.memref_slice %arg7[%add3A_220, %dma_wait3A_243] : memref<40x128xi32, #tpu.memory_space<vmem>> -> memref<1x128xi32, #tpu.memory_space<vmem>>
      %dma_wait3A_245 = tpu.memref_squeeze %dma_wait3A_244 : memref<1x128xi32, #tpu.memory_space<vmem>> -> memref<128xi32, #tpu.memory_space<vmem>>
      %dma_wait3A_246 = arith.constant 0 : i32
      %dma_wait3A_247 = arith.constant 0 : i32
      %dma_wait3A_248 = tpu.memref_slice %arg10[%dma_wait3A_246, %dma_wait3A_247] : memref<10240x128xf32, #tpu.memory_space<vmem_shared>> -> memref<10240x128xf32, #tpu.memory_space<vmem_shared>>
      tpu.wait_indirect_dma semaphore(%arg14 : memref<!tpu.dma_semaphore, #tpu.memory_space<semaphore_mem>>) src(%arg9 : memref<128x128xf32, #tpu.memory_space<vmem>>) dst(%dma_wait3A_248 : memref<10240x128xf32, #tpu.memory_space<vmem_shared>>)
      %add3A_249 = arith.constant 2 : i32
      %add3A_250 = arith.addi %add3A_194, %add3A_249 : i32
      %add3A_251 = arith.constant 1 : i32
      %add3A_252 = arith.addi %add3A_250, %add3A_251 : i32
      %dma_start3A_253 = arith.constant 0 : i32
      %dma_start3A_254 = tpu.memref_slice %arg6[%add3A_252, %dma_start3A_253] : memref<40x128xi32, #tpu.memory_space<vmem>> -> memref<1x128xi32, #tpu.memory_space<vmem>>
      %dma_start3A_255 = tpu.memref_squeeze %dma_start3A_254 : memref<1x128xi32, #tpu.memory_space<vmem>> -> memref<128xi32, #tpu.memory_space<vmem>>
      %dma_start3A_256 = arith.constant 0 : i32
      %dma_start3A_257 = arith.constant 0 : i32
      %dma_start3A_258 = tpu.memref_slice %arg2[%dma_start3A_256, %dma_start3A_257] : memref<10240x128xf32, #tpu.memory_space<hbm>> -> memref<10240x128xf32, #tpu.memory_space<hbm>>
      tpu.enqueue_indirect_dma source(%dma_start3A_258 : memref<10240x128xf32, #tpu.memory_space<hbm>>) target(%arg9 : memref<128x128xf32, #tpu.memory_space<vmem>>) offsets(%dma_start3A_255 : memref<128xi32, #tpu.memory_space<vmem>>) semaphore(%arg12 : memref<!tpu.dma_semaphore, #tpu.memory_space<semaphore_mem>>)
    }
    %scan3A_47 = arith.constant 19 : i32
    %dma_wait3A = arith.constant 38 : i32
    %dma_wait3A_48 = arith.constant 0 : i32
    %dma_wait3A_49 = tpu.memref_slice %arg6[%dma_wait3A, %dma_wait3A_48] : memref<40x128xi32, #tpu.memory_space<vmem>> -> memref<1x128xi32, #tpu.memory_space<vmem>>
    %dma_wait3A_50 = tpu.memref_squeeze %dma_wait3A_49 : memref<1x128xi32, #tpu.memory_space<vmem>> -> memref<128xi32, #tpu.memory_space<vmem>>
    %dma_wait3A_51 = arith.constant 0 : i32
    %dma_wait3A_52 = arith.constant 0 : i32
    %dma_wait3A_53 = tpu.memref_slice %arg2[%dma_wait3A_51, %dma_wait3A_52] : memref<10240x128xf32, #tpu.memory_space<hbm>> -> memref<10240x128xf32, #tpu.memory_space<hbm>>
    tpu.wait_indirect_dma semaphore(%arg11 : memref<!tpu.dma_semaphore, #tpu.memory_space<semaphore_mem>>) src(%dma_wait3A_53 : memref<10240x128xf32, #tpu.memory_space<hbm>>) dst(%arg8 : memref<128x128xf32, #tpu.memory_space<vmem>>)
    %dma_start3A_54 = arith.constant 38 : i32
    %dma_start3A_55 = arith.constant 0 : i32
    %dma_start3A_56 = tpu.memref_slice %arg7[%dma_start3A_54, %dma_start3A_55] : memref<40x128xi32, #tpu.memory_space<vmem>> -> memref<1x128xi32, #tpu.memory_space<vmem>>
    %dma_start3A_57 = tpu.memref_squeeze %dma_start3A_56 : memref<1x128xi32, #tpu.memory_space<vmem>> -> memref<128xi32, #tpu.memory_space<vmem>>
    %dma_start3A_58 = arith.constant 0 : i32
    %dma_start3A_59 = arith.constant 0 : i32
    %dma_start3A_60 = tpu.memref_slice %arg10[%dma_start3A_58, %dma_start3A_59] : memref<10240x128xf32, #tpu.memory_space<vmem_shared>> -> memref<10240x128xf32, #tpu.memory_space<vmem_shared>>
    tpu.enqueue_indirect_dma source(%arg8 : memref<128x128xf32, #tpu.memory_space<vmem>>) target(%dma_start3A_60 : memref<10240x128xf32, #tpu.memory_space<vmem_shared>>) offsets(%dma_start3A_57 : memref<128xi32, #tpu.memory_space<vmem>>) semaphore(%arg13 : memref<!tpu.dma_semaphore, #tpu.memory_space<semaphore_mem>>) {add = true}
    %dma_wait3A_61 = arith.constant 39 : i32
    %dma_wait3A_62 = arith.constant 0 : i32
    %dma_wait3A_63 = tpu.memref_slice %arg6[%dma_wait3A_61, %dma_wait3A_62] : memref<40x128xi32, #tpu.memory_space<vmem>> -> memref<1x128xi32, #tpu.memory_space<vmem>>
    %dma_wait3A_64 = tpu.memref_squeeze %dma_wait3A_63 : memref<1x128xi32, #tpu.memory_space<vmem>> -> memref<128xi32, #tpu.memory_space<vmem>>
    %dma_wait3A_65 = arith.constant 0 : i32
    %dma_wait3A_66 = arith.constant 0 : i32
    %dma_wait3A_67 = tpu.memref_slice %arg2[%dma_wait3A_65, %dma_wait3A_66] : memref<10240x128xf32, #tpu.memory_space<hbm>> -> memref<10240x128xf32, #tpu.memory_space<hbm>>
    tpu.wait_indirect_dma semaphore(%arg12 : memref<!tpu.dma_semaphore, #tpu.memory_space<semaphore_mem>>) src(%dma_wait3A_67 : memref<10240x128xf32, #tpu.memory_space<hbm>>) dst(%arg9 : memref<128x128xf32, #tpu.memory_space<vmem>>)
    %dma_start3A_68 = arith.constant 39 : i32
    %dma_start3A_69 = arith.constant 0 : i32
    %dma_start3A_70 = tpu.memref_slice %arg7[%dma_start3A_68, %dma_start3A_69] : memref<40x128xi32, #tpu.memory_space<vmem>> -> memref<1x128xi32, #tpu.memory_space<vmem>>
    %dma_start3A_71 = tpu.memref_squeeze %dma_start3A_70 : memref<1x128xi32, #tpu.memory_space<vmem>> -> memref<128xi32, #tpu.memory_space<vmem>>
    %dma_start3A_72 = arith.constant 0 : i32
    %dma_start3A_73 = arith.constant 0 : i32
    %dma_start3A_74 = tpu.memref_slice %arg10[%dma_start3A_72, %dma_start3A_73] : memref<10240x128xf32, #tpu.memory_space<vmem_shared>> -> memref<10240x128xf32, #tpu.memory_space<vmem_shared>>
    tpu.enqueue_indirect_dma source(%arg9 : memref<128x128xf32, #tpu.memory_space<vmem>>) target(%dma_start3A_74 : memref<10240x128xf32, #tpu.memory_space<vmem_shared>>) offsets(%dma_start3A_71 : memref<128xi32, #tpu.memory_space<vmem>>) semaphore(%arg14 : memref<!tpu.dma_semaphore, #tpu.memory_space<semaphore_mem>>) {add = true}
    %dma_wait3A_75 = arith.constant 38 : i32
    %dma_wait3A_76 = arith.constant 0 : i32
    %dma_wait3A_77 = tpu.memref_slice %arg7[%dma_wait3A_75, %dma_wait3A_76] : memref<40x128xi32, #tpu.memory_space<vmem>> -> memref<1x128xi32, #tpu.memory_space<vmem>>
    %dma_wait3A_78 = tpu.memref_squeeze %dma_wait3A_77 : memref<1x128xi32, #tpu.memory_space<vmem>> -> memref<128xi32, #tpu.memory_space<vmem>>
    %dma_wait3A_79 = arith.constant 0 : i32
    %dma_wait3A_80 = arith.constant 0 : i32
    %dma_wait3A_81 = tpu.memref_slice %arg10[%dma_wait3A_79, %dma_wait3A_80] : memref<10240x128xf32, #tpu.memory_space<vmem_shared>> -> memref<10240x128xf32, #tpu.memory_space<vmem_shared>>
    tpu.wait_indirect_dma semaphore(%arg13 : memref<!tpu.dma_semaphore, #tpu.memory_space<semaphore_mem>>) src(%arg8 : memref<128x128xf32, #tpu.memory_space<vmem>>) dst(%dma_wait3A_81 : memref<10240x128xf32, #tpu.memory_space<vmem_shared>>)
    %dma_wait3A_82 = arith.constant 39 : i32
    %dma_wait3A_83 = arith.constant 0 : i32
    %dma_wait3A_84 = tpu.memref_slice %arg7[%dma_wait3A_82, %dma_wait3A_83] : memref<40x128xi32, #tpu.memory_space<vmem>> -> memref<1x128xi32, #tpu.memory_space<vmem>>
    %dma_wait3A_85 = tpu.memref_squeeze %dma_wait3A_84 : memref<1x128xi32, #tpu.memory_space<vmem>> -> memref<128xi32, #tpu.memory_space<vmem>>
    %dma_wait3A_86 = arith.constant 0 : i32
    %dma_wait3A_87 = arith.constant 0 : i32
    %dma_wait3A_88 = tpu.memref_slice %arg10[%dma_wait3A_86, %dma_wait3A_87] : memref<10240x128xf32, #tpu.memory_space<vmem_shared>> -> memref<10240x128xf32, #tpu.memory_space<vmem_shared>>
    tpu.wait_indirect_dma semaphore(%arg14 : memref<!tpu.dma_semaphore, #tpu.memory_space<semaphore_mem>>) src(%arg9 : memref<128x128xf32, #tpu.memory_space<vmem>>) dst(%dma_wait3A_88 : memref<10240x128xf32, #tpu.memory_space<vmem_shared>>)
    %mul3A_89 = arith.constant 80 : i32
    %mul3A_90 = arith.muli %add3A, %mul3A_89 : i32
    %add3A_91 = arith.constant 40 : i32
    %add3A_92 = arith.addi %mul3A_90, %add3A_91 : i32
    "tpu.region"() ({
      %run_scoped3A = tpu.sem_alloc : memref<!tpu.dma_semaphore, #tpu.memory_space<semaphore_mem>>
      %dma_start3A_190 = arith.constant 0 : i32
      %dma_start3A_191 = tpu.memref_slice %arg3[%add3A_92, %dma_start3A_190] : memref<2560x128xi32, #tpu.memory_space<hbm>> -> memref<40x128xi32, #tpu.memory_space<hbm>>
      %dma_start3A_192 = arith.constant 0 : i32
      %dma_start3A_193 = tpu.memref_slice %arg3[%add3A_92, %dma_start3A_192] : memref<2560x128xi32, #tpu.memory_space<hbm>> -> memref<40x128xi32, #tpu.memory_space<hbm>>
      tpu.enqueue_dma source(%dma_start3A_193 : memref<40x128xi32, #tpu.memory_space<hbm>>) target(%arg6 : memref<40x128xi32, #tpu.memory_space<vmem>>) target_semaphore(%run_scoped3A : memref<!tpu.dma_semaphore, #tpu.memory_space<semaphore_mem>>)
      %dma_wait3A_194 = arith.constant 0 : i32
      %dma_wait3A_195 = tpu.memref_slice %arg3[%add3A_92, %dma_wait3A_194] : memref<2560x128xi32, #tpu.memory_space<hbm>> -> memref<40x128xi32, #tpu.memory_space<hbm>>
      %dma_wait3A_196 = arith.constant 0 : i32
      %dma_wait3A_197 = tpu.memref_slice %arg3[%add3A_92, %dma_wait3A_196] : memref<2560x128xi32, #tpu.memory_space<hbm>> -> memref<40x128xi32, #tpu.memory_space<hbm>>
      tpu.wait_dma2 semaphore(%run_scoped3A : memref<!tpu.dma_semaphore, #tpu.memory_space<semaphore_mem>>) src(%dma_wait3A_197 : memref<40x128xi32, #tpu.memory_space<hbm>>) dst(%arg6 : memref<40x128xi32, #tpu.memory_space<vmem>>)
      tpu.yield
    }) : () -> ()
    "tpu.region"() ({
      %run_scoped3A = tpu.sem_alloc : memref<!tpu.dma_semaphore, #tpu.memory_space<semaphore_mem>>
      %dma_start3A_190 = arith.constant 0 : i32
      %dma_start3A_191 = tpu.memref_slice %arg4[%add3A_92, %dma_start3A_190] : memref<2560x128xi32, #tpu.memory_space<hbm>> -> memref<40x128xi32, #tpu.memory_space<hbm>>
      %dma_start3A_192 = arith.constant 0 : i32
      %dma_start3A_193 = tpu.memref_slice %arg4[%add3A_92, %dma_start3A_192] : memref<2560x128xi32, #tpu.memory_space<hbm>> -> memref<40x128xi32, #tpu.memory_space<hbm>>
      tpu.enqueue_dma source(%dma_start3A_193 : memref<40x128xi32, #tpu.memory_space<hbm>>) target(%arg7 : memref<40x128xi32, #tpu.memory_space<vmem>>) target_semaphore(%run_scoped3A : memref<!tpu.dma_semaphore, #tpu.memory_space<semaphore_mem>>)
      %dma_wait3A_194 = arith.constant 0 : i32
      %dma_wait3A_195 = tpu.memref_slice %arg4[%add3A_92, %dma_wait3A_194] : memref<2560x128xi32, #tpu.memory_space<hbm>> -> memref<40x128xi32, #tpu.memory_space<hbm>>
      %dma_wait3A_196 = arith.constant 0 : i32
      %dma_wait3A_197 = tpu.memref_slice %arg4[%add3A_92, %dma_wait3A_196] : memref<2560x128xi32, #tpu.memory_space<hbm>> -> memref<40x128xi32, #tpu.memory_space<hbm>>
      tpu.wait_dma2 semaphore(%run_scoped3A : memref<!tpu.dma_semaphore, #tpu.memory_space<semaphore_mem>>) src(%dma_wait3A_197 : memref<40x128xi32, #tpu.memory_space<hbm>>) dst(%arg7 : memref<40x128xi32, #tpu.memory_space<vmem>>)
      tpu.yield
    }) : () -> ()
    %dma_start3A_93 = arith.constant 0 : i32
    %dma_start3A_94 = arith.constant 0 : i32
    %dma_start3A_95 = tpu.memref_slice %arg6[%dma_start3A_93, %dma_start3A_94] : memref<40x128xi32, #tpu.memory_space<vmem>> -> memref<1x128xi32, #tpu.memory_space<vmem>>
    %dma_start3A_96 = tpu.memref_squeeze %dma_start3A_95 : memref<1x128xi32, #tpu.memory_space<vmem>> -> memref<128xi32, #tpu.memory_space<vmem>>
    %dma_start3A_97 = arith.constant 0 : i32
    %dma_start3A_98 = arith.constant 0 : i32
    %dma_start3A_99 = tpu.memref_slice %arg2[%dma_start3A_97, %dma_start3A_98] : memref<10240x128xf32, #tpu.memory_space<hbm>> -> memref<10240x128xf32, #tpu.memory_space<hbm>>
    tpu.enqueue_indirect_dma source(%dma_start3A_99 : memref<10240x128xf32, #tpu.memory_space<hbm>>) target(%arg8 : memref<128x128xf32, #tpu.memory_space<vmem>>) offsets(%dma_start3A_96 : memref<128xi32, #tpu.memory_space<vmem>>) semaphore(%arg11 : memref<!tpu.dma_semaphore, #tpu.memory_space<semaphore_mem>>)
    %dma_start3A_100 = arith.constant 1 : i32
    %dma_start3A_101 = arith.constant 0 : i32
    %dma_start3A_102 = tpu.memref_slice %arg6[%dma_start3A_100, %dma_start3A_101] : memref<40x128xi32, #tpu.memory_space<vmem>> -> memref<1x128xi32, #tpu.memory_space<vmem>>
    %dma_start3A_103 = tpu.memref_squeeze %dma_start3A_102 : memref<1x128xi32, #tpu.memory_space<vmem>> -> memref<128xi32, #tpu.memory_space<vmem>>
    %dma_start3A_104 = arith.constant 0 : i32
    %dma_start3A_105 = arith.constant 0 : i32
    %dma_start3A_106 = tpu.memref_slice %arg2[%dma_start3A_104, %dma_start3A_105] : memref<10240x128xf32, #tpu.memory_space<hbm>> -> memref<10240x128xf32, #tpu.memory_space<hbm>>
    tpu.enqueue_indirect_dma source(%dma_start3A_106 : memref<10240x128xf32, #tpu.memory_space<hbm>>) target(%arg9 : memref<128x128xf32, #tpu.memory_space<vmem>>) offsets(%dma_start3A_103 : memref<128xi32, #tpu.memory_space<vmem>>) semaphore(%arg12 : memref<!tpu.dma_semaphore, #tpu.memory_space<semaphore_mem>>)
    %scan3A_107 = arith.constant 0 : i32
    %scan3A_108 = arith.constant 19 : i32
    %scan3A_109 = arith.addi %scan3A_107, %scan3A_108 : i32
    %scan3A_110 = arith.constant 1 : i32
    scf.for %scan3A_190 = %scan3A_107 to %scan3A_109 step %scan3A_110  : i32 {
      %mul3A_191 = arith.constant 2 : i32
      %mul3A_192 = arith.muli %scan3A_190, %mul3A_191 : i32
      %add3A_193 = arith.constant 0 : i32
      %add3A_194 = arith.addi %add3A_193, %mul3A_192 : i32
      %add3A_195 = arith.constant 0 : i32
      %add3A_196 = arith.addi %add3A_194, %add3A_195 : i32
      %dma_wait3A_197 = arith.constant 0 : i32
      %dma_wait3A_198 = tpu.memref_slice %arg6[%add3A_196, %dma_wait3A_197] : memref<40x128xi32, #tpu.memory_space<vmem>> -> memref<1x128xi32, #tpu.memory_space<vmem>>
      %dma_wait3A_199 = tpu.memref_squeeze %dma_wait3A_198 : memref<1x128xi32, #tpu.memory_space<vmem>> -> memref<128xi32, #tpu.memory_space<vmem>>
      %dma_wait3A_200 = arith.constant 0 : i32
      %dma_wait3A_201 = arith.constant 0 : i32
      %dma_wait3A_202 = tpu.memref_slice %arg2[%dma_wait3A_200, %dma_wait3A_201] : memref<10240x128xf32, #tpu.memory_space<hbm>> -> memref<10240x128xf32, #tpu.memory_space<hbm>>
      tpu.wait_indirect_dma semaphore(%arg11 : memref<!tpu.dma_semaphore, #tpu.memory_space<semaphore_mem>>) src(%dma_wait3A_202 : memref<10240x128xf32, #tpu.memory_space<hbm>>) dst(%arg8 : memref<128x128xf32, #tpu.memory_space<vmem>>)
      %add3A_203 = arith.constant 0 : i32
      %add3A_204 = arith.addi %add3A_194, %add3A_203 : i32
      %dma_start3A_205 = arith.constant 0 : i32
      %dma_start3A_206 = tpu.memref_slice %arg7[%add3A_204, %dma_start3A_205] : memref<40x128xi32, #tpu.memory_space<vmem>> -> memref<1x128xi32, #tpu.memory_space<vmem>>
      %dma_start3A_207 = tpu.memref_squeeze %dma_start3A_206 : memref<1x128xi32, #tpu.memory_space<vmem>> -> memref<128xi32, #tpu.memory_space<vmem>>
      %dma_start3A_208 = arith.constant 0 : i32
      %dma_start3A_209 = arith.constant 0 : i32
      %dma_start3A_210 = tpu.memref_slice %arg10[%dma_start3A_208, %dma_start3A_209] : memref<10240x128xf32, #tpu.memory_space<vmem_shared>> -> memref<10240x128xf32, #tpu.memory_space<vmem_shared>>
      tpu.enqueue_indirect_dma source(%arg8 : memref<128x128xf32, #tpu.memory_space<vmem>>) target(%dma_start3A_210 : memref<10240x128xf32, #tpu.memory_space<vmem_shared>>) offsets(%dma_start3A_207 : memref<128xi32, #tpu.memory_space<vmem>>) semaphore(%arg13 : memref<!tpu.dma_semaphore, #tpu.memory_space<semaphore_mem>>) {add = true}
      %add3A_211 = arith.constant 1 : i32
      %add3A_212 = arith.addi %add3A_194, %add3A_211 : i32
      %dma_wait3A_213 = arith.constant 0 : i32
      %dma_wait3A_214 = tpu.memref_slice %arg6[%add3A_212, %dma_wait3A_213] : memref<40x128xi32, #tpu.memory_space<vmem>> -> memref<1x128xi32, #tpu.memory_space<vmem>>
      %dma_wait3A_215 = tpu.memref_squeeze %dma_wait3A_214 : memref<1x128xi32, #tpu.memory_space<vmem>> -> memref<128xi32, #tpu.memory_space<vmem>>
      %dma_wait3A_216 = arith.constant 0 : i32
      %dma_wait3A_217 = arith.constant 0 : i32
      %dma_wait3A_218 = tpu.memref_slice %arg2[%dma_wait3A_216, %dma_wait3A_217] : memref<10240x128xf32, #tpu.memory_space<hbm>> -> memref<10240x128xf32, #tpu.memory_space<hbm>>
      tpu.wait_indirect_dma semaphore(%arg12 : memref<!tpu.dma_semaphore, #tpu.memory_space<semaphore_mem>>) src(%dma_wait3A_218 : memref<10240x128xf32, #tpu.memory_space<hbm>>) dst(%arg9 : memref<128x128xf32, #tpu.memory_space<vmem>>)
      %add3A_219 = arith.constant 1 : i32
      %add3A_220 = arith.addi %add3A_194, %add3A_219 : i32
      %dma_start3A_221 = arith.constant 0 : i32
      %dma_start3A_222 = tpu.memref_slice %arg7[%add3A_220, %dma_start3A_221] : memref<40x128xi32, #tpu.memory_space<vmem>> -> memref<1x128xi32, #tpu.memory_space<vmem>>
      %dma_start3A_223 = tpu.memref_squeeze %dma_start3A_222 : memref<1x128xi32, #tpu.memory_space<vmem>> -> memref<128xi32, #tpu.memory_space<vmem>>
      %dma_start3A_224 = arith.constant 0 : i32
      %dma_start3A_225 = arith.constant 0 : i32
      %dma_start3A_226 = tpu.memref_slice %arg10[%dma_start3A_224, %dma_start3A_225] : memref<10240x128xf32, #tpu.memory_space<vmem_shared>> -> memref<10240x128xf32, #tpu.memory_space<vmem_shared>>
      tpu.enqueue_indirect_dma source(%arg9 : memref<128x128xf32, #tpu.memory_space<vmem>>) target(%dma_start3A_226 : memref<10240x128xf32, #tpu.memory_space<vmem_shared>>) offsets(%dma_start3A_223 : memref<128xi32, #tpu.memory_space<vmem>>) semaphore(%arg14 : memref<!tpu.dma_semaphore, #tpu.memory_space<semaphore_mem>>) {add = true}
      %dma_wait3A_227 = arith.constant 0 : i32
      %dma_wait3A_228 = tpu.memref_slice %arg7[%add3A_204, %dma_wait3A_227] : memref<40x128xi32, #tpu.memory_space<vmem>> -> memref<1x128xi32, #tpu.memory_space<vmem>>
      %dma_wait3A_229 = tpu.memref_squeeze %dma_wait3A_228 : memref<1x128xi32, #tpu.memory_space<vmem>> -> memref<128xi32, #tpu.memory_space<vmem>>
      %dma_wait3A_230 = arith.constant 0 : i32
      %dma_wait3A_231 = arith.constant 0 : i32
      %dma_wait3A_232 = tpu.memref_slice %arg10[%dma_wait3A_230, %dma_wait3A_231] : memref<10240x128xf32, #tpu.memory_space<vmem_shared>> -> memref<10240x128xf32, #tpu.memory_space<vmem_shared>>
      tpu.wait_indirect_dma semaphore(%arg13 : memref<!tpu.dma_semaphore, #tpu.memory_space<semaphore_mem>>) src(%arg8 : memref<128x128xf32, #tpu.memory_space<vmem>>) dst(%dma_wait3A_232 : memref<10240x128xf32, #tpu.memory_space<vmem_shared>>)
      %add3A_233 = arith.constant 2 : i32
      %add3A_234 = arith.addi %add3A_194, %add3A_233 : i32
      %add3A_235 = arith.constant 0 : i32
      %add3A_236 = arith.addi %add3A_234, %add3A_235 : i32
      %dma_start3A_237 = arith.constant 0 : i32
      %dma_start3A_238 = tpu.memref_slice %arg6[%add3A_236, %dma_start3A_237] : memref<40x128xi32, #tpu.memory_space<vmem>> -> memref<1x128xi32, #tpu.memory_space<vmem>>
      %dma_start3A_239 = tpu.memref_squeeze %dma_start3A_238 : memref<1x128xi32, #tpu.memory_space<vmem>> -> memref<128xi32, #tpu.memory_space<vmem>>
      %dma_start3A_240 = arith.constant 0 : i32
      %dma_start3A_241 = arith.constant 0 : i32
      %dma_start3A_242 = tpu.memref_slice %arg2[%dma_start3A_240, %dma_start3A_241] : memref<10240x128xf32, #tpu.memory_space<hbm>> -> memref<10240x128xf32, #tpu.memory_space<hbm>>
      tpu.enqueue_indirect_dma source(%dma_start3A_242 : memref<10240x128xf32, #tpu.memory_space<hbm>>) target(%arg8 : memref<128x128xf32, #tpu.memory_space<vmem>>) offsets(%dma_start3A_239 : memref<128xi32, #tpu.memory_space<vmem>>) semaphore(%arg11 : memref<!tpu.dma_semaphore, #tpu.memory_space<semaphore_mem>>)
      %dma_wait3A_243 = arith.constant 0 : i32
      %dma_wait3A_244 = tpu.memref_slice %arg7[%add3A_220, %dma_wait3A_243] : memref<40x128xi32, #tpu.memory_space<vmem>> -> memref<1x128xi32, #tpu.memory_space<vmem>>
      %dma_wait3A_245 = tpu.memref_squeeze %dma_wait3A_244 : memref<1x128xi32, #tpu.memory_space<vmem>> -> memref<128xi32, #tpu.memory_space<vmem>>
      %dma_wait3A_246 = arith.constant 0 : i32
      %dma_wait3A_247 = arith.constant 0 : i32
      %dma_wait3A_248 = tpu.memref_slice %arg10[%dma_wait3A_246, %dma_wait3A_247] : memref<10240x128xf32, #tpu.memory_space<vmem_shared>> -> memref<10240x128xf32, #tpu.memory_space<vmem_shared>>
      tpu.wait_indirect_dma semaphore(%arg14 : memref<!tpu.dma_semaphore, #tpu.memory_space<semaphore_mem>>) src(%arg9 : memref<128x128xf32, #tpu.memory_space<vmem>>) dst(%dma_wait3A_248 : memref<10240x128xf32, #tpu.memory_space<vmem_shared>>)
      %add3A_249 = arith.constant 2 : i32
      %add3A_250 = arith.addi %add3A_194, %add3A_249 : i32
      %add3A_251 = arith.constant 1 : i32
      %add3A_252 = arith.addi %add3A_250, %add3A_251 : i32
      %dma_start3A_253 = arith.constant 0 : i32
      %dma_start3A_254 = tpu.memref_slice %arg6[%add3A_252, %dma_start3A_253] : memref<40x128xi32, #tpu.memory_space<vmem>> -> memref<1x128xi32, #tpu.memory_space<vmem>>
      %dma_start3A_255 = tpu.memref_squeeze %dma_start3A_254 : memref<1x128xi32, #tpu.memory_space<vmem>> -> memref<128xi32, #tpu.memory_space<vmem>>
      %dma_start3A_256 = arith.constant 0 : i32
      %dma_start3A_257 = arith.constant 0 : i32
      %dma_start3A_258 = tpu.memref_slice %arg2[%dma_start3A_256, %dma_start3A_257] : memref<10240x128xf32, #tpu.memory_space<hbm>> -> memref<10240x128xf32, #tpu.memory_space<hbm>>
      tpu.enqueue_indirect_dma source(%dma_start3A_258 : memref<10240x128xf32, #tpu.memory_space<hbm>>) target(%arg9 : memref<128x128xf32, #tpu.memory_space<vmem>>) offsets(%dma_start3A_255 : memref<128xi32, #tpu.memory_space<vmem>>) semaphore(%arg12 : memref<!tpu.dma_semaphore, #tpu.memory_space<semaphore_mem>>)
    }
    %scan3A_111 = arith.constant 19 : i32
    %dma_wait3A_112 = arith.constant 38 : i32
    %dma_wait3A_113 = arith.constant 0 : i32
    %dma_wait3A_114 = tpu.memref_slice %arg6[%dma_wait3A_112, %dma_wait3A_113] : memref<40x128xi32, #tpu.memory_space<vmem>> -> memref<1x128xi32, #tpu.memory_space<vmem>>
    %dma_wait3A_115 = tpu.memref_squeeze %dma_wait3A_114 : memref<1x128xi32, #tpu.memory_space<vmem>> -> memref<128xi32, #tpu.memory_space<vmem>>
    %dma_wait3A_116 = arith.constant 0 : i32
    %dma_wait3A_117 = arith.constant 0 : i32
    %dma_wait3A_118 = tpu.memref_slice %arg2[%dma_wait3A_116, %dma_wait3A_117] : memref<10240x128xf32, #tpu.memory_space<hbm>> -> memref<10240x128xf32, #tpu.memory_space<hbm>>
    tpu.wait_indirect_dma semaphore(%arg11 : memref<!tpu.dma_semaphore, #tpu.memory_space<semaphore_mem>>) src(%dma_wait3A_118 : memref<10240x128xf32, #tpu.memory_space<hbm>>) dst(%arg8 : memref<128x128xf32, #tpu.memory_space<vmem>>)
    %dma_start3A_119 = arith.constant 38 : i32
    %dma_start3A_120 = arith.constant 0 : i32
    %dma_start3A_121 = tpu.memref_slice %arg7[%dma_start3A_119, %dma_start3A_120] : memref<40x128xi32, #tpu.memory_space<vmem>> -> memref<1x128xi32, #tpu.memory_space<vmem>>
    %dma_start3A_122 = tpu.memref_squeeze %dma_start3A_121 : memref<1x128xi32, #tpu.memory_space<vmem>> -> memref<128xi32, #tpu.memory_space<vmem>>
    %dma_start3A_123 = arith.constant 0 : i32
    %dma_start3A_124 = arith.constant 0 : i32
    %dma_start3A_125 = tpu.memref_slice %arg10[%dma_start3A_123, %dma_start3A_124] : memref<10240x128xf32, #tpu.memory_space<vmem_shared>> -> memref<10240x128xf32, #tpu.memory_space<vmem_shared>>
    tpu.enqueue_indirect_dma source(%arg8 : memref<128x128xf32, #tpu.memory_space<vmem>>) target(%dma_start3A_125 : memref<10240x128xf32, #tpu.memory_space<vmem_shared>>) offsets(%dma_start3A_122 : memref<128xi32, #tpu.memory_space<vmem>>) semaphore(%arg13 : memref<!tpu.dma_semaphore, #tpu.memory_space<semaphore_mem>>) {add = true}
    %dma_wait3A_126 = arith.constant 39 : i32
    %dma_wait3A_127 = arith.constant 0 : i32
    %dma_wait3A_128 = tpu.memref_slice %arg6[%dma_wait3A_126, %dma_wait3A_127] : memref<40x128xi32, #tpu.memory_space<vmem>> -> memref<1x128xi32, #tpu.memory_space<vmem>>
    %dma_wait3A_129 = tpu.memref_squeeze %dma_wait3A_128 : memref<1x128xi32, #tpu.memory_space<vmem>> -> memref<128xi32, #tpu.memory_space<vmem>>
    %dma_wait3A_130 = arith.constant 0 : i32
    %dma_wait3A_131 = arith.constant 0 : i32
    %dma_wait3A_132 = tpu.memref_slice %arg2[%dma_wait3A_130, %dma_wait3A_131] : memref<10240x128xf32, #tpu.memory_space<hbm>> -> memref<10240x128xf32, #tpu.memory_space<hbm>>
    tpu.wait_indirect_dma semaphore(%arg12 : memref<!tpu.dma_semaphore, #tpu.memory_space<semaphore_mem>>) src(%dma_wait3A_132 : memref<10240x128xf32, #tpu.memory_space<hbm>>) dst(%arg9 : memref<128x128xf32, #tpu.memory_space<vmem>>)
    %dma_start3A_133 = arith.constant 39 : i32
    %dma_start3A_134 = arith.constant 0 : i32
    %dma_start3A_135 = tpu.memref_slice %arg7[%dma_start3A_133, %dma_start3A_134] : memref<40x128xi32, #tpu.memory_space<vmem>> -> memref<1x128xi32, #tpu.memory_space<vmem>>
    %dma_start3A_136 = tpu.memref_squeeze %dma_start3A_135 : memref<1x128xi32, #tpu.memory_space<vmem>> -> memref<128xi32, #tpu.memory_space<vmem>>
    %dma_start3A_137 = arith.constant 0 : i32
    %dma_start3A_138 = arith.constant 0 : i32
    %dma_start3A_139 = tpu.memref_slice %arg10[%dma_start3A_137, %dma_start3A_138] : memref<10240x128xf32, #tpu.memory_space<vmem_shared>> -> memref<10240x128xf32, #tpu.memory_space<vmem_shared>>
    tpu.enqueue_indirect_dma source(%arg9 : memref<128x128xf32, #tpu.memory_space<vmem>>) target(%dma_start3A_139 : memref<10240x128xf32, #tpu.memory_space<vmem_shared>>) offsets(%dma_start3A_136 : memref<128xi32, #tpu.memory_space<vmem>>) semaphore(%arg14 : memref<!tpu.dma_semaphore, #tpu.memory_space<semaphore_mem>>) {add = true}
    %dma_wait3A_140 = arith.constant 38 : i32
    %dma_wait3A_141 = arith.constant 0 : i32
    %dma_wait3A_142 = tpu.memref_slice %arg7[%dma_wait3A_140, %dma_wait3A_141] : memref<40x128xi32, #tpu.memory_space<vmem>> -> memref<1x128xi32, #tpu.memory_space<vmem>>
    %dma_wait3A_143 = tpu.memref_squeeze %dma_wait3A_142 : memref<1x128xi32, #tpu.memory_space<vmem>> -> memref<128xi32, #tpu.memory_space<vmem>>
    %dma_wait3A_144 = arith.constant 0 : i32
    %dma_wait3A_145 = arith.constant 0 : i32
    %dma_wait3A_146 = tpu.memref_slice %arg10[%dma_wait3A_144, %dma_wait3A_145] : memref<10240x128xf32, #tpu.memory_space<vmem_shared>> -> memref<10240x128xf32, #tpu.memory_space<vmem_shared>>
    tpu.wait_indirect_dma semaphore(%arg13 : memref<!tpu.dma_semaphore, #tpu.memory_space<semaphore_mem>>) src(%arg8 : memref<128x128xf32, #tpu.memory_space<vmem>>) dst(%dma_wait3A_146 : memref<10240x128xf32, #tpu.memory_space<vmem_shared>>)
    %dma_wait3A_147 = arith.constant 39 : i32
    %dma_wait3A_148 = arith.constant 0 : i32
    %dma_wait3A_149 = tpu.memref_slice %arg7[%dma_wait3A_147, %dma_wait3A_148] : memref<40x128xi32, #tpu.memory_space<vmem>> -> memref<1x128xi32, #tpu.memory_space<vmem>>
    %dma_wait3A_150 = tpu.memref_squeeze %dma_wait3A_149 : memref<1x128xi32, #tpu.memory_space<vmem>> -> memref<128xi32, #tpu.memory_space<vmem>>
    %dma_wait3A_151 = arith.constant 0 : i32
    %dma_wait3A_152 = arith.constant 0 : i32
    %dma_wait3A_153 = tpu.memref_slice %arg10[%dma_wait3A_151, %dma_wait3A_152] : memref<10240x128xf32, #tpu.memory_space<vmem_shared>> -> memref<10240x128xf32, #tpu.memory_space<vmem_shared>>
    tpu.wait_indirect_dma semaphore(%arg14 : memref<!tpu.dma_semaphore, #tpu.memory_space<semaphore_mem>>) src(%arg9 : memref<128x128xf32, #tpu.memory_space<vmem>>) dst(%dma_wait3A_153 : memref<10240x128xf32, #tpu.memory_space<vmem_shared>>)
    %barrier3A_154 = arith.constant 0 : index
    tpu.barrier barrier_id(%barrier3A_154)
    %mul3A_155 = arith.constant 640 : i32
    %mul3A_156 = arith.muli %arg1, %mul3A_155 : i32
    %add3A_157 = arith.constant 0 : i32
    %add3A_158 = arith.addi %mul3A_156, %add3A_157 : i32
    "tpu.region"() ({
      %run_scoped3A = tpu.sem_alloc : memref<!tpu.dma_semaphore, #tpu.memory_space<semaphore_mem>>
      %dma_start3A_190 = arith.constant 0 : i32
      %dma_start3A_191 = tpu.memref_slice %arg10[%add3A_158, %dma_start3A_190] : memref<10240x128xf32, #tpu.memory_space<vmem_shared>> -> memref<128x128xf32, #tpu.memory_space<vmem_shared>>
      %dma_start3A_192 = arith.constant 0 : i32
      %dma_start3A_193 = tpu.memref_slice %arg10[%add3A_158, %dma_start3A_192] : memref<10240x128xf32, #tpu.memory_space<vmem_shared>> -> memref<128x128xf32, #tpu.memory_space<vmem_shared>>
      tpu.enqueue_dma source(%dma_start3A_193 : memref<128x128xf32, #tpu.memory_space<vmem_shared>>) target(%arg8 : memref<128x128xf32, #tpu.memory_space<vmem>>) target_semaphore(%run_scoped3A : memref<!tpu.dma_semaphore, #tpu.memory_space<semaphore_mem>>)
      %dma_wait3A_194 = arith.constant 0 : i32
      %dma_wait3A_195 = tpu.memref_slice %arg10[%add3A_158, %dma_wait3A_194] : memref<10240x128xf32, #tpu.memory_space<vmem_shared>> -> memref<128x128xf32, #tpu.memory_space<vmem_shared>>
      %dma_wait3A_196 = arith.constant 0 : i32
      %dma_wait3A_197 = tpu.memref_slice %arg10[%add3A_158, %dma_wait3A_196] : memref<10240x128xf32, #tpu.memory_space<vmem_shared>> -> memref<128x128xf32, #tpu.memory_space<vmem_shared>>
      tpu.wait_dma2 semaphore(%run_scoped3A : memref<!tpu.dma_semaphore, #tpu.memory_space<semaphore_mem>>) src(%dma_wait3A_197 : memref<128x128xf32, #tpu.memory_space<vmem_shared>>) dst(%arg8 : memref<128x128xf32, #tpu.memory_space<vmem>>)
      tpu.yield
    }) : () -> ()
    %mul3A_159 = arith.constant 10240 : i32
    %mul3A_160 = arith.muli %arg0, %mul3A_159 : i32
    %add3A_161 = arith.addi %mul3A_160, %add3A_158 : i32
    "tpu.region"() ({
      %run_scoped3A = tpu.sem_alloc : memref<!tpu.dma_semaphore, #tpu.memory_space<semaphore_mem>>
      %dma_start3A_190 = arith.constant 0 : i32
      %dma_start3A_191 = tpu.memref_slice %arg5[%add3A_161, %dma_start3A_190] : memref<20480x128xf32, #tpu.memory_space<hbm>> -> memref<128x128xf32, #tpu.memory_space<hbm>>
      %dma_start3A_192 = arith.constant 0 : i32
      %dma_start3A_193 = tpu.memref_slice %arg5[%add3A_161, %dma_start3A_192] : memref<20480x128xf32, #tpu.memory_space<hbm>> -> memref<128x128xf32, #tpu.memory_space<hbm>>
      tpu.enqueue_dma source(%arg8 : memref<128x128xf32, #tpu.memory_space<vmem>>) target(%dma_start3A_193 : memref<128x128xf32, #tpu.memory_space<hbm>>) target_semaphore(%run_scoped3A : memref<!tpu.dma_semaphore, #tpu.memory_space<semaphore_mem>>)
      %dma_wait3A_194 = arith.constant 0 : i32
      %dma_wait3A_195 = tpu.memref_slice %arg5[%add3A_161, %dma_wait3A_194] : memref<20480x128xf32, #tpu.memory_space<hbm>> -> memref<128x128xf32, #tpu.memory_space<hbm>>
      %dma_wait3A_196 = arith.constant 0 : i32
      %dma_wait3A_197 = tpu.memref_slice %arg5[%add3A_161, %dma_wait3A_196] : memref<20480x128xf32, #tpu.memory_space<hbm>> -> memref<128x128xf32, #tpu.memory_space<hbm>>
      tpu.wait_dma2 semaphore(%run_scoped3A : memref<!tpu.dma_semaphore, #tpu.memory_space<semaphore_mem>>) src(%arg8 : memref<128x128xf32, #tpu.memory_space<vmem>>) dst(%dma_wait3A_197 : memref<128x128xf32, #tpu.memory_space<hbm>>)
      tpu.yield
    }) : () -> ()
    %mul3A_162 = arith.constant 640 : i32
    %mul3A_163 = arith.muli %arg1, %mul3A_162 : i32
    %add3A_164 = arith.constant 128 : i32
    %add3A_165 = arith.addi %mul3A_163, %add3A_164 : i32
    "tpu.region"() ({
      %run_scoped3A = tpu.sem_alloc : memref<!tpu.dma_semaphore, #tpu.memory_space<semaphore_mem>>
      %dma_start3A_190 = arith.constant 0 : i32
      %dma_start3A_191 = tpu.memref_slice %arg10[%add3A_165, %dma_start3A_190] : memref<10240x128xf32, #tpu.memory_space<vmem_shared>> -> memref<128x128xf32, #tpu.memory_space<vmem_shared>>
      %dma_start3A_192 = arith.constant 0 : i32
      %dma_start3A_193 = tpu.memref_slice %arg10[%add3A_165, %dma_start3A_192] : memref<10240x128xf32, #tpu.memory_space<vmem_shared>> -> memref<128x128xf32, #tpu.memory_space<vmem_shared>>
      tpu.enqueue_dma source(%dma_start3A_193 : memref<128x128xf32, #tpu.memory_space<vmem_shared>>) target(%arg8 : memref<128x128xf32, #tpu.memory_space<vmem>>) target_semaphore(%run_scoped3A : memref<!tpu.dma_semaphore, #tpu.memory_space<semaphore_mem>>)
      %dma_wait3A_194 = arith.constant 0 : i32
      %dma_wait3A_195 = tpu.memref_slice %arg10[%add3A_165, %dma_wait3A_194] : memref<10240x128xf32, #tpu.memory_space<vmem_shared>> -> memref<128x128xf32, #tpu.memory_space<vmem_shared>>
      %dma_wait3A_196 = arith.constant 0 : i32
      %dma_wait3A_197 = tpu.memref_slice %arg10[%add3A_165, %dma_wait3A_196] : memref<10240x128xf32, #tpu.memory_space<vmem_shared>> -> memref<128x128xf32, #tpu.memory_space<vmem_shared>>
      tpu.wait_dma2 semaphore(%run_scoped3A : memref<!tpu.dma_semaphore, #tpu.memory_space<semaphore_mem>>) src(%dma_wait3A_197 : memref<128x128xf32, #tpu.memory_space<vmem_shared>>) dst(%arg8 : memref<128x128xf32, #tpu.memory_space<vmem>>)
      tpu.yield
    }) : () -> ()
    %mul3A_166 = arith.constant 10240 : i32
    %mul3A_167 = arith.muli %arg0, %mul3A_166 : i32
    %add3A_168 = arith.addi %mul3A_167, %add3A_165 : i32
    "tpu.region"() ({
      %run_scoped3A = tpu.sem_alloc : memref<!tpu.dma_semaphore, #tpu.memory_space<semaphore_mem>>
      %dma_start3A_190 = arith.constant 0 : i32
      %dma_start3A_191 = tpu.memref_slice %arg5[%add3A_168, %dma_start3A_190] : memref<20480x128xf32, #tpu.memory_space<hbm>> -> memref<128x128xf32, #tpu.memory_space<hbm>>
      %dma_start3A_192 = arith.constant 0 : i32
      %dma_start3A_193 = tpu.memref_slice %arg5[%add3A_168, %dma_start3A_192] : memref<20480x128xf32, #tpu.memory_space<hbm>> -> memref<128x128xf32, #tpu.memory_space<hbm>>
      tpu.enqueue_dma source(%arg8 : memref<128x128xf32, #tpu.memory_space<vmem>>) target(%dma_start3A_193 : memref<128x128xf32, #tpu.memory_space<hbm>>) target_semaphore(%run_scoped3A : memref<!tpu.dma_semaphore, #tpu.memory_space<semaphore_mem>>)
      %dma_wait3A_194 = arith.constant 0 : i32
      %dma_wait3A_195 = tpu.memref_slice %arg5[%add3A_168, %dma_wait3A_194] : memref<20480x128xf32, #tpu.memory_space<hbm>> -> memref<128x128xf32, #tpu.memory_space<hbm>>
      %dma_wait3A_196 = arith.constant 0 : i32
      %dma_wait3A_197 = tpu.memref_slice %arg5[%add3A_168, %dma_wait3A_196] : memref<20480x128xf32, #tpu.memory_space<hbm>> -> memref<128x128xf32, #tpu.memory_space<hbm>>
      tpu.wait_dma2 semaphore(%run_scoped3A : memref<!tpu.dma_semaphore, #tpu.memory_space<semaphore_mem>>) src(%arg8 : memref<128x128xf32, #tpu.memory_space<vmem>>) dst(%dma_wait3A_197 : memref<128x128xf32, #tpu.memory_space<hbm>>)
      tpu.yield
    }) : () -> ()
    %mul3A_169 = arith.constant 640 : i32
    %mul3A_170 = arith.muli %arg1, %mul3A_169 : i32
    %add3A_171 = arith.constant 256 : i32
    %add3A_172 = arith.addi %mul3A_170, %add3A_171 : i32
    "tpu.region"() ({
      %run_scoped3A = tpu.sem_alloc : memref<!tpu.dma_semaphore, #tpu.memory_space<semaphore_mem>>
      %dma_start3A_190 = arith.constant 0 : i32
      %dma_start3A_191 = tpu.memref_slice %arg10[%add3A_172, %dma_start3A_190] : memref<10240x128xf32, #tpu.memory_space<vmem_shared>> -> memref<128x128xf32, #tpu.memory_space<vmem_shared>>
      %dma_start3A_192 = arith.constant 0 : i32
      %dma_start3A_193 = tpu.memref_slice %arg10[%add3A_172, %dma_start3A_192] : memref<10240x128xf32, #tpu.memory_space<vmem_shared>> -> memref<128x128xf32, #tpu.memory_space<vmem_shared>>
      tpu.enqueue_dma source(%dma_start3A_193 : memref<128x128xf32, #tpu.memory_space<vmem_shared>>) target(%arg8 : memref<128x128xf32, #tpu.memory_space<vmem>>) target_semaphore(%run_scoped3A : memref<!tpu.dma_semaphore, #tpu.memory_space<semaphore_mem>>)
      %dma_wait3A_194 = arith.constant 0 : i32
      %dma_wait3A_195 = tpu.memref_slice %arg10[%add3A_172, %dma_wait3A_194] : memref<10240x128xf32, #tpu.memory_space<vmem_shared>> -> memref<128x128xf32, #tpu.memory_space<vmem_shared>>
      %dma_wait3A_196 = arith.constant 0 : i32
      %dma_wait3A_197 = tpu.memref_slice %arg10[%add3A_172, %dma_wait3A_196] : memref<10240x128xf32, #tpu.memory_space<vmem_shared>> -> memref<128x128xf32, #tpu.memory_space<vmem_shared>>
      tpu.wait_dma2 semaphore(%run_scoped3A : memref<!tpu.dma_semaphore, #tpu.memory_space<semaphore_mem>>) src(%dma_wait3A_197 : memref<128x128xf32, #tpu.memory_space<vmem_shared>>) dst(%arg8 : memref<128x128xf32, #tpu.memory_space<vmem>>)
      tpu.yield
    }) : () -> ()
    %mul3A_173 = arith.constant 10240 : i32
    %mul3A_174 = arith.muli %arg0, %mul3A_173 : i32
    %add3A_175 = arith.addi %mul3A_174, %add3A_172 : i32
    "tpu.region"() ({
      %run_scoped3A = tpu.sem_alloc : memref<!tpu.dma_semaphore, #tpu.memory_space<semaphore_mem>>
      %dma_start3A_190 = arith.constant 0 : i32
      %dma_start3A_191 = tpu.memref_slice %arg5[%add3A_175, %dma_start3A_190] : memref<20480x128xf32, #tpu.memory_space<hbm>> -> memref<128x128xf32, #tpu.memory_space<hbm>>
      %dma_start3A_192 = arith.constant 0 : i32
      %dma_start3A_193 = tpu.memref_slice %arg5[%add3A_175, %dma_start3A_192] : memref<20480x128xf32, #tpu.memory_space<hbm>> -> memref<128x128xf32, #tpu.memory_space<hbm>>
      tpu.enqueue_dma source(%arg8 : memref<128x128xf32, #tpu.memory_space<vmem>>) target(%dma_start3A_193 : memref<128x128xf32, #tpu.memory_space<hbm>>) target_semaphore(%run_scoped3A : memref<!tpu.dma_semaphore, #tpu.memory_space<semaphore_mem>>)
      %dma_wait3A_194 = arith.constant 0 : i32
      %dma_wait3A_195 = tpu.memref_slice %arg5[%add3A_175, %dma_wait3A_194] : memref<20480x128xf32, #tpu.memory_space<hbm>> -> memref<128x128xf32, #tpu.memory_space<hbm>>
      %dma_wait3A_196 = arith.constant 0 : i32
      %dma_wait3A_197 = tpu.memref_slice %arg5[%add3A_175, %dma_wait3A_196] : memref<20480x128xf32, #tpu.memory_space<hbm>> -> memref<128x128xf32, #tpu.memory_space<hbm>>
      tpu.wait_dma2 semaphore(%run_scoped3A : memref<!tpu.dma_semaphore, #tpu.memory_space<semaphore_mem>>) src(%arg8 : memref<128x128xf32, #tpu.memory_space<vmem>>) dst(%dma_wait3A_197 : memref<128x128xf32, #tpu.memory_space<hbm>>)
      tpu.yield
    }) : () -> ()
    %mul3A_176 = arith.constant 640 : i32
    %mul3A_177 = arith.muli %arg1, %mul3A_176 : i32
    %add3A_178 = arith.constant 384 : i32
    %add3A_179 = arith.addi %mul3A_177, %add3A_178 : i32
    "tpu.region"() ({
      %run_scoped3A = tpu.sem_alloc : memref<!tpu.dma_semaphore, #tpu.memory_space<semaphore_mem>>
      %dma_start3A_190 = arith.constant 0 : i32
      %dma_start3A_191 = tpu.memref_slice %arg10[%add3A_179, %dma_start3A_190] : memref<10240x128xf32, #tpu.memory_space<vmem_shared>> -> memref<128x128xf32, #tpu.memory_space<vmem_shared>>
      %dma_start3A_192 = arith.constant 0 : i32
      %dma_start3A_193 = tpu.memref_slice %arg10[%add3A_179, %dma_start3A_192] : memref<10240x128xf32, #tpu.memory_space<vmem_shared>> -> memref<128x128xf32, #tpu.memory_space<vmem_shared>>
      tpu.enqueue_dma source(%dma_start3A_193 : memref<128x128xf32, #tpu.memory_space<vmem_shared>>) target(%arg8 : memref<128x128xf32, #tpu.memory_space<vmem>>) target_semaphore(%run_scoped3A : memref<!tpu.dma_semaphore, #tpu.memory_space<semaphore_mem>>)
      %dma_wait3A_194 = arith.constant 0 : i32
      %dma_wait3A_195 = tpu.memref_slice %arg10[%add3A_179, %dma_wait3A_194] : memref<10240x128xf32, #tpu.memory_space<vmem_shared>> -> memref<128x128xf32, #tpu.memory_space<vmem_shared>>
      %dma_wait3A_196 = arith.constant 0 : i32
      %dma_wait3A_197 = tpu.memref_slice %arg10[%add3A_179, %dma_wait3A_196] : memref<10240x128xf32, #tpu.memory_space<vmem_shared>> -> memref<128x128xf32, #tpu.memory_space<vmem_shared>>
      tpu.wait_dma2 semaphore(%run_scoped3A : memref<!tpu.dma_semaphore, #tpu.memory_space<semaphore_mem>>) src(%dma_wait3A_197 : memref<128x128xf32, #tpu.memory_space<vmem_shared>>) dst(%arg8 : memref<128x128xf32, #tpu.memory_space<vmem>>)
      tpu.yield
    }) : () -> ()
    %mul3A_180 = arith.constant 10240 : i32
    %mul3A_181 = arith.muli %arg0, %mul3A_180 : i32
    %add3A_182 = arith.addi %mul3A_181, %add3A_179 : i32
    "tpu.region"() ({
      %run_scoped3A = tpu.sem_alloc : memref<!tpu.dma_semaphore, #tpu.memory_space<semaphore_mem>>
      %dma_start3A_190 = arith.constant 0 : i32
      %dma_start3A_191 = tpu.memref_slice %arg5[%add3A_182, %dma_start3A_190] : memref<20480x128xf32, #tpu.memory_space<hbm>> -> memref<128x128xf32, #tpu.memory_space<hbm>>
      %dma_start3A_192 = arith.constant 0 : i32
      %dma_start3A_193 = tpu.memref_slice %arg5[%add3A_182, %dma_start3A_192] : memref<20480x128xf32, #tpu.memory_space<hbm>> -> memref<128x128xf32, #tpu.memory_space<hbm>>
      tpu.enqueue_dma source(%arg8 : memref<128x128xf32, #tpu.memory_space<vmem>>) target(%dma_start3A_193 : memref<128x128xf32, #tpu.memory_space<hbm>>) target_semaphore(%run_scoped3A : memref<!tpu.dma_semaphore, #tpu.memory_space<semaphore_mem>>)
      %dma_wait3A_194 = arith.constant 0 : i32
      %dma_wait3A_195 = tpu.memref_slice %arg5[%add3A_182, %dma_wait3A_194] : memref<20480x128xf32, #tpu.memory_space<hbm>> -> memref<128x128xf32, #tpu.memory_space<hbm>>
      %dma_wait3A_196 = arith.constant 0 : i32
      %dma_wait3A_197 = tpu.memref_slice %arg5[%add3A_182, %dma_wait3A_196] : memref<20480x128xf32, #tpu.memory_space<hbm>> -> memref<128x128xf32, #tpu.memory_space<hbm>>
      tpu.wait_dma2 semaphore(%run_scoped3A : memref<!tpu.dma_semaphore, #tpu.memory_space<semaphore_mem>>) src(%arg8 : memref<128x128xf32, #tpu.memory_space<vmem>>) dst(%dma_wait3A_197 : memref<128x128xf32, #tpu.memory_space<hbm>>)
      tpu.yield
    }) : () -> ()
    %mul3A_183 = arith.constant 640 : i32
    %mul3A_184 = arith.muli %arg1, %mul3A_183 : i32
    %add3A_185 = arith.constant 512 : i32
    %add3A_186 = arith.addi %mul3A_184, %add3A_185 : i32
    "tpu.region"() ({
      %run_scoped3A = tpu.sem_alloc : memref<!tpu.dma_semaphore, #tpu.memory_space<semaphore_mem>>
      %dma_start3A_190 = arith.constant 0 : i32
      %dma_start3A_191 = tpu.memref_slice %arg10[%add3A_186, %dma_start3A_190] : memref<10240x128xf32, #tpu.memory_space<vmem_shared>> -> memref<128x128xf32, #tpu.memory_space<vmem_shared>>
      %dma_start3A_192 = arith.constant 0 : i32
      %dma_start3A_193 = tpu.memref_slice %arg10[%add3A_186, %dma_start3A_192] : memref<10240x128xf32, #tpu.memory_space<vmem_shared>> -> memref<128x128xf32, #tpu.memory_space<vmem_shared>>
      tpu.enqueue_dma source(%dma_start3A_193 : memref<128x128xf32, #tpu.memory_space<vmem_shared>>) target(%arg8 : memref<128x128xf32, #tpu.memory_space<vmem>>) target_semaphore(%run_scoped3A : memref<!tpu.dma_semaphore, #tpu.memory_space<semaphore_mem>>)
      %dma_wait3A_194 = arith.constant 0 : i32
      %dma_wait3A_195 = tpu.memref_slice %arg10[%add3A_186, %dma_wait3A_194] : memref<10240x128xf32, #tpu.memory_space<vmem_shared>> -> memref<128x128xf32, #tpu.memory_space<vmem_shared>>
      %dma_wait3A_196 = arith.constant 0 : i32
      %dma_wait3A_197 = tpu.memref_slice %arg10[%add3A_186, %dma_wait3A_196] : memref<10240x128xf32, #tpu.memory_space<vmem_shared>> -> memref<128x128xf32, #tpu.memory_space<vmem_shared>>
      tpu.wait_dma2 semaphore(%run_scoped3A : memref<!tpu.dma_semaphore, #tpu.memory_space<semaphore_mem>>) src(%dma_wait3A_197 : memref<128x128xf32, #tpu.memory_space<vmem_shared>>) dst(%arg8 : memref<128x128xf32, #tpu.memory_space<vmem>>)
      tpu.yield
    }) : () -> ()
    %mul3A_187 = arith.constant 10240 : i32
    %mul3A_188 = arith.muli %arg0, %mul3A_187 : i32
    %add3A_189 = arith.addi %mul3A_188, %add3A_186 : i32
    "tpu.region"() ({
      %run_scoped3A = tpu.sem_alloc : memref<!tpu.dma_semaphore, #tpu.memory_space<semaphore_mem>>
      %dma_start3A_190 = arith.constant 0 : i32
      %dma_start3A_191 = tpu.memref_slice %arg5[%add3A_189, %dma_start3A_190] : memref<20480x128xf32, #tpu.memory_space<hbm>> -> memref<128x128xf32, #tpu.memory_space<hbm>>
      %dma_start3A_192 = arith.constant 0 : i32
      %dma_start3A_193 = tpu.memref_slice %arg5[%add3A_189, %dma_start3A_192] : memref<20480x128xf32, #tpu.memory_space<hbm>> -> memref<128x128xf32, #tpu.memory_space<hbm>>
      tpu.enqueue_dma source(%arg8 : memref<128x128xf32, #tpu.memory_space<vmem>>) target(%dma_start3A_193 : memref<128x128xf32, #tpu.memory_space<hbm>>) target_semaphore(%run_scoped3A : memref<!tpu.dma_semaphore, #tpu.memory_space<semaphore_mem>>)
      %dma_wait3A_194 = arith.constant 0 : i32
      %dma_wait3A_195 = tpu.memref_slice %arg5[%add3A_189, %dma_wait3A_194] : memref<20480x128xf32, #tpu.memory_space<hbm>> -> memref<128x128xf32, #tpu.memory_space<hbm>>
      %dma_wait3A_196 = arith.constant 0 : i32
      %dma_wait3A_197 = tpu.memref_slice %arg5[%add3A_189, %dma_wait3A_196] : memref<20480x128xf32, #tpu.memory_space<hbm>> -> memref<128x128xf32, #tpu.memory_space<hbm>>
      tpu.wait_dma2 semaphore(%run_scoped3A : memref<!tpu.dma_semaphore, #tpu.memory_space<semaphore_mem>>) src(%arg8 : memref<128x128xf32, #tpu.memory_space<vmem>>) dst(%dma_wait3A_197 : memref<128x128xf32, #tpu.memory_space<hbm>>)
      tpu.yield
    }) : () -> ()
    return
  }
}

module attributes {stable_mosaic.version = 14 : i64} {
  func.func @body(%arg0: i32, %arg1: memref<256x128xf32, #tpu.memory_space<vmem>>, %arg2: memref<128x128xf32, #tpu.memory_space<vmem>>, %arg3: memref<128x128xf32, #tpu.memory_space<vmem>>, %arg4: memref<8x128xf32, #tpu.memory_space<vmem>>, %arg5: memref<256x128xf32, #tpu.memory_space<vmem>>) attributes {dimension_semantics = [#tpu.dimension_semantics<arbitrary>], iteration_bounds = array<i64: 40>, scalar_prefetch = 0 : i64, scratch_operands = 0 : i64, tpu.core_type = #tpu.core_type<tc>, window_params = [{transform_indices = @transform_0, window_bounds = array<i64: 256, 128>}, {pipeline_mode = #tpu.pipeline_mode<synchronous>, transform_indices = @transform_1, window_bounds = array<i64: 128, 128>}, {pipeline_mode = #tpu.pipeline_mode<synchronous>, transform_indices = @transform_2, window_bounds = array<i64: 128, 128>}, {pipeline_mode = #tpu.pipeline_mode<synchronous>, transform_indices = @transform_3, window_bounds = array<i64: 8, 128>}, {transform_indices = @transform_4, window_bounds = array<i64: 256, 128>}]} {
    %get3A = arith.constant 0 : index
    %get3A_0 = arith.constant 0 : index
    %get3A_1 = vector.load %arg1[%get3A, %get3A_0] : memref<256x128xf32, #tpu.memory_space<vmem>>, vector<256x128xf32>
    %get3A_2 = arith.constant 0 : index
    %get3A_3 = arith.constant 0 : index
    %get3A_4 = vector.load %arg2[%get3A_2, %get3A_3] : memref<128x128xf32, #tpu.memory_space<vmem>>, vector<128x128xf32>
    %dot_general3A = arith.constant dense<0.000000e+00> : vector<256x128xf32>
    %dot_general3A_5 = tpu.matmul %get3A_1, %get3A_4, %dot_general3A {dimension_numbers = #tpu.dot_dimension_numbers<[1], [0], [0], [1], [0, 0, 1, 1], [], []>, transpose_lhs_hint = false} : vector<256x128xf32>, vector<128x128xf32>, vector<256x128xf32> -> vector<256x128xf32>
    %get3A_6 = arith.constant 0 : index
    %get3A_7 = arith.constant 0 : index
    %get3A_8 = vector.load %arg4[%get3A_6, %get3A_7] : memref<8x128xf32, #tpu.memory_space<vmem>>, vector<1x128xf32>
    %get3A_9 = vector.shape_cast %get3A_8 : vector<1x128xf32> to vector<128xf32>
    %broadcast_in_dim3A = vector.shape_cast %get3A_9 : vector<128xf32> to vector<1x128xf32>
    %add3A = vector.broadcast %broadcast_in_dim3A : vector<1x128xf32> to vector<256x128xf32>
    %add3A_10 = arith.addf %dot_general3A_5, %add3A : vector<256x128xf32>
    %ge3A = arith.constant 0.000000e+00 : f32
    %ge3A_11 = vector.broadcast %ge3A : f32 to vector<256x128xf32>
    %ge3A_12 = arith.cmpf oge, %add3A_10, %ge3A_11 : vector<256x128xf32>
    %mul3A = arith.constant 2.000000e-01 : f32
    %mul3A_13 = vector.broadcast %mul3A : f32 to vector<256x128xf32>
    %mul3A_14 = arith.mulf %mul3A_13, %add3A_10 : vector<256x128xf32>
    %select_n3A = arith.select %ge3A_12, %add3A_10, %mul3A_14 : vector<256x128xi1>, vector<256x128xf32>
    %get3A_15 = arith.constant 0 : index
    %get3A_16 = arith.constant 0 : index
    %get3A_17 = vector.load %arg3[%get3A_15, %get3A_16] : memref<128x128xf32, #tpu.memory_space<vmem>>, vector<128x128xf32>
    %dot_general3A_18 = arith.constant dense<0.000000e+00> : vector<256x128xf32>
    %dot_general3A_19 = tpu.matmul %select_n3A, %get3A_17, %dot_general3A_18 {dimension_numbers = #tpu.dot_dimension_numbers<[1], [0], [0], [1], [0, 0, 1, 1], [], []>, transpose_lhs_hint = false} : vector<256x128xf32>, vector<128x128xf32>, vector<256x128xf32> -> vector<256x128xf32>
    %get3A_20 = arith.constant 1 : index
    %get3A_21 = arith.constant 0 : index
    %get3A_22 = vector.load %arg4[%get3A_20, %get3A_21] : memref<8x128xf32, #tpu.memory_space<vmem>>, vector<1x128xf32>
    %get3A_23 = vector.shape_cast %get3A_22 : vector<1x128xf32> to vector<128xf32>
    %broadcast_in_dim3A_24 = vector.shape_cast %get3A_23 : vector<128xf32> to vector<1x128xf32>
    %add3A_25 = vector.broadcast %broadcast_in_dim3A_24 : vector<1x128xf32> to vector<256x128xf32>
    %add3A_26 = arith.addf %dot_general3A_19, %add3A_25 : vector<256x128xf32>
    %ge3A_27 = arith.constant 0.000000e+00 : f32
    %ge3A_28 = vector.broadcast %ge3A_27 : f32 to vector<256x128xf32>
    %ge3A_29 = arith.cmpf oge, %add3A_26, %ge3A_28 : vector<256x128xf32>
    %mul3A_30 = arith.constant 2.000000e-01 : f32
    %mul3A_31 = vector.broadcast %mul3A_30 : f32 to vector<256x128xf32>
    %mul3A_32 = arith.mulf %mul3A_31, %add3A_26 : vector<256x128xf32>
    %select_n3A_33 = arith.select %ge3A_29, %add3A_26, %mul3A_32 : vector<256x128xi1>, vector<256x128xf32>
    %swap3A = arith.constant 0 : index
    %swap3A_34 = arith.constant 0 : index
    %swap3A_35 = vector.load %arg5[%swap3A, %swap3A_34] : memref<256x128xf32, #tpu.memory_space<vmem>>, vector<256x128xf32>
    tpu.vector_store %arg5[%swap3A, %swap3A_34], %select_n3A_33 {strides = array<i32>} : memref<256x128xf32, #tpu.memory_space<vmem>>, vector<256x128xf32>,
    return
  }
  func.func @transform_0(%arg0: i32) -> (i32, i32) {
    %c0_i32 = arith.constant 0 : i32
    %c0_i32_0 = arith.constant 0 : i32
    return %arg0, %c0_i32 : i32, i32
  }
  func.func @transform_1(%arg0: i32) -> (i32, i32) {
    %c0_i32 = arith.constant 0 : i32
    %c0_i32_0 = arith.constant 0 : i32
    %c0_i32_1 = arith.constant 0 : i32
    return %c0_i32, %c0_i32_0 : i32, i32
  }
  func.func @transform_2(%arg0: i32) -> (i32, i32) {
    %c0_i32 = arith.constant 0 : i32
    %c0_i32_0 = arith.constant 0 : i32
    %c0_i32_1 = arith.constant 0 : i32
    return %c0_i32, %c0_i32_0 : i32, i32
  }
  func.func @transform_3(%arg0: i32) -> (i32, i32) {
    %c0_i32 = arith.constant 0 : i32
    %c0_i32_0 = arith.constant 0 : i32
    %c0_i32_1 = arith.constant 0 : i32
    return %c0_i32, %c0_i32_0 : i32, i32
  }
  func.func @transform_4(%arg0: i32) -> (i32, i32) {
    %c0_i32 = arith.constant 0 : i32
    %c0_i32_0 = arith.constant 0 : i32
    return %arg0, %c0_i32 : i32, i32
  }
}

module attributes {stable_mosaic.version = 14 : i64} {
  func.func @body(%arg0: i32, %arg1: memref<256x128xf32, #tpu.memory_space<vmem>>, %arg2: memref<256x128xf32, #tpu.memory_space<vmem>>, %arg3: memref<256x128xf32, #tpu.memory_space<vmem>>, %arg4: memref<256x128xf32, #tpu.memory_space<vmem>>, %arg5: memref<128x128xf32, #tpu.memory_space<vmem>>, %arg6: memref<128x128xf32, #tpu.memory_space<vmem>>, %arg7: memref<128x128xf32, #tpu.memory_space<vmem>>, %arg8: memref<8x128xf32, #tpu.memory_space<vmem>>, %arg9: memref<256x128xf32, #tpu.memory_space<vmem>>) attributes {dimension_semantics = [#tpu.dimension_semantics<arbitrary>], iteration_bounds = array<i64: 40>, scalar_prefetch = 0 : i64, scratch_operands = 0 : i64, tpu.core_type = #tpu.core_type<tc>, window_params = [{transform_indices = @transform_0, window_bounds = array<i64: 256, 128>}, {transform_indices = @transform_1, window_bounds = array<i64: 256, 128>}, {transform_indices = @transform_2, window_bounds = array<i64: 256, 128>}, {transform_indices = @transform_3, window_bounds = array<i64: 256, 128>}, {pipeline_mode = #tpu.pipeline_mode<synchronous>, transform_indices = @transform_4, window_bounds = array<i64: 128, 128>}, {pipeline_mode = #tpu.pipeline_mode<synchronous>, transform_indices = @transform_5, window_bounds = array<i64: 128, 128>}, {pipeline_mode = #tpu.pipeline_mode<synchronous>, transform_indices = @transform_6, window_bounds = array<i64: 128, 128>}, {pipeline_mode = #tpu.pipeline_mode<synchronous>, transform_indices = @transform_7, window_bounds = array<i64: 8, 128>}, {transform_indices = @transform_8, window_bounds = array<i64: 256, 128>}]} {
    %get3A = arith.constant 0 : index
    %get3A_0 = arith.constant 0 : index
    %get3A_1 = vector.load %arg1[%get3A, %get3A_0] : memref<256x128xf32, #tpu.memory_space<vmem>>, vector<256x128xf32>
    %get3A_2 = arith.constant 0 : index
    %get3A_3 = arith.constant 0 : index
    %get3A_4 = vector.load %arg2[%get3A_2, %get3A_3] : memref<256x128xf32, #tpu.memory_space<vmem>>, vector<256x128xf32>
    %add3A = arith.addf %get3A_1, %get3A_4 : vector<256x128xf32>
    %get3A_5 = arith.constant 0 : index
    %get3A_6 = arith.constant 0 : index
    %get3A_7 = vector.load %arg3[%get3A_5, %get3A_6] : memref<256x128xf32, #tpu.memory_space<vmem>>, vector<256x1xf32>
    %get3A_8 = arith.constant 0 : index
    %get3A_9 = arith.constant 0 : index
    %get3A_10 = vector.load %arg4[%get3A_8, %get3A_9] : memref<256x128xf32, #tpu.memory_space<vmem>>, vector<256x1xf32>
    %add3A_11 = arith.addf %get3A_7, %get3A_10 : vector<256x1xf32>
    %max3A = arith.constant 1.000000e+00 : f32
    %max3A_12 = vector.broadcast %max3A : f32 to vector<256x1xf32>
    %max3A_13 = arith.maximumf %add3A_11, %max3A_12 : vector<256x1xf32>
    %div3A = vector.broadcast %max3A_13 : vector<256x1xf32> to vector<256x128xf32>
    %div3A_14 = arith.divf %add3A, %div3A : vector<256x128xf32>
    %get3A_15 = arith.constant 0 : index
    %get3A_16 = arith.constant 0 : index
    %get3A_17 = vector.load %arg5[%get3A_15, %get3A_16] : memref<128x128xf32, #tpu.memory_space<vmem>>, vector<128x128xf32>
    %dot_general3A = arith.constant dense<0.000000e+00> : vector<256x128xf32>
    %dot_general3A_18 = tpu.matmul %div3A_14, %get3A_17, %dot_general3A {dimension_numbers = #tpu.dot_dimension_numbers<[1], [0], [0], [1], [0, 0, 1, 1], [], []>, transpose_lhs_hint = false} : vector<256x128xf32>, vector<128x128xf32>, vector<256x128xf32> -> vector<256x128xf32>
    %get3A_19 = arith.constant 0 : index
    %get3A_20 = arith.constant 0 : index
    %get3A_21 = vector.load %arg8[%get3A_19, %get3A_20] : memref<8x128xf32, #tpu.memory_space<vmem>>, vector<1x128xf32>
    %get3A_22 = vector.shape_cast %get3A_21 : vector<1x128xf32> to vector<128xf32>
    %broadcast_in_dim3A = vector.shape_cast %get3A_22 : vector<128xf32> to vector<1x128xf32>
    %add3A_23 = vector.broadcast %broadcast_in_dim3A : vector<1x128xf32> to vector<256x128xf32>
    %add3A_24 = arith.addf %dot_general3A_18, %add3A_23 : vector<256x128xf32>
    %ge3A = arith.constant 0.000000e+00 : f32
    %ge3A_25 = vector.broadcast %ge3A : f32 to vector<256x128xf32>
    %ge3A_26 = arith.cmpf oge, %add3A_24, %ge3A_25 : vector<256x128xf32>
    %mul3A = arith.constant 2.000000e-01 : f32
    %mul3A_27 = vector.broadcast %mul3A : f32 to vector<256x128xf32>
    %mul3A_28 = arith.mulf %mul3A_27, %add3A_24 : vector<256x128xf32>
    %select_n3A = arith.select %ge3A_26, %add3A_24, %mul3A_28 : vector<256x128xi1>, vector<256x128xf32>
    %get3A_29 = arith.constant 0 : index
    %get3A_30 = arith.constant 0 : index
    %get3A_31 = vector.load %arg6[%get3A_29, %get3A_30] : memref<128x128xf32, #tpu.memory_space<vmem>>, vector<128x128xf32>
    %dot_general3A_32 = arith.constant dense<0.000000e+00> : vector<256x128xf32>
    %dot_general3A_33 = tpu.matmul %select_n3A, %get3A_31, %dot_general3A_32 {dimension_numbers = #tpu.dot_dimension_numbers<[1], [0], [0], [1], [0, 0, 1, 1], [], []>, transpose_lhs_hint = false} : vector<256x128xf32>, vector<128x128xf32>, vector<256x128xf32> -> vector<256x128xf32>
    %get3A_34 = arith.constant 1 : index
    %get3A_35 = arith.constant 0 : index
    %get3A_36 = vector.load %arg8[%get3A_34, %get3A_35] : memref<8x128xf32, #tpu.memory_space<vmem>>, vector<1x128xf32>
    %get3A_37 = vector.shape_cast %get3A_36 : vector<1x128xf32> to vector<128xf32>
    %broadcast_in_dim3A_38 = vector.shape_cast %get3A_37 : vector<128xf32> to vector<1x128xf32>
    %add3A_39 = vector.broadcast %broadcast_in_dim3A_38 : vector<1x128xf32> to vector<256x128xf32>
    %add3A_40 = arith.addf %dot_general3A_33, %add3A_39 : vector<256x128xf32>
    %ge3A_41 = arith.constant 0.000000e+00 : f32
    %ge3A_42 = vector.broadcast %ge3A_41 : f32 to vector<256x128xf32>
    %ge3A_43 = arith.cmpf oge, %add3A_40, %ge3A_42 : vector<256x128xf32>
    %mul3A_44 = arith.constant 2.000000e-01 : f32
    %mul3A_45 = vector.broadcast %mul3A_44 : f32 to vector<256x128xf32>
    %mul3A_46 = arith.mulf %mul3A_45, %add3A_40 : vector<256x128xf32>
    %select_n3A_47 = arith.select %ge3A_43, %add3A_40, %mul3A_46 : vector<256x128xi1>, vector<256x128xf32>
    %get3A_48 = arith.constant 0 : index
    %get3A_49 = arith.constant 0 : index
    %get3A_50 = vector.load %arg7[%get3A_48, %get3A_49] : memref<128x128xf32, #tpu.memory_space<vmem>>, vector<128x128xf32>
    %dot_general3A_51 = arith.constant dense<0.000000e+00> : vector<256x128xf32>
    %dot_general3A_52 = tpu.matmul %select_n3A_47, %get3A_50, %dot_general3A_51 {dimension_numbers = #tpu.dot_dimension_numbers<[1], [0], [0], [1], [0, 0, 1, 1], [], []>, transpose_lhs_hint = false} : vector<256x128xf32>, vector<128x128xf32>, vector<256x128xf32> -> vector<256x128xf32>
    %get3A_53 = arith.constant 2 : index
    %get3A_54 = arith.constant 0 : index
    %get3A_55 = vector.load %arg8[%get3A_53, %get3A_54] : memref<8x128xf32, #tpu.memory_space<vmem>>, vector<1x128xf32>
    %get3A_56 = vector.shape_cast %get3A_55 : vector<1x128xf32> to vector<128xf32>
    %broadcast_in_dim3A_57 = vector.shape_cast %get3A_56 : vector<128xf32> to vector<1x128xf32>
    %add3A_58 = vector.broadcast %broadcast_in_dim3A_57 : vector<1x128xf32> to vector<256x128xf32>
    %add3A_59 = arith.addf %dot_general3A_52, %add3A_58 : vector<256x128xf32>
    %ge3A_60 = arith.constant 0.000000e+00 : f32
    %ge3A_61 = vector.broadcast %ge3A_60 : f32 to vector<256x128xf32>
    %ge3A_62 = arith.cmpf oge, %add3A_59, %ge3A_61 : vector<256x128xf32>
    %mul3A_63 = arith.constant 2.000000e-01 : f32
    %mul3A_64 = vector.broadcast %mul3A_63 : f32 to vector<256x128xf32>
    %mul3A_65 = arith.mulf %mul3A_64, %add3A_59 : vector<256x128xf32>
    %select_n3A_66 = arith.select %ge3A_62, %add3A_59, %mul3A_65 : vector<256x128xi1>, vector<256x128xf32>
    %swap3A = arith.constant 0 : index
    %swap3A_67 = arith.constant 0 : index
    %swap3A_68 = vector.load %arg9[%swap3A, %swap3A_67] : memref<256x128xf32, #tpu.memory_space<vmem>>, vector<256x128xf32>
    tpu.vector_store %arg9[%swap3A, %swap3A_67], %select_n3A_66 {strides = array<i32>} : memref<256x128xf32, #tpu.memory_space<vmem>>, vector<256x128xf32>,
    return
  }
  func.func @transform_0(%arg0: i32) -> (i32, i32) {
    %c0_i32 = arith.constant 0 : i32
    %c0_i32_0 = arith.constant 0 : i32
    return %arg0, %c0_i32 : i32, i32
  }
  func.func @transform_1(%arg0: i32) -> (i32, i32) {
    %c0_i32 = arith.constant 0 : i32
    %c0_i32_0 = arith.constant 0 : i32
    return %arg0, %c0_i32 : i32, i32
  }
  func.func @transform_2(%arg0: i32) -> (i32, i32) {
    %c0_i32 = arith.constant 0 : i32
    %c0_i32_0 = arith.constant 0 : i32
    return %arg0, %c0_i32 : i32, i32
  }
  func.func @transform_3(%arg0: i32) -> (i32, i32) {
    %c0_i32 = arith.constant 0 : i32
    %c0_i32_0 = arith.constant 0 : i32
    return %arg0, %c0_i32 : i32, i32
  }
  func.func @transform_4(%arg0: i32) -> (i32, i32) {
    %c0_i32 = arith.constant 0 : i32
    %c0_i32_0 = arith.constant 0 : i32
    %c0_i32_1 = arith.constant 0 : i32
    return %c0_i32, %c0_i32_0 : i32, i32
  }
  func.func @transform_5(%arg0: i32) -> (i32, i32) {
    %c0_i32 = arith.constant 0 : i32
    %c0_i32_0 = arith.constant 0 : i32
    %c0_i32_1 = arith.constant 0 : i32
    return %c0_i32, %c0_i32_0 : i32, i32
  }
  func.func @transform_6(%arg0: i32) -> (i32, i32) {
    %c0_i32 = arith.constant 0 : i32
    %c0_i32_0 = arith.constant 0 : i32
    %c0_i32_1 = arith.constant 0 : i32
    return %c0_i32, %c0_i32_0 : i32, i32
  }
  func.func @transform_7(%arg0: i32) -> (i32, i32) {
    %c0_i32 = arith.constant 0 : i32
    %c0_i32_0 = arith.constant 0 : i32
    %c0_i32_1 = arith.constant 0 : i32
    return %c0_i32, %c0_i32_0 : i32, i32
  }
  func.func @transform_8(%arg0: i32) -> (i32, i32) {
    %c0_i32 = arith.constant 0 : i32
    %c0_i32_0 = arith.constant 0 : i32
    return %arg0, %c0_i32 : i32, i32
  }
}

module attributes {stable_mosaic.version = 14 : i64} {
  func.func @body(%arg0: i32, %arg1: memref<256x128xf32, #tpu.memory_space<vmem>>, %arg2: memref<256x128xf32, #tpu.memory_space<vmem>>, %arg3: memref<256x128xf32, #tpu.memory_space<vmem>>, %arg4: memref<256x128xf32, #tpu.memory_space<vmem>>, %arg5: memref<128x128xf32, #tpu.memory_space<vmem>>, %arg6: memref<128x128xf32, #tpu.memory_space<vmem>>, %arg7: memref<128x128xf32, #tpu.memory_space<vmem>>, %arg8: memref<128x128xf32, #tpu.memory_space<vmem>>, %arg9: memref<8x128xf32, #tpu.memory_space<vmem>>, %arg10: memref<8x128xf32, #tpu.memory_space<vmem>>, %arg11: memref<8x128xf32, #tpu.memory_space<vmem>>) attributes {dimension_semantics = [#tpu.dimension_semantics<arbitrary>], iteration_bounds = array<i64: 40>, scalar_prefetch = 0 : i64, scratch_operands = 1 : i64, tpu.core_type = #tpu.core_type<tc>, window_params = [{transform_indices = @transform_0, window_bounds = array<i64: 256, 128>}, {transform_indices = @transform_1, window_bounds = array<i64: 256, 128>}, {transform_indices = @transform_2, window_bounds = array<i64: 256, 128>}, {transform_indices = @transform_3, window_bounds = array<i64: 256, 128>}, {pipeline_mode = #tpu.pipeline_mode<synchronous>, transform_indices = @transform_4, window_bounds = array<i64: 128, 128>}, {pipeline_mode = #tpu.pipeline_mode<synchronous>, transform_indices = @transform_5, window_bounds = array<i64: 128, 128>}, {pipeline_mode = #tpu.pipeline_mode<synchronous>, transform_indices = @transform_6, window_bounds = array<i64: 128, 128>}, {pipeline_mode = #tpu.pipeline_mode<synchronous>, transform_indices = @transform_7, window_bounds = array<i64: 128, 128>}, {pipeline_mode = #tpu.pipeline_mode<synchronous>, transform_indices = @transform_8, window_bounds = array<i64: 8, 128>}, {pipeline_mode = #tpu.pipeline_mode<synchronous>, transform_indices = @transform_9, window_bounds = array<i64: 8, 128>}]} {
    %get3A = arith.constant 0 : index
    %get3A_0 = arith.constant 0 : index
    %get3A_1 = vector.load %arg1[%get3A, %get3A_0] : memref<256x128xf32, #tpu.memory_space<vmem>>, vector<256x128xf32>
    %get3A_2 = arith.constant 0 : index
    %get3A_3 = arith.constant 0 : index
    %get3A_4 = vector.load %arg2[%get3A_2, %get3A_3] : memref<256x128xf32, #tpu.memory_space<vmem>>, vector<256x128xf32>
    %add3A = arith.addf %get3A_1, %get3A_4 : vector<256x128xf32>
    %get3A_5 = arith.constant 0 : index
    %get3A_6 = arith.constant 0 : index
    %get3A_7 = vector.load %arg3[%get3A_5, %get3A_6] : memref<256x128xf32, #tpu.memory_space<vmem>>, vector<256x1xf32>
    %get3A_8 = arith.constant 0 : index
    %get3A_9 = arith.constant 0 : index
    %get3A_10 = vector.load %arg4[%get3A_8, %get3A_9] : memref<256x128xf32, #tpu.memory_space<vmem>>, vector<256x1xf32>
    %add3A_11 = arith.addf %get3A_7, %get3A_10 : vector<256x1xf32>
    %max3A = arith.constant 1.000000e+00 : f32
    %max3A_12 = vector.broadcast %max3A : f32 to vector<256x1xf32>
    %max3A_13 = arith.maximumf %add3A_11, %max3A_12 : vector<256x1xf32>
    %div3A = vector.broadcast %max3A_13 : vector<256x1xf32> to vector<256x128xf32>
    %div3A_14 = arith.divf %add3A, %div3A : vector<256x128xf32>
    %get3A_15 = arith.constant 0 : index
    %get3A_16 = arith.constant 0 : index
    %get3A_17 = vector.load %arg5[%get3A_15, %get3A_16] : memref<128x128xf32, #tpu.memory_space<vmem>>, vector<128x128xf32>
    %dot_general3A = arith.constant dense<0.000000e+00> : vector<256x128xf32>
    %dot_general3A_18 = tpu.matmul %div3A_14, %get3A_17, %dot_general3A {dimension_numbers = #tpu.dot_dimension_numbers<[1], [0], [0], [1], [0, 0, 1, 1], [], []>, transpose_lhs_hint = false} : vector<256x128xf32>, vector<128x128xf32>, vector<256x128xf32> -> vector<256x128xf32>
    %get3A_19 = arith.constant 0 : index
    %get3A_20 = arith.constant 0 : index
    %get3A_21 = vector.load %arg9[%get3A_19, %get3A_20] : memref<8x128xf32, #tpu.memory_space<vmem>>, vector<1x128xf32>
    %get3A_22 = vector.shape_cast %get3A_21 : vector<1x128xf32> to vector<128xf32>
    %broadcast_in_dim3A = vector.shape_cast %get3A_22 : vector<128xf32> to vector<1x128xf32>
    %add3A_23 = vector.broadcast %broadcast_in_dim3A : vector<1x128xf32> to vector<256x128xf32>
    %add3A_24 = arith.addf %dot_general3A_18, %add3A_23 : vector<256x128xf32>
    %mul3A = arith.constant 256 : i32
    %mul3A_25 = arith.muli %arg0, %mul3A : i32
    %iota3A = tpu.iota {dimensions = array<i32: 0>} : vector<256x1xi32>
    %add3A_26 = vector.broadcast %mul3A_25 : i32 to vector<256x1xi32>
    %add3A_27 = arith.addi %add3A_26, %iota3A : vector<256x1xi32>
    %lt3A = arith.constant 10000 : i32
    %lt3A_28 = vector.broadcast %lt3A : i32 to vector<256x1xi32>
    %lt3A_29 = arith.cmpi slt, %add3A_27, %lt3A_28 : vector<256x1xi32>
    %jit3A = arith.constant -3.000000e+38 : f32
    %broadcast_in_dim3A_30 = vector.shape_cast %lt3A_29 : vector<256x1xi1> to vector<256x1xi1>
    %broadcast_in_dim3A_31 = vector.broadcast %broadcast_in_dim3A_30 : vector<256x1xi1> to vector<256x128xi1>
    %broadcast_in_dim3A_32 = vector.broadcast %jit3A : f32 to vector<256x128xf32>
    %select_n3A = arith.select %broadcast_in_dim3A_31, %add3A_24, %broadcast_in_dim3A_32 : vector<256x128xi1>, vector<256x128xf32>
    %reduce_max3A = arith.constant dense<0xFF800000> : vector<128xf32>
    %reduce_max3A_33 = vector.multi_reduction <maximumf>, %select_n3A, %reduce_max3A [0] : vector<256x128xf32> to vector<128xf32>
    %broadcast_in_dim3A_34 = vector.shape_cast %reduce_max3A_33 : vector<128xf32> to vector<1x128xf32>
    %broadcast_in_dim3A_35 = vector.shape_cast %broadcast_in_dim3A_34 : vector<1x128xf32> to vector<1x128xf32>
    %broadcast_in_dim3A_36 = vector.broadcast %broadcast_in_dim3A_35 : vector<1x128xf32> to vector<8x128xf32>
    %eq3A = arith.constant 0 : i32
    %eq3A_37 = arith.cmpi eq, %arg0, %eq3A : i32
    %convert_element_type3A = arith.extui %eq3A_37 : i1 to i32
    %cond3A = arith.constant 0 : i32
    %cond3A_38 = arith.cmpi ne, %convert_element_type3A, %cond3A : i32
    scf.if %cond3A_38 {
      %broadcast_in_dim3A_50 = arith.constant -3.000000e+38 : f32
      %broadcast_in_dim3A_51 = vector.broadcast %broadcast_in_dim3A_50 : f32 to vector<8x128xf32>
      %swap3A_52 = arith.constant 0 : index
      %swap3A_53 = arith.constant 0 : index
      %swap3A_54 = vector.load %arg11[%swap3A_52, %swap3A_53] : memref<8x128xf32, #tpu.memory_space<vmem>>, vector<8x128xf32>
      tpu.vector_store %arg11[%swap3A_52, %swap3A_53], %broadcast_in_dim3A_51 {strides = array<i32>} : memref<8x128xf32, #tpu.memory_space<vmem>>, vector<8x128xf32>,
    } else {
    }
    %get3A_39 = arith.constant 0 : index
    %get3A_40 = arith.constant 0 : index
    %get3A_41 = vector.load %arg11[%get3A_39, %get3A_40] : memref<8x128xf32, #tpu.memory_space<vmem>>, vector<8x128xf32>
    %max3A_42 = arith.maximumf %get3A_41, %broadcast_in_dim3A_36 : vector<8x128xf32>
    %swap3A = arith.constant 0 : index
    %swap3A_43 = arith.constant 0 : index
    %swap3A_44 = vector.load %arg11[%swap3A, %swap3A_43] : memref<8x128xf32, #tpu.memory_space<vmem>>, vector<8x128xf32>
    tpu.vector_store %arg11[%swap3A, %swap3A_43], %max3A_42 {strides = array<i32>} : memref<8x128xf32, #tpu.memory_space<vmem>>, vector<8x128xf32>,
    %eq3A_45 = arith.constant 39 : i32
    %eq3A_46 = arith.cmpi eq, %arg0, %eq3A_45 : i32
    %convert_element_type3A_47 = arith.extui %eq3A_46 : i1 to i32
    %cond3A_48 = arith.constant 0 : i32
    %cond3A_49 = arith.cmpi ne, %convert_element_type3A_47, %cond3A_48 : i32
    scf.if %cond3A_49 {
      %get3A_50 = arith.constant 0 : index
      %get3A_51 = arith.constant 0 : index
      %get3A_52 = vector.load %arg11[%get3A_50, %get3A_51] : memref<8x128xf32, #tpu.memory_space<vmem>>, vector<8x128xf32>
      %get3A_53 = arith.constant 0 : index
      %get3A_54 = arith.constant 0 : index
      %get3A_55 = vector.load %arg6[%get3A_53, %get3A_54] : memref<128x128xf32, #tpu.memory_space<vmem>>, vector<128x128xf32>
      %dot_general3A_56 = arith.constant dense<0.000000e+00> : vector<8x128xf32>
      %dot_general3A_57 = tpu.matmul %get3A_52, %get3A_55, %dot_general3A_56 {dimension_numbers = #tpu.dot_dimension_numbers<[1], [0], [0], [1], [0, 0, 1, 1], [], []>, transpose_lhs_hint = false} : vector<8x128xf32>, vector<128x128xf32>, vector<8x128xf32> -> vector<8x128xf32>
      %get3A_58 = arith.constant 1 : index
      %get3A_59 = arith.constant 0 : index
      %get3A_60 = vector.load %arg9[%get3A_58, %get3A_59] : memref<8x128xf32, #tpu.memory_space<vmem>>, vector<1x128xf32>
      %get3A_61 = vector.shape_cast %get3A_60 : vector<1x128xf32> to vector<128xf32>
      %broadcast_in_dim3A_62 = vector.shape_cast %get3A_61 : vector<128xf32> to vector<1x128xf32>
      %add3A_63 = vector.broadcast %broadcast_in_dim3A_62 : vector<1x128xf32> to vector<8x128xf32>
      %add3A_64 = arith.addf %dot_general3A_57, %add3A_63 : vector<8x128xf32>
      %ge3A = arith.constant 0.000000e+00 : f32
      %ge3A_65 = vector.broadcast %ge3A : f32 to vector<8x128xf32>
      %ge3A_66 = arith.cmpf oge, %add3A_64, %ge3A_65 : vector<8x128xf32>
      %mul3A_67 = arith.constant 2.000000e-01 : f32
      %mul3A_68 = vector.broadcast %mul3A_67 : f32 to vector<8x128xf32>
      %mul3A_69 = arith.mulf %mul3A_68, %add3A_64 : vector<8x128xf32>
      %select_n3A_70 = arith.select %ge3A_66, %add3A_64, %mul3A_69 : vector<8x128xi1>, vector<8x128xf32>
      %get3A_71 = arith.constant 0 : index
      %get3A_72 = arith.constant 0 : index
      %get3A_73 = vector.load %arg7[%get3A_71, %get3A_72] : memref<128x128xf32, #tpu.memory_space<vmem>>, vector<128x128xf32>
      %dot_general3A_74 = arith.constant dense<0.000000e+00> : vector<8x128xf32>
      %dot_general3A_75 = tpu.matmul %select_n3A_70, %get3A_73, %dot_general3A_74 {dimension_numbers = #tpu.dot_dimension_numbers<[1], [0], [0], [1], [0, 0, 1, 1], [], []>, transpose_lhs_hint = false} : vector<8x128xf32>, vector<128x128xf32>, vector<8x128xf32> -> vector<8x128xf32>
      %get3A_76 = arith.constant 2 : index
      %get3A_77 = arith.constant 0 : index
      %get3A_78 = vector.load %arg9[%get3A_76, %get3A_77] : memref<8x128xf32, #tpu.memory_space<vmem>>, vector<1x128xf32>
      %get3A_79 = vector.shape_cast %get3A_78 : vector<1x128xf32> to vector<128xf32>
      %broadcast_in_dim3A_80 = vector.shape_cast %get3A_79 : vector<128xf32> to vector<1x128xf32>
      %add3A_81 = vector.broadcast %broadcast_in_dim3A_80 : vector<1x128xf32> to vector<8x128xf32>
      %add3A_82 = arith.addf %dot_general3A_75, %add3A_81 : vector<8x128xf32>
      %ge3A_83 = arith.constant 0.000000e+00 : f32
      %ge3A_84 = vector.broadcast %ge3A_83 : f32 to vector<8x128xf32>
      %ge3A_85 = arith.cmpf oge, %add3A_82, %ge3A_84 : vector<8x128xf32>
      %mul3A_86 = arith.constant 2.000000e-01 : f32
      %mul3A_87 = vector.broadcast %mul3A_86 : f32 to vector<8x128xf32>
      %mul3A_88 = arith.mulf %mul3A_87, %add3A_82 : vector<8x128xf32>
      %select_n3A_89 = arith.select %ge3A_85, %add3A_82, %mul3A_88 : vector<8x128xi1>, vector<8x128xf32>
      %get3A_90 = arith.constant 0 : index
      %get3A_91 = arith.constant 0 : index
      %get3A_92 = vector.load %arg8[%get3A_90, %get3A_91] : memref<128x128xf32, #tpu.memory_space<vmem>>, vector<128x128xf32>
      %dot_general3A_93 = arith.constant dense<0.000000e+00> : vector<8x128xf32>
      %dot_general3A_94 = tpu.matmul %select_n3A_89, %get3A_92, %dot_general3A_93 {dimension_numbers = #tpu.dot_dimension_numbers<[1], [0], [0], [1], [0, 0, 1, 1], [], []>, transpose_lhs_hint = false} : vector<8x128xf32>, vector<128x128xf32>, vector<8x128xf32> -> vector<8x128xf32>
      %get3A_95 = arith.constant 3 : index
      %get3A_96 = arith.constant 0 : index
      %get3A_97 = vector.load %arg9[%get3A_95, %get3A_96] : memref<8x128xf32, #tpu.memory_space<vmem>>, vector<1x128xf32>
      %get3A_98 = vector.shape_cast %get3A_97 : vector<1x128xf32> to vector<128xf32>
      %broadcast_in_dim3A_99 = vector.shape_cast %get3A_98 : vector<128xf32> to vector<1x128xf32>
      %add3A_100 = vector.broadcast %broadcast_in_dim3A_99 : vector<1x128xf32> to vector<8x128xf32>
      %add3A_101 = arith.addf %dot_general3A_94, %add3A_100 : vector<8x128xf32>
      %iota3A_102 = tpu.iota {dimensions = array<i32: 1>} : vector<8x128xi32>
      %lt3A_103 = arith.constant 10 : i32
      %lt3A_104 = vector.broadcast %lt3A_103 : i32 to vector<8x128xi32>
      %lt3A_105 = arith.cmpi slt, %iota3A_102, %lt3A_104 : vector<8x128xi32>
      %jit3A_106 = arith.constant -3.000000e+38 : f32
      %broadcast_in_dim3A_107 = vector.broadcast %jit3A_106 : f32 to vector<8x128xf32>
      %select_n3A_108 = arith.select %lt3A_105, %add3A_101, %broadcast_in_dim3A_107 : vector<8x128xi1>, vector<8x128xf32>
      %reduce_max3A_109 = arith.constant dense<0xFF800000> : vector<8xf32>
      %reduce_max3A_110 = vector.multi_reduction <maximumf>, %select_n3A_108, %reduce_max3A_109 [1] : vector<8x128xf32> to vector<8xf32>
      %broadcast_in_dim3A_111 = vector.shape_cast %reduce_max3A_110 : vector<8xf32> to vector<8x1xf32>
      %sub3A = vector.broadcast %broadcast_in_dim3A_111 : vector<8x1xf32> to vector<8x128xf32>
      %sub3A_112 = arith.subf %add3A_101, %sub3A : vector<8x128xf32>
      %exp3A = math.exp %sub3A_112 : vector<8x128xf32>
      %jit3A_113 = arith.constant 0.000000e+00 : f32
      %broadcast_in_dim3A_114 = vector.broadcast %jit3A_113 : f32 to vector<8x128xf32>
      %select_n3A_115 = arith.select %lt3A_105, %exp3A, %broadcast_in_dim3A_114 : vector<8x128xi1>, vector<8x128xf32>
      %reduce_sum3A = arith.constant dense<0.000000e+00> : vector<8xf32>
      %reduce_sum3A_116 = vector.multi_reduction <add>, %select_n3A_115, %reduce_sum3A [1] : vector<8x128xf32> to vector<8xf32>
      %broadcast_in_dim3A_117 = vector.shape_cast %reduce_sum3A_116 : vector<8xf32> to vector<8x1xf32>
      %log3A = math.log %broadcast_in_dim3A_117 : vector<8x1xf32>
      %sub3A_118 = vector.broadcast %broadcast_in_dim3A_111 : vector<8x1xf32> to vector<8x128xf32>
      %sub3A_119 = arith.subf %add3A_101, %sub3A_118 : vector<8x128xf32>
      %sub3A_120 = vector.broadcast %log3A : vector<8x1xf32> to vector<8x128xf32>
      %sub3A_121 = arith.subf %sub3A_119, %sub3A_120 : vector<8x128xf32>
      %swap3A_122 = arith.constant 0 : index
      %swap3A_123 = arith.constant 0 : index
      %swap3A_124 = vector.load %arg10[%swap3A_122, %swap3A_123] : memref<8x128xf32, #tpu.memory_space<vmem>>, vector<8x128xf32>
      tpu.vector_store %arg10[%swap3A_122, %swap3A_123], %sub3A_121 {strides = array<i32>} : memref<8x128xf32, #tpu.memory_space<vmem>>, vector<8x128xf32>,
    } else {
    }
    return
  }
  func.func @transform_0(%arg0: i32) -> (i32, i32) {
    %c0_i32 = arith.constant 0 : i32
    %c0_i32_0 = arith.constant 0 : i32
    return %arg0, %c0_i32 : i32, i32
  }
  func.func @transform_1(%arg0: i32) -> (i32, i32) {
    %c0_i32 = arith.constant 0 : i32
    %c0_i32_0 = arith.constant 0 : i32
    return %arg0, %c0_i32 : i32, i32
  }
  func.func @transform_2(%arg0: i32) -> (i32, i32) {
    %c0_i32 = arith.constant 0 : i32
    %c0_i32_0 = arith.constant 0 : i32
    return %arg0, %c0_i32 : i32, i32
  }
  func.func @transform_3(%arg0: i32) -> (i32, i32) {
    %c0_i32 = arith.constant 0 : i32
    %c0_i32_0 = arith.constant 0 : i32
    return %arg0, %c0_i32 : i32, i32
  }
  func.func @transform_4(%arg0: i32) -> (i32, i32) {
    %c0_i32 = arith.constant 0 : i32
    %c0_i32_0 = arith.constant 0 : i32
    %c0_i32_1 = arith.constant 0 : i32
    return %c0_i32, %c0_i32_0 : i32, i32
  }
  func.func @transform_5(%arg0: i32) -> (i32, i32) {
    %c0_i32 = arith.constant 0 : i32
    %c0_i32_0 = arith.constant 0 : i32
    %c0_i32_1 = arith.constant 0 : i32
    return %c0_i32, %c0_i32_0 : i32, i32
  }
  func.func @transform_6(%arg0: i32) -> (i32, i32) {
    %c0_i32 = arith.constant 0 : i32
    %c0_i32_0 = arith.constant 0 : i32
    %c0_i32_1 = arith.constant 0 : i32
    return %c0_i32, %c0_i32_0 : i32, i32
  }
  func.func @transform_7(%arg0: i32) -> (i32, i32) {
    %c0_i32 = arith.constant 0 : i32
    %c0_i32_0 = arith.constant 0 : i32
    %c0_i32_1 = arith.constant 0 : i32
    return %c0_i32, %c0_i32_0 : i32, i32
  }
  func.func @transform_8(%arg0: i32) -> (i32, i32) {
    %c0_i32 = arith.constant 0 : i32
    %c0_i32_0 = arith.constant 0 : i32
    %c0_i32_1 = arith.constant 0 : i32
    return %c0_i32, %c0_i32_0 : i32, i32
  }
  func.func @transform_9(%arg0: i32) -> (i32, i32) {
    %c0_i32 = arith.constant 0 : i32
    %c0_i32_0 = arith.constant 0 : i32
    %c0_i32_1 = arith.constant 0 : i32
    return %c0_i32, %c0_i32_0 : i32, i32
  }
}

</mosaic_0001>

<sc_bundles>
// kernel: kernel.10.cloned.1.call-start
scs
__scs_entry_jumppad:
0x0: {  	(pc) =	sbr.rel $0x88, $3  }
0x1: {  	(tag) =	ssettag $0x0;
	lr =	simm.s32 $0x1  }
0x2: {  	[smem:$0x3F73] =	sst lr;
	_ =	strace $0xD0000000  }
0x3: {  	_ = 	snop  }
0x4: {  	_ = 	snop  }
0x5: {  	_ = 	snop  }
0x6: {  	_ = 	snop  }
0x7: {  	_ = 	snop  }
__scs_overlays_trampoline_lowered:
0x8: {  	[smem:$0x3F82] =	sst s0  }
0x9: {  	[smem:$0x3F83] =	sst s1  }
0xa: {  	[smem:$0x3F84] =	sst s2  }
0xb: {  	[smem:$0x3F85] =	sst s3  }
0xc: {  	[smem:$0x3F86] =	sst s4  }
0xd: {  	[smem:$0x3F87] =	sst s5  }
0xe: {  	[smem:$0x3F88] =	sst s6  }
0xf: {  	[smem:$0x3F89] =	sst s7  }
0x10: {  	[smem:$0x3F8A] =	sst s8  }
0x11: {  	[smem:$0x3F8B] =	sst s9;
	s0 =	simm.s32 @!p0 $0x0  }
0x12: {  	s1 =	sld [smem:$0x3F71];
	s0 =	simm.s32 @p0 $0x1  }
0x13: {  	[smem:$0x3F8C] =	sst s0;
	s0 =	simm.s32 @!p1 $0x0  }
0x14: {  	s2 =	sld [smem:$0x3F70];
	s0 =	simm.s32 @p1 $0x1  }
0x15: {  	[smem:$0x3F8D] =	sst s0;
	s0 =	simm.s32 @!p2 $0x0  }
0x16: {  	s3 =	sld [smem:$0x3FDB];
	s0 =	simm.s32 @p2 $0x1  }
0x17: {  	s4 =	simm.s32 $0x1BF5;
	[smem:$0x3F8F] =	sst s0  }
0x18: {  	s0 =	sld [smem:$0x3F72];
	_ =	swait.ge [sflag:s4], $0x0  }
0x19: {  	s7 =	sld [smem:$0x3F73]  }
0x1a: {  	s8 =	sadd.s32 $0xFFFFE003, lr  }
0x1b: {  	s9 =	sadd.s32 $0xFFFFFEF7, lr;
	s5 =	simm.s32 $0xFFFFFFFF;
	p2 =	slt.u32 s8, $0xFFFFF086  }
0x1c: {  	p1 =	slt.u32 s9, $0xF7A;
	s5 =	simm.s32 @!p2 $0x0  }
0x1d: {  	s5 =	simm.s32 @p1 $0x1;
	p0 =	seq.s32 s7, s2  }
0x1e: {  	s7 =	smul.u32 @!p0 $0xF7A, s2;
	p2 =	seq.s32 @!p0 s5, $0x0  }
0x1f: {  	s9 =	smul.u32 $0xF7A, s1;
	s8 =	simm.s32 @!p0 $0x1BF5;
	p2 =	por !p2, p0  }
0x20: {  	[sflag:s8] =	ssyncset.s32 @!p0 $0xFFFFF086;
	s6 =	sadd.s32 @!p0 s3, s7;
	s7 =	simm.s32 @!p0 $0x108  }
0x21: {  	s3 =	sadd.s32 s3, s9;
	s6 =	sadd.s32 @!p0 $0x88, s6;
	s7 =	simm.s32 @p2 $0x1082  }
0x22: {  	[simem:s7], [sflag:s8] =	dma.local @!p0 [hbm:s6], $0xF7A  }
0x23: {  	s9 =	sor.u32 $0xD0000000, s2;
	s6 =	simm.s32 $0x108;
	_ =	swait.ge @!p0 [sflag:s8], $0x0  }
0x24: {  	s3 =	sadd.s32 $0x88, s3;
	s6 =	simm.s32 @!p1 $0x1082;
	[sflag:s4] =	ssyncset.s32 $0xFFFFF086  }
0x25: {  	[simem:s6], [sflag:s4] =	dma.local [hbm:s3], $0xF7A  }
0x26: {  	[smem:$0x3F73] =	sst s1;
	(tag) =	ssettag s2;
	_ =	strace s9  }
0x27: {  	s1 =	sld [smem:$0x3F83]  }
0x28: {  	s2 =	sld [smem:$0x3F84]  }
0x29: {  	s4 =	sld [smem:$0x3F86]  }
0x2a: {  	p0 =	seq.s32 s5, $0x0;
	s5 =	sld [smem:$0x3F87]  }
0x2b: {  	s6 =	sld [smem:$0x3F88]  }
0x2c: {  	s7 =	sld [smem:$0x3F89]  }
0x2d: {  	s3 =	simm.s32 $0x108;
	s8 =	sld [smem:$0x3F8A]  }
0x2e: {  	s3 =	simm.s32 @!p0 $0x1082;
	s9 =	sld [smem:$0x3F8B]  }
0x2f: {  	lr =	sadd.s32 s0, s3;
	s0 =	sld [smem:$0x3F82]  }
0x30: {  	s3 =	sld [smem:$0x3F85]  }
0x31: {  	[smem:$0x3F8E] =	sst s10  }
0x32: {  	s10 =	sld [smem:$0x3F8C];
	_ =	sdelay $0x3  }
0x33: {  	p0 =	seq.s32 s10, $0x1;
	s10 =	sld [smem:$0x3F8E];
	_ =	sdelay $0x3  }
0x34: {  	[smem:$0x3F8E] =	sst s10  }
0x35: {  	s10 =	sld [smem:$0x3F8D];
	_ =	sdelay $0x3  }
0x36: {  	p1 =	seq.s32 s10, $0x1;
	s10 =	sld [smem:$0x3F8E];
	_ =	sdelay $0x3  }
0x37: {  	[smem:$0x3F8E] =	sst s10  }
0x38: {  	s10 =	sld [smem:$0x3F8F]  }
0x39: {  	_ = 	snop;
	(pc) =	sbr.ind lr, $3  }
0x3a: {  	_ = 	snop  }
0x3b: {  	_ = 	snop  }
0x3c: {  	p2 =	seq.s32 s10, $0x1;
	s10 =	sld [smem:$0x3F8E]  }
0x3d: {  	_ =	shalt  }
0x3e: {  	_ =	shalt  }
0x3f: {  	_ =	shalt  }
0x40: {  	_ =	shalt  }
0x41: {  	_ =	shalt  }
0x42: {  	_ =	shalt  }
0x43: {  	_ =	shalt  }
0x44: {  	_ =	shalt  }
0x45: {  	_ =	shalt  }
0x46: {  	_ =	shalt  }
0x47: {  	_ =	shalt  }
0x48: {  	_ =	shalt  }
0x49: {  	_ =	shalt  }
0x4a: {  	_ =	shalt  }
0x4b: {  	_ =	shalt  }
0x4c: {  	_ =	shalt  }
0x4d: {  	_ =	shalt  }
0x4e: {  	_ =	shalt  }
0x4f: {  	_ =	shalt  }
0x50: {  	_ =	shalt  }
0x51: {  	_ =	shalt  }
0x52: {  	_ =	shalt  }
0x53: {  	_ =	shalt  }
0x54: {  	_ =	shalt  }
0x55: {  	_ =	shalt  }
0x56: {  	_ =	shalt  }
0x57: {  	_ =	shalt  }
0x58: {  	_ =	shalt  }
0x59: {  	_ =	shalt  }
0x5a: {  	_ =	shalt  }
0x5b: {  	_ =	shalt  }
0x5c: {  	_ =	shalt  }
0x5d: {  	_ =	shalt  }
0x5e: {  	_ =	shalt  }
0x5f: {  	_ =	shalt  }
0x60: {  	_ =	shalt  }
0x61: {  	_ =	shalt  }
0x62: {  	_ =	shalt  }
0x63: {  	_ =	shalt  }
0x64: {  	_ =	shalt  }
0x65: {  	_ =	shalt  }
0x66: {  	_ =	shalt  }
0x67: {  	_ =	shalt  }
0x68: {  	_ =	shalt  }
0x69: {  	_ =	shalt  }
0x6a: {  	_ =	shalt  }
0x6b: {  	_ =	shalt  }
0x6c: {  	_ =	shalt  }
0x6d: {  	_ =	shalt  }
0x6e: {  	_ =	shalt  }
0x6f: {  	_ =	shalt  }
0x70: {  	_ =	shalt  }
0x71: {  	_ =	shalt  }
0x72: {  	_ =	shalt  }
0x73: {  	_ =	shalt  }
0x74: {  	_ =	shalt  }
0x75: {  	_ =	shalt  }
0x76: {  	_ =	shalt  }
0x77: {  	_ =	shalt  }
0x78: {  	_ =	shalt  }
0x79: {  	_ =	shalt  }
0x7a: {  	_ =	shalt  }
0x7b: {  	_ =	shalt  }
0x7c: {  	_ =	shalt  }
0x7d: {  	_ =	shalt  }
0x7e: {  	_ =	shalt  }
0x7f: {  	_ =	shalt  }
0x80: {  	_ =	shalt  }
0x81: {  	_ =	shalt  }
0x82: {  	_ =	shalt  }
0x83: {  	_ =	shalt  }
0x84: {  	_ =	shalt  }
0x85: {  	_ =	shalt  }
0x86: {  	_ =	shalt  }
0x87: {  	_ =	shalt  }
.Lfunc_end0:
.L_simem_size_0:
called_computation_lowered:
.L_overlay_start_0:
0x88: {  	s2 =	sld [smem:$0x3FD9]  }
0x89: {  	s3 =	sld [smem:$0x3FFE];
	_ =	sdelay $0x1  }
0x8a: {  	s1 =	srdreg.scid  }
0x8b: {  	s0 =	sand.u32 $0x1, s1  }
0x8c: {  	s17 =	sshll.u32 s0, $0xA;
	s2 =	sadd.s32 s3, s2  }
0x8d: {  	s2 =	sadd.s32 s2, s17  }
0x8e: {  	[smem:$0x3F9A] =	sst s2  }
0x8f: {  	_ = 	snop  }
0x90: {  	(tm) =	ssettm $0x1  }
0x91: {  	s18 =	sld [smem:$0x3FFB];
	_ =	sdelay $0x3  }
0x92: {  	_ =	strace s18  }
0x93: {  	s2 =	sld [smem:$0x3FFC];
	_ =	sdelay $0x3  }
0x94: {  	_ =	strace s2  }
0x95: {  	s2 =	sld [smem:$0x3FFD];
	_ =	sdelay $0x3  }
0x96: {  	_ =	strace s2  }
0x97: {  	_ =	strace $0x8FFFFFFF  }
0x98: {  	s19 =	sld [smem:$0x3FDB];
	_ =	sdelay $0x1  }
0x99: {  	s20 =	simm.s32 $_scs_section_size  }
0x9a: {  	s4 =	simm.s32 $_size__tile_overlayer_lowered;
	s5 =	simm.s32 $_tile_overlayer_lowered  }
0x9b: {  	s6 =	simm.s32 $0x1BFF;
	s21 =	sshll.u32 s5, $0x1;
	s3 =	sadd.s32 s20, s19  }
0x9c: {  	s22 =	simm.s32 $0x0;
	s4 =	sshll.u32 s4, $0x1;
	s5 =	sadd.s32 s21, s3  }
0x9d: {  	[timem:s22], [sflag:s6] =	dma.local [hbm:s5], s4  }
0x9e: {  	_ =	swait.ge [sflag:s6], s4  }
0x9f: {  	s4 =	ssub.s32 $0x0, s4;
	[sflag:s6] =	ssyncset.done $0x0  }
0xa0: {  	[sflag:s6] =	ssyncadd.s32 s4;
	_ =	sdelay $0x1  }
0xa1: {  	s23 =	simm.s32 $0x1B8B  }
0xa2: {  	_ =	swait.ge [sflag:s23], $0x1  }
0xa3: {  	[sflag:s23] =	ssyncset.done $0x0  }
0xa4: {  	[sflag:s23] =	ssyncadd.s32 $0xFFFFFFFF  }
0xa5: {  	s4 =	sld [smem:$0x0]  }
0xa6: {  	s5 =	sand.u32 $0xFFFFFFFE, s1  }
0xa7: {  	p0 =	sne.s32 s1, s5  }
0xa8: {  	s5 =	sshll.u32 @p0 s5, $0xE  }
0xa9: {  	s5 =	sadd.s32 @p0 $0x11B8D, s5;
	s6 =	sshll.u32 @p0 s4, $0x11  }
0xaa: {  	s5 =	sor.u32 @p0 s6, s5  }
0xab: {  	[sflag:s5] =	ssyncadd.remote.s32 @p0 $0x1;
	_ =	sdelay $0x1  }
0xac: {  	s5 =	simm.s32 @p0 $0x1B8D  }
0xad: {  	_ =	swait.eq @p0 [sflag:s5], $0x1  }
0xae: {  	[sflag:s5] =	ssyncadd.s32 @p0 $0xFFFFFFFF  }
0xaf: {  	s6 =	sshll.u32 @!p0 s1, $0xE  }
0xb0: {  	s6 =	sor.u32 @!p0 $0x4000, s6;
	s5 =	simm.s32 @!p0 $0x1B8D  }
0xb1: {  	s4 =	sshll.u32 @!p0 s4, $0x11;
	s6 =	sadd.s32 @!p0 $0x11B8D, s6;
	_ =	swait.eq @!p0 [sflag:s5], $0x1  }
0xb2: {  	s4 =	sor.u32 @!p0 s4, s6;
	[sflag:s5] =	ssyncadd.s32 @!p0 $0xFFFFFFFF  }
0xb3: {  	s25 =	simm.s32 $0x1B8E;
	s24 =	sld [smem:$0x3FFE];
	[sflag:s4] =	ssyncadd.remote.s32 @!p0 $0x1  }
0xb4: {  	s26 =	simm.s32 $execute0_lowered;
	[smem:$0x3FD2] =	sst s25  }
0xb5: {  	s5 =	sshll.u32 s26, $0x1;
	_ =	strace $0x80000049;
	[dreg:$0x1] =	wrdreg $0xFFFFFFFF  }
0xb6: {  	s28 =	simm.s32 $_size_execute0_lowered;
	s3 =	sadd.s32 s3, s5;
	[dreg:$0x0] =	wrdreg $0x0  }
0xb7: {  	s5 =	sshll.u32 s28, $0x1;
	[dreg:$0x2] =	wrdreg s3  }
0xb8: {  	[dreg:$0x3] =	wrdreg s5  }
0xb9: {  	[dreg:$0x4] =	wrdreg $0xC0  }
0xba: {  	_ =	task [dreg:s22], $0x5FFFF  }
0xbb: {  	[dreg:$0x1] =	wrdreg $0xFFFFFFFF  }
0xbc: {  	[dreg:$0x0] =	wrdreg $0x60  }
0xbd: {  	[dreg:$0x2] =	wrdreg s24  }
0xbe: {  	[dreg:$0x3] =	wrdreg $0x68000  }
0xbf: {  	[dreg:$0x4] =	wrdreg $0x9  }
0xc0: {  	_ =	task.clear_ibuf [dreg:s22], $0x5FFFF;
	_ =	strace $0x90000049  }
0xc1: {  	s29 =	simm.s32 $0x9;
	_ =	strace $0x8000004B  }
0xc2: {  	_ =	swait.ge [sflag:s29], $0x1  }
0xc3: {  	[sflag:s29] =	ssyncadd.s32 $0xFFFFFFFF  }
0xc4: {  	_ =	strace $0x9000004B  }
0xc5: {  	_ =	sfence  }
0xc6: {  	s30 =	sld [smem:$0x0];
	_ =	sdelay $0x2  }
0xc7: {  	s31 =	sshll.u32 s1, $0xD;
	s1 =	sshrl.u32 s1, $0x2  }
0xc8: {  	s4 =	sand.u32 $0x4000, s31;
	s1 =	sadd.s32 s1, s30  }
0xc9: {  	s0 =	sor.u32 s4, s0;
	s1 =	sshll.u32 s1, $0x11  }
0xca: {  	s0 =	sor.u32 s1, s0  }
0xcb: {  	s0 =	sadd.s32 $0x8F2B, s0  }
0xcc: {  	[sflag:s0] =	ssyncadd.remote.s32 $0x1  }
0xcd: {  	_ =	sfence.sel $0xFFFF  }
0xce: {  	[dreg:$0x0] =	wrdreg $0xFFFFFFFF;
	(pc) =	sbr.abs _section_cstart, $3  }
0xcf: {  	[dreg:$0x1] =	wrdreg $0xFFFFFFFF  }
0xd0: {  	_ =	task.clear_ibuf [dreg:s22], $0x2FFFF;
	_ =	strace $0x9FFFFFFF  }
0xd1: {  	(tm) =	ssettm $0x7FFFFFFF  }
tec
execute0_lowered:
.L_overlay_start_1:
0x0: {  	(tag) =	ssettag $0x1  }
0x1: {  	s0 =	srdreg.scid;
	s4 =	rddreg [dreg:$0x0]  }
0x2: {  	s2 =	rddreg [dreg:$0x1];
	s1 =	stileid.u32  }
0x3: {  	s3 =	simm.s32 $0x0;
	s6 =	sand.u32 $0x1, s0;
	s0 =	rddreg [dreg:$0x2]  }
0x4: {  	s19 =	simm.s32 $0x0;
	[smem:$0x7FF] =	sst s3;
	s8 =	smul.u32 $0x280, s1  }
0x5: {  	s7 =	smul.u32 $0x50000, s1;
	s14 =	sadd.s32 $0x94600, s4;
	s5 =	sshll.u32 s6, $0x4  }
0x6: {  	_ =	strace $0x8000004A;
	s22 =	ssub.s32 $0x2, s6;
	s16 =	smul.u32 $0x2800, s6  }
0x7: {  	s5 =	sor.u32 s1, s5;
	s23 =	sshrl.u32 s22, $0x1;
	s10 =	sadd.s32 $0x80, s8  }
0x8: {  	s24 =	sshrl.u32 s7, $0x2;
	s12 =	sadd.s32 $0x100, s8;
	s13 =	sadd.s32 $0x180, s8  }
0x9: {  	s17 =	sadd.s32 $0x200, s8;
	s5 =	smul.u32 $0x500, s5;
	s15 =	ssub.s32 s22, s23  }
0xa: {  	s25 =	sshll.u32 s10, $0x7;
	s26 =	sshll.u32 s12, $0x7;
	s28 =	sshll.u32 s13, $0x7  }
0xb: {  	s11 =	sshll.u32 s17, $0x7;
	s18 =	sadd.s32 s8, s16;
	s30 =	sadd.s32 s16, s10  }
0xc: {  	s12 =	sadd.s32 s16, s12;
	s13 =	sadd.s32 s16, s13;
	s16 =	sadd.s32 s16, s17  }
0xd: {  	s17 =	simm.s32 $0x1;
	s6 =	sadd.s32 s26, s2;
	s7 =	sadd.s32 s28, s2  }
0xe: {  	s8 =	sadd.s32 s11, s2;
	s29 =	sshll.u32 s18, $0x4;
	s31 =	sshll.u32 s30, $0x4  }
0xf: {  	s12 =	sshll.u32 s12, $0x4;
	s13 =	sshll.u32 s13, $0x4;
	s16 =	sshll.u32 s16, $0x4  }
0x10: {  	s15 =	smax.u32 s15, $0x1;
	s18 =	simm.s32 $0x80;
	s9 =	sadd.s32 s5, s4  }
0x11: {  	s4 =	sadd.s32 s24, s2;
	s5 =	sadd.s32 s25, s2;
	s10 =	sadd.s32 s14, s29  }
0x12: {  	s11 =	sadd.s32 s14, s31;
	s12 =	sadd.s32 s14, s12;
	s13 =	sadd.s32 s14, s13  }
0x13: {  	v0 =	vimm.f32 $0.0e+00;
	v1 =	vimm.f32 $1.000000000e+00;
	s14 =	sadd.s32 s14, s16;
	s16 =	simm.s32 $0x2800;
	s9 =	sadd.s32 $0x8600, s9  }
.LBB2_1:
0x14: {  	s20 =	simm.s32 $0x0;
	s21 =	simm.s32 $0x200  }
.LBB2_2:
0x15: {  	p0 =	sne.s32 s21, $0xFE00;
	[tilespmem:s20+$0x2870] =	vst v0  }
0x16: {  	[tilespmem:s20+$0x2800] =	vst v0  }
0x17: {  	[tilespmem:s20+$0x2810] =	vst v0  }
.Ltmp0:
0x18: {  	[tilespmem:s20+$0x2820] =	vst v0;
	(pc) =	sbr.rel @p0 .LBB2_2-.Ltmp0, $4  }
0x19: {  	[tilespmem:s20+$0x2830] =	vst v0  }
0x1a: {  	[tilespmem:s20+$0x2840] =	vst v0  }
0x1b: {  	[tilespmem:s20+$0x2850] =	vst v0  }
0x1c: {  	[tilespmem:s20+$0x2860] =	vst v0;
	s20 =	sshra.s32 s21, $0x2;
	s21 =	sadd.s32 $0x200, s21  }
0x1d: {  	[tilespmem:s20+$0x2870] =	vst v0  }
0x1e: {  	[tilespmem:s20+$0x2800] =	vst v0  }
0x1f: {  	[tilespmem:s20+$0x2810] =	vst v0  }
0x20: {  	[tilespmem:s20+$0x2820] =	vst v0  }
0x21: {  	[tilespmem:s20+$0x2830] =	vst v0  }
0x22: {  	[tilespmem:s20+$0x2840] =	vst v0  }
0x23: {  	[tilespmem:s20+$0x2850] =	vst v0  }
0x24: {  	[tilespmem:s20+$0x2860] =	vst v0  }
0x25: {  	[spmem:s4] =	stream.linear.scatter [tilespmem:s16], [sflag:$0x1], $0x4000, $0x38;
	[tilespmem:$0x1A800] =	vst v63  }
0x26: {  	_ =	swait.ge [sflag:s17], $0x4000  }
0x27: {  	[sflag:s17] =	ssyncset.done $0x0  }
0x28: {  	[sflag:s17] =	ssyncadd.s32 $0xFFFFC000  }
0x29: {  	[spmem:s5] =	stream.linear.scatter [tilespmem:s16], [sflag:$0x1], $0x4000, $0x38;
	[tilespmem:$0x1A800] =	vst v63  }
0x2a: {  	_ =	swait.ge [sflag:s17], $0x4000  }
0x2b: {  	[sflag:s17] =	ssyncset.done $0x0  }
0x2c: {  	[sflag:s17] =	ssyncadd.s32 $0xFFFFC000  }
0x2d: {  	[spmem:s6] =	stream.linear.scatter [tilespmem:s16], [sflag:$0x1], $0x4000, $0x38;
	[tilespmem:$0x1A800] =	vst v63  }
0x2e: {  	_ =	swait.ge [sflag:s17], $0x4000  }
0x2f: {  	[sflag:s17] =	ssyncset.done $0x0  }
0x30: {  	[sflag:s17] =	ssyncadd.s32 $0xFFFFC000  }
0x31: {  	[spmem:s7] =	stream.linear.scatter [tilespmem:s16], [sflag:$0x1], $0x4000, $0x38;
	[tilespmem:$0x1A800] =	vst v63  }
0x32: {  	_ =	swait.ge [sflag:s17], $0x4000  }
0x33: {  	[sflag:s17] =	ssyncset.done $0x0  }
0x34: {  	[sflag:s17] =	ssyncadd.s32 $0xFFFFC000  }
0x35: {  	[spmem:s8] =	stream.linear.scatter [tilespmem:s16], [sflag:$0x1], $0x4000, $0x38;
	[tilespmem:$0x1A800] =	vst v63  }
0x36: {  	_ =	swait.ge [sflag:s17], $0x4000  }
0x37: {  	[sflag:s17] =	ssyncset.done $0x0  }
0x38: {  	s20 =	simm.s32 $0x0;
	s21 =	simm.s32 $0x200;
	[sflag:s17] =	ssyncadd.s32 $0xFFFFC000  }
.LBB2_4:
0x39: {  	p0 =	sne.s32 s21, $0xFE00;
	[tilespmem:s20+$0x2870] =	vst v1  }
0x3a: {  	[tilespmem:s20+$0x2800] =	vst v1  }
0x3b: {  	[tilespmem:s20+$0x2810] =	vst v1  }
.Ltmp1:
0x3c: {  	[tilespmem:s20+$0x2820] =	vst v1;
	(pc) =	sbr.rel @p0 .LBB2_4-.Ltmp1, $4  }
0x3d: {  	[tilespmem:s20+$0x2830] =	vst v1  }
0x3e: {  	[tilespmem:s20+$0x2840] =	vst v1  }
0x3f: {  	[tilespmem:s20+$0x2850] =	vst v1  }
0x40: {  	[tilespmem:s20+$0x2860] =	vst v1;
	s20 =	sshra.s32 s21, $0x2;
	s21 =	sadd.s32 $0x200, s21  }
0x41: {  	[tilespmem:s20+$0x2870] =	vst v1  }
0x42: {  	[tilespmem:s20+$0x2800] =	vst v1  }
0x43: {  	[tilespmem:s20+$0x2810] =	vst v1  }
0x44: {  	[tilespmem:s20+$0x2820] =	vst v1  }
0x45: {  	[tilespmem:s20+$0x2830] =	vst v1  }
0x46: {  	[tilespmem:s20+$0x2840] =	vst v1  }
0x47: {  	[tilespmem:s20+$0x2850] =	vst v1  }
0x48: {  	[tilespmem:s20+$0x2860] =	vst v1  }
0x49: {  	s30 =	simm.s32 $0x0;
	[bflag:$0x0] =	sbarrier.arrive $0xFFFF  }
0x4a: {  	[tilespmem:s30], [sflag:$0x1] =	stream.linear.gather [hbm4b:s9+s30], $0x2800, $0x38;
	[tilespmem:$0x1A800] =	vst v63  }
0x4b: {  	_ =	swait.ge [sflag:s17], $0x2800  }
0x4c: {  	[sflag:s17] =	ssyncset.done $0x0  }
0x4d: {  	s31 =	simm.s32 $0x0;
	[sflag:s17] =	ssyncadd.s32 $0xFFFFD800  }
0x4e: {  	[spmem:s2] =	stream.indirect.scatter.add.f32 [tilespmem:s16], [sflag:$0x1], $0x80, s31, s18, $0xb8;
	[tilespmem:$0x1A800] =	vst v63  }
0x4f: {  	_ =	swait.ge [sflag:s17], $0x4000  }
0x50: {  	s20 =	simm.s32 $0x200;
	[sflag:s17] =	ssyncset.done $0x0  }
.LBB2_6:
0x51: {  	s21 =	sshra.s32 s20, $0x2;
	[sflag:s17] =	ssyncadd.s32 $0xFFFFC000;
	p0 =	sne.s32 s20, $0x9E00  }
0x52: {  	[spmem:s2] =	stream.indirect.scatter.add.f32 [tilespmem:s16], [sflag:$0x1], $0x80, s21, s18, $0xb8;
	[tilespmem:$0x1A800] =	vst v63  }
.Ltmp2:
0x53: {  	_ = 	snop;
	(pc) =	sbr.rel @p0 .LBB2_6-.Ltmp2, $4  }
0x54: {  	_ = 	snop  }
0x55: {  	s20 =	sadd.s32 $0x200, s20  }
0x56: {  	_ =	swait.ge [sflag:s17], $0x4000  }
0x57: {  	[sflag:s17] =	ssyncset.done $0x0  }
0x58: {  	[sflag:s17] =	ssyncadd.s32 $0xFFFFC000  }
0x59: {  	[bflag:$0x0] =	sbarrier.arrive $0xFFFF  }
0x5a: {  	[tilespmem:s16], [sflag:$0x1] =	stream.linear.gather [spmem:s4], $0x4000, $0x38;
	[tilespmem:$0x1A800] =	vst v63  }
0x5b: {  	_ =	swait.ge [sflag:s17], $0x4000  }
0x5c: {  	[sflag:s17] =	ssyncset.done $0x0  }
0x5d: {  	[sflag:s17] =	ssyncadd.s32 $0xFFFFC000  }
0x5e: {  	[hbm4b:s10+s3] =	stream.linear.scatter [tilespmem:s16], [sflag:$0x1], $0x4000, $0x38;
	[tilespmem:$0x1A800] =	vst v63  }
0x5f: {  	_ =	swait.ge [sflag:s17], $0x4000  }
0x60: {  	[sflag:s17] =	ssyncset.done $0x0  }
0x61: {  	[sflag:s17] =	ssyncadd.s32 $0xFFFFC000  }
0x62: {  	[tilespmem:s16], [sflag:$0x1] =	stream.linear.gather [spmem:s5], $0x4000, $0x38;
	[tilespmem:$0x1A800] =	vst v63  }
0x63: {  	_ =	swait.ge [sflag:s17], $0x4000  }
0x64: {  	[sflag:s17] =	ssyncset.done $0x0  }
0x65: {  	[sflag:s17] =	ssyncadd.s32 $0xFFFFC000  }
0x66: {  	[hbm4b:s11+s3] =	stream.linear.scatter [tilespmem:s16], [sflag:$0x1], $0x4000, $0x38;
	[tilespmem:$0x1A800] =	vst v63  }
0x67: {  	_ =	swait.ge [sflag:s17], $0x4000  }
0x68: {  	[sflag:s17] =	ssyncset.done $0x0  }
0x69: {  	[sflag:s17] =	ssyncadd.s32 $0xFFFFC000  }
0x6a: {  	[tilespmem:s16], [sflag:$0x1] =	stream.linear.gather [spmem:s6], $0x4000, $0x38;
	[tilespmem:$0x1A800] =	vst v63  }
0x6b: {  	_ =	swait.ge [sflag:s17], $0x4000  }
0x6c: {  	[sflag:s17] =	ssyncset.done $0x0  }
0x6d: {  	[sflag:s17] =	ssyncadd.s32 $0xFFFFC000  }
0x6e: {  	[hbm4b:s12+s3] =	stream.linear.scatter [tilespmem:s16], [sflag:$0x1], $0x4000, $0x38;
	[tilespmem:$0x1A800] =	vst v63  }
0x6f: {  	_ =	swait.ge [sflag:s17], $0x4000  }
0x70: {  	[sflag:s17] =	ssyncset.done $0x0  }
0x71: {  	[sflag:s17] =	ssyncadd.s32 $0xFFFFC000  }
0x72: {  	[tilespmem:s16], [sflag:$0x1] =	stream.linear.gather [spmem:s7], $0x4000, $0x38;
	[tilespmem:$0x1A800] =	vst v63  }
0x73: {  	_ =	swait.ge [sflag:s17], $0x4000  }
0x74: {  	[sflag:s17] =	ssyncset.done $0x0  }
0x75: {  	[sflag:s17] =	ssyncadd.s32 $0xFFFFC000  }
0x76: {  	[hbm4b:s13+s3] =	stream.linear.scatter [tilespmem:s16], [sflag:$0x1], $0x4000, $0x38;
	[tilespmem:$0x1A800] =	vst v63  }
0x77: {  	_ =	swait.ge [sflag:s17], $0x4000  }
0x78: {  	[sflag:s17] =	ssyncset.done $0x0  }
0x79: {  	[sflag:s17] =	ssyncadd.s32 $0xFFFFC000  }
0x7a: {  	[tilespmem:s16], [sflag:$0x1] =	stream.linear.gather [spmem:s8], $0x4000, $0x38;
	[tilespmem:$0x1A800] =	vst v63  }
0x7b: {  	s19 =	sadd.s32 $0x1, s19;
	_ =	swait.ge [sflag:s17], $0x4000  }
0x7c: {  	p0 =	sne.s32 s19, s15;
	[sflag:s17] =	ssyncset.done $0x0  }
.Ltmp3:
0x7d: {  	[sflag:s17] =	ssyncadd.s32 $0xFFFFC000;
	(pc) =	sbr.rel @p0 .LBB2_1-.Ltmp3, $4  }
0x7e: {  	[hbm4b:s14+s3] =	stream.linear.scatter [tilespmem:s16], [sflag:$0x1], $0x4000, $0x38;
	[tilespmem:$0x1A800] =	vst v63  }
0x7f: {  	_ =	swait.ge [sflag:s17], $0x4000  }
0x80: {  	[sflag:s17] =	ssyncset.done $0x0  }
0x81: {  	[sflag:s17] =	ssyncadd.s32 $0xFFFFC000  }
0x82: {  	_ =	sfence.sel $0x180000  }
0x83: {  	[bflag:$0x0] =	sbarrier.arrive $0xFFFF  }
0x84: {  	p0 =	sne.s32 s1, $0x0;
	_ =	strace $0x9000004A  }
0x85: {  	s0 =	sadd.s32 @!p0 $0x100000, s0;
	[bflag:$0x2] =	sbarrier.arrive $0xFFFF  }
0x86: {  	[sflag:s0] =	ssyncadd.tile.s32 @!p0 $0x1;
	_ =	shalt  }
.Lfunc_end2:
_tile_overlayer_lowered:
.L_overlay_start_2:
0x87: {  	(tag) =	ssettag $0x2  }
0x88: {  	s0 =	rddreg [dreg:$0x0];
	s2 =	stileid.u32  }
0x89: {  	s1 =	rddreg [dreg:$0x1];
	p0 =	sne.s32 s2, $0x0  }
0x8a: {  	s3 =	rddreg [dreg:$0x2];
	[bflag:$0x3] =	sbarrier.arrive $0xFFFF;
	s2 =	simm.s32 @!p0 $0x1C01  }
0x8b: {  	[timem:s3], [sflag:s2] =	dma.local @!p0 [hbm:s0], s1  }
0x8c: {  	s0 =	simm.s32 @!p0 $0x1  }
0x8d: {  	_ =	swait.ge @!p0 [sflag:s0], s1  }
0x8e: {  	s1 =	ssub.s32 @!p0 $0x0, s1;
	[sflag:s0] =	ssyncset.done @!p0 $0x0  }
0x8f: {  	[sflag:s0] =	ssyncadd.s32 @!p0 s1  }
0x90: {  	[bflag:$0x3] =	sbarrier.arrive $0xFFFF  }
0x91: {  	_ =	shalt  }

// kernel: kernel.13.cloned.1.call-start
scs
__scs_entry_jumppad:
0x0: {  	(pc) =	sbr.rel $0x88, $3  }
0x1: {  	(tag) =	ssettag $0x0;
	lr =	simm.s32 $0x1  }
0x2: {  	[smem:$0x3F73] =	sst lr;
	_ =	strace $0xD0000000  }
0x3: {  	_ = 	snop  }
0x4: {  	_ = 	snop  }
0x5: {  	_ = 	snop  }
0x6: {  	_ = 	snop  }
0x7: {  	_ = 	snop  }
__scs_overlays_trampoline_lowered:
0x8: {  	[smem:$0x3F82] =	sst s0  }
0x9: {  	[smem:$0x3F83] =	sst s1  }
0xa: {  	[smem:$0x3F84] =	sst s2  }
0xb: {  	[smem:$0x3F85] =	sst s3  }
0xc: {  	[smem:$0x3F86] =	sst s4  }
0xd: {  	[smem:$0x3F87] =	sst s5  }
0xe: {  	[smem:$0x3F88] =	sst s6  }
0xf: {  	[smem:$0x3F89] =	sst s7  }
0x10: {  	[smem:$0x3F8A] =	sst s8  }
0x11: {  	[smem:$0x3F8B] =	sst s9;
	s0 =	simm.s32 @!p0 $0x0  }
0x12: {  	s1 =	sld [smem:$0x3F71];
	s0 =	simm.s32 @p0 $0x1  }
0x13: {  	[smem:$0x3F8C] =	sst s0;
	s0 =	simm.s32 @!p1 $0x0  }
0x14: {  	s2 =	sld [smem:$0x3F70];
	s0 =	simm.s32 @p1 $0x1  }
0x15: {  	[smem:$0x3F8D] =	sst s0;
	s0 =	simm.s32 @!p2 $0x0  }
0x16: {  	s3 =	sld [smem:$0x3FDB];
	s0 =	simm.s32 @p2 $0x1  }
0x17: {  	s4 =	simm.s32 $0x1BF5;
	[smem:$0x3F8F] =	sst s0  }
0x18: {  	s0 =	sld [smem:$0x3F72];
	_ =	swait.ge [sflag:s4], $0x0  }
0x19: {  	s7 =	sld [smem:$0x3F73]  }
0x1a: {  	s8 =	sadd.s32 $0xFFFFE003, lr  }
0x1b: {  	s9 =	sadd.s32 $0xFFFFFEF7, lr;
	s5 =	simm.s32 $0xFFFFFFFF;
	p2 =	slt.u32 s8, $0xFFFFF086  }
0x1c: {  	p1 =	slt.u32 s9, $0xF7A;
	s5 =	simm.s32 @!p2 $0x0  }
0x1d: {  	s5 =	simm.s32 @p1 $0x1;
	p0 =	seq.s32 s7, s2  }
0x1e: {  	s7 =	smul.u32 @!p0 $0xF7A, s2;
	p2 =	seq.s32 @!p0 s5, $0x0  }
0x1f: {  	s9 =	smul.u32 $0xF7A, s1;
	s8 =	simm.s32 @!p0 $0x1BF5;
	p2 =	por !p2, p0  }
0x20: {  	[sflag:s8] =	ssyncset.s32 @!p0 $0xFFFFF086;
	s6 =	sadd.s32 @!p0 s3, s7;
	s7 =	simm.s32 @!p0 $0x108  }
0x21: {  	s3 =	sadd.s32 s3, s9;
	s6 =	sadd.s32 @!p0 $0x88, s6;
	s7 =	simm.s32 @p2 $0x1082  }
0x22: {  	[simem:s7], [sflag:s8] =	dma.local @!p0 [hbm:s6], $0xF7A  }
0x23: {  	s9 =	sor.u32 $0xD0000000, s2;
	s6 =	simm.s32 $0x108;
	_ =	swait.ge @!p0 [sflag:s8], $0x0  }
0x24: {  	s3 =	sadd.s32 $0x88, s3;
	s6 =	simm.s32 @!p1 $0x1082;
	[sflag:s4] =	ssyncset.s32 $0xFFFFF086  }
0x25: {  	[simem:s6], [sflag:s4] =	dma.local [hbm:s3], $0xF7A  }
0x26: {  	[smem:$0x3F73] =	sst s1;
	(tag) =	ssettag s2;
	_ =	strace s9  }
0x27: {  	s1 =	sld [smem:$0x3F83]  }
0x28: {  	s2 =	sld [smem:$0x3F84]  }
0x29: {  	s4 =	sld [smem:$0x3F86]  }
0x2a: {  	p0 =	seq.s32 s5, $0x0;
	s5 =	sld [smem:$0x3F87]  }
0x2b: {  	s6 =	sld [smem:$0x3F88]  }
0x2c: {  	s7 =	sld [smem:$0x3F89]  }
0x2d: {  	s3 =	simm.s32 $0x108;
	s8 =	sld [smem:$0x3F8A]  }
0x2e: {  	s3 =	simm.s32 @!p0 $0x1082;
	s9 =	sld [smem:$0x3F8B]  }
0x2f: {  	lr =	sadd.s32 s0, s3;
	s0 =	sld [smem:$0x3F82]  }
0x30: {  	s3 =	sld [smem:$0x3F85]  }
0x31: {  	[smem:$0x3F8E] =	sst s10  }
0x32: {  	s10 =	sld [smem:$0x3F8C];
	_ =	sdelay $0x3  }
0x33: {  	p0 =	seq.s32 s10, $0x1;
	s10 =	sld [smem:$0x3F8E];
	_ =	sdelay $0x3  }
0x34: {  	[smem:$0x3F8E] =	sst s10  }
0x35: {  	s10 =	sld [smem:$0x3F8D];
	_ =	sdelay $0x3  }
0x36: {  	p1 =	seq.s32 s10, $0x1;
	s10 =	sld [smem:$0x3F8E];
	_ =	sdelay $0x3  }
0x37: {  	[smem:$0x3F8E] =	sst s10  }
0x38: {  	s10 =	sld [smem:$0x3F8F]  }
0x39: {  	_ = 	snop;
	(pc) =	sbr.ind lr, $3  }
0x3a: {  	_ = 	snop  }
0x3b: {  	_ = 	snop  }
0x3c: {  	p2 =	seq.s32 s10, $0x1;
	s10 =	sld [smem:$0x3F8E]  }
0x3d: {  	_ =	shalt  }
0x3e: {  	_ =	shalt  }
0x3f: {  	_ =	shalt  }
0x40: {  	_ =	shalt  }
0x41: {  	_ =	shalt  }
0x42: {  	_ =	shalt  }
0x43: {  	_ =	shalt  }
0x44: {  	_ =	shalt  }
0x45: {  	_ =	shalt  }
0x46: {  	_ =	shalt  }
0x47: {  	_ =	shalt  }
0x48: {  	_ =	shalt  }
0x49: {  	_ =	shalt  }
0x4a: {  	_ =	shalt  }
0x4b: {  	_ =	shalt  }
0x4c: {  	_ =	shalt  }
0x4d: {  	_ =	shalt  }
0x4e: {  	_ =	shalt  }
0x4f: {  	_ =	shalt  }
0x50: {  	_ =	shalt  }
0x51: {  	_ =	shalt  }
0x52: {  	_ =	shalt  }
0x53: {  	_ =	shalt  }
0x54: {  	_ =	shalt  }
0x55: {  	_ =	shalt  }
0x56: {  	_ =	shalt  }
0x57: {  	_ =	shalt  }
0x58: {  	_ =	shalt  }
0x59: {  	_ =	shalt  }
0x5a: {  	_ =	shalt  }
0x5b: {  	_ =	shalt  }
0x5c: {  	_ =	shalt  }
0x5d: {  	_ =	shalt  }
0x5e: {  	_ =	shalt  }
0x5f: {  	_ =	shalt  }
0x60: {  	_ =	shalt  }
0x61: {  	_ =	shalt  }
0x62: {  	_ =	shalt  }
0x63: {  	_ =	shalt  }
0x64: {  	_ =	shalt  }
0x65: {  	_ =	shalt  }
0x66: {  	_ =	shalt  }
0x67: {  	_ =	shalt  }
0x68: {  	_ =	shalt  }
0x69: {  	_ =	shalt  }
0x6a: {  	_ =	shalt  }
0x6b: {  	_ =	shalt  }
0x6c: {  	_ =	shalt  }
0x6d: {  	_ =	shalt  }
0x6e: {  	_ =	shalt  }
0x6f: {  	_ =	shalt  }
0x70: {  	_ =	shalt  }
0x71: {  	_ =	shalt  }
0x72: {  	_ =	shalt  }
0x73: {  	_ =	shalt  }
0x74: {  	_ =	shalt  }
0x75: {  	_ =	shalt  }
0x76: {  	_ =	shalt  }
0x77: {  	_ =	shalt  }
0x78: {  	_ =	shalt  }
0x79: {  	_ =	shalt  }
0x7a: {  	_ =	shalt  }
0x7b: {  	_ =	shalt  }
0x7c: {  	_ =	shalt  }
0x7d: {  	_ =	shalt  }
0x7e: {  	_ =	shalt  }
0x7f: {  	_ =	shalt  }
0x80: {  	_ =	shalt  }
0x81: {  	_ =	shalt  }
0x82: {  	_ =	shalt  }
0x83: {  	_ =	shalt  }
0x84: {  	_ =	shalt  }
0x85: {  	_ =	shalt  }
0x86: {  	_ =	shalt  }
0x87: {  	_ =	shalt  }
.Lfunc_end0:
.L_simem_size_0:
called_computation.1_lowered:
.L_overlay_start_0:
0x88: {  	s2 =	sld [smem:$0x3FD9]  }
0x89: {  	s3 =	sld [smem:$0x3FFE];
	_ =	sdelay $0x1  }
0x8a: {  	s1 =	srdreg.scid  }
0x8b: {  	s0 =	sand.u32 $0x1, s1  }
0x8c: {  	s16 =	sshll.u32 s0, $0xA;
	s2 =	sadd.s32 s3, s2  }
0x8d: {  	s2 =	sadd.s32 s2, s16  }
0x8e: {  	[smem:$0x3F9A] =	sst s2  }
0x8f: {  	_ = 	snop  }
0x90: {  	(tm) =	ssettm $0x1  }
0x91: {  	s17 =	sld [smem:$0x3FFB];
	_ =	sdelay $0x3  }
0x92: {  	_ =	strace s17  }
0x93: {  	s2 =	sld [smem:$0x3FFC];
	_ =	sdelay $0x3  }
0x94: {  	_ =	strace s2  }
0x95: {  	s2 =	sld [smem:$0x3FFD];
	_ =	sdelay $0x3  }
0x96: {  	_ =	strace s2  }
0x97: {  	_ =	strace $0x8FFFFFFF  }
0x98: {  	s18 =	sld [smem:$0x3FDB];
	_ =	sdelay $0x1  }
0x99: {  	s19 =	simm.s32 $_scs_section_size  }
0x9a: {  	s4 =	simm.s32 $_size__tile_overlayer_lowered;
	s5 =	simm.s32 $_tile_overlayer_lowered  }
0x9b: {  	s22 =	simm.s32 $0x1BFF;
	s21 =	sshll.u32 s5, $0x1;
	s2 =	sadd.s32 s19, s18  }
0x9c: {  	s6 =	simm.s32 $0x0;
	s20 =	sshll.u32 s4, $0x1;
	s4 =	sadd.s32 s21, s2  }
0x9d: {  	[timem:s6], [sflag:s22] =	dma.local [hbm:s4], s20  }
0x9e: {  	_ =	swait.ge [sflag:s22], s20  }
0x9f: {  	s3 =	ssub.s32 $0x0, s20;
	[sflag:s22] =	ssyncset.done $0x0  }
0xa0: {  	[sflag:s22] =	ssyncadd.s32 s3;
	_ =	sdelay $0x1  }
0xa1: {  	s23 =	simm.s32 $0x1B8B  }
0xa2: {  	_ =	swait.ge [sflag:s23], $0x1  }
0xa3: {  	[sflag:s23] =	ssyncset.done $0x0  }
0xa4: {  	s25 =	simm.s32 $0x1B8E;
	s24 =	sld [smem:$0x3FFE];
	[sflag:s23] =	ssyncadd.s32 $0xFFFFFFFF  }
0xa5: {  	s26 =	simm.s32 $execute0_lowered;
	[smem:$0x3FD2] =	sst s25  }
0xa6: {  	s4 =	sshll.u32 s26, $0x1;
	_ =	strace $0x80000046;
	[dreg:$0x1] =	wrdreg $0xFFFFFFFF  }
0xa7: {  	s28 =	simm.s32 $_size_execute0_lowered;
	s2 =	sadd.s32 s2, s4;
	[dreg:$0x0] =	wrdreg $0x0  }
0xa8: {  	s4 =	sshll.u32 s28, $0x1;
	[dreg:$0x2] =	wrdreg s2  }
0xa9: {  	[dreg:$0x3] =	wrdreg s4  }
0xaa: {  	[dreg:$0x4] =	wrdreg $0xC0  }
0xab: {  	_ =	task [dreg:s6], $0x5FFFF  }
0xac: {  	[dreg:$0x1] =	wrdreg $0xFFFFFFFF  }
0xad: {  	[dreg:$0x0] =	wrdreg $0x60  }
0xae: {  	[dreg:$0x2] =	wrdreg s24  }
0xaf: {  	[dreg:$0x3] =	wrdreg $0xA8000  }
0xb0: {  	[dreg:$0x4] =	wrdreg $0xA  }
0xb1: {  	_ =	task.clear_ibuf [dreg:s6], $0x5FFFF;
	_ =	strace $0x90000046  }
0xb2: {  	s29 =	simm.s32 $0xA;
	_ =	strace $0x80000048  }
0xb3: {  	_ =	swait.ge [sflag:s29], $0x1  }
0xb4: {  	[sflag:s29] =	ssyncadd.s32 $0xFFFFFFFF  }
0xb5: {  	_ =	strace $0x90000048  }
0xb6: {  	_ =	sfence  }
0xb7: {  	s30 =	sld [smem:$0x0];
	_ =	sdelay $0x2  }
0xb8: {  	s31 =	sshll.u32 s1, $0xD;
	s1 =	sshrl.u32 s1, $0x2  }
0xb9: {  	s3 =	sand.u32 $0x4000, s31;
	s1 =	sadd.s32 s1, s30  }
0xba: {  	s0 =	sor.u32 s3, s0;
	s1 =	sshll.u32 s1, $0x11  }
0xbb: {  	s0 =	sor.u32 s1, s0  }
0xbc: {  	s0 =	sadd.s32 $0x8F2B, s0  }
0xbd: {  	[sflag:s0] =	ssyncadd.remote.s32 $0x1  }
0xbe: {  	_ =	sfence.sel $0xFFFF  }
0xbf: {  	[dreg:$0x0] =	wrdreg $0xFFFFFFFF;
	(pc) =	sbr.abs _section_cstart, $3  }
0xc0: {  	[dreg:$0x1] =	wrdreg $0xFFFFFFFF  }
0xc1: {  	_ =	task.clear_ibuf [dreg:s6], $0x2FFFF;
	_ =	strace $0x9FFFFFFF  }
0xc2: {  	(tm) =	ssettm $0x7FFFFFFF  }
0xc3: {  	_ =	shalt  }
tec
execute0_lowered:
.L_overlay_start_1:
0x0: {  	(tag) =	ssettag $0x1  }
0x1: {  	s0 =	rddreg [dreg:$0x0]  }
0x2: {  	s1 =	rddreg [dreg:$0x1];
	s2 =	simm.s32 $0x0  }
0x3: {  	s3 =	srdreg.scid;
	s9 =	stileid.u32;
	s28 =	simm.s32 $0x3  }
0x4: {  	s29 =	simm.s32 $0x4;
	s30 =	simm.s32 $0x2700;
	s31 =	simm.s32 $0x2780  }
0x5: {  	[smem:$0x7FF] =	sst s2;
	s4 =	sadd.s32 $0x1C600, s0;
	s10 =	sadd.s32 $0x12600, s0  }
0x6: {  	s3 =	sand.u32 $0x1, s3;
	s13 =	sadd.s32 $0x8600, s0;
	s14 =	smul.u32 $0x280, s9  }
0x7: {  	s8 =	smul.u32 $0x50000, s9;
	s0 =	sadd.s32 $0x44600, s0;
	_ =	strace $0x80000047  }
0x8: {  	s5 =	ssub.s32 $0x2, s3;
	s7 =	sshll.u32 s3, $0x4;
	s3 =	smul.u32 $0x2800, s3  }
0x9: {  	s6 =	sshrl.u32 s5, $0x1;
	s9 =	sor.u32 s9, s7;
	s21 =	sshrl.u32 s8, $0x2  }
0xa: {  	s15 =	sadd.s32 $0x80, s14;
	s16 =	sadd.s32 $0x100, s14;
	s17 =	sadd.s32 $0x180, s14  }
0xb: {  	s18 =	sadd.s32 $0x200, s14;
	s19 =	ssub.s32 s5, s6;
	s5 =	sadd.s32 s21, s1  }
0xc: {  	s22 =	sshll.u32 s15, $0x7;
	s23 =	sshll.u32 s16, $0x7;
	s11 =	smul.u32 $0x2800, s9  }
0xd: {  	s24 =	sshll.u32 s17, $0x7;
	s12 =	sshll.u32 s18, $0x7;
	s20 =	smul.u32 $0x500, s9  }
0xe: {  	s17 =	sadd.s32 s3, s17;
	s6 =	sadd.s32 s22, s1;
	s7 =	sadd.s32 s23, s1  }
0xf: {  	s8 =	sadd.s32 s24, s1;
	s9 =	sadd.s32 s12, s1;
	s23 =	sadd.s32 s14, s3  }
0x10: {  	s24 =	sadd.s32 s3, s15;
	s19 =	smax.u32 s19, $0x1;
	s25 =	sshrl.u32 s11, $0x3  }
0x11: {  	s26 =	sadd.s32 s10, s20;
	s21 =	sadd.s32 s13, s20;
	s15 =	sshll.u32 s24, $0x4  }
0x12: {  	s20 =	simm.s32 $0x2800;
	s24 =	simm.s32 $0x6800;
	[dreg:$0x3] =	wrdreg s26  }
0x13: {  	[dreg:$0x4] =	wrdreg s21;
	s22 =	sadd.s32 $0x280, s25;
	s15 =	sadd.s32 s0, s15  }
0x14: {  	s25 =	sadd.s32 s3, s16;
	s3 =	sadd.s32 s3, s18;
	s26 =	sshll.u32 s17, $0x4  }
0x15: {  	s21 =	simm.s32 $0x5;
	s12 =	sadd.s32 s10, s22;
	s13 =	sadd.s32 s13, s22  }
0x16: {  	s10 =	sshll.u32 s23, $0x4;
	s3 =	sshll.u32 s3, $0x4;
	s17 =	sadd.s32 s0, s26  }
0x17: {  	s22 =	simm.s32 $0x1400;
	s23 =	simm.s32 $0x80;
	s26 =	simm.s32 $0x2  }
0x18: {  	s14 =	sadd.s32 s0, s10;
	s10 =	sshll.u32 s25, $0x4;
	s18 =	sadd.s32 s0, s3  }
0x19: {  	v0 =	vimm.f32 $0.0e+00;
	s25 =	simm.s32 $0x1;
	s16 =	sadd.s32 s0, s10;
	s0 =	simm.s32 $0x0  }
.LBB2_1:
0x1a: {  	s3 =	simm.s32 $0x0;
	s10 =	simm.s32 $0x200  }
.LBB2_2:
0x1b: {  	p0 =	sne.s32 s10, $0xFE00;
	[tilespmem:s3+$0x2870] =	vst v0  }
0x1c: {  	[tilespmem:s3+$0x2800] =	vst v0  }
0x1d: {  	[tilespmem:s3+$0x2810] =	vst v0  }
.Ltmp0:
0x1e: {  	[tilespmem:s3+$0x2820] =	vst v0;
	(pc) =	sbr.rel @p0 .LBB2_2-.Ltmp0, $4  }
0x1f: {  	[tilespmem:s3+$0x2830] =	vst v0  }
0x20: {  	[tilespmem:s3+$0x2840] =	vst v0  }
0x21: {  	[tilespmem:s3+$0x2850] =	vst v0  }
0x22: {  	[tilespmem:s3+$0x2860] =	vst v0;
	s3 =	sshra.s32 s10, $0x2;
	s10 =	sadd.s32 $0x200, s10  }
0x23: {  	[tilespmem:s3+$0x2870] =	vst v0  }
0x24: {  	[tilespmem:s3+$0x2800] =	vst v0  }
0x25: {  	[tilespmem:s3+$0x2810] =	vst v0  }
0x26: {  	[tilespmem:s3+$0x2820] =	vst v0  }
0x27: {  	[tilespmem:s3+$0x2830] =	vst v0  }
0x28: {  	[tilespmem:s3+$0x2840] =	vst v0  }
0x29: {  	[tilespmem:s3+$0x2850] =	vst v0  }
0x2a: {  	[tilespmem:s3+$0x2860] =	vst v0  }
0x2b: {  	[spmem:s5] =	stream.linear.scatter [tilespmem:s20], [sflag:$0x5], $0x4000, $0x38;
	[tilespmem:$0x1E800] =	vst v63  }
0x2c: {  	_ =	swait.ge [sflag:s21], $0x4000  }
0x2d: {  	[sflag:s21] =	ssyncset.done $0x0  }
0x2e: {  	[sflag:s21] =	ssyncadd.s32 $0xFFFFC000  }
0x2f: {  	[spmem:s6] =	stream.linear.scatter [tilespmem:s20], [sflag:$0x5], $0x4000, $0x38;
	[tilespmem:$0x1E800] =	vst v63  }
0x30: {  	_ =	swait.ge [sflag:s21], $0x4000  }
0x31: {  	[sflag:s21] =	ssyncset.done $0x0  }
0x32: {  	[sflag:s21] =	ssyncadd.s32 $0xFFFFC000  }
0x33: {  	[spmem:s7] =	stream.linear.scatter [tilespmem:s20], [sflag:$0x5], $0x4000, $0x38;
	[tilespmem:$0x1E800] =	vst v63  }
0x34: {  	_ =	swait.ge [sflag:s21], $0x4000  }
0x35: {  	[sflag:s21] =	ssyncset.done $0x0  }
0x36: {  	[sflag:s21] =	ssyncadd.s32 $0xFFFFC000  }
0x37: {  	[spmem:s8] =	stream.linear.scatter [tilespmem:s20], [sflag:$0x5], $0x4000, $0x38;
	[tilespmem:$0x1E800] =	vst v63  }
0x38: {  	_ =	swait.ge [sflag:s21], $0x4000  }
0x39: {  	[sflag:s21] =	ssyncset.done $0x0  }
0x3a: {  	[sflag:s21] =	ssyncadd.s32 $0xFFFFC000  }
0x3b: {  	[spmem:s9] =	stream.linear.scatter [tilespmem:s20], [sflag:$0x5], $0x4000, $0x38;
	[tilespmem:$0x1E800] =	vst v63  }
0x3c: {  	_ =	swait.ge [sflag:s21], $0x4000  }
0x3d: {  	[sflag:s21] =	ssyncset.done $0x0  }
0x3e: {  	[sflag:s21] =	ssyncadd.s32 $0xFFFFC000  }
0x3f: {  	[bflag:$0x0] =	sbarrier.arrive $0xFFFF  }
0x40: {  	s3 =	simm.s32 $0x0;
	s10 =	rddreg [dreg:$0x3]  }
0x41: {  	[tilespmem:s3], [sflag:$0x5] =	stream.linear.gather [hbm4b:s10+s3], $0x1400, $0x38;
	[tilespmem:$0x1E800] =	vst v63  }
0x42: {  	_ =	swait.ge [sflag:s21], $0x1400  }
0x43: {  	[sflag:s21] =	ssyncset.done $0x0  }
0x44: {  	s11 =	rddreg [dreg:$0x4];
	[sflag:s21] =	ssyncadd.s32 $0xFFFFEC00  }
0x45: {  	[tilespmem:s22], [sflag:$0x5] =	stream.linear.gather [hbm4b:s11+s3], $0x1400, $0x38;
	[tilespmem:$0x1E800] =	vst v63  }
0x46: {  	_ =	swait.ge [sflag:s21], $0x1400  }
0x47: {  	[sflag:s21] =	ssyncset.done $0x0  }
0x48: {  	[sflag:s21] =	ssyncadd.s32 $0xFFFFEC00  }
0x49: {  	[tilespmem:s20], [sflag:$0x1] =	stream.indirect.gather [hbm4b:s4+s23], $0x80, s3, s23, $0xb8;
	[tilespmem:$0x1E800] =	vst v63  }
0x4a: {  	_ = 	snop  }
0x4b: {  	[tilespmem:s24], [sflag:$0x2] =	stream.indirect.gather [hbm4b:s4+s23], $0x80, s23, s23, $0xb8;
	[tilespmem:$0x1E800] =	vst v63  }
0x4c: {  	_ =	swait.ge [sflag:s25], $0x4000  }
0x4d: {  	[sflag:s25] =	ssyncset.done $0x0  }
0x4e: {  	s11 =	simm.s32 $0x1400;
	[sflag:s25] =	ssyncadd.s32 $0xFFFFC000  }
0x4f: {  	[spmem:s1] =	stream.indirect.scatter.add.f32 [tilespmem:s20], [sflag:$0x3], $0x80, s11, s23, $0xb8;
	[tilespmem:$0x1E800] =	vst v63  }
0x50: {  	_ =	swait.ge [sflag:s26], $0x4000  }
0x51: {  	[sflag:s26] =	ssyncset.done $0x0  }
0x52: {  	s10 =	simm.s32 $0x1480;
	[sflag:s26] =	ssyncadd.s32 $0xFFFFC000  }
0x53: {  	[spmem:s1] =	stream.indirect.scatter.add.f32 [tilespmem:s24], [sflag:$0x4], $0x80, s10, s23, $0xb8;
	[tilespmem:$0x1E800] =	vst v63  }
0x54: {  	_ =	swait.ge [sflag:s28], $0x4000  }
0x55: {  	[sflag:s28] =	ssyncset.done $0x0  }
0x56: {  	s11 =	simm.s32 $0x100;
	[sflag:s28] =	ssyncadd.s32 $0xFFFFC000  }
0x57: {  	[tilespmem:s20], [sflag:$0x1] =	stream.indirect.gather [hbm4b:s4+s23], $0x80, s11, s23, $0xb8;
	[tilespmem:$0x1E800] =	vst v63  }
0x58: {  	_ =	swait.ge [sflag:s29], $0x4000  }
0x59: {  	[sflag:s29] =	ssyncset.done $0x0  }
0x5a: {  	s3 =	simm.s32 $0x400;
	s10 =	simm.s32 $0x180;
	[sflag:s29] =	ssyncadd.s32 $0xFFFFC000  }
.LBB2_4:
0x5b: {  	[tilespmem:s24], [sflag:$0x2] =	stream.indirect.gather [hbm4b:s4+s23], $0x80, s10, s23, $0xb8;
	[tilespmem:$0x1E800] =	vst v63  }
0x5c: {  	s10 =	smov.u32 s3  }
0x5d: {  	p0 =	sne.s32 s3, $0x4800;
	s3 =	sadd.s32 $0x400, s3;
	_ =	swait.ge [sflag:s25], $0x4000  }
0x5e: {  	s10 =	sshra.s32 s10, $0x2;
	[sflag:s25] =	ssyncset.done $0x0  }
0x5f: {  	s11 =	sadd.s32 $0x1400, s10;
	[sflag:s25] =	ssyncadd.s32 $0xFFFFC000  }
0x60: {  	[spmem:s1] =	stream.indirect.scatter.add.f32 [tilespmem:s20], [sflag:$0x3], $0x80, s11, s23, $0xb8;
	[tilespmem:$0x1E800] =	vst v63  }
0x61: {  	_ =	swait.ge [sflag:s26], $0x4000  }
0x62: {  	[sflag:s26] =	ssyncset.done $0x0  }
0x63: {  	s11 =	sadd.s32 $0x1480, s10;
	[sflag:s26] =	ssyncadd.s32 $0xFFFFC000  }
0x64: {  	[spmem:s1] =	stream.indirect.scatter.add.f32 [tilespmem:s24], [sflag:$0x4], $0x80, s11, s23, $0xb8;
	[tilespmem:$0x1E800] =	vst v63  }
0x65: {  	_ =	swait.ge [sflag:s28], $0x4000  }
0x66: {  	[sflag:s28] =	ssyncset.done $0x0  }
.Ltmp1:
0x67: {  	s11 =	sadd.s32 $0x100, s10;
	[sflag:s28] =	ssyncadd.s32 $0xFFFFC000;
	(pc) =	sbr.rel @p0 .LBB2_4-.Ltmp1, $4  }
0x68: {  	[tilespmem:s20], [sflag:$0x1] =	stream.indirect.gather [hbm4b:s4+s23], $0x80, s11, s23, $0xb8;
	[tilespmem:$0x1E800] =	vst v63  }
0x69: {  	_ =	swait.ge [sflag:s29], $0x4000  }
0x6a: {  	[sflag:s29] =	ssyncset.done $0x0  }
0x6b: {  	s10 =	sadd.s32 $0x180, s10;
	[sflag:s29] =	ssyncadd.s32 $0xFFFFC000  }
0x6c: {  	[tilespmem:s24], [sflag:$0x2] =	stream.indirect.gather [hbm4b:s4+s23], $0x80, s10, s23, $0xb8;
	[tilespmem:$0x1E800] =	vst v63  }
0x6d: {  	_ =	swait.ge [sflag:s25], $0x4000  }
0x6e: {  	[sflag:s25] =	ssyncset.done $0x0  }
0x6f: {  	[sflag:s25] =	ssyncadd.s32 $0xFFFFC000  }
0x70: {  	[spmem:s1] =	stream.indirect.scatter.add.f32 [tilespmem:s20], [sflag:$0x3], $0x80, s30, s23, $0xb8;
	[tilespmem:$0x1E800] =	vst v63  }
0x71: {  	_ =	swait.ge [sflag:s26], $0x4000  }
0x72: {  	[sflag:s26] =	ssyncset.done $0x0  }
0x73: {  	[sflag:s26] =	ssyncadd.s32 $0xFFFFC000  }
0x74: {  	[spmem:s1] =	stream.indirect.scatter.add.f32 [tilespmem:s24], [sflag:$0x4], $0x80, s31, s23, $0xb8;
	[tilespmem:$0x1E800] =	vst v63  }
0x75: {  	_ =	swait.ge [sflag:s28], $0x4000  }
0x76: {  	[sflag:s28] =	ssyncset.done $0x0  }
0x77: {  	[sflag:s28] =	ssyncadd.s32 $0xFFFFC000  }
0x78: {  	_ =	swait.ge [sflag:s29], $0x4000  }
0x79: {  	[sflag:s29] =	ssyncset.done $0x0  }
0x7a: {  	s3 =	simm.s32 $0x0;
	[sflag:s29] =	ssyncadd.s32 $0xFFFFC000  }
0x7b: {  	[tilespmem:s3], [sflag:$0x5] =	stream.linear.gather [hbm4b:s12+s3], $0x1400, $0x38;
	[tilespmem:$0x1E800] =	vst v63  }
0x7c: {  	_ =	swait.ge [sflag:s21], $0x1400  }
0x7d: {  	[sflag:s21] =	ssyncset.done $0x0  }
0x7e: {  	[sflag:s21] =	ssyncadd.s32 $0xFFFFEC00  }
0x7f: {  	[tilespmem:s22], [sflag:$0x5] =	stream.linear.gather [hbm4b:s13+s3], $0x1400, $0x38;
	[tilespmem:$0x1E800] =	vst v63  }
0x80: {  	_ =	swait.ge [sflag:s21], $0x1400  }
0x81: {  	[sflag:s21] =	ssyncset.done $0x0  }
0x82: {  	[sflag:s21] =	ssyncadd.s32 $0xFFFFEC00  }
0x83: {  	[tilespmem:s20], [sflag:$0x1] =	stream.indirect.gather [hbm4b:s4+s23], $0x80, s3, s23, $0xb8;
	[tilespmem:$0x1E800] =	vst v63  }
0x84: {  	_ = 	snop  }
0x85: {  	[tilespmem:s24], [sflag:$0x2] =	stream.indirect.gather [hbm4b:s4+s23], $0x80, s23, s23, $0xb8;
	[tilespmem:$0x1E800] =	vst v63  }
0x86: {  	_ =	swait.ge [sflag:s25], $0x4000  }
0x87: {  	[sflag:s25] =	ssyncset.done $0x0  }
0x88: {  	s11 =	simm.s32 $0x1400;
	[sflag:s25] =	ssyncadd.s32 $0xFFFFC000  }
0x89: {  	[spmem:s1] =	stream.indirect.scatter.add.f32 [tilespmem:s20], [sflag:$0x3], $0x80, s11, s23, $0xb8;
	[tilespmem:$0x1E800] =	vst v63  }
0x8a: {  	_ =	swait.ge [sflag:s26], $0x4000  }
0x8b: {  	[sflag:s26] =	ssyncset.done $0x0  }
0x8c: {  	s10 =	simm.s32 $0x1480;
	[sflag:s26] =	ssyncadd.s32 $0xFFFFC000  }
0x8d: {  	[spmem:s1] =	stream.indirect.scatter.add.f32 [tilespmem:s24], [sflag:$0x4], $0x80, s10, s23, $0xb8;
	[tilespmem:$0x1E800] =	vst v63  }
0x8e: {  	_ =	swait.ge [sflag:s28], $0x4000  }
0x8f: {  	[sflag:s28] =	ssyncset.done $0x0  }
0x90: {  	s11 =	simm.s32 $0x100;
	[sflag:s28] =	ssyncadd.s32 $0xFFFFC000  }
0x91: {  	[tilespmem:s20], [sflag:$0x1] =	stream.indirect.gather [hbm4b:s4+s23], $0x80, s11, s23, $0xb8;
	[tilespmem:$0x1E800] =	vst v63  }
0x92: {  	_ =	swait.ge [sflag:s29], $0x4000  }
0x93: {  	[sflag:s29] =	ssyncset.done $0x0  }
0x94: {  	s3 =	simm.s32 $0x400;
	s10 =	simm.s32 $0x180;
	[sflag:s29] =	ssyncadd.s32 $0xFFFFC000  }
.LBB2_6:
0x95: {  	[tilespmem:s24], [sflag:$0x2] =	stream.indirect.gather [hbm4b:s4+s23], $0x80, s10, s23, $0xb8;
	[tilespmem:$0x1E800] =	vst v63  }
0x96: {  	s10 =	smov.u32 s3  }
0x97: {  	p0 =	sne.s32 s3, $0x4800;
	s3 =	sadd.s32 $0x400, s3;
	_ =	swait.ge [sflag:s25], $0x4000  }
0x98: {  	s10 =	sshra.s32 s10, $0x2;
	[sflag:s25] =	ssyncset.done $0x0  }
0x99: {  	s11 =	sadd.s32 $0x1400, s10;
	[sflag:s25] =	ssyncadd.s32 $0xFFFFC000  }
0x9a: {  	[spmem:s1] =	stream.indirect.scatter.add.f32 [tilespmem:s20], [sflag:$0x3], $0x80, s11, s23, $0xb8;
	[tilespmem:$0x1E800] =	vst v63  }
0x9b: {  	_ =	swait.ge [sflag:s26], $0x4000  }
0x9c: {  	[sflag:s26] =	ssyncset.done $0x0  }
0x9d: {  	s11 =	sadd.s32 $0x1480, s10;
	[sflag:s26] =	ssyncadd.s32 $0xFFFFC000  }
0x9e: {  	[spmem:s1] =	stream.indirect.scatter.add.f32 [tilespmem:s24], [sflag:$0x4], $0x80, s11, s23, $0xb8;
	[tilespmem:$0x1E800] =	vst v63  }
0x9f: {  	_ =	swait.ge [sflag:s28], $0x4000  }
0xa0: {  	[sflag:s28] =	ssyncset.done $0x0  }
.Ltmp2:
0xa1: {  	s11 =	sadd.s32 $0x100, s10;
	[sflag:s28] =	ssyncadd.s32 $0xFFFFC000;
	(pc) =	sbr.rel @p0 .LBB2_6-.Ltmp2, $4  }
0xa2: {  	[tilespmem:s20], [sflag:$0x1] =	stream.indirect.gather [hbm4b:s4+s23], $0x80, s11, s23, $0xb8;
	[tilespmem:$0x1E800] =	vst v63  }
0xa3: {  	_ =	swait.ge [sflag:s29], $0x4000  }
0xa4: {  	[sflag:s29] =	ssyncset.done $0x0  }
0xa5: {  	s10 =	sadd.s32 $0x180, s10;
	[sflag:s29] =	ssyncadd.s32 $0xFFFFC000  }
0xa6: {  	[tilespmem:s24], [sflag:$0x2] =	stream.indirect.gather [hbm4b:s4+s23], $0x80, s10, s23, $0xb8;
	[tilespmem:$0x1E800] =	vst v63  }
0xa7: {  	_ =	swait.ge [sflag:s25], $0x4000  }
0xa8: {  	[sflag:s25] =	ssyncset.done $0x0  }
0xa9: {  	[sflag:s25] =	ssyncadd.s32 $0xFFFFC000  }
0xaa: {  	[spmem:s1] =	stream.indirect.scatter.add.f32 [tilespmem:s20], [sflag:$0x3], $0x80, s30, s23, $0xb8;
	[tilespmem:$0x1E800] =	vst v63  }
0xab: {  	_ =	swait.ge [sflag:s26], $0x4000  }
0xac: {  	[sflag:s26] =	ssyncset.done $0x0  }
0xad: {  	[sflag:s26] =	ssyncadd.s32 $0xFFFFC000  }
0xae: {  	[spmem:s1] =	stream.indirect.scatter.add.f32 [tilespmem:s24], [sflag:$0x4], $0x80, s31, s23, $0xb8;
	[tilespmem:$0x1E800] =	vst v63  }
0xaf: {  	_ =	swait.ge [sflag:s28], $0x4000  }
0xb0: {  	[sflag:s28] =	ssyncset.done $0x0  }
0xb1: {  	[sflag:s28] =	ssyncadd.s32 $0xFFFFC000  }
0xb2: {  	_ =	swait.ge [sflag:s29], $0x4000  }
0xb3: {  	[sflag:s29] =	ssyncset.done $0x0  }
0xb4: {  	[sflag:s29] =	ssyncadd.s32 $0xFFFFC000  }
0xb5: {  	[bflag:$0x0] =	sbarrier.arrive $0xFFFF  }
0xb6: {  	[tilespmem:s20], [sflag:$0x5] =	stream.linear.gather [spmem:s5], $0x4000, $0x38;
	[tilespmem:$0x1E800] =	vst v63  }
0xb7: {  	_ =	swait.ge [sflag:s21], $0x4000  }
0xb8: {  	[sflag:s21] =	ssyncset.done $0x0  }
0xb9: {  	[sflag:s21] =	ssyncadd.s32 $0xFFFFC000  }
0xba: {  	[hbm4b:s14+s2] =	stream.linear.scatter [tilespmem:s20], [sflag:$0x5], $0x4000, $0x38;
	[tilespmem:$0x1E800] =	vst v63  }
0xbb: {  	_ =	swait.ge [sflag:s21], $0x4000  }
0xbc: {  	[sflag:s21] =	ssyncset.done $0x0  }
0xbd: {  	[sflag:s21] =	ssyncadd.s32 $0xFFFFC000  }
0xbe: {  	[tilespmem:s20], [sflag:$0x5] =	stream.linear.gather [spmem:s6], $0x4000, $0x38;
	[tilespmem:$0x1E800] =	vst v63  }
0xbf: {  	_ =	swait.ge [sflag:s21], $0x4000  }
0xc0: {  	[sflag:s21] =	ssyncset.done $0x0  }
0xc1: {  	[sflag:s21] =	ssyncadd.s32 $0xFFFFC000  }
0xc2: {  	[hbm4b:s15+s2] =	stream.linear.scatter [tilespmem:s20], [sflag:$0x5], $0x4000, $0x38;
	[tilespmem:$0x1E800] =	vst v63  }
0xc3: {  	_ =	swait.ge [sflag:s21], $0x4000  }
0xc4: {  	[sflag:s21] =	ssyncset.done $0x0  }
0xc5: {  	[sflag:s21] =	ssyncadd.s32 $0xFFFFC000  }
0xc6: {  	[tilespmem:s20], [sflag:$0x5] =	stream.linear.gather [spmem:s7], $0x4000, $0x38;
	[tilespmem:$0x1E800] =	vst v63  }
0xc7: {  	_ =	swait.ge [sflag:s21], $0x4000  }
0xc8: {  	[sflag:s21] =	ssyncset.done $0x0  }
0xc9: {  	[sflag:s21] =	ssyncadd.s32 $0xFFFFC000  }
0xca: {  	[hbm4b:s16+s2] =	stream.linear.scatter [tilespmem:s20], [sflag:$0x5], $0x4000, $0x38;
	[tilespmem:$0x1E800] =	vst v63  }
0xcb: {  	_ =	swait.ge [sflag:s21], $0x4000  }
0xcc: {  	[sflag:s21] =	ssyncset.done $0x0  }
0xcd: {  	[sflag:s21] =	ssyncadd.s32 $0xFFFFC000  }
0xce: {  	[tilespmem:s20], [sflag:$0x5] =	stream.linear.gather [spmem:s8], $0x4000, $0x38;
	[tilespmem:$0x1E800] =	vst v63  }
0xcf: {  	_ =	swait.ge [sflag:s21], $0x4000  }
0xd0: {  	[sflag:s21] =	ssyncset.done $0x0  }
0xd1: {  	[sflag:s21] =	ssyncadd.s32 $0xFFFFC000  }
0xd2: {  	[hbm4b:s17+s2] =	stream.linear.scatter [tilespmem:s20], [sflag:$0x5], $0x4000, $0x38;
	[tilespmem:$0x1E800] =	vst v63  }
0xd3: {  	_ =	swait.ge [sflag:s21], $0x4000  }
0xd4: {  	[sflag:s21] =	ssyncset.done $0x0  }
0xd5: {  	[sflag:s21] =	ssyncadd.s32 $0xFFFFC000  }
0xd6: {  	[tilespmem:s20], [sflag:$0x5] =	stream.linear.gather [spmem:s9], $0x4000, $0x38;
	[tilespmem:$0x1E800] =	vst v63  }
0xd7: {  	s0 =	sadd.s32 $0x1, s0;
	_ =	swait.ge [sflag:s21], $0x4000  }
0xd8: {  	p0 =	sne.s32 s0, s19;
	[sflag:s21] =	ssyncset.done $0x0  }
.Ltmp3:
0xd9: {  	[sflag:s21] =	ssyncadd.s32 $0xFFFFC000;
	(pc) =	sbr.rel @p0 .LBB2_1-.Ltmp3, $4  }
0xda: {  	[hbm4b:s18+s2] =	stream.linear.scatter [tilespmem:s20], [sflag:$0x5], $0x4000, $0x38;
	[tilespmem:$0x1E800] =	vst v63  }
0xdb: {  	_ =	swait.ge [sflag:s21], $0x4000  }
0xdc: {  	[sflag:s21] =	ssyncset.done $0x0  }
0xdd: {  	[sflag:s21] =	ssyncadd.s32 $0xFFFFC000  }
0xde: {  	_ =	sfence.sel $0x180000  }
0xdf: {  	[bflag:$0x0] =	sbarrier.arrive $0xFFFF  }
0xe0: {  	_ =	strace $0x90000047  }
0xe1: {  	s0 =	stileid.u32;
	[bflag:$0x2] =	sbarrier.arrive $0xFFFF  }
0xe2: {  	p0 =	sne.s32 s0, $0x0;
	s0 =	rddreg [dreg:$0x2]  }
0xe3: {  	s0 =	sadd.s32 @!p0 $0x100000, s0  }
0xe4: {  	[sflag:s0] =	ssyncadd.tile.s32 @!p0 $0x1;
	_ =	shalt  }
.Lfunc_end2:
_tile_overlayer_lowered:
.L_overlay_start_2:
0xe5: {  	(tag) =	ssettag $0x2  }
0xe6: {  	s0 =	rddreg [dreg:$0x0];
	s2 =	stileid.u32  }
0xe7: {  	s1 =	rddreg [dreg:$0x1];
	p0 =	sne.s32 s2, $0x0  }
0xe8: {  	s3 =	rddreg [dreg:$0x2];
	[bflag:$0x3] =	sbarrier.arrive $0xFFFF;
	s2 =	simm.s32 @!p0 $0x1C05  }
0xe9: {  	[timem:s3], [sflag:s2] =	dma.local @!p0 [hbm:s0], s1  }
0xea: {  	s0 =	simm.s32 @!p0 $0x5  }
0xeb: {  	_ =	swait.ge @!p0 [sflag:s0], s1  }
0xec: {  	s1 =	ssub.s32 @!p0 $0x0, s1;
	[sflag:s0] =	ssyncset.done @!p0 $0x0  }
0xed: {  	[sflag:s0] =	ssyncadd.s32 @!p0 s1  }
0xee: {  	[bflag:$0x3] =	sbarrier.arrive $0xFFFF  }
0xef: {  	_ =	shalt  }

// kernel: kernel.16.cloned.1.call-start
scs
__scs_entry_jumppad:
0x0: {  	(pc) =	sbr.rel $0x88, $3  }
0x1: {  	(tag) =	ssettag $0x0;
	lr =	simm.s32 $0x1  }
0x2: {  	[smem:$0x3F73] =	sst lr;
	_ =	strace $0xD0000000  }
0x3: {  	_ = 	snop  }
0x4: {  	_ = 	snop  }
0x5: {  	_ = 	snop  }
0x6: {  	_ = 	snop  }
0x7: {  	_ = 	snop  }
__scs_overlays_trampoline_lowered:
0x8: {  	[smem:$0x3F82] =	sst s0  }
0x9: {  	[smem:$0x3F83] =	sst s1  }
0xa: {  	[smem:$0x3F84] =	sst s2  }
0xb: {  	[smem:$0x3F85] =	sst s3  }
0xc: {  	[smem:$0x3F86] =	sst s4  }
0xd: {  	[smem:$0x3F87] =	sst s5  }
0xe: {  	[smem:$0x3F88] =	sst s6  }
0xf: {  	[smem:$0x3F89] =	sst s7  }
0x10: {  	[smem:$0x3F8A] =	sst s8  }
0x11: {  	[smem:$0x3F8B] =	sst s9;
	s0 =	simm.s32 @!p0 $0x0  }
0x12: {  	s1 =	sld [smem:$0x3F71];
	s0 =	simm.s32 @p0 $0x1  }
0x13: {  	[smem:$0x3F8C] =	sst s0;
	s0 =	simm.s32 @!p1 $0x0  }
0x14: {  	s2 =	sld [smem:$0x3F70];
	s0 =	simm.s32 @p1 $0x1  }
0x15: {  	[smem:$0x3F8D] =	sst s0;
	s0 =	simm.s32 @!p2 $0x0  }
0x16: {  	s3 =	sld [smem:$0x3FDB];
	s0 =	simm.s32 @p2 $0x1  }
0x17: {  	s4 =	simm.s32 $0x1BF5;
	[smem:$0x3F8F] =	sst s0  }
0x18: {  	s0 =	sld [smem:$0x3F72];
	_ =	swait.ge [sflag:s4], $0x0  }
0x19: {  	s7 =	sld [smem:$0x3F73]  }
0x1a: {  	s8 =	sadd.s32 $0xFFFFE003, lr  }
0x1b: {  	s9 =	sadd.s32 $0xFFFFFEF7, lr;
	s5 =	simm.s32 $0xFFFFFFFF;
	p2 =	slt.u32 s8, $0xFFFFF086  }
0x1c: {  	p1 =	slt.u32 s9, $0xF7A;
	s5 =	simm.s32 @!p2 $0x0  }
0x1d: {  	s5 =	simm.s32 @p1 $0x1;
	p0 =	seq.s32 s7, s2  }
0x1e: {  	s7 =	smul.u32 @!p0 $0xF7A, s2;
	p2 =	seq.s32 @!p0 s5, $0x0  }
0x1f: {  	s9 =	smul.u32 $0xF7A, s1;
	s8 =	simm.s32 @!p0 $0x1BF5;
	p2 =	por !p2, p0  }
0x20: {  	[sflag:s8] =	ssyncset.s32 @!p0 $0xFFFFF086;
	s6 =	sadd.s32 @!p0 s3, s7;
	s7 =	simm.s32 @!p0 $0x108  }
0x21: {  	s3 =	sadd.s32 s3, s9;
	s6 =	sadd.s32 @!p0 $0x88, s6;
	s7 =	simm.s32 @p2 $0x1082  }
0x22: {  	[simem:s7], [sflag:s8] =	dma.local @!p0 [hbm:s6], $0xF7A  }
0x23: {  	s9 =	sor.u32 $0xD0000000, s2;
	s6 =	simm.s32 $0x108;
	_ =	swait.ge @!p0 [sflag:s8], $0x0  }
0x24: {  	s3 =	sadd.s32 $0x88, s3;
	s6 =	simm.s32 @!p1 $0x1082;
	[sflag:s4] =	ssyncset.s32 $0xFFFFF086  }
0x25: {  	[simem:s6], [sflag:s4] =	dma.local [hbm:s3], $0xF7A  }
0x26: {  	[smem:$0x3F73] =	sst s1;
	(tag) =	ssettag s2;
	_ =	strace s9  }
0x27: {  	s1 =	sld [smem:$0x3F83]  }
0x28: {  	s2 =	sld [smem:$0x3F84]  }
0x29: {  	s4 =	sld [smem:$0x3F86]  }
0x2a: {  	p0 =	seq.s32 s5, $0x0;
	s5 =	sld [smem:$0x3F87]  }
0x2b: {  	s6 =	sld [smem:$0x3F88]  }
0x2c: {  	s7 =	sld [smem:$0x3F89]  }
0x2d: {  	s3 =	simm.s32 $0x108;
	s8 =	sld [smem:$0x3F8A]  }
0x2e: {  	s3 =	simm.s32 @!p0 $0x1082;
	s9 =	sld [smem:$0x3F8B]  }
0x2f: {  	lr =	sadd.s32 s0, s3;
	s0 =	sld [smem:$0x3F82]  }
0x30: {  	s3 =	sld [smem:$0x3F85]  }
0x31: {  	[smem:$0x3F8E] =	sst s10  }
0x32: {  	s10 =	sld [smem:$0x3F8C];
	_ =	sdelay $0x3  }
0x33: {  	p0 =	seq.s32 s10, $0x1;
	s10 =	sld [smem:$0x3F8E];
	_ =	sdelay $0x3  }
0x34: {  	[smem:$0x3F8E] =	sst s10  }
0x35: {  	s10 =	sld [smem:$0x3F8D];
	_ =	sdelay $0x3  }
0x36: {  	p1 =	seq.s32 s10, $0x1;
	s10 =	sld [smem:$0x3F8E];
	_ =	sdelay $0x3  }
0x37: {  	[smem:$0x3F8E] =	sst s10  }
0x38: {  	s10 =	sld [smem:$0x3F8F]  }
0x39: {  	_ = 	snop;
	(pc) =	sbr.ind lr, $3  }
0x3a: {  	_ = 	snop  }
0x3b: {  	_ = 	snop  }
0x3c: {  	p2 =	seq.s32 s10, $0x1;
	s10 =	sld [smem:$0x3F8E]  }
0x3d: {  	_ =	shalt  }
0x3e: {  	_ =	shalt  }
0x3f: {  	_ =	shalt  }
0x40: {  	_ =	shalt  }
0x41: {  	_ =	shalt  }
0x42: {  	_ =	shalt  }
0x43: {  	_ =	shalt  }
0x44: {  	_ =	shalt  }
0x45: {  	_ =	shalt  }
0x46: {  	_ =	shalt  }
0x47: {  	_ =	shalt  }
0x48: {  	_ =	shalt  }
0x49: {  	_ =	shalt  }
0x4a: {  	_ =	shalt  }
0x4b: {  	_ =	shalt  }
0x4c: {  	_ =	shalt  }
0x4d: {  	_ =	shalt  }
0x4e: {  	_ =	shalt  }
0x4f: {  	_ =	shalt  }
0x50: {  	_ =	shalt  }
0x51: {  	_ =	shalt  }
0x52: {  	_ =	shalt  }
0x53: {  	_ =	shalt  }
0x54: {  	_ =	shalt  }
0x55: {  	_ =	shalt  }
0x56: {  	_ =	shalt  }
0x57: {  	_ =	shalt  }
0x58: {  	_ =	shalt  }
0x59: {  	_ =	shalt  }
0x5a: {  	_ =	shalt  }
0x5b: {  	_ =	shalt  }
0x5c: {  	_ =	shalt  }
0x5d: {  	_ =	shalt  }
0x5e: {  	_ =	shalt  }
0x5f: {  	_ =	shalt  }
0x60: {  	_ =	shalt  }
0x61: {  	_ =	shalt  }
0x62: {  	_ =	shalt  }
0x63: {  	_ =	shalt  }
0x64: {  	_ =	shalt  }
0x65: {  	_ =	shalt  }
0x66: {  	_ =	shalt  }
0x67: {  	_ =	shalt  }
0x68: {  	_ =	shalt  }
0x69: {  	_ =	shalt  }
0x6a: {  	_ =	shalt  }
0x6b: {  	_ =	shalt  }
0x6c: {  	_ =	shalt  }
0x6d: {  	_ =	shalt  }
0x6e: {  	_ =	shalt  }
0x6f: {  	_ =	shalt  }
0x70: {  	_ =	shalt  }
0x71: {  	_ =	shalt  }
0x72: {  	_ =	shalt  }
0x73: {  	_ =	shalt  }
0x74: {  	_ =	shalt  }
0x75: {  	_ =	shalt  }
0x76: {  	_ =	shalt  }
0x77: {  	_ =	shalt  }
0x78: {  	_ =	shalt  }
0x79: {  	_ =	shalt  }
0x7a: {  	_ =	shalt  }
0x7b: {  	_ =	shalt  }
0x7c: {  	_ =	shalt  }
0x7d: {  	_ =	shalt  }
0x7e: {  	_ =	shalt  }
0x7f: {  	_ =	shalt  }
0x80: {  	_ =	shalt  }
0x81: {  	_ =	shalt  }
0x82: {  	_ =	shalt  }
0x83: {  	_ =	shalt  }
0x84: {  	_ =	shalt  }
0x85: {  	_ =	shalt  }
0x86: {  	_ =	shalt  }
0x87: {  	_ =	shalt  }
.Lfunc_end0:
.L_simem_size_0:
called_computation.2_lowered:
.L_overlay_start_0:
0x88: {  	s2 =	sld [smem:$0x3FD9]  }
0x89: {  	s3 =	sld [smem:$0x3FFE];
	_ =	sdelay $0x1  }
0x8a: {  	s1 =	srdreg.scid  }
0x8b: {  	s0 =	sand.u32 $0x1, s1  }
0x8c: {  	s16 =	sshll.u32 s0, $0xA;
	s2 =	sadd.s32 s3, s2  }
0x8d: {  	s2 =	sadd.s32 s2, s16  }
0x8e: {  	[smem:$0x3F9A] =	sst s2  }
0x8f: {  	_ = 	snop  }
0x90: {  	(tm) =	ssettm $0x1  }
0x91: {  	s17 =	sld [smem:$0x3FFB];
	_ =	sdelay $0x3  }
0x92: {  	_ =	strace s17  }
0x93: {  	s2 =	sld [smem:$0x3FFC];
	_ =	sdelay $0x3  }
0x94: {  	_ =	strace s2  }
0x95: {  	s2 =	sld [smem:$0x3FFD];
	_ =	sdelay $0x3  }
0x96: {  	_ =	strace s2  }
0x97: {  	_ =	strace $0x8FFFFFFF  }
0x98: {  	s18 =	sld [smem:$0x3FDB];
	_ =	sdelay $0x1  }
0x99: {  	s19 =	simm.s32 $_scs_section_size  }
0x9a: {  	s4 =	simm.s32 $_size__tile_overlayer_lowered;
	s5 =	simm.s32 $_tile_overlayer_lowered  }
0x9b: {  	s22 =	simm.s32 $0x1BFF;
	s21 =	sshll.u32 s5, $0x1;
	s2 =	sadd.s32 s19, s18  }
0x9c: {  	s6 =	simm.s32 $0x0;
	s20 =	sshll.u32 s4, $0x1;
	s4 =	sadd.s32 s21, s2  }
0x9d: {  	[timem:s6], [sflag:s22] =	dma.local [hbm:s4], s20  }
0x9e: {  	_ =	swait.ge [sflag:s22], s20  }
0x9f: {  	s3 =	ssub.s32 $0x0, s20;
	[sflag:s22] =	ssyncset.done $0x0  }
0xa0: {  	[sflag:s22] =	ssyncadd.s32 s3;
	_ =	sdelay $0x1  }
0xa1: {  	s23 =	simm.s32 $0x1B8B  }
0xa2: {  	_ =	swait.ge [sflag:s23], $0x1  }
0xa3: {  	[sflag:s23] =	ssyncset.done $0x0  }
0xa4: {  	s25 =	simm.s32 $0x1B8E;
	s24 =	sld [smem:$0x3FFE];
	[sflag:s23] =	ssyncadd.s32 $0xFFFFFFFF  }
0xa5: {  	s26 =	simm.s32 $execute0_lowered;
	[smem:$0x3FD2] =	sst s25  }
0xa6: {  	s4 =	sshll.u32 s26, $0x1;
	_ =	strace $0x8000004C;
	[dreg:$0x1] =	wrdreg $0xFFFFFFFF  }
0xa7: {  	s28 =	simm.s32 $_size_execute0_lowered;
	s2 =	sadd.s32 s2, s4;
	[dreg:$0x0] =	wrdreg $0x0  }
0xa8: {  	s4 =	sshll.u32 s28, $0x1;
	[dreg:$0x2] =	wrdreg s2  }
0xa9: {  	[dreg:$0x3] =	wrdreg s4  }
0xaa: {  	[dreg:$0x4] =	wrdreg $0xC0  }
0xab: {  	_ =	task [dreg:s6], $0x5FFFF  }
0xac: {  	[dreg:$0x1] =	wrdreg $0xFFFFFFFF  }
0xad: {  	[dreg:$0x0] =	wrdreg $0x60  }
0xae: {  	[dreg:$0x2] =	wrdreg s24  }
0xaf: {  	[dreg:$0x3] =	wrdreg $0xA8000  }
0xb0: {  	[dreg:$0x4] =	wrdreg $0x9  }
0xb1: {  	_ =	task.clear_ibuf [dreg:s6], $0x5FFFF;
	_ =	strace $0x9000004C  }
0xb2: {  	s29 =	simm.s32 $0x9;
	_ =	strace $0x8000004E  }
0xb3: {  	_ =	swait.ge [sflag:s29], $0x1  }
0xb4: {  	[sflag:s29] =	ssyncadd.s32 $0xFFFFFFFF  }
0xb5: {  	_ =	strace $0x9000004E  }
0xb6: {  	_ =	sfence  }
0xb7: {  	s30 =	sld [smem:$0x0];
	_ =	sdelay $0x2  }
0xb8: {  	s31 =	sshll.u32 s1, $0xD;
	s1 =	sshrl.u32 s1, $0x2  }
0xb9: {  	s3 =	sand.u32 $0x4000, s31;
	s1 =	sadd.s32 s1, s30  }
0xba: {  	s0 =	sor.u32 s3, s0;
	s1 =	sshll.u32 s1, $0x11  }
0xbb: {  	s0 =	sor.u32 s1, s0  }
0xbc: {  	s0 =	sadd.s32 $0x8F2B, s0  }
0xbd: {  	[sflag:s0] =	ssyncadd.remote.s32 $0x1  }
0xbe: {  	_ =	sfence.sel $0xFFFF  }
0xbf: {  	[dreg:$0x0] =	wrdreg $0xFFFFFFFF;
	(pc) =	sbr.abs _section_cstart, $3  }
0xc0: {  	[dreg:$0x1] =	wrdreg $0xFFFFFFFF  }
0xc1: {  	_ =	task.clear_ibuf [dreg:s6], $0x2FFFF;
	_ =	strace $0x9FFFFFFF  }
0xc2: {  	(tm) =	ssettm $0x7FFFFFFF  }
0xc3: {  	_ =	shalt  }
tec
execute0_lowered:
.L_overlay_start_1:
0x0: {  	(tag) =	ssettag $0x1  }
0x1: {  	s0 =	rddreg [dreg:$0x0]  }
0x2: {  	s1 =	rddreg [dreg:$0x1];
	s2 =	simm.s32 $0x0  }
0x3: {  	s3 =	srdreg.scid;
	s9 =	stileid.u32;
	s28 =	simm.s32 $0x3  }
0x4: {  	s29 =	simm.s32 $0x4;
	s30 =	simm.s32 $0x2700;
	s31 =	simm.s32 $0x2780  }
0x5: {  	[smem:$0x7FF] =	sst s2;
	s4 =	sadd.s32 $0x44600, s0;
	s10 =	sadd.s32 $0x12600, s0  }
0x6: {  	s3 =	sand.u32 $0x1, s3;
	s13 =	sadd.s32 $0x8600, s0;
	s14 =	smul.u32 $0x280, s9  }
0x7: {  	s8 =	smul.u32 $0x50000, s9;
	s0 =	sadd.s32 $0x6C600, s0;
	_ =	strace $0x8000004D  }
0x8: {  	s5 =	ssub.s32 $0x2, s3;
	s7 =	sshll.u32 s3, $0x4;
	s3 =	smul.u32 $0x2800, s3  }
0x9: {  	s6 =	sshrl.u32 s5, $0x1;
	s9 =	sor.u32 s9, s7;
	s21 =	sshrl.u32 s8, $0x2  }
0xa: {  	s15 =	sadd.s32 $0x80, s14;
	s16 =	sadd.s32 $0x100, s14;
	s17 =	sadd.s32 $0x180, s14  }
0xb: {  	s18 =	sadd.s32 $0x200, s14;
	s19 =	ssub.s32 s5, s6;
	s5 =	sadd.s32 s21, s1  }
0xc: {  	s22 =	sshll.u32 s15, $0x7;
	s23 =	sshll.u32 s16, $0x7;
	s11 =	smul.u32 $0x2800, s9  }
0xd: {  	s24 =	sshll.u32 s17, $0x7;
	s12 =	sshll.u32 s18, $0x7;
	s20 =	smul.u32 $0x500, s9  }
0xe: {  	s17 =	sadd.s32 s3, s17;
	s6 =	sadd.s32 s22, s1;
	s7 =	sadd.s32 s23, s1  }
0xf: {  	s8 =	sadd.s32 s24, s1;
	s9 =	sadd.s32 s12, s1;
	s23 =	sadd.s32 s14, s3  }
0x10: {  	s24 =	sadd.s32 s3, s15;
	s19 =	smax.u32 s19, $0x1;
	s25 =	sshrl.u32 s11, $0x3  }
0x11: {  	s26 =	sadd.s32 s10, s20;
	s21 =	sadd.s32 s13, s20;
	s15 =	sshll.u32 s24, $0x4  }
0x12: {  	s20 =	simm.s32 $0x2800;
	s24 =	simm.s32 $0x6800;
	[dreg:$0x3] =	wrdreg s26  }
0x13: {  	[dreg:$0x4] =	wrdreg s21;
	s22 =	sadd.s32 $0x280, s25;
	s15 =	sadd.s32 s0, s15  }
0x14: {  	s25 =	sadd.s32 s3, s16;
	s3 =	sadd.s32 s3, s18;
	s26 =	sshll.u32 s17, $0x4  }
0x15: {  	s21 =	simm.s32 $0x5;
	s12 =	sadd.s32 s10, s22;
	s13 =	sadd.s32 s13, s22  }
0x16: {  	s10 =	sshll.u32 s23, $0x4;
	s3 =	sshll.u32 s3, $0x4;
	s17 =	sadd.s32 s0, s26  }
0x17: {  	s22 =	simm.s32 $0x1400;
	s23 =	simm.s32 $0x80;
	s26 =	simm.s32 $0x2  }
0x18: {  	s14 =	sadd.s32 s0, s10;
	s10 =	sshll.u32 s25, $0x4;
	s18 =	sadd.s32 s0, s3  }
0x19: {  	v0 =	vimm.f32 $0.0e+00;
	s25 =	simm.s32 $0x1;
	s16 =	sadd.s32 s0, s10;
	s0 =	simm.s32 $0x0  }
.LBB2_1:
0x1a: {  	s3 =	simm.s32 $0x0;
	s10 =	simm.s32 $0x200  }
.LBB2_2:
0x1b: {  	p0 =	sne.s32 s10, $0xFE00;
	[tilespmem:s3+$0x2870] =	vst v0  }
0x1c: {  	[tilespmem:s3+$0x2800] =	vst v0  }
0x1d: {  	[tilespmem:s3+$0x2810] =	vst v0  }
.Ltmp0:
0x1e: {  	[tilespmem:s3+$0x2820] =	vst v0;
	(pc) =	sbr.rel @p0 .LBB2_2-.Ltmp0, $4  }
0x1f: {  	[tilespmem:s3+$0x2830] =	vst v0  }
0x20: {  	[tilespmem:s3+$0x2840] =	vst v0  }
0x21: {  	[tilespmem:s3+$0x2850] =	vst v0  }
0x22: {  	[tilespmem:s3+$0x2860] =	vst v0;
	s3 =	sshra.s32 s10, $0x2;
	s10 =	sadd.s32 $0x200, s10  }
0x23: {  	[tilespmem:s3+$0x2870] =	vst v0  }
0x24: {  	[tilespmem:s3+$0x2800] =	vst v0  }
0x25: {  	[tilespmem:s3+$0x2810] =	vst v0  }
0x26: {  	[tilespmem:s3+$0x2820] =	vst v0  }
0x27: {  	[tilespmem:s3+$0x2830] =	vst v0  }
0x28: {  	[tilespmem:s3+$0x2840] =	vst v0  }
0x29: {  	[tilespmem:s3+$0x2850] =	vst v0  }
0x2a: {  	[tilespmem:s3+$0x2860] =	vst v0  }
0x2b: {  	[spmem:s5] =	stream.linear.scatter [tilespmem:s20], [sflag:$0x5], $0x4000, $0x38;
	[tilespmem:$0x1E800] =	vst v63  }
0x2c: {  	_ =	swait.ge [sflag:s21], $0x4000  }
0x2d: {  	[sflag:s21] =	ssyncset.done $0x0  }
0x2e: {  	[sflag:s21] =	ssyncadd.s32 $0xFFFFC000  }
0x2f: {  	[spmem:s6] =	stream.linear.scatter [tilespmem:s20], [sflag:$0x5], $0x4000, $0x38;
	[tilespmem:$0x1E800] =	vst v63  }
0x30: {  	_ =	swait.ge [sflag:s21], $0x4000  }
0x31: {  	[sflag:s21] =	ssyncset.done $0x0  }
0x32: {  	[sflag:s21] =	ssyncadd.s32 $0xFFFFC000  }
0x33: {  	[spmem:s7] =	stream.linear.scatter [tilespmem:s20], [sflag:$0x5], $0x4000, $0x38;
	[tilespmem:$0x1E800] =	vst v63  }
0x34: {  	_ =	swait.ge [sflag:s21], $0x4000  }
0x35: {  	[sflag:s21] =	ssyncset.done $0x0  }
0x36: {  	[sflag:s21] =	ssyncadd.s32 $0xFFFFC000  }
0x37: {  	[spmem:s8] =	stream.linear.scatter [tilespmem:s20], [sflag:$0x5], $0x4000, $0x38;
	[tilespmem:$0x1E800] =	vst v63  }
0x38: {  	_ =	swait.ge [sflag:s21], $0x4000  }
0x39: {  	[sflag:s21] =	ssyncset.done $0x0  }
0x3a: {  	[sflag:s21] =	ssyncadd.s32 $0xFFFFC000  }
0x3b: {  	[spmem:s9] =	stream.linear.scatter [tilespmem:s20], [sflag:$0x5], $0x4000, $0x38;
	[tilespmem:$0x1E800] =	vst v63  }
0x3c: {  	_ =	swait.ge [sflag:s21], $0x4000  }
0x3d: {  	[sflag:s21] =	ssyncset.done $0x0  }
0x3e: {  	[sflag:s21] =	ssyncadd.s32 $0xFFFFC000  }
0x3f: {  	[bflag:$0x0] =	sbarrier.arrive $0xFFFF  }
0x40: {  	s3 =	simm.s32 $0x0;
	s10 =	rddreg [dreg:$0x3]  }
0x41: {  	[tilespmem:s3], [sflag:$0x5] =	stream.linear.gather [hbm4b:s10+s3], $0x1400, $0x38;
	[tilespmem:$0x1E800] =	vst v63  }
0x42: {  	_ =	swait.ge [sflag:s21], $0x1400  }
0x43: {  	[sflag:s21] =	ssyncset.done $0x0  }
0x44: {  	s11 =	rddreg [dreg:$0x4];
	[sflag:s21] =	ssyncadd.s32 $0xFFFFEC00  }
0x45: {  	[tilespmem:s22], [sflag:$0x5] =	stream.linear.gather [hbm4b:s11+s3], $0x1400, $0x38;
	[tilespmem:$0x1E800] =	vst v63  }
0x46: {  	_ =	swait.ge [sflag:s21], $0x1400  }
0x47: {  	[sflag:s21] =	ssyncset.done $0x0  }
0x48: {  	[sflag:s21] =	ssyncadd.s32 $0xFFFFEC00  }
0x49: {  	[tilespmem:s20], [sflag:$0x1] =	stream.indirect.gather [hbm4b:s4+s23], $0x80, s3, s23, $0xb8;
	[tilespmem:$0x1E800] =	vst v63  }
0x4a: {  	_ = 	snop  }
0x4b: {  	[tilespmem:s24], [sflag:$0x2] =	stream.indirect.gather [hbm4b:s4+s23], $0x80, s23, s23, $0xb8;
	[tilespmem:$0x1E800] =	vst v63  }
0x4c: {  	_ =	swait.ge [sflag:s25], $0x4000  }
0x4d: {  	[sflag:s25] =	ssyncset.done $0x0  }
0x4e: {  	s11 =	simm.s32 $0x1400;
	[sflag:s25] =	ssyncadd.s32 $0xFFFFC000  }
0x4f: {  	[spmem:s1] =	stream.indirect.scatter.add.f32 [tilespmem:s20], [sflag:$0x3], $0x80, s11, s23, $0xb8;
	[tilespmem:$0x1E800] =	vst v63  }
0x50: {  	_ =	swait.ge [sflag:s26], $0x4000  }
0x51: {  	[sflag:s26] =	ssyncset.done $0x0  }
0x52: {  	s10 =	simm.s32 $0x1480;
	[sflag:s26] =	ssyncadd.s32 $0xFFFFC000  }
0x53: {  	[spmem:s1] =	stream.indirect.scatter.add.f32 [tilespmem:s24], [sflag:$0x4], $0x80, s10, s23, $0xb8;
	[tilespmem:$0x1E800] =	vst v63  }
0x54: {  	_ =	swait.ge [sflag:s28], $0x4000  }
0x55: {  	[sflag:s28] =	ssyncset.done $0x0  }
0x56: {  	s11 =	simm.s32 $0x100;
	[sflag:s28] =	ssyncadd.s32 $0xFFFFC000  }
0x57: {  	[tilespmem:s20], [sflag:$0x1] =	stream.indirect.gather [hbm4b:s4+s23], $0x80, s11, s23, $0xb8;
	[tilespmem:$0x1E800] =	vst v63  }
0x58: {  	_ =	swait.ge [sflag:s29], $0x4000  }
0x59: {  	[sflag:s29] =	ssyncset.done $0x0  }
0x5a: {  	s3 =	simm.s32 $0x400;
	s10 =	simm.s32 $0x180;
	[sflag:s29] =	ssyncadd.s32 $0xFFFFC000  }
.LBB2_4:
0x5b: {  	[tilespmem:s24], [sflag:$0x2] =	stream.indirect.gather [hbm4b:s4+s23], $0x80, s10, s23, $0xb8;
	[tilespmem:$0x1E800] =	vst v63  }
0x5c: {  	s10 =	smov.u32 s3  }
0x5d: {  	p0 =	sne.s32 s3, $0x4800;
	s3 =	sadd.s32 $0x400, s3;
	_ =	swait.ge [sflag:s25], $0x4000  }
0x5e: {  	s10 =	sshra.s32 s10, $0x2;
	[sflag:s25] =	ssyncset.done $0x0  }
0x5f: {  	s11 =	sadd.s32 $0x1400, s10;
	[sflag:s25] =	ssyncadd.s32 $0xFFFFC000  }
0x60: {  	[spmem:s1] =	stream.indirect.scatter.add.f32 [tilespmem:s20], [sflag:$0x3], $0x80, s11, s23, $0xb8;
	[tilespmem:$0x1E800] =	vst v63  }
0x61: {  	_ =	swait.ge [sflag:s26], $0x4000  }
0x62: {  	[sflag:s26] =	ssyncset.done $0x0  }
0x63: {  	s11 =	sadd.s32 $0x1480, s10;
	[sflag:s26] =	ssyncadd.s32 $0xFFFFC000  }
0x64: {  	[spmem:s1] =	stream.indirect.scatter.add.f32 [tilespmem:s24], [sflag:$0x4], $0x80, s11, s23, $0xb8;
	[tilespmem:$0x1E800] =	vst v63  }
0x65: {  	_ =	swait.ge [sflag:s28], $0x4000  }
0x66: {  	[sflag:s28] =	ssyncset.done $0x0  }
.Ltmp1:
0x67: {  	s11 =	sadd.s32 $0x100, s10;
	[sflag:s28] =	ssyncadd.s32 $0xFFFFC000;
	(pc) =	sbr.rel @p0 .LBB2_4-.Ltmp1, $4  }
0x68: {  	[tilespmem:s20], [sflag:$0x1] =	stream.indirect.gather [hbm4b:s4+s23], $0x80, s11, s23, $0xb8;
	[tilespmem:$0x1E800] =	vst v63  }
0x69: {  	_ =	swait.ge [sflag:s29], $0x4000  }
0x6a: {  	[sflag:s29] =	ssyncset.done $0x0  }
0x6b: {  	s10 =	sadd.s32 $0x180, s10;
	[sflag:s29] =	ssyncadd.s32 $0xFFFFC000  }
0x6c: {  	[tilespmem:s24], [sflag:$0x2] =	stream.indirect.gather [hbm4b:s4+s23], $0x80, s10, s23, $0xb8;
	[tilespmem:$0x1E800] =	vst v63  }
0x6d: {  	_ =	swait.ge [sflag:s25], $0x4000  }
0x6e: {  	[sflag:s25] =	ssyncset.done $0x0  }
0x6f: {  	[sflag:s25] =	ssyncadd.s32 $0xFFFFC000  }
0x70: {  	[spmem:s1] =	stream.indirect.scatter.add.f32 [tilespmem:s20], [sflag:$0x3], $0x80, s30, s23, $0xb8;
	[tilespmem:$0x1E800] =	vst v63  }
0x71: {  	_ =	swait.ge [sflag:s26], $0x4000  }
0x72: {  	[sflag:s26] =	ssyncset.done $0x0  }
0x73: {  	[sflag:s26] =	ssyncadd.s32 $0xFFFFC000  }
0x74: {  	[spmem:s1] =	stream.indirect.scatter.add.f32 [tilespmem:s24], [sflag:$0x4], $0x80, s31, s23, $0xb8;
	[tilespmem:$0x1E800] =	vst v63  }
0x75: {  	_ =	swait.ge [sflag:s28], $0x4000  }
0x76: {  	[sflag:s28] =	ssyncset.done $0x0  }
0x77: {  	[sflag:s28] =	ssyncadd.s32 $0xFFFFC000  }
0x78: {  	_ =	swait.ge [sflag:s29], $0x4000  }
0x79: {  	[sflag:s29] =	ssyncset.done $0x0  }
0x7a: {  	s3 =	simm.s32 $0x0;
	[sflag:s29] =	ssyncadd.s32 $0xFFFFC000  }
0x7b: {  	[tilespmem:s3], [sflag:$0x5] =	stream.linear.gather [hbm4b:s12+s3], $0x1400, $0x38;
	[tilespmem:$0x1E800] =	vst v63  }
0x7c: {  	_ =	swait.ge [sflag:s21], $0x1400  }
0x7d: {  	[sflag:s21] =	ssyncset.done $0x0  }
0x7e: {  	[sflag:s21] =	ssyncadd.s32 $0xFFFFEC00  }
0x7f: {  	[tilespmem:s22], [sflag:$0x5] =	stream.linear.gather [hbm4b:s13+s3], $0x1400, $0x38;
	[tilespmem:$0x1E800] =	vst v63  }
0x80: {  	_ =	swait.ge [sflag:s21], $0x1400  }
0x81: {  	[sflag:s21] =	ssyncset.done $0x0  }
0x82: {  	[sflag:s21] =	ssyncadd.s32 $0xFFFFEC00  }
0x83: {  	[tilespmem:s20], [sflag:$0x1] =	stream.indirect.gather [hbm4b:s4+s23], $0x80, s3, s23, $0xb8;
	[tilespmem:$0x1E800] =	vst v63  }
0x84: {  	_ = 	snop  }
0x85: {  	[tilespmem:s24], [sflag:$0x2] =	stream.indirect.gather [hbm4b:s4+s23], $0x80, s23, s23, $0xb8;
	[tilespmem:$0x1E800] =	vst v63  }
0x86: {  	_ =	swait.ge [sflag:s25], $0x4000  }
0x87: {  	[sflag:s25] =	ssyncset.done $0x0  }
0x88: {  	s11 =	simm.s32 $0x1400;
	[sflag:s25] =	ssyncadd.s32 $0xFFFFC000  }
0x89: {  	[spmem:s1] =	stream.indirect.scatter.add.f32 [tilespmem:s20], [sflag:$0x3], $0x80, s11, s23, $0xb8;
	[tilespmem:$0x1E800] =	vst v63  }
0x8a: {  	_ =	swait.ge [sflag:s26], $0x4000  }
0x8b: {  	[sflag:s26] =	ssyncset.done $0x0  }
0x8c: {  	s10 =	simm.s32 $0x1480;
	[sflag:s26] =	ssyncadd.s32 $0xFFFFC000  }
0x8d: {  	[spmem:s1] =	stream.indirect.scatter.add.f32 [tilespmem:s24], [sflag:$0x4], $0x80, s10, s23, $0xb8;
	[tilespmem:$0x1E800] =	vst v63  }
0x8e: {  	_ =	swait.ge [sflag:s28], $0x4000  }
0x8f: {  	[sflag:s28] =	ssyncset.done $0x0  }
0x90: {  	s11 =	simm.s32 $0x100;
	[sflag:s28] =	ssyncadd.s32 $0xFFFFC000  }
0x91: {  	[tilespmem:s20], [sflag:$0x1] =	stream.indirect.gather [hbm4b:s4+s23], $0x80, s11, s23, $0xb8;
	[tilespmem:$0x1E800] =	vst v63  }
0x92: {  	_ =	swait.ge [sflag:s29], $0x4000  }
0x93: {  	[sflag:s29] =	ssyncset.done $0x0  }
0x94: {  	s3 =	simm.s32 $0x400;
	s10 =	simm.s32 $0x180;
	[sflag:s29] =	ssyncadd.s32 $0xFFFFC000  }
.LBB2_6:
0x95: {  	[tilespmem:s24], [sflag:$0x2] =	stream.indirect.gather [hbm4b:s4+s23], $0x80, s10, s23, $0xb8;
	[tilespmem:$0x1E800] =	vst v63  }
0x96: {  	s10 =	smov.u32 s3  }
0x97: {  	p0 =	sne.s32 s3, $0x4800;
	s3 =	sadd.s32 $0x400, s3;
	_ =	swait.ge [sflag:s25], $0x4000  }
0x98: {  	s10 =	sshra.s32 s10, $0x2;
	[sflag:s25] =	ssyncset.done $0x0  }
0x99: {  	s11 =	sadd.s32 $0x1400, s10;
	[sflag:s25] =	ssyncadd.s32 $0xFFFFC000  }
0x9a: {  	[spmem:s1] =	stream.indirect.scatter.add.f32 [tilespmem:s20], [sflag:$0x3], $0x80, s11, s23, $0xb8;
	[tilespmem:$0x1E800] =	vst v63  }
0x9b: {  	_ =	swait.ge [sflag:s26], $0x4000  }
0x9c: {  	[sflag:s26] =	ssyncset.done $0x0  }
0x9d: {  	s11 =	sadd.s32 $0x1480, s10;
	[sflag:s26] =	ssyncadd.s32 $0xFFFFC000  }
0x9e: {  	[spmem:s1] =	stream.indirect.scatter.add.f32 [tilespmem:s24], [sflag:$0x4], $0x80, s11, s23, $0xb8;
	[tilespmem:$0x1E800] =	vst v63  }
0x9f: {  	_ =	swait.ge [sflag:s28], $0x4000  }
0xa0: {  	[sflag:s28] =	ssyncset.done $0x0  }
.Ltmp2:
0xa1: {  	s11 =	sadd.s32 $0x100, s10;
	[sflag:s28] =	ssyncadd.s32 $0xFFFFC000;
	(pc) =	sbr.rel @p0 .LBB2_6-.Ltmp2, $4  }
0xa2: {  	[tilespmem:s20], [sflag:$0x1] =	stream.indirect.gather [hbm4b:s4+s23], $0x80, s11, s23, $0xb8;
	[tilespmem:$0x1E800] =	vst v63  }
0xa3: {  	_ =	swait.ge [sflag:s29], $0x4000  }
0xa4: {  	[sflag:s29] =	ssyncset.done $0x0  }
0xa5: {  	s10 =	sadd.s32 $0x180, s10;
	[sflag:s29] =	ssyncadd.s32 $0xFFFFC000  }
0xa6: {  	[tilespmem:s24], [sflag:$0x2] =	stream.indirect.gather [hbm4b:s4+s23], $0x80, s10, s23, $0xb8;
	[tilespmem:$0x1E800] =	vst v63  }
0xa7: {  	_ =	swait.ge [sflag:s25], $0x4000  }
0xa8: {  	[sflag:s25] =	ssyncset.done $0x0  }
0xa9: {  	[sflag:s25] =	ssyncadd.s32 $0xFFFFC000  }
0xaa: {  	[spmem:s1] =	stream.indirect.scatter.add.f32 [tilespmem:s20], [sflag:$0x3], $0x80, s30, s23, $0xb8;
	[tilespmem:$0x1E800] =	vst v63  }
0xab: {  	_ =	swait.ge [sflag:s26], $0x4000  }
0xac: {  	[sflag:s26] =	ssyncset.done $0x0  }
0xad: {  	[sflag:s26] =	ssyncadd.s32 $0xFFFFC000  }
0xae: {  	[spmem:s1] =	stream.indirect.scatter.add.f32 [tilespmem:s24], [sflag:$0x4], $0x80, s31, s23, $0xb8;
	[tilespmem:$0x1E800] =	vst v63  }
0xaf: {  	_ =	swait.ge [sflag:s28], $0x4000  }
0xb0: {  	[sflag:s28] =	ssyncset.done $0x0  }
0xb1: {  	[sflag:s28] =	ssyncadd.s32 $0xFFFFC000  }
0xb2: {  	_ =	swait.ge [sflag:s29], $0x4000  }
0xb3: {  	[sflag:s29] =	ssyncset.done $0x0  }
0xb4: {  	[sflag:s29] =	ssyncadd.s32 $0xFFFFC000  }
0xb5: {  	[bflag:$0x0] =	sbarrier.arrive $0xFFFF  }
0xb6: {  	[tilespmem:s20], [sflag:$0x5] =	stream.linear.gather [spmem:s5], $0x4000, $0x38;
	[tilespmem:$0x1E800] =	vst v63  }
0xb7: {  	_ =	swait.ge [sflag:s21], $0x4000  }
0xb8: {  	[sflag:s21] =	ssyncset.done $0x0  }
0xb9: {  	[sflag:s21] =	ssyncadd.s32 $0xFFFFC000  }
0xba: {  	[hbm4b:s14+s2] =	stream.linear.scatter [tilespmem:s20], [sflag:$0x5], $0x4000, $0x38;
	[tilespmem:$0x1E800] =	vst v63  }
0xbb: {  	_ =	swait.ge [sflag:s21], $0x4000  }
0xbc: {  	[sflag:s21] =	ssyncset.done $0x0  }
0xbd: {  	[sflag:s21] =	ssyncadd.s32 $0xFFFFC000  }
0xbe: {  	[tilespmem:s20], [sflag:$0x5] =	stream.linear.gather [spmem:s6], $0x4000, $0x38;
	[tilespmem:$0x1E800] =	vst v63  }
0xbf: {  	_ =	swait.ge [sflag:s21], $0x4000  }
0xc0: {  	[sflag:s21] =	ssyncset.done $0x0  }
0xc1: {  	[sflag:s21] =	ssyncadd.s32 $0xFFFFC000  }
0xc2: {  	[hbm4b:s15+s2] =	stream.linear.scatter [tilespmem:s20], [sflag:$0x5], $0x4000, $0x38;
	[tilespmem:$0x1E800] =	vst v63  }
0xc3: {  	_ =	swait.ge [sflag:s21], $0x4000  }
0xc4: {  	[sflag:s21] =	ssyncset.done $0x0  }
0xc5: {  	[sflag:s21] =	ssyncadd.s32 $0xFFFFC000  }
0xc6: {  	[tilespmem:s20], [sflag:$0x5] =	stream.linear.gather [spmem:s7], $0x4000, $0x38;
	[tilespmem:$0x1E800] =	vst v63  }
0xc7: {  	_ =	swait.ge [sflag:s21], $0x4000  }
0xc8: {  	[sflag:s21] =	ssyncset.done $0x0  }
0xc9: {  	[sflag:s21] =	ssyncadd.s32 $0xFFFFC000  }
0xca: {  	[hbm4b:s16+s2] =	stream.linear.scatter [tilespmem:s20], [sflag:$0x5], $0x4000, $0x38;
	[tilespmem:$0x1E800] =	vst v63  }
0xcb: {  	_ =	swait.ge [sflag:s21], $0x4000  }
0xcc: {  	[sflag:s21] =	ssyncset.done $0x0  }
0xcd: {  	[sflag:s21] =	ssyncadd.s32 $0xFFFFC000  }
0xce: {  	[tilespmem:s20], [sflag:$0x5] =	stream.linear.gather [spmem:s8], $0x4000, $0x38;
	[tilespmem:$0x1E800] =	vst v63  }
0xcf: {  	_ =	swait.ge [sflag:s21], $0x4000  }
0xd0: {  	[sflag:s21] =	ssyncset.done $0x0  }
0xd1: {  	[sflag:s21] =	ssyncadd.s32 $0xFFFFC000  }
0xd2: {  	[hbm4b:s17+s2] =	stream.linear.scatter [tilespmem:s20], [sflag:$0x5], $0x4000, $0x38;
	[tilespmem:$0x1E800] =	vst v63  }
0xd3: {  	_ =	swait.ge [sflag:s21], $0x4000  }
0xd4: {  	[sflag:s21] =	ssyncset.done $0x0  }
0xd5: {  	[sflag:s21] =	ssyncadd.s32 $0xFFFFC000  }
0xd6: {  	[tilespmem:s20], [sflag:$0x5] =	stream.linear.gather [spmem:s9], $0x4000, $0x38;
	[tilespmem:$0x1E800] =	vst v63  }
0xd7: {  	s0 =	sadd.s32 $0x1, s0;
	_ =	swait.ge [sflag:s21], $0x4000  }
0xd8: {  	p0 =	sne.s32 s0, s19;
	[sflag:s21] =	ssyncset.done $0x0  }
.Ltmp3:
0xd9: {  	[sflag:s21] =	ssyncadd.s32 $0xFFFFC000;
	(pc) =	sbr.rel @p0 .LBB2_1-.Ltmp3, $4  }
0xda: {  	[hbm4b:s18+s2] =	stream.linear.scatter [tilespmem:s20], [sflag:$0x5], $0x4000, $0x38;
	[tilespmem:$0x1E800] =	vst v63  }
0xdb: {  	_ =	swait.ge [sflag:s21], $0x4000  }
0xdc: {  	[sflag:s21] =	ssyncset.done $0x0  }
0xdd: {  	[sflag:s21] =	ssyncadd.s32 $0xFFFFC000  }
0xde: {  	_ =	sfence.sel $0x180000  }
0xdf: {  	[bflag:$0x0] =	sbarrier.arrive $0xFFFF  }
0xe0: {  	_ =	strace $0x9000004D  }
0xe1: {  	s0 =	stileid.u32;
	[bflag:$0x2] =	sbarrier.arrive $0xFFFF  }
0xe2: {  	p0 =	sne.s32 s0, $0x0;
	s0 =	rddreg [dreg:$0x2]  }
0xe3: {  	s0 =	sadd.s32 @!p0 $0x100000, s0  }
0xe4: {  	[sflag:s0] =	ssyncadd.tile.s32 @!p0 $0x1;
	_ =	shalt  }
.Lfunc_end2:
_tile_overlayer_lowered:
.L_overlay_start_2:
0xe5: {  	(tag) =	ssettag $0x2  }
0xe6: {  	s0 =	rddreg [dreg:$0x0];
	s2 =	stileid.u32  }
0xe7: {  	s1 =	rddreg [dreg:$0x1];
	p0 =	sne.s32 s2, $0x0  }
0xe8: {  	s3 =	rddreg [dreg:$0x2];
	[bflag:$0x3] =	sbarrier.arrive $0xFFFF;
	s2 =	simm.s32 @!p0 $0x1C05  }
0xe9: {  	[timem:s3], [sflag:s2] =	dma.local @!p0 [hbm:s0], s1  }
0xea: {  	s0 =	simm.s32 @!p0 $0x5  }
0xeb: {  	_ =	swait.ge @!p0 [sflag:s0], s1  }
0xec: {  	s1 =	ssub.s32 @!p0 $0x0, s1;
	[sflag:s0] =	ssyncset.done @!p0 $0x0  }
0xed: {  	[sflag:s0] =	ssyncadd.s32 @!p0 s1  }
0xee: {  	[bflag:$0x3] =	sbarrier.arrive $0xFFFF  }
0xef: {  	_ =	shalt  }

// kernel: kernel.19.cloned.1.call-start
scs
__scs_entry_jumppad:
0x0: {  	(pc) =	sbr.rel $0x88, $3  }
0x1: {  	(tag) =	ssettag $0x0;
	lr =	simm.s32 $0x1  }
0x2: {  	[smem:$0x3F73] =	sst lr;
	_ =	strace $0xD0000000  }
0x3: {  	_ = 	snop  }
0x4: {  	_ = 	snop  }
0x5: {  	_ = 	snop  }
0x6: {  	_ = 	snop  }
0x7: {  	_ = 	snop  }
__scs_overlays_trampoline_lowered:
0x8: {  	[smem:$0x3F82] =	sst s0  }
0x9: {  	[smem:$0x3F83] =	sst s1  }
0xa: {  	[smem:$0x3F84] =	sst s2  }
0xb: {  	[smem:$0x3F85] =	sst s3  }
0xc: {  	[smem:$0x3F86] =	sst s4  }
0xd: {  	[smem:$0x3F87] =	sst s5  }
0xe: {  	[smem:$0x3F88] =	sst s6  }
0xf: {  	[smem:$0x3F89] =	sst s7  }
0x10: {  	[smem:$0x3F8A] =	sst s8  }
0x11: {  	[smem:$0x3F8B] =	sst s9;
	s0 =	simm.s32 @!p0 $0x0  }
0x12: {  	s1 =	sld [smem:$0x3F71];
	s0 =	simm.s32 @p0 $0x1  }
0x13: {  	[smem:$0x3F8C] =	sst s0;
	s0 =	simm.s32 @!p1 $0x0  }
0x14: {  	s2 =	sld [smem:$0x3F70];
	s0 =	simm.s32 @p1 $0x1  }
0x15: {  	[smem:$0x3F8D] =	sst s0;
	s0 =	simm.s32 @!p2 $0x0  }
0x16: {  	s3 =	sld [smem:$0x3FDB];
	s0 =	simm.s32 @p2 $0x1  }
0x17: {  	s4 =	simm.s32 $0x1BF5;
	[smem:$0x3F8F] =	sst s0  }
0x18: {  	s0 =	sld [smem:$0x3F72];
	_ =	swait.ge [sflag:s4], $0x0  }
0x19: {  	s7 =	sld [smem:$0x3F73]  }
0x1a: {  	s8 =	sadd.s32 $0xFFFFE003, lr  }
0x1b: {  	s9 =	sadd.s32 $0xFFFFFEF7, lr;
	s5 =	simm.s32 $0xFFFFFFFF;
	p2 =	slt.u32 s8, $0xFFFFF086  }
0x1c: {  	p1 =	slt.u32 s9, $0xF7A;
	s5 =	simm.s32 @!p2 $0x0  }
0x1d: {  	s5 =	simm.s32 @p1 $0x1;
	p0 =	seq.s32 s7, s2  }
0x1e: {  	s7 =	smul.u32 @!p0 $0xF7A, s2;
	p2 =	seq.s32 @!p0 s5, $0x0  }
0x1f: {  	s9 =	smul.u32 $0xF7A, s1;
	s8 =	simm.s32 @!p0 $0x1BF5;
	p2 =	por !p2, p0  }
0x20: {  	[sflag:s8] =	ssyncset.s32 @!p0 $0xFFFFF086;
	s6 =	sadd.s32 @!p0 s3, s7;
	s7 =	simm.s32 @!p0 $0x108  }
0x21: {  	s3 =	sadd.s32 s3, s9;
	s6 =	sadd.s32 @!p0 $0x88, s6;
	s7 =	simm.s32 @p2 $0x1082  }
0x22: {  	[simem:s7], [sflag:s8] =	dma.local @!p0 [hbm:s6], $0xF7A  }
0x23: {  	s9 =	sor.u32 $0xD0000000, s2;
	s6 =	simm.s32 $0x108;
	_ =	swait.ge @!p0 [sflag:s8], $0x0  }
0x24: {  	s3 =	sadd.s32 $0x88, s3;
	s6 =	simm.s32 @!p1 $0x1082;
	[sflag:s4] =	ssyncset.s32 $0xFFFFF086  }
0x25: {  	[simem:s6], [sflag:s4] =	dma.local [hbm:s3], $0xF7A  }
0x26: {  	[smem:$0x3F73] =	sst s1;
	(tag) =	ssettag s2;
	_ =	strace s9  }
0x27: {  	s1 =	sld [smem:$0x3F83]  }
0x28: {  	s2 =	sld [smem:$0x3F84]  }
0x29: {  	s4 =	sld [smem:$0x3F86]  }
0x2a: {  	p0 =	seq.s32 s5, $0x0;
	s5 =	sld [smem:$0x3F87]  }
0x2b: {  	s6 =	sld [smem:$0x3F88]  }
0x2c: {  	s7 =	sld [smem:$0x3F89]  }
0x2d: {  	s3 =	simm.s32 $0x108;
	s8 =	sld [smem:$0x3F8A]  }
0x2e: {  	s3 =	simm.s32 @!p0 $0x1082;
	s9 =	sld [smem:$0x3F8B]  }
0x2f: {  	lr =	sadd.s32 s0, s3;
	s0 =	sld [smem:$0x3F82]  }
0x30: {  	s3 =	sld [smem:$0x3F85]  }
0x31: {  	[smem:$0x3F8E] =	sst s10  }
0x32: {  	s10 =	sld [smem:$0x3F8C];
	_ =	sdelay $0x3  }
0x33: {  	p0 =	seq.s32 s10, $0x1;
	s10 =	sld [smem:$0x3F8E];
	_ =	sdelay $0x3  }
0x34: {  	[smem:$0x3F8E] =	sst s10  }
0x35: {  	s10 =	sld [smem:$0x3F8D];
	_ =	sdelay $0x3  }
0x36: {  	p1 =	seq.s32 s10, $0x1;
	s10 =	sld [smem:$0x3F8E];
	_ =	sdelay $0x3  }
0x37: {  	[smem:$0x3F8E] =	sst s10  }
0x38: {  	s10 =	sld [smem:$0x3F8F]  }
0x39: {  	_ = 	snop;
	(pc) =	sbr.ind lr, $3  }
0x3a: {  	_ = 	snop  }
0x3b: {  	_ = 	snop  }
0x3c: {  	p2 =	seq.s32 s10, $0x1;
	s10 =	sld [smem:$0x3F8E]  }
0x3d: {  	_ =	shalt  }
0x3e: {  	_ =	shalt  }
0x3f: {  	_ =	shalt  }
0x40: {  	_ =	shalt  }
0x41: {  	_ =	shalt  }
0x42: {  	_ =	shalt  }
0x43: {  	_ =	shalt  }
0x44: {  	_ =	shalt  }
0x45: {  	_ =	shalt  }
0x46: {  	_ =	shalt  }
0x47: {  	_ =	shalt  }
0x48: {  	_ =	shalt  }
0x49: {  	_ =	shalt  }
0x4a: {  	_ =	shalt  }
0x4b: {  	_ =	shalt  }
0x4c: {  	_ =	shalt  }
0x4d: {  	_ =	shalt  }
0x4e: {  	_ =	shalt  }
0x4f: {  	_ =	shalt  }
0x50: {  	_ =	shalt  }
0x51: {  	_ =	shalt  }
0x52: {  	_ =	shalt  }
0x53: {  	_ =	shalt  }
0x54: {  	_ =	shalt  }
0x55: {  	_ =	shalt  }
0x56: {  	_ =	shalt  }
0x57: {  	_ =	shalt  }
0x58: {  	_ =	shalt  }
0x59: {  	_ =	shalt  }
0x5a: {  	_ =	shalt  }
0x5b: {  	_ =	shalt  }
0x5c: {  	_ =	shalt  }
0x5d: {  	_ =	shalt  }
0x5e: {  	_ =	shalt  }
0x5f: {  	_ =	shalt  }
0x60: {  	_ =	shalt  }
0x61: {  	_ =	shalt  }
0x62: {  	_ =	shalt  }
0x63: {  	_ =	shalt  }
0x64: {  	_ =	shalt  }
0x65: {  	_ =	shalt  }
0x66: {  	_ =	shalt  }
0x67: {  	_ =	shalt  }
0x68: {  	_ =	shalt  }
0x69: {  	_ =	shalt  }
0x6a: {  	_ =	shalt  }
0x6b: {  	_ =	shalt  }
0x6c: {  	_ =	shalt  }
0x6d: {  	_ =	shalt  }
0x6e: {  	_ =	shalt  }
0x6f: {  	_ =	shalt  }
0x70: {  	_ =	shalt  }
0x71: {  	_ =	shalt  }
0x72: {  	_ =	shalt  }
0x73: {  	_ =	shalt  }
0x74: {  	_ =	shalt  }
0x75: {  	_ =	shalt  }
0x76: {  	_ =	shalt  }
0x77: {  	_ =	shalt  }
0x78: {  	_ =	shalt  }
0x79: {  	_ =	shalt  }
0x7a: {  	_ =	shalt  }
0x7b: {  	_ =	shalt  }
0x7c: {  	_ =	shalt  }
0x7d: {  	_ =	shalt  }
0x7e: {  	_ =	shalt  }
0x7f: {  	_ =	shalt  }
0x80: {  	_ =	shalt  }
0x81: {  	_ =	shalt  }
0x82: {  	_ =	shalt  }
0x83: {  	_ =	shalt  }
0x84: {  	_ =	shalt  }
0x85: {  	_ =	shalt  }
0x86: {  	_ =	shalt  }
0x87: {  	_ =	shalt  }
.Lfunc_end0:
.L_simem_size_0:
called_computation.3_lowered:
.L_overlay_start_0:
0x88: {  	s2 =	sld [smem:$0x3FD9]  }
0x89: {  	s3 =	sld [smem:$0x3FFE];
	_ =	sdelay $0x1  }
0x8a: {  	s1 =	srdreg.scid  }
0x8b: {  	s0 =	sand.u32 $0x1, s1  }
0x8c: {  	s16 =	sshll.u32 s0, $0xA;
	s2 =	sadd.s32 s3, s2  }
0x8d: {  	s2 =	sadd.s32 s2, s16  }
0x8e: {  	[smem:$0x3F9A] =	sst s2  }
0x8f: {  	_ = 	snop  }
0x90: {  	(tm) =	ssettm $0x1  }
0x91: {  	s17 =	sld [smem:$0x3FFB];
	_ =	sdelay $0x3  }
0x92: {  	_ =	strace s17  }
0x93: {  	s2 =	sld [smem:$0x3FFC];
	_ =	sdelay $0x3  }
0x94: {  	_ =	strace s2  }
0x95: {  	s2 =	sld [smem:$0x3FFD];
	_ =	sdelay $0x3  }
0x96: {  	_ =	strace s2  }
0x97: {  	_ =	strace $0x8FFFFFFF  }
0x98: {  	s18 =	sld [smem:$0x3FDB];
	_ =	sdelay $0x1  }
0x99: {  	s19 =	simm.s32 $_scs_section_size  }
0x9a: {  	s4 =	simm.s32 $_size__tile_overlayer_lowered;
	s5 =	simm.s32 $_tile_overlayer_lowered  }
0x9b: {  	s22 =	simm.s32 $0x1BFF;
	s21 =	sshll.u32 s5, $0x1;
	s2 =	sadd.s32 s19, s18  }
0x9c: {  	s6 =	simm.s32 $0x0;
	s20 =	sshll.u32 s4, $0x1;
	s4 =	sadd.s32 s21, s2  }
0x9d: {  	[timem:s6], [sflag:s22] =	dma.local [hbm:s4], s20  }
0x9e: {  	_ =	swait.ge [sflag:s22], s20  }
0x9f: {  	s3 =	ssub.s32 $0x0, s20;
	[sflag:s22] =	ssyncset.done $0x0  }
0xa0: {  	[sflag:s22] =	ssyncadd.s32 s3;
	_ =	sdelay $0x1  }
0xa1: {  	s23 =	simm.s32 $0x1B8B  }
0xa2: {  	_ =	swait.ge [sflag:s23], $0x1  }
0xa3: {  	[sflag:s23] =	ssyncset.done $0x0  }
0xa4: {  	s25 =	simm.s32 $0x1B8E;
	s24 =	sld [smem:$0x3FFE];
	[sflag:s23] =	ssyncadd.s32 $0xFFFFFFFF  }
0xa5: {  	s26 =	simm.s32 $execute0_lowered;
	[smem:$0x3FD2] =	sst s25  }
0xa6: {  	s4 =	sshll.u32 s26, $0x1;
	_ =	strace $0x8000004F;
	[dreg:$0x1] =	wrdreg $0xFFFFFFFF  }
0xa7: {  	s28 =	simm.s32 $_size_execute0_lowered;
	s2 =	sadd.s32 s2, s4;
	[dreg:$0x0] =	wrdreg $0x0  }
0xa8: {  	s4 =	sshll.u32 s28, $0x1;
	[dreg:$0x2] =	wrdreg s2  }
0xa9: {  	[dreg:$0x3] =	wrdreg s4  }
0xaa: {  	[dreg:$0x4] =	wrdreg $0xC0  }
0xab: {  	_ =	task [dreg:s6], $0x5FFFF  }
0xac: {  	[dreg:$0x1] =	wrdreg $0xFFFFFFFF  }
0xad: {  	[dreg:$0x0] =	wrdreg $0x60  }
0xae: {  	[dreg:$0x2] =	wrdreg s24  }
0xaf: {  	[dreg:$0x3] =	wrdreg $0xA8000  }
0xb0: {  	[dreg:$0x4] =	wrdreg $0x9  }
0xb1: {  	_ =	task.clear_ibuf [dreg:s6], $0x5FFFF;
	_ =	strace $0x9000004F  }
0xb2: {  	s29 =	simm.s32 $0x9;
	_ =	strace $0x80000051  }
0xb3: {  	_ =	swait.ge [sflag:s29], $0x1  }
0xb4: {  	[sflag:s29] =	ssyncadd.s32 $0xFFFFFFFF  }
0xb5: {  	_ =	strace $0x90000051  }
0xb6: {  	_ =	sfence  }
0xb7: {  	s30 =	sld [smem:$0x0];
	_ =	sdelay $0x2  }
0xb8: {  	s31 =	sshll.u32 s1, $0xD;
	s1 =	sshrl.u32 s1, $0x2  }
0xb9: {  	s3 =	sand.u32 $0x4000, s31;
	s1 =	sadd.s32 s1, s30  }
0xba: {  	s0 =	sor.u32 s3, s0;
	s1 =	sshll.u32 s1, $0x11  }
0xbb: {  	s0 =	sor.u32 s1, s0  }
0xbc: {  	s0 =	sadd.s32 $0x8F2B, s0  }
0xbd: {  	[sflag:s0] =	ssyncadd.remote.s32 $0x1  }
0xbe: {  	_ =	sfence.sel $0xFFFF  }
0xbf: {  	[dreg:$0x0] =	wrdreg $0xFFFFFFFF;
	(pc) =	sbr.abs _section_cstart, $3  }
0xc0: {  	[dreg:$0x1] =	wrdreg $0xFFFFFFFF  }
0xc1: {  	_ =	task.clear_ibuf [dreg:s6], $0x2FFFF;
	_ =	strace $0x9FFFFFFF  }
0xc2: {  	(tm) =	ssettm $0x7FFFFFFF  }
0xc3: {  	_ =	shalt  }
tec
execute0_lowered:
.L_overlay_start_1:
0x0: {  	(tag) =	ssettag $0x1  }
0x1: {  	s0 =	rddreg [dreg:$0x0]  }
0x2: {  	s1 =	rddreg [dreg:$0x1];
	s2 =	simm.s32 $0x0  }
0x3: {  	s3 =	srdreg.scid;
	s9 =	stileid.u32;
	s28 =	simm.s32 $0x3  }
0x4: {  	s29 =	simm.s32 $0x4;
	s30 =	simm.s32 $0x2700;
	s31 =	simm.s32 $0x2780  }
0x5: {  	[smem:$0x7FF] =	sst s2;
	s4 =	sadd.s32 $0x44600, s0;
	s10 =	sadd.s32 $0x12600, s0  }
0x6: {  	s3 =	sand.u32 $0x1, s3;
	s13 =	sadd.s32 $0x8600, s0;
	s14 =	smul.u32 $0x280, s9  }
0x7: {  	s8 =	smul.u32 $0x50000, s9;
	s0 =	sadd.s32 $0x6C600, s0;
	_ =	strace $0x80000050  }
0x8: {  	s5 =	ssub.s32 $0x2, s3;
	s7 =	sshll.u32 s3, $0x4;
	s3 =	smul.u32 $0x2800, s3  }
0x9: {  	s6 =	sshrl.u32 s5, $0x1;
	s9 =	sor.u32 s9, s7;
	s21 =	sshrl.u32 s8, $0x2  }
0xa: {  	s15 =	sadd.s32 $0x80, s14;
	s16 =	sadd.s32 $0x100, s14;
	s17 =	sadd.s32 $0x180, s14  }
0xb: {  	s18 =	sadd.s32 $0x200, s14;
	s19 =	ssub.s32 s5, s6;
	s5 =	sadd.s32 s21, s1  }
0xc: {  	s22 =	sshll.u32 s15, $0x7;
	s23 =	sshll.u32 s16, $0x7;
	s11 =	smul.u32 $0x2800, s9  }
0xd: {  	s24 =	sshll.u32 s17, $0x7;
	s12 =	sshll.u32 s18, $0x7;
	s20 =	smul.u32 $0x500, s9  }
0xe: {  	s17 =	sadd.s32 s3, s17;
	s6 =	sadd.s32 s22, s1;
	s7 =	sadd.s32 s23, s1  }
0xf: {  	s8 =	sadd.s32 s24, s1;
	s9 =	sadd.s32 s12, s1;
	s23 =	sadd.s32 s14, s3  }
0x10: {  	s24 =	sadd.s32 s3, s15;
	s19 =	smax.u32 s19, $0x1;
	s25 =	sshrl.u32 s11, $0x3  }
0x11: {  	s26 =	sadd.s32 s10, s20;
	s21 =	sadd.s32 s13, s20;
	s15 =	sshll.u32 s24, $0x4  }
0x12: {  	s20 =	simm.s32 $0x2800;
	s24 =	simm.s32 $0x6800;
	[dreg:$0x3] =	wrdreg s26  }
0x13: {  	[dreg:$0x4] =	wrdreg s21;
	s22 =	sadd.s32 $0x280, s25;
	s15 =	sadd.s32 s0, s15  }
0x14: {  	s25 =	sadd.s32 s3, s16;
	s3 =	sadd.s32 s3, s18;
	s26 =	sshll.u32 s17, $0x4  }
0x15: {  	s21 =	simm.s32 $0x5;
	s12 =	sadd.s32 s10, s22;
	s13 =	sadd.s32 s13, s22  }
0x16: {  	s10 =	sshll.u32 s23, $0x4;
	s3 =	sshll.u32 s3, $0x4;
	s17 =	sadd.s32 s0, s26  }
0x17: {  	s22 =	simm.s32 $0x1400;
	s23 =	simm.s32 $0x80;
	s26 =	simm.s32 $0x2  }
0x18: {  	s14 =	sadd.s32 s0, s10;
	s10 =	sshll.u32 s25, $0x4;
	s18 =	sadd.s32 s0, s3  }
0x19: {  	v0 =	vimm.f32 $0.0e+00;
	s25 =	simm.s32 $0x1;
	s16 =	sadd.s32 s0, s10;
	s0 =	simm.s32 $0x0  }
.LBB2_1:
0x1a: {  	s3 =	simm.s32 $0x0;
	s10 =	simm.s32 $0x200  }
.LBB2_2:
0x1b: {  	p0 =	sne.s32 s10, $0xFE00;
	[tilespmem:s3+$0x2870] =	vst v0  }
0x1c: {  	[tilespmem:s3+$0x2800] =	vst v0  }
0x1d: {  	[tilespmem:s3+$0x2810] =	vst v0  }
.Ltmp0:
0x1e: {  	[tilespmem:s3+$0x2820] =	vst v0;
	(pc) =	sbr.rel @p0 .LBB2_2-.Ltmp0, $4  }
0x1f: {  	[tilespmem:s3+$0x2830] =	vst v0  }
0x20: {  	[tilespmem:s3+$0x2840] =	vst v0  }
0x21: {  	[tilespmem:s3+$0x2850] =	vst v0  }
0x22: {  	[tilespmem:s3+$0x2860] =	vst v0;
	s3 =	sshra.s32 s10, $0x2;
	s10 =	sadd.s32 $0x200, s10  }
0x23: {  	[tilespmem:s3+$0x2870] =	vst v0  }
0x24: {  	[tilespmem:s3+$0x2800] =	vst v0  }
0x25: {  	[tilespmem:s3+$0x2810] =	vst v0  }
0x26: {  	[tilespmem:s3+$0x2820] =	vst v0  }
0x27: {  	[tilespmem:s3+$0x2830] =	vst v0  }
0x28: {  	[tilespmem:s3+$0x2840] =	vst v0  }
0x29: {  	[tilespmem:s3+$0x2850] =	vst v0  }
0x2a: {  	[tilespmem:s3+$0x2860] =	vst v0  }
0x2b: {  	[spmem:s5] =	stream.linear.scatter [tilespmem:s20], [sflag:$0x5], $0x4000, $0x38;
	[tilespmem:$0x1E800] =	vst v63  }
0x2c: {  	_ =	swait.ge [sflag:s21], $0x4000  }
0x2d: {  	[sflag:s21] =	ssyncset.done $0x0  }
0x2e: {  	[sflag:s21] =	ssyncadd.s32 $0xFFFFC000  }
0x2f: {  	[spmem:s6] =	stream.linear.scatter [tilespmem:s20], [sflag:$0x5], $0x4000, $0x38;
	[tilespmem:$0x1E800] =	vst v63  }
0x30: {  	_ =	swait.ge [sflag:s21], $0x4000  }
0x31: {  	[sflag:s21] =	ssyncset.done $0x0  }
0x32: {  	[sflag:s21] =	ssyncadd.s32 $0xFFFFC000  }
0x33: {  	[spmem:s7] =	stream.linear.scatter [tilespmem:s20], [sflag:$0x5], $0x4000, $0x38;
	[tilespmem:$0x1E800] =	vst v63  }
0x34: {  	_ =	swait.ge [sflag:s21], $0x4000  }
0x35: {  	[sflag:s21] =	ssyncset.done $0x0  }
0x36: {  	[sflag:s21] =	ssyncadd.s32 $0xFFFFC000  }
0x37: {  	[spmem:s8] =	stream.linear.scatter [tilespmem:s20], [sflag:$0x5], $0x4000, $0x38;
	[tilespmem:$0x1E800] =	vst v63  }
0x38: {  	_ =	swait.ge [sflag:s21], $0x4000  }
0x39: {  	[sflag:s21] =	ssyncset.done $0x0  }
0x3a: {  	[sflag:s21] =	ssyncadd.s32 $0xFFFFC000  }
0x3b: {  	[spmem:s9] =	stream.linear.scatter [tilespmem:s20], [sflag:$0x5], $0x4000, $0x38;
	[tilespmem:$0x1E800] =	vst v63  }
0x3c: {  	_ =	swait.ge [sflag:s21], $0x4000  }
0x3d: {  	[sflag:s21] =	ssyncset.done $0x0  }
0x3e: {  	[sflag:s21] =	ssyncadd.s32 $0xFFFFC000  }
0x3f: {  	[bflag:$0x0] =	sbarrier.arrive $0xFFFF  }
0x40: {  	s3 =	simm.s32 $0x0;
	s10 =	rddreg [dreg:$0x3]  }
0x41: {  	[tilespmem:s3], [sflag:$0x5] =	stream.linear.gather [hbm4b:s10+s3], $0x1400, $0x38;
	[tilespmem:$0x1E800] =	vst v63  }
0x42: {  	_ =	swait.ge [sflag:s21], $0x1400  }
0x43: {  	[sflag:s21] =	ssyncset.done $0x0  }
0x44: {  	s11 =	rddreg [dreg:$0x4];
	[sflag:s21] =	ssyncadd.s32 $0xFFFFEC00  }
0x45: {  	[tilespmem:s22], [sflag:$0x5] =	stream.linear.gather [hbm4b:s11+s3], $0x1400, $0x38;
	[tilespmem:$0x1E800] =	vst v63  }
0x46: {  	_ =	swait.ge [sflag:s21], $0x1400  }
0x47: {  	[sflag:s21] =	ssyncset.done $0x0  }
0x48: {  	[sflag:s21] =	ssyncadd.s32 $0xFFFFEC00  }
0x49: {  	[tilespmem:s20], [sflag:$0x1] =	stream.indirect.gather [hbm4b:s4+s23], $0x80, s3, s23, $0xb8;
	[tilespmem:$0x1E800] =	vst v63  }
0x4a: {  	_ = 	snop  }
0x4b: {  	[tilespmem:s24], [sflag:$0x2] =	stream.indirect.gather [hbm4b:s4+s23], $0x80, s23, s23, $0xb8;
	[tilespmem:$0x1E800] =	vst v63  }
0x4c: {  	_ =	swait.ge [sflag:s25], $0x4000  }
0x4d: {  	[sflag:s25] =	ssyncset.done $0x0  }
0x4e: {  	s11 =	simm.s32 $0x1400;
	[sflag:s25] =	ssyncadd.s32 $0xFFFFC000  }
0x4f: {  	[spmem:s1] =	stream.indirect.scatter.add.f32 [tilespmem:s20], [sflag:$0x3], $0x80, s11, s23, $0xb8;
	[tilespmem:$0x1E800] =	vst v63  }
0x50: {  	_ =	swait.ge [sflag:s26], $0x4000  }
0x51: {  	[sflag:s26] =	ssyncset.done $0x0  }
0x52: {  	s10 =	simm.s32 $0x1480;
	[sflag:s26] =	ssyncadd.s32 $0xFFFFC000  }
0x53: {  	[spmem:s1] =	stream.indirect.scatter.add.f32 [tilespmem:s24], [sflag:$0x4], $0x80, s10, s23, $0xb8;
	[tilespmem:$0x1E800] =	vst v63  }
0x54: {  	_ =	swait.ge [sflag:s28], $0x4000  }
0x55: {  	[sflag:s28] =	ssyncset.done $0x0  }
0x56: {  	s11 =	simm.s32 $0x100;
	[sflag:s28] =	ssyncadd.s32 $0xFFFFC000  }
0x57: {  	[tilespmem:s20], [sflag:$0x1] =	stream.indirect.gather [hbm4b:s4+s23], $0x80, s11, s23, $0xb8;
	[tilespmem:$0x1E800] =	vst v63  }
0x58: {  	_ =	swait.ge [sflag:s29], $0x4000  }
0x59: {  	[sflag:s29] =	ssyncset.done $0x0  }
0x5a: {  	s3 =	simm.s32 $0x400;
	s10 =	simm.s32 $0x180;
	[sflag:s29] =	ssyncadd.s32 $0xFFFFC000  }
.LBB2_4:
0x5b: {  	[tilespmem:s24], [sflag:$0x2] =	stream.indirect.gather [hbm4b:s4+s23], $0x80, s10, s23, $0xb8;
	[tilespmem:$0x1E800] =	vst v63  }
0x5c: {  	s10 =	smov.u32 s3  }
0x5d: {  	p0 =	sne.s32 s3, $0x4800;
	s3 =	sadd.s32 $0x400, s3;
	_ =	swait.ge [sflag:s25], $0x4000  }
0x5e: {  	s10 =	sshra.s32 s10, $0x2;
	[sflag:s25] =	ssyncset.done $0x0  }
0x5f: {  	s11 =	sadd.s32 $0x1400, s10;
	[sflag:s25] =	ssyncadd.s32 $0xFFFFC000  }
0x60: {  	[spmem:s1] =	stream.indirect.scatter.add.f32 [tilespmem:s20], [sflag:$0x3], $0x80, s11, s23, $0xb8;
	[tilespmem:$0x1E800] =	vst v63  }
0x61: {  	_ =	swait.ge [sflag:s26], $0x4000  }
0x62: {  	[sflag:s26] =	ssyncset.done $0x0  }
0x63: {  	s11 =	sadd.s32 $0x1480, s10;
	[sflag:s26] =	ssyncadd.s32 $0xFFFFC000  }
0x64: {  	[spmem:s1] =	stream.indirect.scatter.add.f32 [tilespmem:s24], [sflag:$0x4], $0x80, s11, s23, $0xb8;
	[tilespmem:$0x1E800] =	vst v63  }
0x65: {  	_ =	swait.ge [sflag:s28], $0x4000  }
0x66: {  	[sflag:s28] =	ssyncset.done $0x0  }
.Ltmp1:
0x67: {  	s11 =	sadd.s32 $0x100, s10;
	[sflag:s28] =	ssyncadd.s32 $0xFFFFC000;
	(pc) =	sbr.rel @p0 .LBB2_4-.Ltmp1, $4  }
0x68: {  	[tilespmem:s20], [sflag:$0x1] =	stream.indirect.gather [hbm4b:s4+s23], $0x80, s11, s23, $0xb8;
	[tilespmem:$0x1E800] =	vst v63  }
0x69: {  	_ =	swait.ge [sflag:s29], $0x4000  }
0x6a: {  	[sflag:s29] =	ssyncset.done $0x0  }
0x6b: {  	s10 =	sadd.s32 $0x180, s10;
	[sflag:s29] =	ssyncadd.s32 $0xFFFFC000  }
0x6c: {  	[tilespmem:s24], [sflag:$0x2] =	stream.indirect.gather [hbm4b:s4+s23], $0x80, s10, s23, $0xb8;
	[tilespmem:$0x1E800] =	vst v63  }
0x6d: {  	_ =	swait.ge [sflag:s25], $0x4000  }
0x6e: {  	[sflag:s25] =	ssyncset.done $0x0  }
0x6f: {  	[sflag:s25] =	ssyncadd.s32 $0xFFFFC000  }
0x70: {  	[spmem:s1] =	stream.indirect.scatter.add.f32 [tilespmem:s20], [sflag:$0x3], $0x80, s30, s23, $0xb8;
	[tilespmem:$0x1E800] =	vst v63  }
0x71: {  	_ =	swait.ge [sflag:s26], $0x4000  }
0x72: {  	[sflag:s26] =	ssyncset.done $0x0  }
0x73: {  	[sflag:s26] =	ssyncadd.s32 $0xFFFFC000  }
0x74: {  	[spmem:s1] =	stream.indirect.scatter.add.f32 [tilespmem:s24], [sflag:$0x4], $0x80, s31, s23, $0xb8;
	[tilespmem:$0x1E800] =	vst v63  }
0x75: {  	_ =	swait.ge [sflag:s28], $0x4000  }
0x76: {  	[sflag:s28] =	ssyncset.done $0x0  }
0x77: {  	[sflag:s28] =	ssyncadd.s32 $0xFFFFC000  }
0x78: {  	_ =	swait.ge [sflag:s29], $0x4000  }
0x79: {  	[sflag:s29] =	ssyncset.done $0x0  }
0x7a: {  	s3 =	simm.s32 $0x0;
	[sflag:s29] =	ssyncadd.s32 $0xFFFFC000  }
0x7b: {  	[tilespmem:s3], [sflag:$0x5] =	stream.linear.gather [hbm4b:s12+s3], $0x1400, $0x38;
	[tilespmem:$0x1E800] =	vst v63  }
0x7c: {  	_ =	swait.ge [sflag:s21], $0x1400  }
0x7d: {  	[sflag:s21] =	ssyncset.done $0x0  }
0x7e: {  	[sflag:s21] =	ssyncadd.s32 $0xFFFFEC00  }
0x7f: {  	[tilespmem:s22], [sflag:$0x5] =	stream.linear.gather [hbm4b:s13+s3], $0x1400, $0x38;
	[tilespmem:$0x1E800] =	vst v63  }
0x80: {  	_ =	swait.ge [sflag:s21], $0x1400  }
0x81: {  	[sflag:s21] =	ssyncset.done $0x0  }
0x82: {  	[sflag:s21] =	ssyncadd.s32 $0xFFFFEC00  }
0x83: {  	[tilespmem:s20], [sflag:$0x1] =	stream.indirect.gather [hbm4b:s4+s23], $0x80, s3, s23, $0xb8;
	[tilespmem:$0x1E800] =	vst v63  }
0x84: {  	_ = 	snop  }
0x85: {  	[tilespmem:s24], [sflag:$0x2] =	stream.indirect.gather [hbm4b:s4+s23], $0x80, s23, s23, $0xb8;
	[tilespmem:$0x1E800] =	vst v63  }
0x86: {  	_ =	swait.ge [sflag:s25], $0x4000  }
0x87: {  	[sflag:s25] =	ssyncset.done $0x0  }
0x88: {  	s11 =	simm.s32 $0x1400;
	[sflag:s25] =	ssyncadd.s32 $0xFFFFC000  }
0x89: {  	[spmem:s1] =	stream.indirect.scatter.add.f32 [tilespmem:s20], [sflag:$0x3], $0x80, s11, s23, $0xb8;
	[tilespmem:$0x1E800] =	vst v63  }
0x8a: {  	_ =	swait.ge [sflag:s26], $0x4000  }
0x8b: {  	[sflag:s26] =	ssyncset.done $0x0  }
0x8c: {  	s10 =	simm.s32 $0x1480;
	[sflag:s26] =	ssyncadd.s32 $0xFFFFC000  }
0x8d: {  	[spmem:s1] =	stream.indirect.scatter.add.f32 [tilespmem:s24], [sflag:$0x4], $0x80, s10, s23, $0xb8;
	[tilespmem:$0x1E800] =	vst v63  }
0x8e: {  	_ =	swait.ge [sflag:s28], $0x4000  }
0x8f: {  	[sflag:s28] =	ssyncset.done $0x0  }
0x90: {  	s11 =	simm.s32 $0x100;
	[sflag:s28] =	ssyncadd.s32 $0xFFFFC000  }
0x91: {  	[tilespmem:s20], [sflag:$0x1] =	stream.indirect.gather [hbm4b:s4+s23], $0x80, s11, s23, $0xb8;
	[tilespmem:$0x1E800] =	vst v63  }
0x92: {  	_ =	swait.ge [sflag:s29], $0x4000  }
0x93: {  	[sflag:s29] =	ssyncset.done $0x0  }
0x94: {  	s3 =	simm.s32 $0x400;
	s10 =	simm.s32 $0x180;
	[sflag:s29] =	ssyncadd.s32 $0xFFFFC000  }
.LBB2_6:
0x95: {  	[tilespmem:s24], [sflag:$0x2] =	stream.indirect.gather [hbm4b:s4+s23], $0x80, s10, s23, $0xb8;
	[tilespmem:$0x1E800] =	vst v63  }
0x96: {  	s10 =	smov.u32 s3  }
0x97: {  	p0 =	sne.s32 s3, $0x4800;
	s3 =	sadd.s32 $0x400, s3;
	_ =	swait.ge [sflag:s25], $0x4000  }
0x98: {  	s10 =	sshra.s32 s10, $0x2;
	[sflag:s25] =	ssyncset.done $0x0  }
0x99: {  	s11 =	sadd.s32 $0x1400, s10;
	[sflag:s25] =	ssyncadd.s32 $0xFFFFC000  }
0x9a: {  	[spmem:s1] =	stream.indirect.scatter.add.f32 [tilespmem:s20], [sflag:$0x3], $0x80, s11, s23, $0xb8;
	[tilespmem:$0x1E800] =	vst v63  }
0x9b: {  	_ =	swait.ge [sflag:s26], $0x4000  }
0x9c: {  	[sflag:s26] =	ssyncset.done $0x0  }
0x9d: {  	s11 =	sadd.s32 $0x1480, s10;
	[sflag:s26] =	ssyncadd.s32 $0xFFFFC000  }
0x9e: {  	[spmem:s1] =	stream.indirect.scatter.add.f32 [tilespmem:s24], [sflag:$0x4], $0x80, s11, s23, $0xb8;
	[tilespmem:$0x1E800] =	vst v63  }
0x9f: {  	_ =	swait.ge [sflag:s28], $0x4000  }
0xa0: {  	[sflag:s28] =	ssyncset.done $0x0  }
.Ltmp2:
0xa1: {  	s11 =	sadd.s32 $0x100, s10;
	[sflag:s28] =	ssyncadd.s32 $0xFFFFC000;
	(pc) =	sbr.rel @p0 .LBB2_6-.Ltmp2, $4  }
0xa2: {  	[tilespmem:s20], [sflag:$0x1] =	stream.indirect.gather [hbm4b:s4+s23], $0x80, s11, s23, $0xb8;
	[tilespmem:$0x1E800] =	vst v63  }
0xa3: {  	_ =	swait.ge [sflag:s29], $0x4000  }
0xa4: {  	[sflag:s29] =	ssyncset.done $0x0  }
0xa5: {  	s10 =	sadd.s32 $0x180, s10;
	[sflag:s29] =	ssyncadd.s32 $0xFFFFC000  }
0xa6: {  	[tilespmem:s24], [sflag:$0x2] =	stream.indirect.gather [hbm4b:s4+s23], $0x80, s10, s23, $0xb8;
	[tilespmem:$0x1E800] =	vst v63  }
0xa7: {  	_ =	swait.ge [sflag:s25], $0x4000  }
0xa8: {  	[sflag:s25] =	ssyncset.done $0x0  }
0xa9: {  	[sflag:s25] =	ssyncadd.s32 $0xFFFFC000  }
0xaa: {  	[spmem:s1] =	stream.indirect.scatter.add.f32 [tilespmem:s20], [sflag:$0x3], $0x80, s30, s23, $0xb8;
	[tilespmem:$0x1E800] =	vst v63  }
0xab: {  	_ =	swait.ge [sflag:s26], $0x4000  }
0xac: {  	[sflag:s26] =	ssyncset.done $0x0  }
0xad: {  	[sflag:s26] =	ssyncadd.s32 $0xFFFFC000  }
0xae: {  	[spmem:s1] =	stream.indirect.scatter.add.f32 [tilespmem:s24], [sflag:$0x4], $0x80, s31, s23, $0xb8;
	[tilespmem:$0x1E800] =	vst v63  }
0xaf: {  	_ =	swait.ge [sflag:s28], $0x4000  }
0xb0: {  	[sflag:s28] =	ssyncset.done $0x0  }
0xb1: {  	[sflag:s28] =	ssyncadd.s32 $0xFFFFC000  }
0xb2: {  	_ =	swait.ge [sflag:s29], $0x4000  }
0xb3: {  	[sflag:s29] =	ssyncset.done $0x0  }
0xb4: {  	[sflag:s29] =	ssyncadd.s32 $0xFFFFC000  }
0xb5: {  	[bflag:$0x0] =	sbarrier.arrive $0xFFFF  }
0xb6: {  	[tilespmem:s20], [sflag:$0x5] =	stream.linear.gather [spmem:s5], $0x4000, $0x38;
	[tilespmem:$0x1E800] =	vst v63  }
0xb7: {  	_ =	swait.ge [sflag:s21], $0x4000  }
0xb8: {  	[sflag:s21] =	ssyncset.done $0x0  }
0xb9: {  	[sflag:s21] =	ssyncadd.s32 $0xFFFFC000  }
0xba: {  	[hbm4b:s14+s2] =	stream.linear.scatter [tilespmem:s20], [sflag:$0x5], $0x4000, $0x38;
	[tilespmem:$0x1E800] =	vst v63  }
0xbb: {  	_ =	swait.ge [sflag:s21], $0x4000  }
0xbc: {  	[sflag:s21] =	ssyncset.done $0x0  }
0xbd: {  	[sflag:s21] =	ssyncadd.s32 $0xFFFFC000  }
0xbe: {  	[tilespmem:s20], [sflag:$0x5] =	stream.linear.gather [spmem:s6], $0x4000, $0x38;
	[tilespmem:$0x1E800] =	vst v63  }
0xbf: {  	_ =	swait.ge [sflag:s21], $0x4000  }
0xc0: {  	[sflag:s21] =	ssyncset.done $0x0  }
0xc1: {  	[sflag:s21] =	ssyncadd.s32 $0xFFFFC000  }
0xc2: {  	[hbm4b:s15+s2] =	stream.linear.scatter [tilespmem:s20], [sflag:$0x5], $0x4000, $0x38;
	[tilespmem:$0x1E800] =	vst v63  }
0xc3: {  	_ =	swait.ge [sflag:s21], $0x4000  }
0xc4: {  	[sflag:s21] =	ssyncset.done $0x0  }
0xc5: {  	[sflag:s21] =	ssyncadd.s32 $0xFFFFC000  }
0xc6: {  	[tilespmem:s20], [sflag:$0x5] =	stream.linear.gather [spmem:s7], $0x4000, $0x38;
	[tilespmem:$0x1E800] =	vst v63  }
0xc7: {  	_ =	swait.ge [sflag:s21], $0x4000  }
0xc8: {  	[sflag:s21] =	ssyncset.done $0x0  }
0xc9: {  	[sflag:s21] =	ssyncadd.s32 $0xFFFFC000  }
0xca: {  	[hbm4b:s16+s2] =	stream.linear.scatter [tilespmem:s20], [sflag:$0x5], $0x4000, $0x38;
	[tilespmem:$0x1E800] =	vst v63  }
0xcb: {  	_ =	swait.ge [sflag:s21], $0x4000  }
0xcc: {  	[sflag:s21] =	ssyncset.done $0x0  }
0xcd: {  	[sflag:s21] =	ssyncadd.s32 $0xFFFFC000  }
0xce: {  	[tilespmem:s20], [sflag:$0x5] =	stream.linear.gather [spmem:s8], $0x4000, $0x38;
	[tilespmem:$0x1E800] =	vst v63  }
0xcf: {  	_ =	swait.ge [sflag:s21], $0x4000  }
0xd0: {  	[sflag:s21] =	ssyncset.done $0x0  }
0xd1: {  	[sflag:s21] =	ssyncadd.s32 $0xFFFFC000  }
0xd2: {  	[hbm4b:s17+s2] =	stream.linear.scatter [tilespmem:s20], [sflag:$0x5], $0x4000, $0x38;
	[tilespmem:$0x1E800] =	vst v63  }
0xd3: {  	_ =	swait.ge [sflag:s21], $0x4000  }
0xd4: {  	[sflag:s21] =	ssyncset.done $0x0  }
0xd5: {  	[sflag:s21] =	ssyncadd.s32 $0xFFFFC000  }
0xd6: {  	[tilespmem:s20], [sflag:$0x5] =	stream.linear.gather [spmem:s9], $0x4000, $0x38;
	[tilespmem:$0x1E800] =	vst v63  }
0xd7: {  	s0 =	sadd.s32 $0x1, s0;
	_ =	swait.ge [sflag:s21], $0x4000  }
0xd8: {  	p0 =	sne.s32 s0, s19;
	[sflag:s21] =	ssyncset.done $0x0  }
.Ltmp3:
0xd9: {  	[sflag:s21] =	ssyncadd.s32 $0xFFFFC000;
	(pc) =	sbr.rel @p0 .LBB2_1-.Ltmp3, $4  }
0xda: {  	[hbm4b:s18+s2] =	stream.linear.scatter [tilespmem:s20], [sflag:$0x5], $0x4000, $0x38;
	[tilespmem:$0x1E800] =	vst v63  }
0xdb: {  	_ =	swait.ge [sflag:s21], $0x4000  }
0xdc: {  	[sflag:s21] =	ssyncset.done $0x0  }
0xdd: {  	[sflag:s21] =	ssyncadd.s32 $0xFFFFC000  }
0xde: {  	_ =	sfence.sel $0x180000  }
0xdf: {  	[bflag:$0x0] =	sbarrier.arrive $0xFFFF  }
0xe0: {  	_ =	strace $0x90000050  }
0xe1: {  	s0 =	stileid.u32;
	[bflag:$0x2] =	sbarrier.arrive $0xFFFF  }
0xe2: {  	p0 =	sne.s32 s0, $0x0;
	s0 =	rddreg [dreg:$0x2]  }
0xe3: {  	s0 =	sadd.s32 @!p0 $0x100000, s0  }
0xe4: {  	[sflag:s0] =	ssyncadd.tile.s32 @!p0 $0x1;
	_ =	shalt  }
.Lfunc_end2:
_tile_overlayer_lowered:
.L_overlay_start_2:
0xe5: {  	(tag) =	ssettag $0x2  }
0xe6: {  	s0 =	rddreg [dreg:$0x0];
	s2 =	stileid.u32  }
0xe7: {  	s1 =	rddreg [dreg:$0x1];
	p0 =	sne.s32 s2, $0x0  }
0xe8: {  	s3 =	rddreg [dreg:$0x2];
	[bflag:$0x3] =	sbarrier.arrive $0xFFFF;
	s2 =	simm.s32 @!p0 $0x1C05  }
0xe9: {  	[timem:s3], [sflag:s2] =	dma.local @!p0 [hbm:s0], s1  }
0xea: {  	s0 =	simm.s32 @!p0 $0x5  }
0xeb: {  	_ =	swait.ge @!p0 [sflag:s0], s1  }
0xec: {  	s1 =	ssub.s32 @!p0 $0x0, s1;
	[sflag:s0] =	ssyncset.done @!p0 $0x0  }
0xed: {  	[sflag:s0] =	ssyncadd.s32 @!p0 s1  }
0xee: {  	[bflag:$0x3] =	sbarrier.arrive $0xFFFF  }
0xef: {  	_ =	shalt  }

</sc_bundles>
